<compile_context>
chip_gen: v7x
topology: tpu7x:2x2x1
jax: 0.10.2.dev20260603
libtpu: 0.0.44.dev20260713+nightly
codegen_flags: <defaults>
</compile_context>

<pallas_src>
import functools

import jax
import jax.numpy as jnp
from jax import lax
from jax.experimental import pallas as pl
from jax.experimental.pallas import tpu as pltpu
from jax.experimental.pallas import tpu_sc as plsc

B = 4
N = 4096
STRIDE = 4
RADIUS = 0.2
K = 32
IN_C = 64
OUT_C = 128
EPS = 1e-5
M = N // STRIDE
R = B * M * K

NC, NS, L = 2, 16, 16
NW = NC * NS
CPW = (B * M) // NW
RPW = R // NW
GCH = 128


_FR = 8
_FC = N // _FR
_OC = 128
_OR = M // _OC


def _fps_body(xs_ref, ys_ref, zs_ref, p3_ref, ox_ref, oy_ref, oz_ref):
    nidx = (lax.broadcasted_iota(jnp.int32, (_FR, _FC), 0) * _FC
            + lax.broadcasted_iota(jnp.int32, (_FR, _FC), 1))
    orow = lax.broadcasted_iota(jnp.int32, (_OR, _OC), 0)
    ocol = lax.broadcasted_iota(jnp.int32, (_OR, _OC), 1)

    Xs = [xs_ref[b] for b in range(B)]
    Ys = [ys_ref[b] for b in range(B)]
    Zs = [zs_ref[b] for b in range(B)]
    Ps = [p3_ref[b] for b in range(B)]

    sel0 = (orow == 0) & (ocol == 0)
    st0 = []
    for b in range(B):
        cx = Xs[b][0:1, 0:1]
        cy = Ys[b][0:1, 0:1]
        cz = Zs[b][0:1, 0:1]
        dis0 = jnp.full((_FR, _FC), 1e10, jnp.float32)
        st0.extend([dis0, cx, cy, cz,
                    jnp.where(sel0, cx, 0.0),
                    jnp.where(sel0, cy, 0.0),
                    jnp.where(sel0, cz, 0.0)])

    def body(i, carry):
        st = list(carry)
        sel = (orow == i // _OC) & (ocol == i % _OC)
        for b in range(B):
            dis, cx, cy, cz, ax, ay, az = st[7 * b:7 * b + 7]
            d = (Xs[b] - cx) ** 2 + (Ys[b] - cy) ** 2 + (Zs[b] - cz) ** 2
            dis = jnp.minimum(dis, d)
            v = jnp.max(jnp.max(dis, axis=1, keepdims=True), axis=0,
                        keepdims=True)
            cand = jnp.where(dis == v, nidx, N)
            idx = jnp.min(jnp.min(cand, axis=1, keepdims=True), axis=0,
                          keepdims=True)
            m1 = nidx == idx
            m3 = jnp.broadcast_to(m1[None], (3, _FR, _FC))
            s3 = jnp.sum(jnp.where(m3, Ps[b], 0.0), axis=(1, 2),
                         keepdims=True)
            ncx = s3[0]
            ncy = s3[1]
            ncz = s3[2]
            st[7 * b:7 * b + 7] = [dis, ncx, ncy, ncz,
                                   jnp.where(sel, ncx, ax),
                                   jnp.where(sel, ncy, ay),
                                   jnp.where(sel, ncz, az)]
        return tuple(st)

    st = lax.fori_loop(1, M, body, tuple(st0))
    for b in range(B):
        ox_ref[b] = st[7 * b + 4]
        oy_ref[b] = st[7 * b + 5]
        oz_ref[b] = st[7 * b + 6]


def _fps_call(xs, ys, zs):
    p3 = jnp.stack([xs, ys, zs], axis=1)
    return pl.pallas_call(
        _fps_body,
        out_shape=[jax.ShapeDtypeStruct((B, _OR, _OC), jnp.float32)] * 3,
    )(xs, ys, zs, p3)


def _xstats_body(f2_ref, xw_ref, g_ref, b_ref, scale_ref, shift_ref):
    F = f2_ref[...]
    W = xw_ref[...]
    cnt = float(B * N)
    G = lax.dot_general(F, F, (((0,), (0,)), ((), ())),
                        preferred_element_type=jnp.float32) / cnt
    mu = jnp.sum(F, axis=0, keepdims=True) / cnt
    mean = lax.dot_general(W, mu, (((1,), (1,)), ((), ())))
    T = lax.dot_general(W, G, (((1,), (0,)), ((), ())),
                        preferred_element_type=jnp.float32)
    ey2 = jnp.sum(T * W, axis=1, keepdims=True)
    var = ey2 - mean * mean
    sc = g_ref[...] / jnp.sqrt(var + EPS)
    scale_ref[...] = sc
    shift_ref[...] = b_ref[...] - mean * sc


def _xstats_call(f2, x_w, gamma, beta):
    return pl.pallas_call(
        _xstats_body,
        out_shape=[jax.ShapeDtypeStruct((OUT_C, 1), jnp.float32)] * 2,
    )(f2, x_w, gamma, beta)


def _feats_body(f2_ref, wt_ref, scale_ref, shift_ref, out_ref):
    y = lax.dot_general(f2_ref[...], wt_ref[...], (((1,), (0,)), ((), ())),
                        preferred_element_type=jnp.float32)
    out_ref[...] = jnp.maximum(y * scale_ref[...] + shift_ref[...], 0.0)


def _feats_call(f2, x_wt, scale, shift):
    blk = 2048
    grid = (B * N) // blk
    return pl.pallas_call(
        _feats_body,
        grid=(grid,),
        in_specs=[
            pl.BlockSpec((blk, IN_C), lambda i: (i, 0)),
            pl.BlockSpec((IN_C, OUT_C), lambda i: (0, 0)),
            pl.BlockSpec((1, OUT_C), lambda i: (0, 0)),
            pl.BlockSpec((1, OUT_C), lambda i: (0, 0)),
        ],
        out_specs=pl.BlockSpec((blk, OUT_C), lambda i: (i, 0)),
        out_shape=jax.ShapeDtypeStruct((B * N, OUT_C), jnp.float32),
    )(f2, x_wt, scale, shift)


def _ballquery_call(cx, cy, cz, px, py, pz):
    mesh = plsc.VectorSubcoreMesh(core_axis_name="c", subcore_axis_name="s")

    @functools.partial(
        pl.kernel,
        mesh=mesh,
        compiler_params=pltpu.CompilerParams(needs_layout_passes=False),
        out_type=[
            jax.ShapeDtypeStruct((R,), jnp.int32),
            jax.ShapeDtypeStruct((R * 4,), jnp.float32),
        ],
        scratch_types=[
            pltpu.VMEM((N,), jnp.float32),
            pltpu.VMEM((N,), jnp.float32),
            pltpu.VMEM((N,), jnp.float32),
            pltpu.VMEM((CPW,), jnp.float32),
            pltpu.VMEM((CPW,), jnp.float32),
            pltpu.VMEM((CPW,), jnp.float32),
            pltpu.VMEM((512,), jnp.int32),
            pltpu.VMEM((CPW * K,), jnp.int32),
            pltpu.VMEM((CPW * K * 4,), jnp.float32),
        ],
    )
    def k(cxh, cyh, czh, pxh, pyh, pzh, idxh, gp4h,
          pxv, pyv, pzv, cxv, cyv, czv, hitv, idxv, gpv):
        wid = lax.axis_index("s") * NC + lax.axis_index("c")
        g0 = wid * CPW
        bi = g0 // M
        off = g0 - bi * M
        pltpu.sync_copy(pxh.at[bi], pxv)
        pltpu.sync_copy(pyh.at[bi], pyv)
        pltpu.sync_copy(pzh.at[bi], pzv)
        pltpu.sync_copy(cxh.at[bi, pl.ds(off, CPW)], cxv)
        pltpu.sync_copy(cyh.at[bi, pl.ds(off, CPW)], cyv)
        pltpu.sync_copy(czh.at[bi, pl.ds(off, CPW)], czv)

        lane = lax.iota(jnp.int32, 16)
        zero16 = jnp.zeros((16,), jnp.int32)
        col0 = zero16
        col1 = zero16 + 1
        col2 = zero16 + 2
        col3 = zero16 + 3
        zf16 = jnp.zeros((16,), jnp.float32)
        r2 = RADIUS * RADIUS
        gbase = bi * N

        czero = jnp.zeros((16,), jnp.int32)

        NG = 8

        def per_quad(cp, _):
            ia = jnp.full((16,), NG * cp, jnp.int32)
            cents = [(plsc.load_gather(cxv, [ia + t]),
                      plsc.load_gather(cyv, [ia + t]),
                      plsc.load_gather(czv, [ia + t])) for t in range(NG)]

            def cond(st):
                j = st[0]
                cs = list(st[1:])
                while len(cs) > 1:
                    cs = [jnp.minimum(cs[2 * i], cs[2 * i + 1])
                          for i in range(len(cs) // 2)]
                return (j < N // 16) & (jnp.max(cs[0]) < K)

            def body(st):
                j = st[0]
                cnts = list(st[1:])
                for u in range(2):
                    base = (j + u) * 16
                    x16 = pxv[pl.ds(base, 16)]
                    y16 = pyv[pl.ds(base, 16)]
                    z16 = pzv[pl.ds(base, 16)]
                    gidx = base + lane
                    for t in range(NG):
                        cxs, cys, czs = cents[t]
                        dx = x16 - cxs
                        dy = y16 - cys
                        dz = z16 - czs
                        d2 = dx * dx + dy * dy + dz * dz
                        msk = d2 <= r2
                        mi = msk.astype(jnp.int32)
                        pos = cnts[t] + plsc.cumsum(mi) - mi
                        ok = msk & (pos < 64)
                        plsc.store_scatter(hitv, [pos + 64 * t], gidx, mask=ok)
                        cnts[t] = cnts[t] + plsc.all_reduce_population_count(msk)
                return (j + 2, *cnts)

            st = lax.while_loop(cond, body, (0,) + (czero,) * NG)
            for t in range(NG):
                cxs, cys, czs = cents[t]
                cnt = jnp.minimum(jnp.max(st[1 + t]), K)
                hb = 64 * t
                first = plsc.load_gather(hitv, [jnp.full((16,), hb, jnp.int32)])
                o0 = jnp.where(lane < cnt, hitv[pl.ds(hb, 16)], first)
                o1 = jnp.where(lane + 16 < cnt, hitv[pl.ds(hb + 16, 16)], first)
                c = NG * cp + t
                rows0 = c * K + lane
                rows1 = rows0 + 16
                for o, rows in ((o0, rows0), (o1, rows1)):
                    gx = (plsc.load_gather(pxv, [o]) - cxs) / RADIUS
                    gy = (plsc.load_gather(pyv, [o]) - cys) / RADIUS
                    gz = (plsc.load_gather(pzv, [o]) - czs) / RADIUS
                    flat = rows * 4
                    plsc.store_scatter(gpv, [flat], gx)
                    plsc.store_scatter(gpv, [flat + 1], gy)
                    plsc.store_scatter(gpv, [flat + 2], gz)
                    plsc.store_scatter(gpv, [flat + 3], zf16)
                idxv[pl.ds(c * K, 16)] = o0 + gbase
                idxv[pl.ds(c * K + 16, 16)] = o1 + gbase
            return 0

        lax.fori_loop(0, CPW // NG, per_quad, 0)
        pltpu.sync_copy(idxv, idxh.at[pl.ds(g0 * K, CPW * K)])
        pltpu.sync_copy(gpv, gp4h.at[pl.ds(g0 * K * 4, CPW * K * 4)])

    return k(cx, cy, cz, px, py, pz)


def _gather_call(feats, idx):
    mesh = plsc.VectorSubcoreMesh(core_axis_name="c", subcore_axis_name="s")

    @functools.partial(
        pl.kernel,
        mesh=mesh,
        compiler_params=pltpu.CompilerParams(needs_layout_passes=False),
        out_type=jax.ShapeDtypeStruct((R, OUT_C), jnp.float32),
        scratch_types=[
            pltpu.VMEM((GCH,), jnp.int32),
            pltpu.VMEM((GCH,), jnp.int32),
            pltpu.VMEM((GCH, OUT_C), jnp.float32),
            pltpu.VMEM((GCH, OUT_C), jnp.float32),
            pltpu.SemaphoreType.DMA,
            pltpu.SemaphoreType.DMA,
        ],
    )
    def k(fh, ih, oh, iv0, iv1, bv0, bv1, sem0, sem1):
        wid = lax.axis_index("s") * NC + lax.axis_index("c")
        r0 = wid * RPW
        nch = RPW // GCH
        ivs = (iv0, iv1)
        bvs = (bv0, bv1)
        sems = (sem0, sem1)

        pltpu.sync_copy(ih.at[pl.ds(r0, GCH)], iv0)
        pltpu.async_copy(fh.at[iv0], bv0, sem0)

        def outer(g2, _):
            g = g2 * 2
            for par in range(2):
                t = g + par
                nxt = t + 1
                np_ = (par + 1) % 2
                iv_n, bv_n, sem_n = ivs[np_], bvs[np_], sems[np_]
                iv_c, bv_c, sem_c = ivs[par], bvs[par], sems[par]

                @pl.when(nxt < nch)
                def _():
                    pltpu.sync_copy(ih.at[pl.ds(r0 + nxt * GCH, GCH)], iv_n)
                    pltpu.async_copy(fh.at[iv_n], bv_n, sem_n)

                pltpu.make_async_copy(fh.at[iv_c], bv_c, sem_c).wait()
                pltpu.sync_copy(bv_c, oh.at[pl.ds(r0 + t * GCH, GCH)])
            return 0

        lax.fori_loop(0, nch // 2, outer, 0)

    return k(feats, idx)


def _pstats_body(gpq_ref, w4_ref, g_ref, b_ref, pscale_ref, pshift_ref):
    A = gpq_ref[...]
    W4 = w4_ref[...]
    cnt = float(R)
    row = lax.broadcasted_iota(jnp.int32, (128, K), 0)
    col = lax.broadcasted_iota(jnp.int32, (128, K), 1)
    comps = []
    for c in range(3):
        S = (row == col * 4 + c).astype(jnp.float32)
        comps.append(lax.dot_general(A, S, (((1,), (0,)), ((), ())),
                                     preferred_element_type=jnp.float32))
    gx, gy, gz = comps
    mux = jnp.sum(gx) / cnt
    muy = jnp.sum(gy) / cnt
    muz = jnp.sum(gz) / cnt
    mxx = jnp.sum(gx * gx) / cnt
    myy = jnp.sum(gy * gy) / cnt
    mzz = jnp.sum(gz * gz) / cnt
    mxy = jnp.sum(gx * gy) / cnt
    mxz = jnp.sum(gx * gz) / cnt
    myz = jnp.sum(gy * gz) / cnt
    wx = W4[0:1, :]
    wy = W4[1:2, :]
    wz = W4[2:3, :]
    mean = mux * wx + muy * wy + muz * wz
    ep2 = (wx * wx * mxx + wy * wy * myy + wz * wz * mzz
           + 2.0 * (wx * wy * mxy + wx * wz * mxz + wy * wz * myz))
    var = ep2 - mean * mean
    ps = g_ref[...] / jnp.sqrt(var + EPS)
    pscale_ref[...] = ps
    pshift_ref[...] = b_ref[...] - mean * ps


def _pstats_call(gpq, w4, gamma, beta):
    return pl.pallas_call(
        _pstats_body,
        out_shape=[jax.ShapeDtypeStruct((1, OUT_C), jnp.float32)] * 2,
    )(gpq, w4, gamma, beta)


def _fuse_body(gf_ref, gp4_ref, w4_ref, pscale_ref, pshift_ref, out_ref):
    pe = lax.dot_general(gp4_ref[...], w4_ref[...], (((1,), (0,)), ((), ())),
                         preferred_element_type=jnp.float32)
    pe = jnp.maximum(pe * pscale_ref[...] + pshift_ref[...], 0.0)
    res = gf_ref[...] + pe
    mb = res.shape[0] // K
    out_ref[...] = jnp.max(res.reshape(mb, K, OUT_C), axis=1)


def _fuse_call(gf, gp4, w4, pscale, pshift):
    mb = 64
    grid = (B * M) // mb
    return pl.pallas_call(
        _fuse_body,
        grid=(grid,),
        in_specs=[
            pl.BlockSpec((mb * K, OUT_C), lambda i: (i, 0)),
            pl.BlockSpec((mb * K, 4), lambda i: (i, 0)),
            pl.BlockSpec((4, OUT_C), lambda i: (0, 0)),
            pl.BlockSpec((1, OUT_C), lambda i: (0, 0)),
            pl.BlockSpec((1, OUT_C), lambda i: (0, 0)),
        ],
        out_specs=pl.BlockSpec((mb, OUT_C), lambda i: (i, 0)),
        out_shape=jax.ShapeDtypeStruct((B * M, OUT_C), jnp.float32),
    )(gf, gp4, w4, pscale, pshift)


def kernel(points, features, x_w, x_gamma, x_beta, pos_w, pos_gamma, pos_beta):
    pts_t = jnp.transpose(points, (0, 2, 1))
    px, py, pz = pts_t[:, 0, :], pts_t[:, 1, :], pts_t[:, 2, :]

    oxp, oyp, ozp = _fps_call(px.reshape(B, _FR, _FC), py.reshape(B, _FR, _FC),
                              pz.reshape(B, _FR, _FC))
    ox = oxp.reshape(B, M)
    oy = oyp.reshape(B, M)
    oz = ozp.reshape(B, M)
    centroids = jnp.stack([ox, oy, oz], axis=-1)

    f2 = features.reshape(B * N, IN_C)
    scale, shift = _xstats_call(f2, x_w, x_gamma.reshape(-1, 1),
                                x_beta.reshape(-1, 1))
    feats = _feats_call(f2, x_w.T, scale.reshape(1, -1), shift.reshape(1, -1))

    idx, gp4f = _ballquery_call(ox, oy, oz, px, py, pz)
    gp4 = gp4f.reshape(R, 4)

    w4 = jnp.concatenate([pos_w, jnp.zeros((OUT_C, 1), jnp.float32)], axis=1).T
    pscale, pshift = _pstats_call(gp4f.reshape(R * 4 // 128, 128), w4,
                                  pos_gamma.reshape(1, -1),
                                  pos_beta.reshape(1, -1))

    gf = _gather_call(feats, idx)
    out = _fuse_call(gf, gp4, w4, pscale, pshift)
    return (centroids, out.reshape(B, M, OUT_C))

# --- scband reference (transcript-rebuilt; emitter-appended) ---
"""Pipeline reference for scband-point-set-abstraction-layer-10101763080203 (READ-ONLY COPY).

The authoritative reference and input builder live on the scoring server;
editing this copy changes nothing except your own understanding.
"""

import jax, jax.numpy as jnp
import numpy as np

B = 4
N = 4096
STRIDE = 4
RADIUS = 0.2
K = 32
IN_CHANNELS = 64
OUT_CHANNELS = 128
EPS = 1e-5


def setup_inputs(seed: int = 0):
    key = jax.random.key(seed)
    k0, k1, k2, k3 = jax.random.split(key, 4)
    points = jax.random.uniform(k0, (B, N, 3), dtype=jnp.float32)
    features = jax.random.normal(k1, (B, N, IN_CHANNELS), dtype=jnp.float32)
    x_w = jax.random.normal(k2, (OUT_CHANNELS, IN_CHANNELS), dtype=jnp.float32) / np.sqrt(IN_CHANNELS)
    x_gamma = jnp.ones((OUT_CHANNELS,), dtype=jnp.float32)
    x_beta = jnp.zeros((OUT_CHANNELS,), dtype=jnp.float32)
    pos_w = jax.random.normal(k3, (OUT_CHANNELS, 3), dtype=jnp.float32) / np.sqrt(3.0)
    pos_gamma = jnp.ones((OUT_CHANNELS,), dtype=jnp.float32)
    pos_beta = jnp.zeros((OUT_CHANNELS,), dtype=jnp.float32)
    return {'points': points, 'features': features, 'x_w': x_w, 'x_gamma': x_gamma,
            'x_beta': x_beta, 'pos_w': pos_w, 'pos_gamma': pos_gamma, 'pos_beta': pos_beta}


def _bn(x, gamma, beta, axes):
    # BatchNorm in training mode (biased variance), matching nn.BatchNorm default train()
    mean = jnp.mean(x, axis=axes, keepdims=True)
    var = jnp.var(x, axis=axes, keepdims=True)
    shape = [1] * x.ndim
    shape[1] = -1
    return (x - mean) / jnp.sqrt(var + EPS) * gamma.reshape(shape) + beta.reshape(shape)


def _fps(points, m):
    # Greedy farthest point sampling starting from index 0 (fps_cuda semantics)
    b, n, _ = points.shape
    dis = jnp.full((b, n), 1e10, dtype=points.dtype)
    indices = jnp.zeros((b, m), dtype=jnp.int32)

    def body(i, carry):
        dis, indices = carry
        last = indices[:, i - 1]
        cur = jnp.take_along_axis(points, last[:, None, None], axis=1)
        d = jnp.sum((points - cur) ** 2, axis=-1)
        dis = jnp.minimum(dis, d)
        nxt = jnp.argmax(dis, axis=-1).astype(jnp.int32)
        indices = indices.at[:, i].set(nxt)
        return (dis, indices)

    dis, indices = jax.lax.fori_loop(1, m, body, (dis, indices))
    return indices


def _ball_query(radius, k, centroids, points, features):
    # ball_query_cuda2: for each centroid, first k points within radius (pad with first hit)
    b, n, _ = points.shape
    m = centroids.shape[1]
    d2 = jnp.sum((centroids[:, :, None, :] - points[:, None, :, :]) ** 2, axis=-1)  # (b,m,n)
    ar = jnp.arange(n, dtype=jnp.int32)
    idx = jnp.where(d2 <= radius * radius, ar[None, None, :], n)
    idx = jnp.sort(idx, axis=-1)[:, :, :k]
    first = idx[:, :, :1]
    idx = jnp.where(idx == n, first, idx)
    idx = jnp.clip(idx, 0, n - 1)
    flat = idx.reshape(b, m * k)
    gp = jnp.take_along_axis(points, flat[:, :, None], axis=1).reshape(b, m, k, 3)
    gf = jnp.take_along_axis(features, flat[:, :, None], axis=1).reshape(b, m, k, features.shape[-1])
    group_points = jnp.transpose(gp, (0, 3, 2, 1))      # (b,3,k,m)
    group_features = jnp.transpose(gf, (0, 3, 2, 1))    # (b,c',k,m)
    return group_points, group_features


def reference(points, features, x_w, x_gamma, x_beta, pos_w, pos_gamma, pos_beta):
    b, n, _ = points.shape
    m = n // STRIDE
    fps_idx = _fps(jax.lax.stop_gradient(points), m)  # torch fps is @no_grad
    centroids = jnp.take_along_axis(points, fps_idx[:, :, None], axis=1)  # (b,m,3)
    # x_mlp: Conv1d(1x1, no bias) + BN + ReLU
    xt = jnp.transpose(features, (0, 2, 1))
    y = jax.nn.relu(_bn(jnp.einsum('oc,bcn->bon', x_w, xt), x_gamma, x_beta, (0, 2)))
    feats = jnp.transpose(y, (0, 2, 1))  # (b,n,c')
    group_points, group_features = _ball_query(RADIUS, K, centroids, points, feats)
    gp = (group_points - jnp.transpose(centroids, (0, 2, 1))[:, :, None, :]) / RADIUS
    # pos_mlp: Conv2d(3->c', 1x1, no bias) + BN + ReLU
    pe = jax.nn.relu(_bn(jnp.einsum('oc,bckm->bokm', pos_w, gp), pos_gamma, pos_beta, (0, 2, 3)))
    res = group_features + pe
    gfeat = jnp.transpose(jnp.max(res, axis=2), (0, 2, 1))  # (b,m,c')
    return (centroids, gfeat)

if __name__ == "__main__":
    import jax
    _d = setup_inputs()
    print(jax.jit(kernel)(*tuple(_d.values())))

</pallas_src>

<mosaic_0001>
#map = affine_map<(d0, d1) -> (0, 0)>
#map1 = affine_map<(d0, d1) -> (0)>
module attributes {stable_mosaic.version = 14 : i64} {
  func.func @k(%arg0: i32, %arg1: i32, %arg2: memref<16384x128xf32, #tpu.memory_space<hbm>>, %arg3: memref<131072xi32, #tpu.memory_space<hbm>>, %arg4: memref<131072x128xf32, #tpu.memory_space<hbm>>, %arg5: memref<128xi32, #tpu.memory_space<vmem>>, %arg6: memref<128xi32, #tpu.memory_space<vmem>>, %arg7: memref<128x128xf32, #tpu.memory_space<vmem>>, %arg8: memref<128x128xf32, #tpu.memory_space<vmem>>, %arg9: memref<!tpu.dma_semaphore, #tpu.memory_space<semaphore_mem>>, %arg10: memref<!tpu.dma_semaphore, #tpu.memory_space<semaphore_mem>>) attributes {dimension_semantics = [#tpu.dimension_semantics<core_parallel>, #tpu.dimension_semantics<subcore_parallel>], iteration_bounds = array<i64: 2, 16>, scalar_prefetch = 0 : i64, scratch_operands = 6 : i64, tpu.core_type = #tpu.core_type<sc_vector_subcore>, window_params = [{transform_indices = #map}, {transform_indices = #map1}, {transform_indices = #map}]} {
    %mul3A = arith.constant 2 : i32
    %mul3A_0 = arith.muli %arg1, %mul3A : i32
    %add3A = arith.addi %mul3A_0, %arg0 : i32
    %mul3A_1 = arith.constant 4096 : i32
    %mul3A_2 = arith.muli %add3A, %mul3A_1 : i32
    "tpu.region"() ({
      %run_scoped3A = tpu.sem_alloc : memref<!tpu.dma_semaphore, #tpu.memory_space<semaphore_mem>>
      %dma_start3A_11 = tpu.memref_slice %arg3[%mul3A_2] : memref<131072xi32, #tpu.memory_space<hbm>> -> memref<128xi32, #tpu.memory_space<hbm>>
      %dma_start3A_12 = tpu.memref_slice %arg3[%mul3A_2] : memref<131072xi32, #tpu.memory_space<hbm>> -> memref<128xi32, #tpu.memory_space<hbm>>
      tpu.enqueue_dma source(%dma_start3A_12 : memref<128xi32, #tpu.memory_space<hbm>>) target(%arg5 : memref<128xi32, #tpu.memory_space<vmem>>) target_semaphore(%run_scoped3A : memref<!tpu.dma_semaphore, #tpu.memory_space<semaphore_mem>>)
      %dma_wait3A = tpu.memref_slice %arg3[%mul3A_2] : memref<131072xi32, #tpu.memory_space<hbm>> -> memref<128xi32, #tpu.memory_space<hbm>>
      %dma_wait3A_13 = tpu.memref_slice %arg3[%mul3A_2] : memref<131072xi32, #tpu.memory_space<hbm>> -> memref<128xi32, #tpu.memory_space<hbm>>
      tpu.wait_dma2 semaphore(%run_scoped3A : memref<!tpu.dma_semaphore, #tpu.memory_space<semaphore_mem>>) src(%dma_wait3A_13 : memref<128xi32, #tpu.memory_space<hbm>>) dst(%arg5 : memref<128xi32, #tpu.memory_space<vmem>>)
      tpu.yield
    }) : () -> ()
    %dma_start3A = arith.constant 0 : i32
    %dma_start3A_3 = arith.constant 0 : i32
    %dma_start3A_4 = tpu.memref_slice %arg2[%dma_start3A, %dma_start3A_3] : memref<16384x128xf32, #tpu.memory_space<hbm>> -> memref<16384x128xf32, #tpu.memory_space<hbm>>
    tpu.enqueue_indirect_dma source(%dma_start3A_4 : memref<16384x128xf32, #tpu.memory_space<hbm>>) target(%arg7 : memref<128x128xf32, #tpu.memory_space<vmem>>) offsets(%arg5 : memref<128xi32, #tpu.memory_space<vmem>>) semaphore(%arg9 : memref<!tpu.dma_semaphore, #tpu.memory_space<semaphore_mem>>)
    %scan3A = arith.constant 0 : i32
    %scan3A_5 = arith.constant 0 : i32
    %scan3A_6 = arith.constant 16 : i32
    %scan3A_7 = arith.addi %scan3A_5, %scan3A_6 : i32
    %scan3A_8 = arith.constant 1 : i32
    %scan3A_9 = scf.for %scan3A_11 = %scan3A_5 to %scan3A_7 step %scan3A_8 iter_args(%scan3A_12 = %scan3A) -> (i32)  : i32 {
      %mul3A_13 = arith.constant 2 : i32
      %mul3A_14 = arith.muli %scan3A_11, %mul3A_13 : i32
      %add3A_15 = arith.constant 0 : i32
      %add3A_16 = arith.addi %mul3A_14, %add3A_15 : i32
      %add3A_17 = arith.constant 1 : i32
      %add3A_18 = arith.addi %add3A_16, %add3A_17 : i32
      %lt3A = arith.constant 32 : i32
      %lt3A_19 = arith.cmpi slt, %add3A_18, %lt3A : i32
      %convert_element_type3A = arith.extui %lt3A_19 : i1 to i32
      %cond3A = arith.constant 0 : i32
      %cond3A_20 = arith.cmpi ne, %convert_element_type3A, %cond3A : i32
      scf.if %cond3A_20 {
        %mul3A_42 = arith.constant 128 : i32
        %mul3A_43 = arith.muli %add3A_18, %mul3A_42 : i32
        %add3A_44 = arith.addi %mul3A_2, %mul3A_43 : i32
        "tpu.region"() ({
          %run_scoped3A = tpu.sem_alloc : memref<!tpu.dma_semaphore, #tpu.memory_space<semaphore_mem>>
          %dma_start3A_48 = tpu.memref_slice %arg3[%add3A_44] : memref<131072xi32, #tpu.memory_space<hbm>> -> memref<128xi32, #tpu.memory_space<hbm>>
          %dma_start3A_49 = tpu.memref_slice %arg3[%add3A_44] : memref<131072xi32, #tpu.memory_space<hbm>> -> memref<128xi32, #tpu.memory_space<hbm>>
          tpu.enqueue_dma source(%dma_start3A_49 : memref<128xi32, #tpu.memory_space<hbm>>) target(%arg6 : memref<128xi32, #tpu.memory_space<vmem>>) target_semaphore(%run_scoped3A : memref<!tpu.dma_semaphore, #tpu.memory_space<semaphore_mem>>)
          %dma_wait3A_50 = tpu.memref_slice %arg3[%add3A_44] : memref<131072xi32, #tpu.memory_space<hbm>> -> memref<128xi32, #tpu.memory_space<hbm>>
          %dma_wait3A_51 = tpu.memref_slice %arg3[%add3A_44] : memref<131072xi32, #tpu.memory_space<hbm>> -> memref<128xi32, #tpu.memory_space<hbm>>
          tpu.wait_dma2 semaphore(%run_scoped3A : memref<!tpu.dma_semaphore, #tpu.memory_space<semaphore_mem>>) src(%dma_wait3A_51 : memref<128xi32, #tpu.memory_space<hbm>>) dst(%arg6 : memref<128xi32, #tpu.memory_space<vmem>>)
          tpu.yield
        }) : () -> ()
        %dma_start3A_45 = arith.constant 0 : i32
        %dma_start3A_46 = arith.constant 0 : i32
        %dma_start3A_47 = tpu.memref_slice %arg2[%dma_start3A_45, %dma_start3A_46] : memref<16384x128xf32, #tpu.memory_space<hbm>> -> memref<16384x128xf32, #tpu.memory_space<hbm>>
        tpu.enqueue_indirect_dma source(%dma_start3A_47 : memref<16384x128xf32, #tpu.memory_space<hbm>>) target(%arg8 : memref<128x128xf32, #tpu.memory_space<vmem>>) offsets(%arg6 : memref<128xi32, #tpu.memory_space<vmem>>) semaphore(%arg10 : memref<!tpu.dma_semaphore, #tpu.memory_space<semaphore_mem>>)
      } else {
      }
      %dma_wait3A = arith.constant 0 : i32
      %dma_wait3A_21 = arith.constant 0 : i32
      %dma_wait3A_22 = tpu.memref_slice %arg2[%dma_wait3A, %dma_wait3A_21] : memref<16384x128xf32, #tpu.memory_space<hbm>> -> memref<16384x128xf32, #tpu.memory_space<hbm>>
      tpu.wait_indirect_dma semaphore(%arg9 : memref<!tpu.dma_semaphore, #tpu.memory_space<semaphore_mem>>) src(%dma_wait3A_22 : memref<16384x128xf32, #tpu.memory_space<hbm>>) dst(%arg7 : memref<128x128xf32, #tpu.memory_space<vmem>>)
      %mul3A_23 = arith.constant 128 : i32
      %mul3A_24 = arith.muli %add3A_16, %mul3A_23 : i32
      %add3A_25 = arith.addi %mul3A_2, %mul3A_24 : i32
      "tpu.region"() ({
        %run_scoped3A = tpu.sem_alloc : memref<!tpu.dma_semaphore, #tpu.memory_space<semaphore_mem>>
        %dma_start3A_42 = arith.constant 0 : i32
        %dma_start3A_43 = tpu.memref_slice %arg4[%add3A_25, %dma_start3A_42] : memref<131072x128xf32, #tpu.memory_space<hbm>> -> memref<128x128xf32, #tpu.memory_space<hbm>>
        %dma_start3A_44 = arith.constant 0 : i32
        %dma_start3A_45 = tpu.memref_slice %arg4[%add3A_25, %dma_start3A_44] : memref<131072x128xf32, #tpu.memory_space<hbm>> -> memref<128x128xf32, #tpu.memory_space<hbm>>
        tpu.enqueue_dma source(%arg7 : memref<128x128xf32, #tpu.memory_space<vmem>>) target(%dma_start3A_45 : memref<128x128xf32, #tpu.memory_space<hbm>>) target_semaphore(%run_scoped3A : memref<!tpu.dma_semaphore, #tpu.memory_space<semaphore_mem>>)
        %dma_wait3A_46 = arith.constant 0 : i32
        %dma_wait3A_47 = tpu.memref_slice %arg4[%add3A_25, %dma_wait3A_46] : memref<131072x128xf32, #tpu.memory_space<hbm>> -> memref<128x128xf32, #tpu.memory_space<hbm>>
        %dma_wait3A_48 = arith.constant 0 : i32
        %dma_wait3A_49 = tpu.memref_slice %arg4[%add3A_25, %dma_wait3A_48] : memref<131072x128xf32, #tpu.memory_space<hbm>> -> memref<128x128xf32, #tpu.memory_space<hbm>>
        tpu.wait_dma2 semaphore(%run_scoped3A : memref<!tpu.dma_semaphore, #tpu.memory_space<semaphore_mem>>) src(%arg7 : memref<128x128xf32, #tpu.memory_space<vmem>>) dst(%dma_wait3A_49 : memref<128x128xf32, #tpu.memory_space<hbm>>)
        tpu.yield
      }) : () -> ()
      %add3A_26 = arith.constant 1 : i32
      %add3A_27 = arith.addi %mul3A_14, %add3A_26 : i32
      %add3A_28 = arith.constant 1 : i32
      %add3A_29 = arith.addi %add3A_27, %add3A_28 : i32
      %lt3A_30 = arith.constant 32 : i32
      %lt3A_31 = arith.cmpi slt, %add3A_29, %lt3A_30 : i32
      %convert_element_type3A_32 = arith.extui %lt3A_31 : i1 to i32
      %cond3A_33 = arith.constant 0 : i32
      %cond3A_34 = arith.cmpi ne, %convert_element_type3A_32, %cond3A_33 : i32
      scf.if %cond3A_34 {
        %mul3A_42 = arith.constant 128 : i32
        %mul3A_43 = arith.muli %add3A_29, %mul3A_42 : i32
        %add3A_44 = arith.addi %mul3A_2, %mul3A_43 : i32
        "tpu.region"() ({
          %run_scoped3A = tpu.sem_alloc : memref<!tpu.dma_semaphore, #tpu.memory_space<semaphore_mem>>
          %dma_start3A_48 = tpu.memref_slice %arg3[%add3A_44] : memref<131072xi32, #tpu.memory_space<hbm>> -> memref<128xi32, #tpu.memory_space<hbm>>
          %dma_start3A_49 = tpu.memref_slice %arg3[%add3A_44] : memref<131072xi32, #tpu.memory_space<hbm>> -> memref<128xi32, #tpu.memory_space<hbm>>
          tpu.enqueue_dma source(%dma_start3A_49 : memref<128xi32, #tpu.memory_space<hbm>>) target(%arg5 : memref<128xi32, #tpu.memory_space<vmem>>) target_semaphore(%run_scoped3A : memref<!tpu.dma_semaphore, #tpu.memory_space<semaphore_mem>>)
          %dma_wait3A_50 = tpu.memref_slice %arg3[%add3A_44] : memref<131072xi32, #tpu.memory_space<hbm>> -> memref<128xi32, #tpu.memory_space<hbm>>
          %dma_wait3A_51 = tpu.memref_slice %arg3[%add3A_44] : memref<131072xi32, #tpu.memory_space<hbm>> -> memref<128xi32, #tpu.memory_space<hbm>>
          tpu.wait_dma2 semaphore(%run_scoped3A : memref<!tpu.dma_semaphore, #tpu.memory_space<semaphore_mem>>) src(%dma_wait3A_51 : memref<128xi32, #tpu.memory_space<hbm>>) dst(%arg5 : memref<128xi32, #tpu.memory_space<vmem>>)
          tpu.yield
        }) : () -> ()
        %dma_start3A_45 = arith.constant 0 : i32
        %dma_start3A_46 = arith.constant 0 : i32
        %dma_start3A_47 = tpu.memref_slice %arg2[%dma_start3A_45, %dma_start3A_46] : memref<16384x128xf32, #tpu.memory_space<hbm>> -> memref<16384x128xf32, #tpu.memory_space<hbm>>
        tpu.enqueue_indirect_dma source(%dma_start3A_47 : memref<16384x128xf32, #tpu.memory_space<hbm>>) target(%arg7 : memref<128x128xf32, #tpu.memory_space<vmem>>) offsets(%arg5 : memref<128xi32, #tpu.memory_space<vmem>>) semaphore(%arg9 : memref<!tpu.dma_semaphore, #tpu.memory_space<semaphore_mem>>)
      } else {
      }
      %dma_wait3A_35 = arith.constant 0 : i32
      %dma_wait3A_36 = arith.constant 0 : i32
      %dma_wait3A_37 = tpu.memref_slice %arg2[%dma_wait3A_35, %dma_wait3A_36] : memref<16384x128xf32, #tpu.memory_space<hbm>> -> memref<16384x128xf32, #tpu.memory_space<hbm>>
      tpu.wait_indirect_dma semaphore(%arg10 : memref<!tpu.dma_semaphore, #tpu.memory_space<semaphore_mem>>) src(%dma_wait3A_37 : memref<16384x128xf32, #tpu.memory_space<hbm>>) dst(%arg8 : memref<128x128xf32, #tpu.memory_space<vmem>>)
      %mul3A_38 = arith.constant 128 : i32
      %mul3A_39 = arith.muli %add3A_27, %mul3A_38 : i32
      %add3A_40 = arith.addi %mul3A_2, %mul3A_39 : i32
      "tpu.region"() ({
        %run_scoped3A = tpu.sem_alloc : memref<!tpu.dma_semaphore, #tpu.memory_space<semaphore_mem>>
        %dma_start3A_42 = arith.constant 0 : i32
        %dma_start3A_43 = tpu.memref_slice %arg4[%add3A_40, %dma_start3A_42] : memref<131072x128xf32, #tpu.memory_space<hbm>> -> memref<128x128xf32, #tpu.memory_space<hbm>>
        %dma_start3A_44 = arith.constant 0 : i32
        %dma_start3A_45 = tpu.memref_slice %arg4[%add3A_40, %dma_start3A_44] : memref<131072x128xf32, #tpu.memory_space<hbm>> -> memref<128x128xf32, #tpu.memory_space<hbm>>
        tpu.enqueue_dma source(%arg8 : memref<128x128xf32, #tpu.memory_space<vmem>>) target(%dma_start3A_45 : memref<128x128xf32, #tpu.memory_space<hbm>>) target_semaphore(%run_scoped3A : memref<!tpu.dma_semaphore, #tpu.memory_space<semaphore_mem>>)
        %dma_wait3A_46 = arith.constant 0 : i32
        %dma_wait3A_47 = tpu.memref_slice %arg4[%add3A_40, %dma_wait3A_46] : memref<131072x128xf32, #tpu.memory_space<hbm>> -> memref<128x128xf32, #tpu.memory_space<hbm>>
        %dma_wait3A_48 = arith.constant 0 : i32
        %dma_wait3A_49 = tpu.memref_slice %arg4[%add3A_40, %dma_wait3A_48] : memref<131072x128xf32, #tpu.memory_space<hbm>> -> memref<128x128xf32, #tpu.memory_space<hbm>>
        tpu.wait_dma2 semaphore(%run_scoped3A : memref<!tpu.dma_semaphore, #tpu.memory_space<semaphore_mem>>) src(%arg8 : memref<128x128xf32, #tpu.memory_space<vmem>>) dst(%dma_wait3A_49 : memref<128x128xf32, #tpu.memory_space<hbm>>)
        tpu.yield
      }) : () -> ()
      %scan3A_41 = arith.constant 0 : i32
      scf.yield %scan3A_41 : i32
    }
    %scan3A_10 = arith.constant 16 : i32
    return
  }
}

#map = affine_map<(d0, d1) -> (0, 0)>
#map1 = affine_map<(d0, d1) -> (0)>
module attributes {stable_mosaic.version = 14 : i64} {
  func.func @k(%arg0: i32, %arg1: i32, %arg2: memref<4x1024xf32, #tpu.memory_space<hbm>>, %arg3: memref<4x1024xf32, #tpu.memory_space<hbm>>, %arg4: memref<4x1024xf32, #tpu.memory_space<hbm>>, %arg5: memref<4x4096xf32, #tpu.memory_space<hbm>>, %arg6: memref<4x4096xf32, #tpu.memory_space<hbm>>, %arg7: memref<4x4096xf32, #tpu.memory_space<hbm>>, %arg8: memref<131072xi32, #tpu.memory_space<hbm>>, %arg9: memref<524288xf32, #tpu.memory_space<hbm>>, %arg10: memref<4096xf32, #tpu.memory_space<vmem>>, %arg11: memref<4096xf32, #tpu.memory_space<vmem>>, %arg12: memref<4096xf32, #tpu.memory_space<vmem>>, %arg13: memref<128xf32, #tpu.memory_space<vmem>>, %arg14: memref<128xf32, #tpu.memory_space<vmem>>, %arg15: memref<128xf32, #tpu.memory_space<vmem>>, %arg16: memref<512xi32, #tpu.memory_space<vmem>>, %arg17: memref<4096xi32, #tpu.memory_space<vmem>>, %arg18: memref<16384xf32, #tpu.memory_space<vmem>>) attributes {dimension_semantics = [#tpu.dimension_semantics<core_parallel>, #tpu.dimension_semantics<subcore_parallel>], iteration_bounds = array<i64: 2, 16>, scalar_prefetch = 0 : i64, scratch_operands = 9 : i64, tpu.core_type = #tpu.core_type<sc_vector_subcore>, window_params = [{transform_indices = #map}, {transform_indices = #map}, {transform_indices = #map}, {transform_indices = #map}, {transform_indices = #map}, {transform_indices = #map}, {transform_indices = #map1}, {transform_indices = #map1}]} {
    %mul3A = arith.constant 2 : i32
    %mul3A_0 = arith.muli %arg1, %mul3A : i32
    %add3A = arith.addi %mul3A_0, %arg0 : i32
    %mul3A_1 = arith.constant 128 : i32
    %mul3A_2 = arith.muli %add3A, %mul3A_1 : i32
    %jit3A = arith.constant 1024 : i32
    %div3A = arith.divsi %mul3A_2, %jit3A : i32
    %sign3A = arith.constant 0 : i32
    %sign3A_3 = arith.cmpi sgt, %mul3A_2, %sign3A : i32
    %sign3A_4 = arith.extui %sign3A_3 : i1 to i32
    %sign3A_5 = arith.constant 0 : i32
    %sign3A_6 = arith.cmpi slt, %mul3A_2, %sign3A_5 : i32
    %sign3A_7 = arith.extui %sign3A_6 : i1 to i32
    %sign3A_8 = arith.subi %sign3A_4, %sign3A_7 : i32
    %sign3A_9 = arith.constant 0 : i32
    %sign3A_10 = arith.cmpi sgt, %jit3A, %sign3A_9 : i32
    %sign3A_11 = arith.extui %sign3A_10 : i1 to i32
    %sign3A_12 = arith.constant 0 : i32
    %sign3A_13 = arith.cmpi slt, %jit3A, %sign3A_12 : i32
    %sign3A_14 = arith.extui %sign3A_13 : i1 to i32
    %sign3A_15 = arith.subi %sign3A_11, %sign3A_14 : i32
    %ne3A = arith.cmpi ne, %sign3A_8, %sign3A_15 : i32
    %rem3A = arith.remsi %mul3A_2, %jit3A : i32
    %ne3A_16 = arith.constant 0 : i32
    %ne3A_17 = arith.cmpi ne, %rem3A, %ne3A_16 : i32
    %and3A = arith.andi %ne3A, %ne3A_17 : i1
    %sub3A = arith.constant 1 : i32
    %sub3A_18 = arith.subi %div3A, %sub3A : i32
    %select_n3A = arith.select %and3A, %sub3A_18, %div3A : i32
    %mul3A_19 = arith.constant 1024 : i32
    %mul3A_20 = arith.muli %select_n3A, %mul3A_19 : i32
    %sub3A_21 = arith.subi %mul3A_2, %mul3A_20 : i32
    "tpu.region"() ({
      %run_scoped3A = tpu.sem_alloc : memref<!tpu.dma_semaphore, #tpu.memory_space<semaphore_mem>>
      %dma_start3A = arith.constant 0 : i32
      %dma_start3A_50 = tpu.memref_slice %arg5[%select_n3A, %dma_start3A] : memref<4x4096xf32, #tpu.memory_space<hbm>> -> memref<1x4096xf32, #tpu.memory_space<hbm>>
      %dma_start3A_51 = tpu.memref_squeeze %dma_start3A_50 : memref<1x4096xf32, #tpu.memory_space<hbm>> -> memref<4096xf32, #tpu.memory_space<hbm>>
      %dma_start3A_52 = arith.constant 0 : i32
      %dma_start3A_53 = tpu.memref_slice %arg5[%select_n3A, %dma_start3A_52] : memref<4x4096xf32, #tpu.memory_space<hbm>> -> memref<1x4096xf32, #tpu.memory_space<hbm>>
      %dma_start3A_54 = tpu.memref_squeeze %dma_start3A_53 : memref<1x4096xf32, #tpu.memory_space<hbm>> -> memref<4096xf32, #tpu.memory_space<hbm>>
      tpu.enqueue_dma source(%dma_start3A_54 : memref<4096xf32, #tpu.memory_space<hbm>>) target(%arg10 : memref<4096xf32, #tpu.memory_space<vmem>>) target_semaphore(%run_scoped3A : memref<!tpu.dma_semaphore, #tpu.memory_space<semaphore_mem>>)
      %dma_wait3A = arith.constant 0 : i32
      %dma_wait3A_55 = tpu.memref_slice %arg5[%select_n3A, %dma_wait3A] : memref<4x4096xf32, #tpu.memory_space<hbm>> -> memref<1x4096xf32, #tpu.memory_space<hbm>>
      %dma_wait3A_56 = tpu.memref_squeeze %dma_wait3A_55 : memref<1x4096xf32, #tpu.memory_space<hbm>> -> memref<4096xf32, #tpu.memory_space<hbm>>
      %dma_wait3A_57 = arith.constant 0 : i32
      %dma_wait3A_58 = tpu.memref_slice %arg5[%select_n3A, %dma_wait3A_57] : memref<4x4096xf32, #tpu.memory_space<hbm>> -> memref<1x4096xf32, #tpu.memory_space<hbm>>
      %dma_wait3A_59 = tpu.memref_squeeze %dma_wait3A_58 : memref<1x4096xf32, #tpu.memory_space<hbm>> -> memref<4096xf32, #tpu.memory_space<hbm>>
      tpu.wait_dma2 semaphore(%run_scoped3A : memref<!tpu.dma_semaphore, #tpu.memory_space<semaphore_mem>>) src(%dma_wait3A_59 : memref<4096xf32, #tpu.memory_space<hbm>>) dst(%arg10 : memref<4096xf32, #tpu.memory_space<vmem>>)
      tpu.yield
    }) : () -> ()
    "tpu.region"() ({
      %run_scoped3A = tpu.sem_alloc : memref<!tpu.dma_semaphore, #tpu.memory_space<semaphore_mem>>
      %dma_start3A = arith.constant 0 : i32
      %dma_start3A_50 = tpu.memref_slice %arg6[%select_n3A, %dma_start3A] : memref<4x4096xf32, #tpu.memory_space<hbm>> -> memref<1x4096xf32, #tpu.memory_space<hbm>>
      %dma_start3A_51 = tpu.memref_squeeze %dma_start3A_50 : memref<1x4096xf32, #tpu.memory_space<hbm>> -> memref<4096xf32, #tpu.memory_space<hbm>>
      %dma_start3A_52 = arith.constant 0 : i32
      %dma_start3A_53 = tpu.memref_slice %arg6[%select_n3A, %dma_start3A_52] : memref<4x4096xf32, #tpu.memory_space<hbm>> -> memref<1x4096xf32, #tpu.memory_space<hbm>>
      %dma_start3A_54 = tpu.memref_squeeze %dma_start3A_53 : memref<1x4096xf32, #tpu.memory_space<hbm>> -> memref<4096xf32, #tpu.memory_space<hbm>>
      tpu.enqueue_dma source(%dma_start3A_54 : memref<4096xf32, #tpu.memory_space<hbm>>) target(%arg11 : memref<4096xf32, #tpu.memory_space<vmem>>) target_semaphore(%run_scoped3A : memref<!tpu.dma_semaphore, #tpu.memory_space<semaphore_mem>>)
      %dma_wait3A = arith.constant 0 : i32
      %dma_wait3A_55 = tpu.memref_slice %arg6[%select_n3A, %dma_wait3A] : memref<4x4096xf32, #tpu.memory_space<hbm>> -> memref<1x4096xf32, #tpu.memory_space<hbm>>
      %dma_wait3A_56 = tpu.memref_squeeze %dma_wait3A_55 : memref<1x4096xf32, #tpu.memory_space<hbm>> -> memref<4096xf32, #tpu.memory_space<hbm>>
      %dma_wait3A_57 = arith.constant 0 : i32
      %dma_wait3A_58 = tpu.memref_slice %arg6[%select_n3A, %dma_wait3A_57] : memref<4x4096xf32, #tpu.memory_space<hbm>> -> memref<1x4096xf32, #tpu.memory_space<hbm>>
      %dma_wait3A_59 = tpu.memref_squeeze %dma_wait3A_58 : memref<1x4096xf32, #tpu.memory_space<hbm>> -> memref<4096xf32, #tpu.memory_space<hbm>>
      tpu.wait_dma2 semaphore(%run_scoped3A : memref<!tpu.dma_semaphore, #tpu.memory_space<semaphore_mem>>) src(%dma_wait3A_59 : memref<4096xf32, #tpu.memory_space<hbm>>) dst(%arg11 : memref<4096xf32, #tpu.memory_space<vmem>>)
      tpu.yield
    }) : () -> ()
    "tpu.region"() ({
      %run_scoped3A = tpu.sem_alloc : memref<!tpu.dma_semaphore, #tpu.memory_space<semaphore_mem>>
      %dma_start3A = arith.constant 0 : i32
      %dma_start3A_50 = tpu.memref_slice %arg7[%select_n3A, %dma_start3A] : memref<4x4096xf32, #tpu.memory_space<hbm>> -> memref<1x4096xf32, #tpu.memory_space<hbm>>
      %dma_start3A_51 = tpu.memref_squeeze %dma_start3A_50 : memref<1x4096xf32, #tpu.memory_space<hbm>> -> memref<4096xf32, #tpu.memory_space<hbm>>
      %dma_start3A_52 = arith.constant 0 : i32
      %dma_start3A_53 = tpu.memref_slice %arg7[%select_n3A, %dma_start3A_52] : memref<4x4096xf32, #tpu.memory_space<hbm>> -> memref<1x4096xf32, #tpu.memory_space<hbm>>
      %dma_start3A_54 = tpu.memref_squeeze %dma_start3A_53 : memref<1x4096xf32, #tpu.memory_space<hbm>> -> memref<4096xf32, #tpu.memory_space<hbm>>
      tpu.enqueue_dma source(%dma_start3A_54 : memref<4096xf32, #tpu.memory_space<hbm>>) target(%arg12 : memref<4096xf32, #tpu.memory_space<vmem>>) target_semaphore(%run_scoped3A : memref<!tpu.dma_semaphore, #tpu.memory_space<semaphore_mem>>)
      %dma_wait3A = arith.constant 0 : i32
      %dma_wait3A_55 = tpu.memref_slice %arg7[%select_n3A, %dma_wait3A] : memref<4x4096xf32, #tpu.memory_space<hbm>> -> memref<1x4096xf32, #tpu.memory_space<hbm>>
      %dma_wait3A_56 = tpu.memref_squeeze %dma_wait3A_55 : memref<1x4096xf32, #tpu.memory_space<hbm>> -> memref<4096xf32, #tpu.memory_space<hbm>>
      %dma_wait3A_57 = arith.constant 0 : i32
      %dma_wait3A_58 = tpu.memref_slice %arg7[%select_n3A, %dma_wait3A_57] : memref<4x4096xf32, #tpu.memory_space<hbm>> -> memref<1x4096xf32, #tpu.memory_space<hbm>>
      %dma_wait3A_59 = tpu.memref_squeeze %dma_wait3A_58 : memref<1x4096xf32, #tpu.memory_space<hbm>> -> memref<4096xf32, #tpu.memory_space<hbm>>
      tpu.wait_dma2 semaphore(%run_scoped3A : memref<!tpu.dma_semaphore, #tpu.memory_space<semaphore_mem>>) src(%dma_wait3A_59 : memref<4096xf32, #tpu.memory_space<hbm>>) dst(%arg12 : memref<4096xf32, #tpu.memory_space<vmem>>)
      tpu.yield
    }) : () -> ()
    "tpu.region"() ({
      %run_scoped3A = tpu.sem_alloc : memref<!tpu.dma_semaphore, #tpu.memory_space<semaphore_mem>>
      %dma_start3A = tpu.memref_slice %arg2[%select_n3A, %sub3A_21] : memref<4x1024xf32, #tpu.memory_space<hbm>> -> memref<1x128xf32, #tpu.memory_space<hbm>>
      %dma_start3A_50 = tpu.memref_squeeze %dma_start3A : memref<1x128xf32, #tpu.memory_space<hbm>> -> memref<128xf32, #tpu.memory_space<hbm>>
      %dma_start3A_51 = tpu.memref_slice %arg2[%select_n3A, %sub3A_21] : memref<4x1024xf32, #tpu.memory_space<hbm>> -> memref<1x128xf32, #tpu.memory_space<hbm>>
      %dma_start3A_52 = tpu.memref_squeeze %dma_start3A_51 : memref<1x128xf32, #tpu.memory_space<hbm>> -> memref<128xf32, #tpu.memory_space<hbm>>
      tpu.enqueue_dma source(%dma_start3A_52 : memref<128xf32, #tpu.memory_space<hbm>>) target(%arg13 : memref<128xf32, #tpu.memory_space<vmem>>) target_semaphore(%run_scoped3A : memref<!tpu.dma_semaphore, #tpu.memory_space<semaphore_mem>>)
      %dma_wait3A = tpu.memref_slice %arg2[%select_n3A, %sub3A_21] : memref<4x1024xf32, #tpu.memory_space<hbm>> -> memref<1x128xf32, #tpu.memory_space<hbm>>
      %dma_wait3A_53 = tpu.memref_squeeze %dma_wait3A : memref<1x128xf32, #tpu.memory_space<hbm>> -> memref<128xf32, #tpu.memory_space<hbm>>
      %dma_wait3A_54 = tpu.memref_slice %arg2[%select_n3A, %sub3A_21] : memref<4x1024xf32, #tpu.memory_space<hbm>> -> memref<1x128xf32, #tpu.memory_space<hbm>>
      %dma_wait3A_55 = tpu.memref_squeeze %dma_wait3A_54 : memref<1x128xf32, #tpu.memory_space<hbm>> -> memref<128xf32, #tpu.memory_space<hbm>>
      tpu.wait_dma2 semaphore(%run_scoped3A : memref<!tpu.dma_semaphore, #tpu.memory_space<semaphore_mem>>) src(%dma_wait3A_55 : memref<128xf32, #tpu.memory_space<hbm>>) dst(%arg13 : memref<128xf32, #tpu.memory_space<vmem>>)
      tpu.yield
    }) : () -> ()
    "tpu.region"() ({
      %run_scoped3A = tpu.sem_alloc : memref<!tpu.dma_semaphore, #tpu.memory_space<semaphore_mem>>
      %dma_start3A = tpu.memref_slice %arg3[%select_n3A, %sub3A_21] : memref<4x1024xf32, #tpu.memory_space<hbm>> -> memref<1x128xf32, #tpu.memory_space<hbm>>
      %dma_start3A_50 = tpu.memref_squeeze %dma_start3A : memref<1x128xf32, #tpu.memory_space<hbm>> -> memref<128xf32, #tpu.memory_space<hbm>>
      %dma_start3A_51 = tpu.memref_slice %arg3[%select_n3A, %sub3A_21] : memref<4x1024xf32, #tpu.memory_space<hbm>> -> memref<1x128xf32, #tpu.memory_space<hbm>>
      %dma_start3A_52 = tpu.memref_squeeze %dma_start3A_51 : memref<1x128xf32, #tpu.memory_space<hbm>> -> memref<128xf32, #tpu.memory_space<hbm>>
      tpu.enqueue_dma source(%dma_start3A_52 : memref<128xf32, #tpu.memory_space<hbm>>) target(%arg14 : memref<128xf32, #tpu.memory_space<vmem>>) target_semaphore(%run_scoped3A : memref<!tpu.dma_semaphore, #tpu.memory_space<semaphore_mem>>)
      %dma_wait3A = tpu.memref_slice %arg3[%select_n3A, %sub3A_21] : memref<4x1024xf32, #tpu.memory_space<hbm>> -> memref<1x128xf32, #tpu.memory_space<hbm>>
      %dma_wait3A_53 = tpu.memref_squeeze %dma_wait3A : memref<1x128xf32, #tpu.memory_space<hbm>> -> memref<128xf32, #tpu.memory_space<hbm>>
      %dma_wait3A_54 = tpu.memref_slice %arg3[%select_n3A, %sub3A_21] : memref<4x1024xf32, #tpu.memory_space<hbm>> -> memref<1x128xf32, #tpu.memory_space<hbm>>
      %dma_wait3A_55 = tpu.memref_squeeze %dma_wait3A_54 : memref<1x128xf32, #tpu.memory_space<hbm>> -> memref<128xf32, #tpu.memory_space<hbm>>
      tpu.wait_dma2 semaphore(%run_scoped3A : memref<!tpu.dma_semaphore, #tpu.memory_space<semaphore_mem>>) src(%dma_wait3A_55 : memref<128xf32, #tpu.memory_space<hbm>>) dst(%arg14 : memref<128xf32, #tpu.memory_space<vmem>>)
      tpu.yield
    }) : () -> ()
    "tpu.region"() ({
      %run_scoped3A = tpu.sem_alloc : memref<!tpu.dma_semaphore, #tpu.memory_space<semaphore_mem>>
      %dma_start3A = tpu.memref_slice %arg4[%select_n3A, %sub3A_21] : memref<4x1024xf32, #tpu.memory_space<hbm>> -> memref<1x128xf32, #tpu.memory_space<hbm>>
      %dma_start3A_50 = tpu.memref_squeeze %dma_start3A : memref<1x128xf32, #tpu.memory_space<hbm>> -> memref<128xf32, #tpu.memory_space<hbm>>
      %dma_start3A_51 = tpu.memref_slice %arg4[%select_n3A, %sub3A_21] : memref<4x1024xf32, #tpu.memory_space<hbm>> -> memref<1x128xf32, #tpu.memory_space<hbm>>
      %dma_start3A_52 = tpu.memref_squeeze %dma_start3A_51 : memref<1x128xf32, #tpu.memory_space<hbm>> -> memref<128xf32, #tpu.memory_space<hbm>>
      tpu.enqueue_dma source(%dma_start3A_52 : memref<128xf32, #tpu.memory_space<hbm>>) target(%arg15 : memref<128xf32, #tpu.memory_space<vmem>>) target_semaphore(%run_scoped3A : memref<!tpu.dma_semaphore, #tpu.memory_space<semaphore_mem>>)
      %dma_wait3A = tpu.memref_slice %arg4[%select_n3A, %sub3A_21] : memref<4x1024xf32, #tpu.memory_space<hbm>> -> memref<1x128xf32, #tpu.memory_space<hbm>>
      %dma_wait3A_53 = tpu.memref_squeeze %dma_wait3A : memref<1x128xf32, #tpu.memory_space<hbm>> -> memref<128xf32, #tpu.memory_space<hbm>>
      %dma_wait3A_54 = tpu.memref_slice %arg4[%select_n3A, %sub3A_21] : memref<4x1024xf32, #tpu.memory_space<hbm>> -> memref<1x128xf32, #tpu.memory_space<hbm>>
      %dma_wait3A_55 = tpu.memref_squeeze %dma_wait3A_54 : memref<1x128xf32, #tpu.memory_space<hbm>> -> memref<128xf32, #tpu.memory_space<hbm>>
      tpu.wait_dma2 semaphore(%run_scoped3A : memref<!tpu.dma_semaphore, #tpu.memory_space<semaphore_mem>>) src(%dma_wait3A_55 : memref<128xf32, #tpu.memory_space<hbm>>) dst(%arg15 : memref<128xf32, #tpu.memory_space<vmem>>)
      tpu.yield
    }) : () -> ()
    %iota3A = tpu.iota {dimensions = array<i32: 0>} : vector<16xi32>
    %broadcast_in_dim3A = arith.constant 0 : i32
    %broadcast_in_dim3A_22 = vector.broadcast %broadcast_in_dim3A : i32 to vector<16xi32>
    %add3A_23 = arith.constant 1 : i32
    %add3A_24 = vector.broadcast %add3A_23 : i32 to vector<16xi32>
    %add3A_25 = arith.addi %broadcast_in_dim3A_22, %add3A_24 : vector<16xi32>
    %add3A_26 = arith.constant 2 : i32
    %add3A_27 = vector.broadcast %add3A_26 : i32 to vector<16xi32>
    %add3A_28 = arith.addi %broadcast_in_dim3A_22, %add3A_27 : vector<16xi32>
    %add3A_29 = arith.constant 3 : i32
    %add3A_30 = vector.broadcast %add3A_29 : i32 to vector<16xi32>
    %add3A_31 = arith.addi %broadcast_in_dim3A_22, %add3A_30 : vector<16xi32>
    %broadcast_in_dim3A_32 = arith.constant 0.000000e+00 : f32
    %broadcast_in_dim3A_33 = vector.broadcast %broadcast_in_dim3A_32 : f32 to vector<16xf32>
    %mul3A_34 = arith.constant 4096 : i32
    %mul3A_35 = arith.muli %select_n3A, %mul3A_34 : i32
    %broadcast_in_dim3A_36 = arith.constant 0 : i32
    %broadcast_in_dim3A_37 = vector.broadcast %broadcast_in_dim3A_36 : i32 to vector<16xi32>
    %scan3A = arith.constant 0 : i32
    %scan3A_38 = arith.constant 0 : i32
    %scan3A_39 = arith.constant 16 : i32
    %scan3A_40 = arith.addi %scan3A_38, %scan3A_39 : i32
    %scan3A_41 = arith.constant 1 : i32
    %scan3A_42 = scf.for %scan3A_50 = %scan3A_38 to %scan3A_40 step %scan3A_41 iter_args(%scan3A_51 = %scan3A) -> (i32)  : i32 {
      %mul3A_52 = arith.constant 8 : i32
      %mul3A_53 = arith.muli %mul3A_52, %scan3A_50 : i32
      %broadcast_in_dim3A_54 = vector.broadcast %mul3A_53 : i32 to vector<16xi32>
      %add3A_55 = arith.constant 0 : i32
      %add3A_56 = vector.broadcast %add3A_55 : i32 to vector<16xi32>
      %add3A_57 = arith.addi %broadcast_in_dim3A_54, %add3A_56 : vector<16xi32>
      %gather3A = tpu.vector_load_idx %arg13[%add3A_57] : memref<128xf32, #tpu.memory_space<vmem>>[vector<16xi32>], vector<16xf32>,
      %add3A_58 = arith.constant 0 : i32
      %add3A_59 = vector.broadcast %add3A_58 : i32 to vector<16xi32>
      %add3A_60 = arith.addi %broadcast_in_dim3A_54, %add3A_59 : vector<16xi32>
      %gather3A_61 = tpu.vector_load_idx %arg14[%add3A_60] : memref<128xf32, #tpu.memory_space<vmem>>[vector<16xi32>], vector<16xf32>,
      %add3A_62 = arith.constant 0 : i32
      %add3A_63 = vector.broadcast %add3A_62 : i32 to vector<16xi32>
      %add3A_64 = arith.addi %broadcast_in_dim3A_54, %add3A_63 : vector<16xi32>
      %gather3A_65 = tpu.vector_load_idx %arg15[%add3A_64] : memref<128xf32, #tpu.memory_space<vmem>>[vector<16xi32>], vector<16xf32>,
      %add3A_66 = arith.constant 1 : i32
      %add3A_67 = vector.broadcast %add3A_66 : i32 to vector<16xi32>
      %add3A_68 = arith.addi %broadcast_in_dim3A_54, %add3A_67 : vector<16xi32>
      %gather3A_69 = tpu.vector_load_idx %arg13[%add3A_68] : memref<128xf32, #tpu.memory_space<vmem>>[vector<16xi32>], vector<16xf32>,
      %add3A_70 = arith.constant 1 : i32
      %add3A_71 = vector.broadcast %add3A_70 : i32 to vector<16xi32>
      %add3A_72 = arith.addi %broadcast_in_dim3A_54, %add3A_71 : vector<16xi32>
      %gather3A_73 = tpu.vector_load_idx %arg14[%add3A_72] : memref<128xf32, #tpu.memory_space<vmem>>[vector<16xi32>], vector<16xf32>,
      %add3A_74 = arith.constant 1 : i32
      %add3A_75 = vector.broadcast %add3A_74 : i32 to vector<16xi32>
      %add3A_76 = arith.addi %broadcast_in_dim3A_54, %add3A_75 : vector<16xi32>
      %gather3A_77 = tpu.vector_load_idx %arg15[%add3A_76] : memref<128xf32, #tpu.memory_space<vmem>>[vector<16xi32>], vector<16xf32>,
      %add3A_78 = arith.constant 2 : i32
      %add3A_79 = vector.broadcast %add3A_78 : i32 to vector<16xi32>
      %add3A_80 = arith.addi %broadcast_in_dim3A_54, %add3A_79 : vector<16xi32>
      %gather3A_81 = tpu.vector_load_idx %arg13[%add3A_80] : memref<128xf32, #tpu.memory_space<vmem>>[vector<16xi32>], vector<16xf32>,
      %add3A_82 = arith.constant 2 : i32
      %add3A_83 = vector.broadcast %add3A_82 : i32 to vector<16xi32>
      %add3A_84 = arith.addi %broadcast_in_dim3A_54, %add3A_83 : vector<16xi32>
      %gather3A_85 = tpu.vector_load_idx %arg14[%add3A_84] : memref<128xf32, #tpu.memory_space<vmem>>[vector<16xi32>], vector<16xf32>,
      %add3A_86 = arith.constant 2 : i32
      %add3A_87 = vector.broadcast %add3A_86 : i32 to vector<16xi32>
      %add3A_88 = arith.addi %broadcast_in_dim3A_54, %add3A_87 : vector<16xi32>
      %gather3A_89 = tpu.vector_load_idx %arg15[%add3A_88] : memref<128xf32, #tpu.memory_space<vmem>>[vector<16xi32>], vector<16xf32>,
      %add3A_90 = arith.constant 3 : i32
      %add3A_91 = vector.broadcast %add3A_90 : i32 to vector<16xi32>
      %add3A_92 = arith.addi %broadcast_in_dim3A_54, %add3A_91 : vector<16xi32>
      %gather3A_93 = tpu.vector_load_idx %arg13[%add3A_92] : memref<128xf32, #tpu.memory_space<vmem>>[vector<16xi32>], vector<16xf32>,
      %add3A_94 = arith.constant 3 : i32
      %add3A_95 = vector.broadcast %add3A_94 : i32 to vector<16xi32>
      %add3A_96 = arith.addi %broadcast_in_dim3A_54, %add3A_95 : vector<16xi32>
      %gather3A_97 = tpu.vector_load_idx %arg14[%add3A_96] : memref<128xf32, #tpu.memory_space<vmem>>[vector<16xi32>], vector<16xf32>,
      %add3A_98 = arith.constant 3 : i32
      %add3A_99 = vector.broadcast %add3A_98 : i32 to vector<16xi32>
      %add3A_100 = arith.addi %broadcast_in_dim3A_54, %add3A_99 : vector<16xi32>
      %gather3A_101 = tpu.vector_load_idx %arg15[%add3A_100] : memref<128xf32, #tpu.memory_space<vmem>>[vector<16xi32>], vector<16xf32>,
      %add3A_102 = arith.constant 4 : i32
      %add3A_103 = vector.broadcast %add3A_102 : i32 to vector<16xi32>
      %add3A_104 = arith.addi %broadcast_in_dim3A_54, %add3A_103 : vector<16xi32>
      %gather3A_105 = tpu.vector_load_idx %arg13[%add3A_104] : memref<128xf32, #tpu.memory_space<vmem>>[vector<16xi32>], vector<16xf32>,
      %add3A_106 = arith.constant 4 : i32
      %add3A_107 = vector.broadcast %add3A_106 : i32 to vector<16xi32>
      %add3A_108 = arith.addi %broadcast_in_dim3A_54, %add3A_107 : vector<16xi32>
      %gather3A_109 = tpu.vector_load_idx %arg14[%add3A_108] : memref<128xf32, #tpu.memory_space<vmem>>[vector<16xi32>], vector<16xf32>,
      %add3A_110 = arith.constant 4 : i32
      %add3A_111 = vector.broadcast %add3A_110 : i32 to vector<16xi32>
      %add3A_112 = arith.addi %broadcast_in_dim3A_54, %add3A_111 : vector<16xi32>
      %gather3A_113 = tpu.vector_load_idx %arg15[%add3A_112] : memref<128xf32, #tpu.memory_space<vmem>>[vector<16xi32>], vector<16xf32>,
      %add3A_114 = arith.constant 5 : i32
      %add3A_115 = vector.broadcast %add3A_114 : i32 to vector<16xi32>
      %add3A_116 = arith.addi %broadcast_in_dim3A_54, %add3A_115 : vector<16xi32>
      %gather3A_117 = tpu.vector_load_idx %arg13[%add3A_116] : memref<128xf32, #tpu.memory_space<vmem>>[vector<16xi32>], vector<16xf32>,
      %add3A_118 = arith.constant 5 : i32
      %add3A_119 = vector.broadcast %add3A_118 : i32 to vector<16xi32>
      %add3A_120 = arith.addi %broadcast_in_dim3A_54, %add3A_119 : vector<16xi32>
      %gather3A_121 = tpu.vector_load_idx %arg14[%add3A_120] : memref<128xf32, #tpu.memory_space<vmem>>[vector<16xi32>], vector<16xf32>,
      %add3A_122 = arith.constant 5 : i32
      %add3A_123 = vector.broadcast %add3A_122 : i32 to vector<16xi32>
      %add3A_124 = arith.addi %broadcast_in_dim3A_54, %add3A_123 : vector<16xi32>
      %gather3A_125 = tpu.vector_load_idx %arg15[%add3A_124] : memref<128xf32, #tpu.memory_space<vmem>>[vector<16xi32>], vector<16xf32>,
      %add3A_126 = arith.constant 6 : i32
      %add3A_127 = vector.broadcast %add3A_126 : i32 to vector<16xi32>
      %add3A_128 = arith.addi %broadcast_in_dim3A_54, %add3A_127 : vector<16xi32>
      %gather3A_129 = tpu.vector_load_idx %arg13[%add3A_128] : memref<128xf32, #tpu.memory_space<vmem>>[vector<16xi32>], vector<16xf32>,
      %add3A_130 = arith.constant 6 : i32
      %add3A_131 = vector.broadcast %add3A_130 : i32 to vector<16xi32>
      %add3A_132 = arith.addi %broadcast_in_dim3A_54, %add3A_131 : vector<16xi32>
      %gather3A_133 = tpu.vector_load_idx %arg14[%add3A_132] : memref<128xf32, #tpu.memory_space<vmem>>[vector<16xi32>], vector<16xf32>,
      %add3A_134 = arith.constant 6 : i32
      %add3A_135 = vector.broadcast %add3A_134 : i32 to vector<16xi32>
      %add3A_136 = arith.addi %broadcast_in_dim3A_54, %add3A_135 : vector<16xi32>
      %gather3A_137 = tpu.vector_load_idx %arg15[%add3A_136] : memref<128xf32, #tpu.memory_space<vmem>>[vector<16xi32>], vector<16xf32>,
      %add3A_138 = arith.constant 7 : i32
      %add3A_139 = vector.broadcast %add3A_138 : i32 to vector<16xi32>
      %add3A_140 = arith.addi %broadcast_in_dim3A_54, %add3A_139 : vector<16xi32>
      %gather3A_141 = tpu.vector_load_idx %arg13[%add3A_140] : memref<128xf32, #tpu.memory_space<vmem>>[vector<16xi32>], vector<16xf32>,
      %add3A_142 = arith.constant 7 : i32
      %add3A_143 = vector.broadcast %add3A_142 : i32 to vector<16xi32>
      %add3A_144 = arith.addi %broadcast_in_dim3A_54, %add3A_143 : vector<16xi32>
      %gather3A_145 = tpu.vector_load_idx %arg14[%add3A_144] : memref<128xf32, #tpu.memory_space<vmem>>[vector<16xi32>], vector<16xf32>,
      %add3A_146 = arith.constant 7 : i32
      %add3A_147 = vector.broadcast %add3A_146 : i32 to vector<16xi32>
      %add3A_148 = arith.addi %broadcast_in_dim3A_54, %add3A_147 : vector<16xi32>
      %gather3A_149 = tpu.vector_load_idx %arg15[%add3A_148] : memref<128xf32, #tpu.memory_space<vmem>>[vector<16xi32>], vector<16xf32>,
      %while3A = arith.constant 0 : i32
      %while3A_150:9 = scf.while (%while3A_987 = %while3A, %while3A_988 = %broadcast_in_dim3A_37, %while3A_989 = %broadcast_in_dim3A_37, %while3A_990 = %broadcast_in_dim3A_37, %while3A_991 = %broadcast_in_dim3A_37, %while3A_992 = %broadcast_in_dim3A_37, %while3A_993 = %broadcast_in_dim3A_37, %while3A_994 = %broadcast_in_dim3A_37, %while3A_995 = %broadcast_in_dim3A_37) : (i32, vector<16xi32>, vector<16xi32>, vector<16xi32>, vector<16xi32>, vector<16xi32>, vector<16xi32>, vector<16xi32>, vector<16xi32>) -> (i32, vector<16xi32>, vector<16xi32>, vector<16xi32>, vector<16xi32>, vector<16xi32>, vector<16xi32>, vector<16xi32>, vector<16xi32>) {
        %min3A_996 = arith.minsi %while3A_988, %while3A_989 : vector<16xi32>
        %min3A_997 = arith.minsi %while3A_990, %while3A_991 : vector<16xi32>
        %min3A_998 = arith.minsi %while3A_992, %while3A_993 : vector<16xi32>
        %min3A_999 = arith.minsi %while3A_994, %while3A_995 : vector<16xi32>
        %min3A_1000 = arith.minsi %min3A_996, %min3A_997 : vector<16xi32>
        %min3A_1001 = arith.minsi %min3A_998, %min3A_999 : vector<16xi32>
        %min3A_1002 = arith.minsi %min3A_1000, %min3A_1001 : vector<16xi32>
        %lt3A_1003 = arith.constant 256 : i32
        %lt3A_1004 = arith.cmpi slt, %while3A_987, %lt3A_1003 : i32
        %reduce_max3A_1005 = arith.constant true
        %reduce_max3A_1006 = vector.broadcast %reduce_max3A_1005 : i1 to vector<16xi1>
        %reduce_max3A_1007 = arith.constant -2147483648 : i32
        %reduce_max3A_1008 = vector.broadcast %reduce_max3A_1007 : i32 to vector<16xi32>
        %reduce_max3A_1009 = arith.xori %min3A_1002, %reduce_max3A_1008 : vector<16xi32>
        %reduce_max3A_1010 = tpu.scan <max>, %reduce_max3A_1009 masked %reduce_max3A_1006 : vector<16xi32>, vector<16xi1> -> vector<16xi32>
        %reduce_max3A_1011 = arith.xori %reduce_max3A_1010, %reduce_max3A_1008 : vector<16xi32>
        %reduce_max3A_1012 = vector.extract %reduce_max3A_1011[15] : i32 from vector<16xi32>
        %lt3A_1013 = arith.constant 32 : i32
        %lt3A_1014 = arith.cmpi slt, %reduce_max3A_1012, %lt3A_1013 : i32
        %and3A_1015 = arith.andi %lt3A_1004, %lt3A_1014 : i1
        scf.condition(%and3A_1015) %while3A_987, %while3A_988, %while3A_989, %while3A_990, %while3A_991, %while3A_992, %while3A_993, %while3A_994, %while3A_995 : i32, vector<16xi32>, vector<16xi32>, vector<16xi32>, vector<16xi32>, vector<16xi32>, vector<16xi32>, vector<16xi32>, vector<16xi32>
      } do {
      ^bb0(%while3A_987: i32, %while3A_988: vector<16xi32>, %while3A_989: vector<16xi32>, %while3A_990: vector<16xi32>, %while3A_991: vector<16xi32>, %while3A_992: vector<16xi32>, %while3A_993: vector<16xi32>, %while3A_994: vector<16xi32>, %while3A_995: vector<16xi32>):
        %add3A_996 = arith.constant 0 : i32
        %add3A_997 = arith.addi %while3A_987, %add3A_996 : i32
        %mul3A_998 = arith.constant 16 : i32
        %mul3A_999 = arith.muli %add3A_997, %mul3A_998 : i32
        %get3A_1000 = arith.index_cast %mul3A_999 : i32 to index
        %get3A_1001 = tpu.vector_load %arg10[%get3A_1000] {strides = array<i32>} : memref<4096xf32, #tpu.memory_space<vmem>>, vector<16xf32>,
        %get3A_1002 = arith.index_cast %mul3A_999 : i32 to index
        %get3A_1003 = tpu.vector_load %arg11[%get3A_1002] {strides = array<i32>} : memref<4096xf32, #tpu.memory_space<vmem>>, vector<16xf32>,
        %get3A_1004 = arith.index_cast %mul3A_999 : i32 to index
        %get3A_1005 = tpu.vector_load %arg12[%get3A_1004] {strides = array<i32>} : memref<4096xf32, #tpu.memory_space<vmem>>, vector<16xf32>,
        %add3A_1006 = vector.broadcast %mul3A_999 : i32 to vector<16xi32>
        %add3A_1007 = arith.addi %add3A_1006, %iota3A : vector<16xi32>
        %sub3A_1008 = arith.subf %get3A_1001, %gather3A : vector<16xf32>
        %sub3A_1009 = arith.subf %get3A_1003, %gather3A_61 : vector<16xf32>
        %sub3A_1010 = arith.subf %get3A_1005, %gather3A_65 : vector<16xf32>
        %mul3A_1011 = arith.mulf %sub3A_1008, %sub3A_1008 : vector<16xf32>
        %mul3A_1012 = arith.mulf %sub3A_1009, %sub3A_1009 : vector<16xf32>
        %add3A_1013 = arith.addf %mul3A_1011, %mul3A_1012 : vector<16xf32>
        %mul3A_1014 = arith.mulf %sub3A_1010, %sub3A_1010 : vector<16xf32>
        %add3A_1015 = arith.addf %add3A_1013, %mul3A_1014 : vector<16xf32>
        %le3A = arith.constant 4.000000e-02 : f32
        %le3A_1016 = vector.broadcast %le3A : f32 to vector<16xf32>
        %le3A_1017 = arith.cmpf ole, %add3A_1015, %le3A_1016 : vector<16xf32>
        %convert_element_type3A = arith.extui %le3A_1017 : vector<16xi1> to vector<16xi32>
        %broadcast_in_dim3A_1018 = arith.constant true
        %broadcast_in_dim3A_1019 = vector.broadcast %broadcast_in_dim3A_1018 : i1 to vector<16xi1>
        %masked_cumsum3A = tpu.scan <sum>, %convert_element_type3A masked %broadcast_in_dim3A_1019 : vector<16xi32>, vector<16xi1> -> vector<16xi32>
        %add3A_1020 = arith.addi %while3A_988, %masked_cumsum3A : vector<16xi32>
        %sub3A_1021 = arith.subi %add3A_1020, %convert_element_type3A : vector<16xi32>
        %lt3A_1022 = arith.constant 64 : i32
        %lt3A_1023 = vector.broadcast %lt3A_1022 : i32 to vector<16xi32>
        %lt3A_1024 = arith.cmpi slt, %sub3A_1021, %lt3A_1023 : vector<16xi32>
        %and3A_1025 = arith.andi %le3A_1017, %lt3A_1024 : vector<16xi1>
        %add3A_1026 = arith.constant 0 : i32
        %add3A_1027 = vector.broadcast %add3A_1026 : i32 to vector<16xi32>
        %add3A_1028 = arith.addi %sub3A_1021, %add3A_1027 : vector<16xi32>
        tpu.vector_store_idx %arg16[%add3A_1028], %add3A_1007 masked %and3A_1025 : memref<512xi32, #tpu.memory_space<vmem>>[vector<16xi32>], vector<16xi32>, vector<16xi1>
        %all_reduce_population_count3A = tpu.all_reduce %le3A_1017 {dim = 0 : i64, kind = #tpu.reduction_kind<sum>} : vector<16xi1> -> vector<16xi32>
        %add3A_1029 = arith.addi %while3A_988, %all_reduce_population_count3A : vector<16xi32>
        %sub3A_1030 = arith.subf %get3A_1001, %gather3A_69 : vector<16xf32>
        %sub3A_1031 = arith.subf %get3A_1003, %gather3A_73 : vector<16xf32>
        %sub3A_1032 = arith.subf %get3A_1005, %gather3A_77 : vector<16xf32>
        %mul3A_1033 = arith.mulf %sub3A_1030, %sub3A_1030 : vector<16xf32>
        %mul3A_1034 = arith.mulf %sub3A_1031, %sub3A_1031 : vector<16xf32>
        %add3A_1035 = arith.addf %mul3A_1033, %mul3A_1034 : vector<16xf32>
        %mul3A_1036 = arith.mulf %sub3A_1032, %sub3A_1032 : vector<16xf32>
        %add3A_1037 = arith.addf %add3A_1035, %mul3A_1036 : vector<16xf32>
        %le3A_1038 = arith.constant 4.000000e-02 : f32
        %le3A_1039 = vector.broadcast %le3A_1038 : f32 to vector<16xf32>
        %le3A_1040 = arith.cmpf ole, %add3A_1037, %le3A_1039 : vector<16xf32>
        %convert_element_type3A_1041 = arith.extui %le3A_1040 : vector<16xi1> to vector<16xi32>
        %broadcast_in_dim3A_1042 = arith.constant true
        %broadcast_in_dim3A_1043 = vector.broadcast %broadcast_in_dim3A_1042 : i1 to vector<16xi1>
        %masked_cumsum3A_1044 = tpu.scan <sum>, %convert_element_type3A_1041 masked %broadcast_in_dim3A_1043 : vector<16xi32>, vector<16xi1> -> vector<16xi32>
        %add3A_1045 = arith.addi %while3A_989, %masked_cumsum3A_1044 : vector<16xi32>
        %sub3A_1046 = arith.subi %add3A_1045, %convert_element_type3A_1041 : vector<16xi32>
        %lt3A_1047 = arith.constant 64 : i32
        %lt3A_1048 = vector.broadcast %lt3A_1047 : i32 to vector<16xi32>
        %lt3A_1049 = arith.cmpi slt, %sub3A_1046, %lt3A_1048 : vector<16xi32>
        %and3A_1050 = arith.andi %le3A_1040, %lt3A_1049 : vector<16xi1>
        %add3A_1051 = arith.constant 64 : i32
        %add3A_1052 = vector.broadcast %add3A_1051 : i32 to vector<16xi32>
        %add3A_1053 = arith.addi %sub3A_1046, %add3A_1052 : vector<16xi32>
        tpu.vector_store_idx %arg16[%add3A_1053], %add3A_1007 masked %and3A_1050 : memref<512xi32, #tpu.memory_space<vmem>>[vector<16xi32>], vector<16xi32>, vector<16xi1>
        %all_reduce_population_count3A_1054 = tpu.all_reduce %le3A_1040 {dim = 0 : i64, kind = #tpu.reduction_kind<sum>} : vector<16xi1> -> vector<16xi32>
        %add3A_1055 = arith.addi %while3A_989, %all_reduce_population_count3A_1054 : vector<16xi32>
        %sub3A_1056 = arith.subf %get3A_1001, %gather3A_81 : vector<16xf32>
        %sub3A_1057 = arith.subf %get3A_1003, %gather3A_85 : vector<16xf32>
        %sub3A_1058 = arith.subf %get3A_1005, %gather3A_89 : vector<16xf32>
        %mul3A_1059 = arith.mulf %sub3A_1056, %sub3A_1056 : vector<16xf32>
        %mul3A_1060 = arith.mulf %sub3A_1057, %sub3A_1057 : vector<16xf32>
        %add3A_1061 = arith.addf %mul3A_1059, %mul3A_1060 : vector<16xf32>
        %mul3A_1062 = arith.mulf %sub3A_1058, %sub3A_1058 : vector<16xf32>
        %add3A_1063 = arith.addf %add3A_1061, %mul3A_1062 : vector<16xf32>
        %le3A_1064 = arith.constant 4.000000e-02 : f32
        %le3A_1065 = vector.broadcast %le3A_1064 : f32 to vector<16xf32>
        %le3A_1066 = arith.cmpf ole, %add3A_1063, %le3A_1065 : vector<16xf32>
        %convert_element_type3A_1067 = arith.extui %le3A_1066 : vector<16xi1> to vector<16xi32>
        %broadcast_in_dim3A_1068 = arith.constant true
        %broadcast_in_dim3A_1069 = vector.broadcast %broadcast_in_dim3A_1068 : i1 to vector<16xi1>
        %masked_cumsum3A_1070 = tpu.scan <sum>, %convert_element_type3A_1067 masked %broadcast_in_dim3A_1069 : vector<16xi32>, vector<16xi1> -> vector<16xi32>
        %add3A_1071 = arith.addi %while3A_990, %masked_cumsum3A_1070 : vector<16xi32>
        %sub3A_1072 = arith.subi %add3A_1071, %convert_element_type3A_1067 : vector<16xi32>
        %lt3A_1073 = arith.constant 64 : i32
        %lt3A_1074 = vector.broadcast %lt3A_1073 : i32 to vector<16xi32>
        %lt3A_1075 = arith.cmpi slt, %sub3A_1072, %lt3A_1074 : vector<16xi32>
        %and3A_1076 = arith.andi %le3A_1066, %lt3A_1075 : vector<16xi1>
        %add3A_1077 = arith.constant 128 : i32
        %add3A_1078 = vector.broadcast %add3A_1077 : i32 to vector<16xi32>
        %add3A_1079 = arith.addi %sub3A_1072, %add3A_1078 : vector<16xi32>
        tpu.vector_store_idx %arg16[%add3A_1079], %add3A_1007 masked %and3A_1076 : memref<512xi32, #tpu.memory_space<vmem>>[vector<16xi32>], vector<16xi32>, vector<16xi1>
        %all_reduce_population_count3A_1080 = tpu.all_reduce %le3A_1066 {dim = 0 : i64, kind = #tpu.reduction_kind<sum>} : vector<16xi1> -> vector<16xi32>
        %add3A_1081 = arith.addi %while3A_990, %all_reduce_population_count3A_1080 : vector<16xi32>
        %sub3A_1082 = arith.subf %get3A_1001, %gather3A_93 : vector<16xf32>
        %sub3A_1083 = arith.subf %get3A_1003, %gather3A_97 : vector<16xf32>
        %sub3A_1084 = arith.subf %get3A_1005, %gather3A_101 : vector<16xf32>
        %mul3A_1085 = arith.mulf %sub3A_1082, %sub3A_1082 : vector<16xf32>
        %mul3A_1086 = arith.mulf %sub3A_1083, %sub3A_1083 : vector<16xf32>
        %add3A_1087 = arith.addf %mul3A_1085, %mul3A_1086 : vector<16xf32>
        %mul3A_1088 = arith.mulf %sub3A_1084, %sub3A_1084 : vector<16xf32>
        %add3A_1089 = arith.addf %add3A_1087, %mul3A_1088 : vector<16xf32>
        %le3A_1090 = arith.constant 4.000000e-02 : f32
        %le3A_1091 = vector.broadcast %le3A_1090 : f32 to vector<16xf32>
        %le3A_1092 = arith.cmpf ole, %add3A_1089, %le3A_1091 : vector<16xf32>
        %convert_element_type3A_1093 = arith.extui %le3A_1092 : vector<16xi1> to vector<16xi32>
        %broadcast_in_dim3A_1094 = arith.constant true
        %broadcast_in_dim3A_1095 = vector.broadcast %broadcast_in_dim3A_1094 : i1 to vector<16xi1>
        %masked_cumsum3A_1096 = tpu.scan <sum>, %convert_element_type3A_1093 masked %broadcast_in_dim3A_1095 : vector<16xi32>, vector<16xi1> -> vector<16xi32>
        %add3A_1097 = arith.addi %while3A_991, %masked_cumsum3A_1096 : vector<16xi32>
        %sub3A_1098 = arith.subi %add3A_1097, %convert_element_type3A_1093 : vector<16xi32>
        %lt3A_1099 = arith.constant 64 : i32
        %lt3A_1100 = vector.broadcast %lt3A_1099 : i32 to vector<16xi32>
        %lt3A_1101 = arith.cmpi slt, %sub3A_1098, %lt3A_1100 : vector<16xi32>
        %and3A_1102 = arith.andi %le3A_1092, %lt3A_1101 : vector<16xi1>
        %add3A_1103 = arith.constant 192 : i32
        %add3A_1104 = vector.broadcast %add3A_1103 : i32 to vector<16xi32>
        %add3A_1105 = arith.addi %sub3A_1098, %add3A_1104 : vector<16xi32>
        tpu.vector_store_idx %arg16[%add3A_1105], %add3A_1007 masked %and3A_1102 : memref<512xi32, #tpu.memory_space<vmem>>[vector<16xi32>], vector<16xi32>, vector<16xi1>
        %all_reduce_population_count3A_1106 = tpu.all_reduce %le3A_1092 {dim = 0 : i64, kind = #tpu.reduction_kind<sum>} : vector<16xi1> -> vector<16xi32>
        %add3A_1107 = arith.addi %while3A_991, %all_reduce_population_count3A_1106 : vector<16xi32>
        %sub3A_1108 = arith.subf %get3A_1001, %gather3A_105 : vector<16xf32>
        %sub3A_1109 = arith.subf %get3A_1003, %gather3A_109 : vector<16xf32>
        %sub3A_1110 = arith.subf %get3A_1005, %gather3A_113 : vector<16xf32>
        %mul3A_1111 = arith.mulf %sub3A_1108, %sub3A_1108 : vector<16xf32>
        %mul3A_1112 = arith.mulf %sub3A_1109, %sub3A_1109 : vector<16xf32>
        %add3A_1113 = arith.addf %mul3A_1111, %mul3A_1112 : vector<16xf32>
        %mul3A_1114 = arith.mulf %sub3A_1110, %sub3A_1110 : vector<16xf32>
        %add3A_1115 = arith.addf %add3A_1113, %mul3A_1114 : vector<16xf32>
        %le3A_1116 = arith.constant 4.000000e-02 : f32
        %le3A_1117 = vector.broadcast %le3A_1116 : f32 to vector<16xf32>
        %le3A_1118 = arith.cmpf ole, %add3A_1115, %le3A_1117 : vector<16xf32>
        %convert_element_type3A_1119 = arith.extui %le3A_1118 : vector<16xi1> to vector<16xi32>
        %broadcast_in_dim3A_1120 = arith.constant true
        %broadcast_in_dim3A_1121 = vector.broadcast %broadcast_in_dim3A_1120 : i1 to vector<16xi1>
        %masked_cumsum3A_1122 = tpu.scan <sum>, %convert_element_type3A_1119 masked %broadcast_in_dim3A_1121 : vector<16xi32>, vector<16xi1> -> vector<16xi32>
        %add3A_1123 = arith.addi %while3A_992, %masked_cumsum3A_1122 : vector<16xi32>
        %sub3A_1124 = arith.subi %add3A_1123, %convert_element_type3A_1119 : vector<16xi32>
        %lt3A_1125 = arith.constant 64 : i32
        %lt3A_1126 = vector.broadcast %lt3A_1125 : i32 to vector<16xi32>
        %lt3A_1127 = arith.cmpi slt, %sub3A_1124, %lt3A_1126 : vector<16xi32>
        %and3A_1128 = arith.andi %le3A_1118, %lt3A_1127 : vector<16xi1>
        %add3A_1129 = arith.constant 256 : i32
        %add3A_1130 = vector.broadcast %add3A_1129 : i32 to vector<16xi32>
        %add3A_1131 = arith.addi %sub3A_1124, %add3A_1130 : vector<16xi32>
        tpu.vector_store_idx %arg16[%add3A_1131], %add3A_1007 masked %and3A_1128 : memref<512xi32, #tpu.memory_space<vmem>>[vector<16xi32>], vector<16xi32>, vector<16xi1>
        %all_reduce_population_count3A_1132 = tpu.all_reduce %le3A_1118 {dim = 0 : i64, kind = #tpu.reduction_kind<sum>} : vector<16xi1> -> vector<16xi32>
        %add3A_1133 = arith.addi %while3A_992, %all_reduce_population_count3A_1132 : vector<16xi32>
        %sub3A_1134 = arith.subf %get3A_1001, %gather3A_117 : vector<16xf32>
        %sub3A_1135 = arith.subf %get3A_1003, %gather3A_121 : vector<16xf32>
        %sub3A_1136 = arith.subf %get3A_1005, %gather3A_125 : vector<16xf32>
        %mul3A_1137 = arith.mulf %sub3A_1134, %sub3A_1134 : vector<16xf32>
        %mul3A_1138 = arith.mulf %sub3A_1135, %sub3A_1135 : vector<16xf32>
        %add3A_1139 = arith.addf %mul3A_1137, %mul3A_1138 : vector<16xf32>
        %mul3A_1140 = arith.mulf %sub3A_1136, %sub3A_1136 : vector<16xf32>
        %add3A_1141 = arith.addf %add3A_1139, %mul3A_1140 : vector<16xf32>
        %le3A_1142 = arith.constant 4.000000e-02 : f32
        %le3A_1143 = vector.broadcast %le3A_1142 : f32 to vector<16xf32>
        %le3A_1144 = arith.cmpf ole, %add3A_1141, %le3A_1143 : vector<16xf32>
        %convert_element_type3A_1145 = arith.extui %le3A_1144 : vector<16xi1> to vector<16xi32>
        %broadcast_in_dim3A_1146 = arith.constant true
        %broadcast_in_dim3A_1147 = vector.broadcast %broadcast_in_dim3A_1146 : i1 to vector<16xi1>
        %masked_cumsum3A_1148 = tpu.scan <sum>, %convert_element_type3A_1145 masked %broadcast_in_dim3A_1147 : vector<16xi32>, vector<16xi1> -> vector<16xi32>
        %add3A_1149 = arith.addi %while3A_993, %masked_cumsum3A_1148 : vector<16xi32>
        %sub3A_1150 = arith.subi %add3A_1149, %convert_element_type3A_1145 : vector<16xi32>
        %lt3A_1151 = arith.constant 64 : i32
        %lt3A_1152 = vector.broadcast %lt3A_1151 : i32 to vector<16xi32>
        %lt3A_1153 = arith.cmpi slt, %sub3A_1150, %lt3A_1152 : vector<16xi32>
        %and3A_1154 = arith.andi %le3A_1144, %lt3A_1153 : vector<16xi1>
        %add3A_1155 = arith.constant 320 : i32
        %add3A_1156 = vector.broadcast %add3A_1155 : i32 to vector<16xi32>
        %add3A_1157 = arith.addi %sub3A_1150, %add3A_1156 : vector<16xi32>
        tpu.vector_store_idx %arg16[%add3A_1157], %add3A_1007 masked %and3A_1154 : memref<512xi32, #tpu.memory_space<vmem>>[vector<16xi32>], vector<16xi32>, vector<16xi1>
        %all_reduce_population_count3A_1158 = tpu.all_reduce %le3A_1144 {dim = 0 : i64, kind = #tpu.reduction_kind<sum>} : vector<16xi1> -> vector<16xi32>
        %add3A_1159 = arith.addi %while3A_993, %all_reduce_population_count3A_1158 : vector<16xi32>
        %sub3A_1160 = arith.subf %get3A_1001, %gather3A_129 : vector<16xf32>
        %sub3A_1161 = arith.subf %get3A_1003, %gather3A_133 : vector<16xf32>
        %sub3A_1162 = arith.subf %get3A_1005, %gather3A_137 : vector<16xf32>
        %mul3A_1163 = arith.mulf %sub3A_1160, %sub3A_1160 : vector<16xf32>
        %mul3A_1164 = arith.mulf %sub3A_1161, %sub3A_1161 : vector<16xf32>
        %add3A_1165 = arith.addf %mul3A_1163, %mul3A_1164 : vector<16xf32>
        %mul3A_1166 = arith.mulf %sub3A_1162, %sub3A_1162 : vector<16xf32>
        %add3A_1167 = arith.addf %add3A_1165, %mul3A_1166 : vector<16xf32>
        %le3A_1168 = arith.constant 4.000000e-02 : f32
        %le3A_1169 = vector.broadcast %le3A_1168 : f32 to vector<16xf32>
        %le3A_1170 = arith.cmpf ole, %add3A_1167, %le3A_1169 : vector<16xf32>
        %convert_element_type3A_1171 = arith.extui %le3A_1170 : vector<16xi1> to vector<16xi32>
        %broadcast_in_dim3A_1172 = arith.constant true
        %broadcast_in_dim3A_1173 = vector.broadcast %broadcast_in_dim3A_1172 : i1 to vector<16xi1>
        %masked_cumsum3A_1174 = tpu.scan <sum>, %convert_element_type3A_1171 masked %broadcast_in_dim3A_1173 : vector<16xi32>, vector<16xi1> -> vector<16xi32>
        %add3A_1175 = arith.addi %while3A_994, %masked_cumsum3A_1174 : vector<16xi32>
        %sub3A_1176 = arith.subi %add3A_1175, %convert_element_type3A_1171 : vector<16xi32>
        %lt3A_1177 = arith.constant 64 : i32
        %lt3A_1178 = vector.broadcast %lt3A_1177 : i32 to vector<16xi32>
        %lt3A_1179 = arith.cmpi slt, %sub3A_1176, %lt3A_1178 : vector<16xi32>
        %and3A_1180 = arith.andi %le3A_1170, %lt3A_1179 : vector<16xi1>
        %add3A_1181 = arith.constant 384 : i32
        %add3A_1182 = vector.broadcast %add3A_1181 : i32 to vector<16xi32>
        %add3A_1183 = arith.addi %sub3A_1176, %add3A_1182 : vector<16xi32>
        tpu.vector_store_idx %arg16[%add3A_1183], %add3A_1007 masked %and3A_1180 : memref<512xi32, #tpu.memory_space<vmem>>[vector<16xi32>], vector<16xi32>, vector<16xi1>
        %all_reduce_population_count3A_1184 = tpu.all_reduce %le3A_1170 {dim = 0 : i64, kind = #tpu.reduction_kind<sum>} : vector<16xi1> -> vector<16xi32>
        %add3A_1185 = arith.addi %while3A_994, %all_reduce_population_count3A_1184 : vector<16xi32>
        %sub3A_1186 = arith.subf %get3A_1001, %gather3A_141 : vector<16xf32>
        %sub3A_1187 = arith.subf %get3A_1003, %gather3A_145 : vector<16xf32>
        %sub3A_1188 = arith.subf %get3A_1005, %gather3A_149 : vector<16xf32>
        %mul3A_1189 = arith.mulf %sub3A_1186, %sub3A_1186 : vector<16xf32>
        %mul3A_1190 = arith.mulf %sub3A_1187, %sub3A_1187 : vector<16xf32>
        %add3A_1191 = arith.addf %mul3A_1189, %mul3A_1190 : vector<16xf32>
        %mul3A_1192 = arith.mulf %sub3A_1188, %sub3A_1188 : vector<16xf32>
        %add3A_1193 = arith.addf %add3A_1191, %mul3A_1192 : vector<16xf32>
        %le3A_1194 = arith.constant 4.000000e-02 : f32
        %le3A_1195 = vector.broadcast %le3A_1194 : f32 to vector<16xf32>
        %le3A_1196 = arith.cmpf ole, %add3A_1193, %le3A_1195 : vector<16xf32>
        %convert_element_type3A_1197 = arith.extui %le3A_1196 : vector<16xi1> to vector<16xi32>
        %broadcast_in_dim3A_1198 = arith.constant true
        %broadcast_in_dim3A_1199 = vector.broadcast %broadcast_in_dim3A_1198 : i1 to vector<16xi1>
        %masked_cumsum3A_1200 = tpu.scan <sum>, %convert_element_type3A_1197 masked %broadcast_in_dim3A_1199 : vector<16xi32>, vector<16xi1> -> vector<16xi32>
        %add3A_1201 = arith.addi %while3A_995, %masked_cumsum3A_1200 : vector<16xi32>
        %sub3A_1202 = arith.subi %add3A_1201, %convert_element_type3A_1197 : vector<16xi32>
        %lt3A_1203 = arith.constant 64 : i32
        %lt3A_1204 = vector.broadcast %lt3A_1203 : i32 to vector<16xi32>
        %lt3A_1205 = arith.cmpi slt, %sub3A_1202, %lt3A_1204 : vector<16xi32>
        %and3A_1206 = arith.andi %le3A_1196, %lt3A_1205 : vector<16xi1>
        %add3A_1207 = arith.constant 448 : i32
        %add3A_1208 = vector.broadcast %add3A_1207 : i32 to vector<16xi32>
        %add3A_1209 = arith.addi %sub3A_1202, %add3A_1208 : vector<16xi32>
        tpu.vector_store_idx %arg16[%add3A_1209], %add3A_1007 masked %and3A_1206 : memref<512xi32, #tpu.memory_space<vmem>>[vector<16xi32>], vector<16xi32>, vector<16xi1>
        %all_reduce_population_count3A_1210 = tpu.all_reduce %le3A_1196 {dim = 0 : i64, kind = #tpu.reduction_kind<sum>} : vector<16xi1> -> vector<16xi32>
        %add3A_1211 = arith.addi %while3A_995, %all_reduce_population_count3A_1210 : vector<16xi32>
        %add3A_1212 = arith.constant 1 : i32
        %add3A_1213 = arith.addi %while3A_987, %add3A_1212 : i32
        %mul3A_1214 = arith.constant 16 : i32
        %mul3A_1215 = arith.muli %add3A_1213, %mul3A_1214 : i32
        %get3A_1216 = arith.index_cast %mul3A_1215 : i32 to index
        %get3A_1217 = tpu.vector_load %arg10[%get3A_1216] {strides = array<i32>} : memref<4096xf32, #tpu.memory_space<vmem>>, vector<16xf32>,
        %get3A_1218 = arith.index_cast %mul3A_1215 : i32 to index
        %get3A_1219 = tpu.vector_load %arg11[%get3A_1218] {strides = array<i32>} : memref<4096xf32, #tpu.memory_space<vmem>>, vector<16xf32>,
        %get3A_1220 = arith.index_cast %mul3A_1215 : i32 to index
        %get3A_1221 = tpu.vector_load %arg12[%get3A_1220] {strides = array<i32>} : memref<4096xf32, #tpu.memory_space<vmem>>, vector<16xf32>,
        %add3A_1222 = vector.broadcast %mul3A_1215 : i32 to vector<16xi32>
        %add3A_1223 = arith.addi %add3A_1222, %iota3A : vector<16xi32>
        %sub3A_1224 = arith.subf %get3A_1217, %gather3A : vector<16xf32>
        %sub3A_1225 = arith.subf %get3A_1219, %gather3A_61 : vector<16xf32>
        %sub3A_1226 = arith.subf %get3A_1221, %gather3A_65 : vector<16xf32>
        %mul3A_1227 = arith.mulf %sub3A_1224, %sub3A_1224 : vector<16xf32>
        %mul3A_1228 = arith.mulf %sub3A_1225, %sub3A_1225 : vector<16xf32>
        %add3A_1229 = arith.addf %mul3A_1227, %mul3A_1228 : vector<16xf32>
        %mul3A_1230 = arith.mulf %sub3A_1226, %sub3A_1226 : vector<16xf32>
        %add3A_1231 = arith.addf %add3A_1229, %mul3A_1230 : vector<16xf32>
        %le3A_1232 = arith.constant 4.000000e-02 : f32
        %le3A_1233 = vector.broadcast %le3A_1232 : f32 to vector<16xf32>
        %le3A_1234 = arith.cmpf ole, %add3A_1231, %le3A_1233 : vector<16xf32>
        %convert_element_type3A_1235 = arith.extui %le3A_1234 : vector<16xi1> to vector<16xi32>
        %broadcast_in_dim3A_1236 = arith.constant true
        %broadcast_in_dim3A_1237 = vector.broadcast %broadcast_in_dim3A_1236 : i1 to vector<16xi1>
        %masked_cumsum3A_1238 = tpu.scan <sum>, %convert_element_type3A_1235 masked %broadcast_in_dim3A_1237 : vector<16xi32>, vector<16xi1> -> vector<16xi32>
        %add3A_1239 = arith.addi %add3A_1029, %masked_cumsum3A_1238 : vector<16xi32>
        %sub3A_1240 = arith.subi %add3A_1239, %convert_element_type3A_1235 : vector<16xi32>
        %lt3A_1241 = arith.constant 64 : i32
        %lt3A_1242 = vector.broadcast %lt3A_1241 : i32 to vector<16xi32>
        %lt3A_1243 = arith.cmpi slt, %sub3A_1240, %lt3A_1242 : vector<16xi32>
        %and3A_1244 = arith.andi %le3A_1234, %lt3A_1243 : vector<16xi1>
        %add3A_1245 = arith.constant 0 : i32
        %add3A_1246 = vector.broadcast %add3A_1245 : i32 to vector<16xi32>
        %add3A_1247 = arith.addi %sub3A_1240, %add3A_1246 : vector<16xi32>
        tpu.vector_store_idx %arg16[%add3A_1247], %add3A_1223 masked %and3A_1244 : memref<512xi32, #tpu.memory_space<vmem>>[vector<16xi32>], vector<16xi32>, vector<16xi1>
        %all_reduce_population_count3A_1248 = tpu.all_reduce %le3A_1234 {dim = 0 : i64, kind = #tpu.reduction_kind<sum>} : vector<16xi1> -> vector<16xi32>
        %add3A_1249 = arith.addi %add3A_1029, %all_reduce_population_count3A_1248 : vector<16xi32>
        %sub3A_1250 = arith.subf %get3A_1217, %gather3A_69 : vector<16xf32>
        %sub3A_1251 = arith.subf %get3A_1219, %gather3A_73 : vector<16xf32>
        %sub3A_1252 = arith.subf %get3A_1221, %gather3A_77 : vector<16xf32>
        %mul3A_1253 = arith.mulf %sub3A_1250, %sub3A_1250 : vector<16xf32>
        %mul3A_1254 = arith.mulf %sub3A_1251, %sub3A_1251 : vector<16xf32>
        %add3A_1255 = arith.addf %mul3A_1253, %mul3A_1254 : vector<16xf32>
        %mul3A_1256 = arith.mulf %sub3A_1252, %sub3A_1252 : vector<16xf32>
        %add3A_1257 = arith.addf %add3A_1255, %mul3A_1256 : vector<16xf32>
        %le3A_1258 = arith.constant 4.000000e-02 : f32
        %le3A_1259 = vector.broadcast %le3A_1258 : f32 to vector<16xf32>
        %le3A_1260 = arith.cmpf ole, %add3A_1257, %le3A_1259 : vector<16xf32>
        %convert_element_type3A_1261 = arith.extui %le3A_1260 : vector<16xi1> to vector<16xi32>
        %broadcast_in_dim3A_1262 = arith.constant true
        %broadcast_in_dim3A_1263 = vector.broadcast %broadcast_in_dim3A_1262 : i1 to vector<16xi1>
        %masked_cumsum3A_1264 = tpu.scan <sum>, %convert_element_type3A_1261 masked %broadcast_in_dim3A_1263 : vector<16xi32>, vector<16xi1> -> vector<16xi32>
        %add3A_1265 = arith.addi %add3A_1055, %masked_cumsum3A_1264 : vector<16xi32>
        %sub3A_1266 = arith.subi %add3A_1265, %convert_element_type3A_1261 : vector<16xi32>
        %lt3A_1267 = arith.constant 64 : i32
        %lt3A_1268 = vector.broadcast %lt3A_1267 : i32 to vector<16xi32>
        %lt3A_1269 = arith.cmpi slt, %sub3A_1266, %lt3A_1268 : vector<16xi32>
        %and3A_1270 = arith.andi %le3A_1260, %lt3A_1269 : vector<16xi1>
        %add3A_1271 = arith.constant 64 : i32
        %add3A_1272 = vector.broadcast %add3A_1271 : i32 to vector<16xi32>
        %add3A_1273 = arith.addi %sub3A_1266, %add3A_1272 : vector<16xi32>
        tpu.vector_store_idx %arg16[%add3A_1273], %add3A_1223 masked %and3A_1270 : memref<512xi32, #tpu.memory_space<vmem>>[vector<16xi32>], vector<16xi32>, vector<16xi1>
        %all_reduce_population_count3A_1274 = tpu.all_reduce %le3A_1260 {dim = 0 : i64, kind = #tpu.reduction_kind<sum>} : vector<16xi1> -> vector<16xi32>
        %add3A_1275 = arith.addi %add3A_1055, %all_reduce_population_count3A_1274 : vector<16xi32>
        %sub3A_1276 = arith.subf %get3A_1217, %gather3A_81 : vector<16xf32>
        %sub3A_1277 = arith.subf %get3A_1219, %gather3A_85 : vector<16xf32>
        %sub3A_1278 = arith.subf %get3A_1221, %gather3A_89 : vector<16xf32>
        %mul3A_1279 = arith.mulf %sub3A_1276, %sub3A_1276 : vector<16xf32>
        %mul3A_1280 = arith.mulf %sub3A_1277, %sub3A_1277 : vector<16xf32>
        %add3A_1281 = arith.addf %mul3A_1279, %mul3A_1280 : vector<16xf32>
        %mul3A_1282 = arith.mulf %sub3A_1278, %sub3A_1278 : vector<16xf32>
        %add3A_1283 = arith.addf %add3A_1281, %mul3A_1282 : vector<16xf32>
        %le3A_1284 = arith.constant 4.000000e-02 : f32
        %le3A_1285 = vector.broadcast %le3A_1284 : f32 to vector<16xf32>
        %le3A_1286 = arith.cmpf ole, %add3A_1283, %le3A_1285 : vector<16xf32>
        %convert_element_type3A_1287 = arith.extui %le3A_1286 : vector<16xi1> to vector<16xi32>
        %broadcast_in_dim3A_1288 = arith.constant true
        %broadcast_in_dim3A_1289 = vector.broadcast %broadcast_in_dim3A_1288 : i1 to vector<16xi1>
        %masked_cumsum3A_1290 = tpu.scan <sum>, %convert_element_type3A_1287 masked %broadcast_in_dim3A_1289 : vector<16xi32>, vector<16xi1> -> vector<16xi32>
        %add3A_1291 = arith.addi %add3A_1081, %masked_cumsum3A_1290 : vector<16xi32>
        %sub3A_1292 = arith.subi %add3A_1291, %convert_element_type3A_1287 : vector<16xi32>
        %lt3A_1293 = arith.constant 64 : i32
        %lt3A_1294 = vector.broadcast %lt3A_1293 : i32 to vector<16xi32>
        %lt3A_1295 = arith.cmpi slt, %sub3A_1292, %lt3A_1294 : vector<16xi32>
        %and3A_1296 = arith.andi %le3A_1286, %lt3A_1295 : vector<16xi1>
        %add3A_1297 = arith.constant 128 : i32
        %add3A_1298 = vector.broadcast %add3A_1297 : i32 to vector<16xi32>
        %add3A_1299 = arith.addi %sub3A_1292, %add3A_1298 : vector<16xi32>
        tpu.vector_store_idx %arg16[%add3A_1299], %add3A_1223 masked %and3A_1296 : memref<512xi32, #tpu.memory_space<vmem>>[vector<16xi32>], vector<16xi32>, vector<16xi1>
        %all_reduce_population_count3A_1300 = tpu.all_reduce %le3A_1286 {dim = 0 : i64, kind = #tpu.reduction_kind<sum>} : vector<16xi1> -> vector<16xi32>
        %add3A_1301 = arith.addi %add3A_1081, %all_reduce_population_count3A_1300 : vector<16xi32>
        %sub3A_1302 = arith.subf %get3A_1217, %gather3A_93 : vector<16xf32>
        %sub3A_1303 = arith.subf %get3A_1219, %gather3A_97 : vector<16xf32>
        %sub3A_1304 = arith.subf %get3A_1221, %gather3A_101 : vector<16xf32>
        %mul3A_1305 = arith.mulf %sub3A_1302, %sub3A_1302 : vector<16xf32>
        %mul3A_1306 = arith.mulf %sub3A_1303, %sub3A_1303 : vector<16xf32>
        %add3A_1307 = arith.addf %mul3A_1305, %mul3A_1306 : vector<16xf32>
        %mul3A_1308 = arith.mulf %sub3A_1304, %sub3A_1304 : vector<16xf32>
        %add3A_1309 = arith.addf %add3A_1307, %mul3A_1308 : vector<16xf32>
        %le3A_1310 = arith.constant 4.000000e-02 : f32
        %le3A_1311 = vector.broadcast %le3A_1310 : f32 to vector<16xf32>
        %le3A_1312 = arith.cmpf ole, %add3A_1309, %le3A_1311 : vector<16xf32>
        %convert_element_type3A_1313 = arith.extui %le3A_1312 : vector<16xi1> to vector<16xi32>
        %broadcast_in_dim3A_1314 = arith.constant true
        %broadcast_in_dim3A_1315 = vector.broadcast %broadcast_in_dim3A_1314 : i1 to vector<16xi1>
        %masked_cumsum3A_1316 = tpu.scan <sum>, %convert_element_type3A_1313 masked %broadcast_in_dim3A_1315 : vector<16xi32>, vector<16xi1> -> vector<16xi32>
        %add3A_1317 = arith.addi %add3A_1107, %masked_cumsum3A_1316 : vector<16xi32>
        %sub3A_1318 = arith.subi %add3A_1317, %convert_element_type3A_1313 : vector<16xi32>
        %lt3A_1319 = arith.constant 64 : i32
        %lt3A_1320 = vector.broadcast %lt3A_1319 : i32 to vector<16xi32>
        %lt3A_1321 = arith.cmpi slt, %sub3A_1318, %lt3A_1320 : vector<16xi32>
        %and3A_1322 = arith.andi %le3A_1312, %lt3A_1321 : vector<16xi1>
        %add3A_1323 = arith.constant 192 : i32
        %add3A_1324 = vector.broadcast %add3A_1323 : i32 to vector<16xi32>
        %add3A_1325 = arith.addi %sub3A_1318, %add3A_1324 : vector<16xi32>
        tpu.vector_store_idx %arg16[%add3A_1325], %add3A_1223 masked %and3A_1322 : memref<512xi32, #tpu.memory_space<vmem>>[vector<16xi32>], vector<16xi32>, vector<16xi1>
        %all_reduce_population_count3A_1326 = tpu.all_reduce %le3A_1312 {dim = 0 : i64, kind = #tpu.reduction_kind<sum>} : vector<16xi1> -> vector<16xi32>
        %add3A_1327 = arith.addi %add3A_1107, %all_reduce_population_count3A_1326 : vector<16xi32>
        %sub3A_1328 = arith.subf %get3A_1217, %gather3A_105 : vector<16xf32>
        %sub3A_1329 = arith.subf %get3A_1219, %gather3A_109 : vector<16xf32>
        %sub3A_1330 = arith.subf %get3A_1221, %gather3A_113 : vector<16xf32>
        %mul3A_1331 = arith.mulf %sub3A_1328, %sub3A_1328 : vector<16xf32>
        %mul3A_1332 = arith.mulf %sub3A_1329, %sub3A_1329 : vector<16xf32>
        %add3A_1333 = arith.addf %mul3A_1331, %mul3A_1332 : vector<16xf32>
        %mul3A_1334 = arith.mulf %sub3A_1330, %sub3A_1330 : vector<16xf32>
        %add3A_1335 = arith.addf %add3A_1333, %mul3A_1334 : vector<16xf32>
        %le3A_1336 = arith.constant 4.000000e-02 : f32
        %le3A_1337 = vector.broadcast %le3A_1336 : f32 to vector<16xf32>
        %le3A_1338 = arith.cmpf ole, %add3A_1335, %le3A_1337 : vector<16xf32>
        %convert_element_type3A_1339 = arith.extui %le3A_1338 : vector<16xi1> to vector<16xi32>
        %broadcast_in_dim3A_1340 = arith.constant true
        %broadcast_in_dim3A_1341 = vector.broadcast %broadcast_in_dim3A_1340 : i1 to vector<16xi1>
        %masked_cumsum3A_1342 = tpu.scan <sum>, %convert_element_type3A_1339 masked %broadcast_in_dim3A_1341 : vector<16xi32>, vector<16xi1> -> vector<16xi32>
        %add3A_1343 = arith.addi %add3A_1133, %masked_cumsum3A_1342 : vector<16xi32>
        %sub3A_1344 = arith.subi %add3A_1343, %convert_element_type3A_1339 : vector<16xi32>
        %lt3A_1345 = arith.constant 64 : i32
        %lt3A_1346 = vector.broadcast %lt3A_1345 : i32 to vector<16xi32>
        %lt3A_1347 = arith.cmpi slt, %sub3A_1344, %lt3A_1346 : vector<16xi32>
        %and3A_1348 = arith.andi %le3A_1338, %lt3A_1347 : vector<16xi1>
        %add3A_1349 = arith.constant 256 : i32
        %add3A_1350 = vector.broadcast %add3A_1349 : i32 to vector<16xi32>
        %add3A_1351 = arith.addi %sub3A_1344, %add3A_1350 : vector<16xi32>
        tpu.vector_store_idx %arg16[%add3A_1351], %add3A_1223 masked %and3A_1348 : memref<512xi32, #tpu.memory_space<vmem>>[vector<16xi32>], vector<16xi32>, vector<16xi1>
        %all_reduce_population_count3A_1352 = tpu.all_reduce %le3A_1338 {dim = 0 : i64, kind = #tpu.reduction_kind<sum>} : vector<16xi1> -> vector<16xi32>
        %add3A_1353 = arith.addi %add3A_1133, %all_reduce_population_count3A_1352 : vector<16xi32>
        %sub3A_1354 = arith.subf %get3A_1217, %gather3A_117 : vector<16xf32>
        %sub3A_1355 = arith.subf %get3A_1219, %gather3A_121 : vector<16xf32>
        %sub3A_1356 = arith.subf %get3A_1221, %gather3A_125 : vector<16xf32>
        %mul3A_1357 = arith.mulf %sub3A_1354, %sub3A_1354 : vector<16xf32>
        %mul3A_1358 = arith.mulf %sub3A_1355, %sub3A_1355 : vector<16xf32>
        %add3A_1359 = arith.addf %mul3A_1357, %mul3A_1358 : vector<16xf32>
        %mul3A_1360 = arith.mulf %sub3A_1356, %sub3A_1356 : vector<16xf32>
        %add3A_1361 = arith.addf %add3A_1359, %mul3A_1360 : vector<16xf32>
        %le3A_1362 = arith.constant 4.000000e-02 : f32
        %le3A_1363 = vector.broadcast %le3A_1362 : f32 to vector<16xf32>
        %le3A_1364 = arith.cmpf ole, %add3A_1361, %le3A_1363 : vector<16xf32>
        %convert_element_type3A_1365 = arith.extui %le3A_1364 : vector<16xi1> to vector<16xi32>
        %broadcast_in_dim3A_1366 = arith.constant true
        %broadcast_in_dim3A_1367 = vector.broadcast %broadcast_in_dim3A_1366 : i1 to vector<16xi1>
        %masked_cumsum3A_1368 = tpu.scan <sum>, %convert_element_type3A_1365 masked %broadcast_in_dim3A_1367 : vector<16xi32>, vector<16xi1> -> vector<16xi32>
        %add3A_1369 = arith.addi %add3A_1159, %masked_cumsum3A_1368 : vector<16xi32>
        %sub3A_1370 = arith.subi %add3A_1369, %convert_element_type3A_1365 : vector<16xi32>
        %lt3A_1371 = arith.constant 64 : i32
        %lt3A_1372 = vector.broadcast %lt3A_1371 : i32 to vector<16xi32>
        %lt3A_1373 = arith.cmpi slt, %sub3A_1370, %lt3A_1372 : vector<16xi32>
        %and3A_1374 = arith.andi %le3A_1364, %lt3A_1373 : vector<16xi1>
        %add3A_1375 = arith.constant 320 : i32
        %add3A_1376 = vector.broadcast %add3A_1375 : i32 to vector<16xi32>
        %add3A_1377 = arith.addi %sub3A_1370, %add3A_1376 : vector<16xi32>
        tpu.vector_store_idx %arg16[%add3A_1377], %add3A_1223 masked %and3A_1374 : memref<512xi32, #tpu.memory_space<vmem>>[vector<16xi32>], vector<16xi32>, vector<16xi1>
        %all_reduce_population_count3A_1378 = tpu.all_reduce %le3A_1364 {dim = 0 : i64, kind = #tpu.reduction_kind<sum>} : vector<16xi1> -> vector<16xi32>
        %add3A_1379 = arith.addi %add3A_1159, %all_reduce_population_count3A_1378 : vector<16xi32>
        %sub3A_1380 = arith.subf %get3A_1217, %gather3A_129 : vector<16xf32>
        %sub3A_1381 = arith.subf %get3A_1219, %gather3A_133 : vector<16xf32>
        %sub3A_1382 = arith.subf %get3A_1221, %gather3A_137 : vector<16xf32>
        %mul3A_1383 = arith.mulf %sub3A_1380, %sub3A_1380 : vector<16xf32>
        %mul3A_1384 = arith.mulf %sub3A_1381, %sub3A_1381 : vector<16xf32>
        %add3A_1385 = arith.addf %mul3A_1383, %mul3A_1384 : vector<16xf32>
        %mul3A_1386 = arith.mulf %sub3A_1382, %sub3A_1382 : vector<16xf32>
        %add3A_1387 = arith.addf %add3A_1385, %mul3A_1386 : vector<16xf32>
        %le3A_1388 = arith.constant 4.000000e-02 : f32
        %le3A_1389 = vector.broadcast %le3A_1388 : f32 to vector<16xf32>
        %le3A_1390 = arith.cmpf ole, %add3A_1387, %le3A_1389 : vector<16xf32>
        %convert_element_type3A_1391 = arith.extui %le3A_1390 : vector<16xi1> to vector<16xi32>
        %broadcast_in_dim3A_1392 = arith.constant true
        %broadcast_in_dim3A_1393 = vector.broadcast %broadcast_in_dim3A_1392 : i1 to vector<16xi1>
        %masked_cumsum3A_1394 = tpu.scan <sum>, %convert_element_type3A_1391 masked %broadcast_in_dim3A_1393 : vector<16xi32>, vector<16xi1> -> vector<16xi32>
        %add3A_1395 = arith.addi %add3A_1185, %masked_cumsum3A_1394 : vector<16xi32>
        %sub3A_1396 = arith.subi %add3A_1395, %convert_element_type3A_1391 : vector<16xi32>
        %lt3A_1397 = arith.constant 64 : i32
        %lt3A_1398 = vector.broadcast %lt3A_1397 : i32 to vector<16xi32>
        %lt3A_1399 = arith.cmpi slt, %sub3A_1396, %lt3A_1398 : vector<16xi32>
        %and3A_1400 = arith.andi %le3A_1390, %lt3A_1399 : vector<16xi1>
        %add3A_1401 = arith.constant 384 : i32
        %add3A_1402 = vector.broadcast %add3A_1401 : i32 to vector<16xi32>
        %add3A_1403 = arith.addi %sub3A_1396, %add3A_1402 : vector<16xi32>
        tpu.vector_store_idx %arg16[%add3A_1403], %add3A_1223 masked %and3A_1400 : memref<512xi32, #tpu.memory_space<vmem>>[vector<16xi32>], vector<16xi32>, vector<16xi1>
        %all_reduce_population_count3A_1404 = tpu.all_reduce %le3A_1390 {dim = 0 : i64, kind = #tpu.reduction_kind<sum>} : vector<16xi1> -> vector<16xi32>
        %add3A_1405 = arith.addi %add3A_1185, %all_reduce_population_count3A_1404 : vector<16xi32>
        %sub3A_1406 = arith.subf %get3A_1217, %gather3A_141 : vector<16xf32>
        %sub3A_1407 = arith.subf %get3A_1219, %gather3A_145 : vector<16xf32>
        %sub3A_1408 = arith.subf %get3A_1221, %gather3A_149 : vector<16xf32>
        %mul3A_1409 = arith.mulf %sub3A_1406, %sub3A_1406 : vector<16xf32>
        %mul3A_1410 = arith.mulf %sub3A_1407, %sub3A_1407 : vector<16xf32>
        %add3A_1411 = arith.addf %mul3A_1409, %mul3A_1410 : vector<16xf32>
        %mul3A_1412 = arith.mulf %sub3A_1408, %sub3A_1408 : vector<16xf32>
        %add3A_1413 = arith.addf %add3A_1411, %mul3A_1412 : vector<16xf32>
        %le3A_1414 = arith.constant 4.000000e-02 : f32
        %le3A_1415 = vector.broadcast %le3A_1414 : f32 to vector<16xf32>
        %le3A_1416 = arith.cmpf ole, %add3A_1413, %le3A_1415 : vector<16xf32>
        %convert_element_type3A_1417 = arith.extui %le3A_1416 : vector<16xi1> to vector<16xi32>
        %broadcast_in_dim3A_1418 = arith.constant true
        %broadcast_in_dim3A_1419 = vector.broadcast %broadcast_in_dim3A_1418 : i1 to vector<16xi1>
        %masked_cumsum3A_1420 = tpu.scan <sum>, %convert_element_type3A_1417 masked %broadcast_in_dim3A_1419 : vector<16xi32>, vector<16xi1> -> vector<16xi32>
        %add3A_1421 = arith.addi %add3A_1211, %masked_cumsum3A_1420 : vector<16xi32>
        %sub3A_1422 = arith.subi %add3A_1421, %convert_element_type3A_1417 : vector<16xi32>
        %lt3A_1423 = arith.constant 64 : i32
        %lt3A_1424 = vector.broadcast %lt3A_1423 : i32 to vector<16xi32>
        %lt3A_1425 = arith.cmpi slt, %sub3A_1422, %lt3A_1424 : vector<16xi32>
        %and3A_1426 = arith.andi %le3A_1416, %lt3A_1425 : vector<16xi1>
        %add3A_1427 = arith.constant 448 : i32
        %add3A_1428 = vector.broadcast %add3A_1427 : i32 to vector<16xi32>
        %add3A_1429 = arith.addi %sub3A_1422, %add3A_1428 : vector<16xi32>
        tpu.vector_store_idx %arg16[%add3A_1429], %add3A_1223 masked %and3A_1426 : memref<512xi32, #tpu.memory_space<vmem>>[vector<16xi32>], vector<16xi32>, vector<16xi1>
        %all_reduce_population_count3A_1430 = tpu.all_reduce %le3A_1416 {dim = 0 : i64, kind = #tpu.reduction_kind<sum>} : vector<16xi1> -> vector<16xi32>
        %add3A_1431 = arith.addi %add3A_1211, %all_reduce_population_count3A_1430 : vector<16xi32>
        %add3A_1432 = arith.constant 2 : i32
        %add3A_1433 = arith.addi %while3A_987, %add3A_1432 : i32
        scf.yield %add3A_1433, %add3A_1249, %add3A_1275, %add3A_1301, %add3A_1327, %add3A_1353, %add3A_1379, %add3A_1405, %add3A_1431 : i32, vector<16xi32>, vector<16xi32>, vector<16xi32>, vector<16xi32>, vector<16xi32>, vector<16xi32>, vector<16xi32>, vector<16xi32>
      }
      %reduce_max3A = arith.constant true
      %reduce_max3A_151 = vector.broadcast %reduce_max3A : i1 to vector<16xi1>
      %reduce_max3A_152 = arith.constant -2147483648 : i32
      %reduce_max3A_153 = vector.broadcast %reduce_max3A_152 : i32 to vector<16xi32>
      %reduce_max3A_154 = arith.xori %while3A_150#1, %reduce_max3A_153 : vector<16xi32>
      %reduce_max3A_155 = tpu.scan <max>, %reduce_max3A_154 masked %reduce_max3A_151 : vector<16xi32>, vector<16xi1> -> vector<16xi32>
      %reduce_max3A_156 = arith.xori %reduce_max3A_155, %reduce_max3A_153 : vector<16xi32>
      %reduce_max3A_157 = vector.extract %reduce_max3A_156[15] : i32 from vector<16xi32>
      %min3A = arith.constant 32 : i32
      %min3A_158 = arith.minsi %reduce_max3A_157, %min3A : i32
      %broadcast_in_dim3A_159 = arith.constant 0 : i32
      %broadcast_in_dim3A_160 = vector.broadcast %broadcast_in_dim3A_159 : i32 to vector<16xi32>
      %gather3A_161 = tpu.vector_load_idx %arg16[%broadcast_in_dim3A_160] : memref<512xi32, #tpu.memory_space<vmem>>[vector<16xi32>], vector<16xi32>,
      %lt3A = vector.broadcast %min3A_158 : i32 to vector<16xi32>
      %lt3A_162 = arith.cmpi slt, %iota3A, %lt3A : vector<16xi32>
      %get3A = arith.constant 0 : index
      %get3A_163 = tpu.vector_load %arg16[%get3A] {strides = array<i32>} : memref<512xi32, #tpu.memory_space<vmem>>, vector<16xi32>,
      %select_n3A_164 = arith.select %lt3A_162, %get3A_163, %gather3A_161 : vector<16xi1>, vector<16xi32>
      %add3A_165 = arith.constant 16 : i32
      %add3A_166 = vector.broadcast %add3A_165 : i32 to vector<16xi32>
      %add3A_167 = arith.addi %iota3A, %add3A_166 : vector<16xi32>
      %lt3A_168 = vector.broadcast %min3A_158 : i32 to vector<16xi32>
      %lt3A_169 = arith.cmpi slt, %add3A_167, %lt3A_168 : vector<16xi32>
      %get3A_170 = arith.constant 16 : index
      %get3A_171 = tpu.vector_load %arg16[%get3A_170] {strides = array<i32>} : memref<512xi32, #tpu.memory_space<vmem>>, vector<16xi32>,
      %select_n3A_172 = arith.select %lt3A_169, %get3A_171, %gather3A_161 : vector<16xi1>, vector<16xi32>
      %mul3A_173 = arith.constant 8 : i32
      %mul3A_174 = arith.muli %mul3A_173, %scan3A_50 : i32
      %add3A_175 = arith.constant 0 : i32
      %add3A_176 = arith.addi %mul3A_174, %add3A_175 : i32
      %mul3A_177 = arith.constant 32 : i32
      %mul3A_178 = arith.muli %add3A_176, %mul3A_177 : i32
      %add3A_179 = vector.broadcast %mul3A_178 : i32 to vector<16xi32>
      %add3A_180 = arith.addi %add3A_179, %iota3A : vector<16xi32>
      %add3A_181 = arith.constant 16 : i32
      %add3A_182 = vector.broadcast %add3A_181 : i32 to vector<16xi32>
      %add3A_183 = arith.addi %add3A_180, %add3A_182 : vector<16xi32>
      %gather3A_184 = tpu.vector_load_idx %arg10[%select_n3A_164] : memref<4096xf32, #tpu.memory_space<vmem>>[vector<16xi32>], vector<16xf32>,
      %sub3A_185 = arith.subf %gather3A_184, %gather3A : vector<16xf32>
      %div3A_186 = arith.constant 2.000000e-01 : f32
      %div3A_187 = vector.broadcast %div3A_186 : f32 to vector<16xf32>
      %div3A_188 = arith.divf %sub3A_185, %div3A_187 : vector<16xf32>
      %gather3A_189 = tpu.vector_load_idx %arg11[%select_n3A_164] : memref<4096xf32, #tpu.memory_space<vmem>>[vector<16xi32>], vector<16xf32>,
      %sub3A_190 = arith.subf %gather3A_189, %gather3A_61 : vector<16xf32>
      %div3A_191 = arith.constant 2.000000e-01 : f32
      %div3A_192 = vector.broadcast %div3A_191 : f32 to vector<16xf32>
      %div3A_193 = arith.divf %sub3A_190, %div3A_192 : vector<16xf32>
      %gather3A_194 = tpu.vector_load_idx %arg12[%select_n3A_164] : memref<4096xf32, #tpu.memory_space<vmem>>[vector<16xi32>], vector<16xf32>,
      %sub3A_195 = arith.subf %gather3A_194, %gather3A_65 : vector<16xf32>
      %div3A_196 = arith.constant 2.000000e-01 : f32
      %div3A_197 = vector.broadcast %div3A_196 : f32 to vector<16xf32>
      %div3A_198 = arith.divf %sub3A_195, %div3A_197 : vector<16xf32>
      %mul3A_199 = arith.constant 4 : i32
      %mul3A_200 = vector.broadcast %mul3A_199 : i32 to vector<16xi32>
      %mul3A_201 = arith.muli %add3A_180, %mul3A_200 : vector<16xi32>
      tpu.vector_store_idx %arg18[%mul3A_201], %div3A_188 : memref<16384xf32, #tpu.memory_space<vmem>>[vector<16xi32>], vector<16xf32>,
      %add3A_202 = arith.constant 1 : i32
      %add3A_203 = vector.broadcast %add3A_202 : i32 to vector<16xi32>
      %add3A_204 = arith.addi %mul3A_201, %add3A_203 : vector<16xi32>
      tpu.vector_store_idx %arg18[%add3A_204], %div3A_193 : memref<16384xf32, #tpu.memory_space<vmem>>[vector<16xi32>], vector<16xf32>,
      %add3A_205 = arith.constant 2 : i32
      %add3A_206 = vector.broadcast %add3A_205 : i32 to vector<16xi32>
      %add3A_207 = arith.addi %mul3A_201, %add3A_206 : vector<16xi32>
      tpu.vector_store_idx %arg18[%add3A_207], %div3A_198 : memref<16384xf32, #tpu.memory_space<vmem>>[vector<16xi32>], vector<16xf32>,
      %add3A_208 = arith.constant 3 : i32
      %add3A_209 = vector.broadcast %add3A_208 : i32 to vector<16xi32>
      %add3A_210 = arith.addi %mul3A_201, %add3A_209 : vector<16xi32>
      tpu.vector_store_idx %arg18[%add3A_210], %broadcast_in_dim3A_33 : memref<16384xf32, #tpu.memory_space<vmem>>[vector<16xi32>], vector<16xf32>,
      %gather3A_211 = tpu.vector_load_idx %arg10[%select_n3A_172] : memref<4096xf32, #tpu.memory_space<vmem>>[vector<16xi32>], vector<16xf32>,
      %sub3A_212 = arith.subf %gather3A_211, %gather3A : vector<16xf32>
      %div3A_213 = arith.constant 2.000000e-01 : f32
      %div3A_214 = vector.broadcast %div3A_213 : f32 to vector<16xf32>
      %div3A_215 = arith.divf %sub3A_212, %div3A_214 : vector<16xf32>
      %gather3A_216 = tpu.vector_load_idx %arg11[%select_n3A_172] : memref<4096xf32, #tpu.memory_space<vmem>>[vector<16xi32>], vector<16xf32>,
      %sub3A_217 = arith.subf %gather3A_216, %gather3A_61 : vector<16xf32>
      %div3A_218 = arith.constant 2.000000e-01 : f32
      %div3A_219 = vector.broadcast %div3A_218 : f32 to vector<16xf32>
      %div3A_220 = arith.divf %sub3A_217, %div3A_219 : vector<16xf32>
      %gather3A_221 = tpu.vector_load_idx %arg12[%select_n3A_172] : memref<4096xf32, #tpu.memory_space<vmem>>[vector<16xi32>], vector<16xf32>,
      %sub3A_222 = arith.subf %gather3A_221, %gather3A_65 : vector<16xf32>
      %div3A_223 = arith.constant 2.000000e-01 : f32
      %div3A_224 = vector.broadcast %div3A_223 : f32 to vector<16xf32>
      %div3A_225 = arith.divf %sub3A_222, %div3A_224 : vector<16xf32>
      %mul3A_226 = arith.constant 4 : i32
      %mul3A_227 = vector.broadcast %mul3A_226 : i32 to vector<16xi32>
      %mul3A_228 = arith.muli %add3A_183, %mul3A_227 : vector<16xi32>
      tpu.vector_store_idx %arg18[%mul3A_228], %div3A_215 : memref<16384xf32, #tpu.memory_space<vmem>>[vector<16xi32>], vector<16xf32>,
      %add3A_229 = arith.constant 1 : i32
      %add3A_230 = vector.broadcast %add3A_229 : i32 to vector<16xi32>
      %add3A_231 = arith.addi %mul3A_228, %add3A_230 : vector<16xi32>
      tpu.vector_store_idx %arg18[%add3A_231], %div3A_220 : memref<16384xf32, #tpu.memory_space<vmem>>[vector<16xi32>], vector<16xf32>,
      %add3A_232 = arith.constant 2 : i32
      %add3A_233 = vector.broadcast %add3A_232 : i32 to vector<16xi32>
      %add3A_234 = arith.addi %mul3A_228, %add3A_233 : vector<16xi32>
      tpu.vector_store_idx %arg18[%add3A_234], %div3A_225 : memref<16384xf32, #tpu.memory_space<vmem>>[vector<16xi32>], vector<16xf32>,
      %add3A_235 = arith.constant 3 : i32
      %add3A_236 = vector.broadcast %add3A_235 : i32 to vector<16xi32>
      %add3A_237 = arith.addi %mul3A_228, %add3A_236 : vector<16xi32>
      tpu.vector_store_idx %arg18[%add3A_237], %broadcast_in_dim3A_33 : memref<16384xf32, #tpu.memory_space<vmem>>[vector<16xi32>], vector<16xf32>,
      %add3A_238 = vector.broadcast %mul3A_35 : i32 to vector<16xi32>
      %add3A_239 = arith.addi %select_n3A_164, %add3A_238 : vector<16xi32>
      %mul3A_240 = arith.constant 32 : i32
      %mul3A_241 = arith.muli %add3A_176, %mul3A_240 : i32
      %swap3A = arith.index_cast %mul3A_241 : i32 to index
      %swap3A_242 = tpu.vector_load %arg17[%swap3A] {strides = array<i32>} : memref<4096xi32, #tpu.memory_space<vmem>>, vector<16xi32>,
      tpu.vector_store %arg17[%swap3A], %add3A_239 {strides = array<i32>} : memref<4096xi32, #tpu.memory_space<vmem>>, vector<16xi32>,
      %add3A_243 = vector.broadcast %mul3A_35 : i32 to vector<16xi32>
      %add3A_244 = arith.addi %select_n3A_172, %add3A_243 : vector<16xi32>
      %mul3A_245 = arith.constant 32 : i32
      %mul3A_246 = arith.muli %add3A_176, %mul3A_245 : i32
      %add3A_247 = arith.constant 16 : i32
      %add3A_248 = arith.addi %mul3A_246, %add3A_247 : i32
      %swap3A_249 = arith.index_cast %add3A_248 : i32 to index
      %swap3A_250 = tpu.vector_load %arg17[%swap3A_249] {strides = array<i32>} : memref<4096xi32, #tpu.memory_space<vmem>>, vector<16xi32>,
      tpu.vector_store %arg17[%swap3A_249], %add3A_244 {strides = array<i32>} : memref<4096xi32, #tpu.memory_space<vmem>>, vector<16xi32>,
      %reduce_max3A_251 = arith.constant true
      %reduce_max3A_252 = vector.broadcast %reduce_max3A_251 : i1 to vector<16xi1>
      %reduce_max3A_253 = arith.constant -2147483648 : i32
      %reduce_max3A_254 = vector.broadcast %reduce_max3A_253 : i32 to vector<16xi32>
      %reduce_max3A_255 = arith.xori %while3A_150#2, %reduce_max3A_254 : vector<16xi32>
      %reduce_max3A_256 = tpu.scan <max>, %reduce_max3A_255 masked %reduce_max3A_252 : vector<16xi32>, vector<16xi1> -> vector<16xi32>
      %reduce_max3A_257 = arith.xori %reduce_max3A_256, %reduce_max3A_254 : vector<16xi32>
      %reduce_max3A_258 = vector.extract %reduce_max3A_257[15] : i32 from vector<16xi32>
      %min3A_259 = arith.constant 32 : i32
      %min3A_260 = arith.minsi %reduce_max3A_258, %min3A_259 : i32
      %broadcast_in_dim3A_261 = arith.constant 64 : i32
      %broadcast_in_dim3A_262 = vector.broadcast %broadcast_in_dim3A_261 : i32 to vector<16xi32>
      %gather3A_263 = tpu.vector_load_idx %arg16[%broadcast_in_dim3A_262] : memref<512xi32, #tpu.memory_space<vmem>>[vector<16xi32>], vector<16xi32>,
      %lt3A_264 = vector.broadcast %min3A_260 : i32 to vector<16xi32>
      %lt3A_265 = arith.cmpi slt, %iota3A, %lt3A_264 : vector<16xi32>
      %get3A_266 = arith.constant 64 : index
      %get3A_267 = tpu.vector_load %arg16[%get3A_266] {strides = array<i32>} : memref<512xi32, #tpu.memory_space<vmem>>, vector<16xi32>,
      %select_n3A_268 = arith.select %lt3A_265, %get3A_267, %gather3A_263 : vector<16xi1>, vector<16xi32>
      %add3A_269 = arith.constant 16 : i32
      %add3A_270 = vector.broadcast %add3A_269 : i32 to vector<16xi32>
      %add3A_271 = arith.addi %iota3A, %add3A_270 : vector<16xi32>
      %lt3A_272 = vector.broadcast %min3A_260 : i32 to vector<16xi32>
      %lt3A_273 = arith.cmpi slt, %add3A_271, %lt3A_272 : vector<16xi32>
      %get3A_274 = arith.constant 80 : index
      %get3A_275 = tpu.vector_load %arg16[%get3A_274] {strides = array<i32>} : memref<512xi32, #tpu.memory_space<vmem>>, vector<16xi32>,
      %select_n3A_276 = arith.select %lt3A_273, %get3A_275, %gather3A_263 : vector<16xi1>, vector<16xi32>
      %mul3A_277 = arith.constant 8 : i32
      %mul3A_278 = arith.muli %mul3A_277, %scan3A_50 : i32
      %add3A_279 = arith.constant 1 : i32
      %add3A_280 = arith.addi %mul3A_278, %add3A_279 : i32
      %mul3A_281 = arith.constant 32 : i32
      %mul3A_282 = arith.muli %add3A_280, %mul3A_281 : i32
      %add3A_283 = vector.broadcast %mul3A_282 : i32 to vector<16xi32>
      %add3A_284 = arith.addi %add3A_283, %iota3A : vector<16xi32>
      %add3A_285 = arith.constant 16 : i32
      %add3A_286 = vector.broadcast %add3A_285 : i32 to vector<16xi32>
      %add3A_287 = arith.addi %add3A_284, %add3A_286 : vector<16xi32>
      %gather3A_288 = tpu.vector_load_idx %arg10[%select_n3A_268] : memref<4096xf32, #tpu.memory_space<vmem>>[vector<16xi32>], vector<16xf32>,
      %sub3A_289 = arith.subf %gather3A_288, %gather3A_69 : vector<16xf32>
      %div3A_290 = arith.constant 2.000000e-01 : f32
      %div3A_291 = vector.broadcast %div3A_290 : f32 to vector<16xf32>
      %div3A_292 = arith.divf %sub3A_289, %div3A_291 : vector<16xf32>
      %gather3A_293 = tpu.vector_load_idx %arg11[%select_n3A_268] : memref<4096xf32, #tpu.memory_space<vmem>>[vector<16xi32>], vector<16xf32>,
      %sub3A_294 = arith.subf %gather3A_293, %gather3A_73 : vector<16xf32>
      %div3A_295 = arith.constant 2.000000e-01 : f32
      %div3A_296 = vector.broadcast %div3A_295 : f32 to vector<16xf32>
      %div3A_297 = arith.divf %sub3A_294, %div3A_296 : vector<16xf32>
      %gather3A_298 = tpu.vector_load_idx %arg12[%select_n3A_268] : memref<4096xf32, #tpu.memory_space<vmem>>[vector<16xi32>], vector<16xf32>,
      %sub3A_299 = arith.subf %gather3A_298, %gather3A_77 : vector<16xf32>
      %div3A_300 = arith.constant 2.000000e-01 : f32
      %div3A_301 = vector.broadcast %div3A_300 : f32 to vector<16xf32>
      %div3A_302 = arith.divf %sub3A_299, %div3A_301 : vector<16xf32>
      %mul3A_303 = arith.constant 4 : i32
      %mul3A_304 = vector.broadcast %mul3A_303 : i32 to vector<16xi32>
      %mul3A_305 = arith.muli %add3A_284, %mul3A_304 : vector<16xi32>
      tpu.vector_store_idx %arg18[%mul3A_305], %div3A_292 : memref<16384xf32, #tpu.memory_space<vmem>>[vector<16xi32>], vector<16xf32>,
      %add3A_306 = arith.constant 1 : i32
      %add3A_307 = vector.broadcast %add3A_306 : i32 to vector<16xi32>
      %add3A_308 = arith.addi %mul3A_305, %add3A_307 : vector<16xi32>
      tpu.vector_store_idx %arg18[%add3A_308], %div3A_297 : memref<16384xf32, #tpu.memory_space<vmem>>[vector<16xi32>], vector<16xf32>,
      %add3A_309 = arith.constant 2 : i32
      %add3A_310 = vector.broadcast %add3A_309 : i32 to vector<16xi32>
      %add3A_311 = arith.addi %mul3A_305, %add3A_310 : vector<16xi32>
      tpu.vector_store_idx %arg18[%add3A_311], %div3A_302 : memref<16384xf32, #tpu.memory_space<vmem>>[vector<16xi32>], vector<16xf32>,
      %add3A_312 = arith.constant 3 : i32
      %add3A_313 = vector.broadcast %add3A_312 : i32 to vector<16xi32>
      %add3A_314 = arith.addi %mul3A_305, %add3A_313 : vector<16xi32>
      tpu.vector_store_idx %arg18[%add3A_314], %broadcast_in_dim3A_33 : memref<16384xf32, #tpu.memory_space<vmem>>[vector<16xi32>], vector<16xf32>,
      %gather3A_315 = tpu.vector_load_idx %arg10[%select_n3A_276] : memref<4096xf32, #tpu.memory_space<vmem>>[vector<16xi32>], vector<16xf32>,
      %sub3A_316 = arith.subf %gather3A_315, %gather3A_69 : vector<16xf32>
      %div3A_317 = arith.constant 2.000000e-01 : f32
      %div3A_318 = vector.broadcast %div3A_317 : f32 to vector<16xf32>
      %div3A_319 = arith.divf %sub3A_316, %div3A_318 : vector<16xf32>
      %gather3A_320 = tpu.vector_load_idx %arg11[%select_n3A_276] : memref<4096xf32, #tpu.memory_space<vmem>>[vector<16xi32>], vector<16xf32>,
      %sub3A_321 = arith.subf %gather3A_320, %gather3A_73 : vector<16xf32>
      %div3A_322 = arith.constant 2.000000e-01 : f32
      %div3A_323 = vector.broadcast %div3A_322 : f32 to vector<16xf32>
      %div3A_324 = arith.divf %sub3A_321, %div3A_323 : vector<16xf32>
      %gather3A_325 = tpu.vector_load_idx %arg12[%select_n3A_276] : memref<4096xf32, #tpu.memory_space<vmem>>[vector<16xi32>], vector<16xf32>,
      %sub3A_326 = arith.subf %gather3A_325, %gather3A_77 : vector<16xf32>
      %div3A_327 = arith.constant 2.000000e-01 : f32
      %div3A_328 = vector.broadcast %div3A_327 : f32 to vector<16xf32>
      %div3A_329 = arith.divf %sub3A_326, %div3A_328 : vector<16xf32>
      %mul3A_330 = arith.constant 4 : i32
      %mul3A_331 = vector.broadcast %mul3A_330 : i32 to vector<16xi32>
      %mul3A_332 = arith.muli %add3A_287, %mul3A_331 : vector<16xi32>
      tpu.vector_store_idx %arg18[%mul3A_332], %div3A_319 : memref<16384xf32, #tpu.memory_space<vmem>>[vector<16xi32>], vector<16xf32>,
      %add3A_333 = arith.constant 1 : i32
      %add3A_334 = vector.broadcast %add3A_333 : i32 to vector<16xi32>
      %add3A_335 = arith.addi %mul3A_332, %add3A_334 : vector<16xi32>
      tpu.vector_store_idx %arg18[%add3A_335], %div3A_324 : memref<16384xf32, #tpu.memory_space<vmem>>[vector<16xi32>], vector<16xf32>,
      %add3A_336 = arith.constant 2 : i32
      %add3A_337 = vector.broadcast %add3A_336 : i32 to vector<16xi32>
      %add3A_338 = arith.addi %mul3A_332, %add3A_337 : vector<16xi32>
      tpu.vector_store_idx %arg18[%add3A_338], %div3A_329 : memref<16384xf32, #tpu.memory_space<vmem>>[vector<16xi32>], vector<16xf32>,
      %add3A_339 = arith.constant 3 : i32
      %add3A_340 = vector.broadcast %add3A_339 : i32 to vector<16xi32>
      %add3A_341 = arith.addi %mul3A_332, %add3A_340 : vector<16xi32>
      tpu.vector_store_idx %arg18[%add3A_341], %broadcast_in_dim3A_33 : memref<16384xf32, #tpu.memory_space<vmem>>[vector<16xi32>], vector<16xf32>,
      %add3A_342 = vector.broadcast %mul3A_35 : i32 to vector<16xi32>
      %add3A_343 = arith.addi %select_n3A_268, %add3A_342 : vector<16xi32>
      %mul3A_344 = arith.constant 32 : i32
      %mul3A_345 = arith.muli %add3A_280, %mul3A_344 : i32
      %swap3A_346 = arith.index_cast %mul3A_345 : i32 to index
      %swap3A_347 = tpu.vector_load %arg17[%swap3A_346] {strides = array<i32>} : memref<4096xi32, #tpu.memory_space<vmem>>, vector<16xi32>,
      tpu.vector_store %arg17[%swap3A_346], %add3A_343 {strides = array<i32>} : memref<4096xi32, #tpu.memory_space<vmem>>, vector<16xi32>,
      %add3A_348 = vector.broadcast %mul3A_35 : i32 to vector<16xi32>
      %add3A_349 = arith.addi %select_n3A_276, %add3A_348 : vector<16xi32>
      %mul3A_350 = arith.constant 32 : i32
      %mul3A_351 = arith.muli %add3A_280, %mul3A_350 : i32
      %add3A_352 = arith.constant 16 : i32
      %add3A_353 = arith.addi %mul3A_351, %add3A_352 : i32
      %swap3A_354 = arith.index_cast %add3A_353 : i32 to index
      %swap3A_355 = tpu.vector_load %arg17[%swap3A_354] {strides = array<i32>} : memref<4096xi32, #tpu.memory_space<vmem>>, vector<16xi32>,
      tpu.vector_store %arg17[%swap3A_354], %add3A_349 {strides = array<i32>} : memref<4096xi32, #tpu.memory_space<vmem>>, vector<16xi32>,
      %reduce_max3A_356 = arith.constant true
      %reduce_max3A_357 = vector.broadcast %reduce_max3A_356 : i1 to vector<16xi1>
      %reduce_max3A_358 = arith.constant -2147483648 : i32
      %reduce_max3A_359 = vector.broadcast %reduce_max3A_358 : i32 to vector<16xi32>
      %reduce_max3A_360 = arith.xori %while3A_150#3, %reduce_max3A_359 : vector<16xi32>
      %reduce_max3A_361 = tpu.scan <max>, %reduce_max3A_360 masked %reduce_max3A_357 : vector<16xi32>, vector<16xi1> -> vector<16xi32>
      %reduce_max3A_362 = arith.xori %reduce_max3A_361, %reduce_max3A_359 : vector<16xi32>
      %reduce_max3A_363 = vector.extract %reduce_max3A_362[15] : i32 from vector<16xi32>
      %min3A_364 = arith.constant 32 : i32
      %min3A_365 = arith.minsi %reduce_max3A_363, %min3A_364 : i32
      %broadcast_in_dim3A_366 = arith.constant 128 : i32
      %broadcast_in_dim3A_367 = vector.broadcast %broadcast_in_dim3A_366 : i32 to vector<16xi32>
      %gather3A_368 = tpu.vector_load_idx %arg16[%broadcast_in_dim3A_367] : memref<512xi32, #tpu.memory_space<vmem>>[vector<16xi32>], vector<16xi32>,
      %lt3A_369 = vector.broadcast %min3A_365 : i32 to vector<16xi32>
      %lt3A_370 = arith.cmpi slt, %iota3A, %lt3A_369 : vector<16xi32>
      %get3A_371 = arith.constant 128 : index
      %get3A_372 = tpu.vector_load %arg16[%get3A_371] {strides = array<i32>} : memref<512xi32, #tpu.memory_space<vmem>>, vector<16xi32>,
      %select_n3A_373 = arith.select %lt3A_370, %get3A_372, %gather3A_368 : vector<16xi1>, vector<16xi32>
      %add3A_374 = arith.constant 16 : i32
      %add3A_375 = vector.broadcast %add3A_374 : i32 to vector<16xi32>
      %add3A_376 = arith.addi %iota3A, %add3A_375 : vector<16xi32>
      %lt3A_377 = vector.broadcast %min3A_365 : i32 to vector<16xi32>
      %lt3A_378 = arith.cmpi slt, %add3A_376, %lt3A_377 : vector<16xi32>
      %get3A_379 = arith.constant 144 : index
      %get3A_380 = tpu.vector_load %arg16[%get3A_379] {strides = array<i32>} : memref<512xi32, #tpu.memory_space<vmem>>, vector<16xi32>,
      %select_n3A_381 = arith.select %lt3A_378, %get3A_380, %gather3A_368 : vector<16xi1>, vector<16xi32>
      %mul3A_382 = arith.constant 8 : i32
      %mul3A_383 = arith.muli %mul3A_382, %scan3A_50 : i32
      %add3A_384 = arith.constant 2 : i32
      %add3A_385 = arith.addi %mul3A_383, %add3A_384 : i32
      %mul3A_386 = arith.constant 32 : i32
      %mul3A_387 = arith.muli %add3A_385, %mul3A_386 : i32
      %add3A_388 = vector.broadcast %mul3A_387 : i32 to vector<16xi32>
      %add3A_389 = arith.addi %add3A_388, %iota3A : vector<16xi32>
      %add3A_390 = arith.constant 16 : i32
      %add3A_391 = vector.broadcast %add3A_390 : i32 to vector<16xi32>
      %add3A_392 = arith.addi %add3A_389, %add3A_391 : vector<16xi32>
      %gather3A_393 = tpu.vector_load_idx %arg10[%select_n3A_373] : memref<4096xf32, #tpu.memory_space<vmem>>[vector<16xi32>], vector<16xf32>,
      %sub3A_394 = arith.subf %gather3A_393, %gather3A_81 : vector<16xf32>
      %div3A_395 = arith.constant 2.000000e-01 : f32
      %div3A_396 = vector.broadcast %div3A_395 : f32 to vector<16xf32>
      %div3A_397 = arith.divf %sub3A_394, %div3A_396 : vector<16xf32>
      %gather3A_398 = tpu.vector_load_idx %arg11[%select_n3A_373] : memref<4096xf32, #tpu.memory_space<vmem>>[vector<16xi32>], vector<16xf32>,
      %sub3A_399 = arith.subf %gather3A_398, %gather3A_85 : vector<16xf32>
      %div3A_400 = arith.constant 2.000000e-01 : f32
      %div3A_401 = vector.broadcast %div3A_400 : f32 to vector<16xf32>
      %div3A_402 = arith.divf %sub3A_399, %div3A_401 : vector<16xf32>
      %gather3A_403 = tpu.vector_load_idx %arg12[%select_n3A_373] : memref<4096xf32, #tpu.memory_space<vmem>>[vector<16xi32>], vector<16xf32>,
      %sub3A_404 = arith.subf %gather3A_403, %gather3A_89 : vector<16xf32>
      %div3A_405 = arith.constant 2.000000e-01 : f32
      %div3A_406 = vector.broadcast %div3A_405 : f32 to vector<16xf32>
      %div3A_407 = arith.divf %sub3A_404, %div3A_406 : vector<16xf32>
      %mul3A_408 = arith.constant 4 : i32
      %mul3A_409 = vector.broadcast %mul3A_408 : i32 to vector<16xi32>
      %mul3A_410 = arith.muli %add3A_389, %mul3A_409 : vector<16xi32>
      tpu.vector_store_idx %arg18[%mul3A_410], %div3A_397 : memref<16384xf32, #tpu.memory_space<vmem>>[vector<16xi32>], vector<16xf32>,
      %add3A_411 = arith.constant 1 : i32
      %add3A_412 = vector.broadcast %add3A_411 : i32 to vector<16xi32>
      %add3A_413 = arith.addi %mul3A_410, %add3A_412 : vector<16xi32>
      tpu.vector_store_idx %arg18[%add3A_413], %div3A_402 : memref<16384xf32, #tpu.memory_space<vmem>>[vector<16xi32>], vector<16xf32>,
      %add3A_414 = arith.constant 2 : i32
      %add3A_415 = vector.broadcast %add3A_414 : i32 to vector<16xi32>
      %add3A_416 = arith.addi %mul3A_410, %add3A_415 : vector<16xi32>
      tpu.vector_store_idx %arg18[%add3A_416], %div3A_407 : memref<16384xf32, #tpu.memory_space<vmem>>[vector<16xi32>], vector<16xf32>,
      %add3A_417 = arith.constant 3 : i32
      %add3A_418 = vector.broadcast %add3A_417 : i32 to vector<16xi32>
      %add3A_419 = arith.addi %mul3A_410, %add3A_418 : vector<16xi32>
      tpu.vector_store_idx %arg18[%add3A_419], %broadcast_in_dim3A_33 : memref<16384xf32, #tpu.memory_space<vmem>>[vector<16xi32>], vector<16xf32>,
      %gather3A_420 = tpu.vector_load_idx %arg10[%select_n3A_381] : memref<4096xf32, #tpu.memory_space<vmem>>[vector<16xi32>], vector<16xf32>,
      %sub3A_421 = arith.subf %gather3A_420, %gather3A_81 : vector<16xf32>
      %div3A_422 = arith.constant 2.000000e-01 : f32
      %div3A_423 = vector.broadcast %div3A_422 : f32 to vector<16xf32>
      %div3A_424 = arith.divf %sub3A_421, %div3A_423 : vector<16xf32>
      %gather3A_425 = tpu.vector_load_idx %arg11[%select_n3A_381] : memref<4096xf32, #tpu.memory_space<vmem>>[vector<16xi32>], vector<16xf32>,
      %sub3A_426 = arith.subf %gather3A_425, %gather3A_85 : vector<16xf32>
      %div3A_427 = arith.constant 2.000000e-01 : f32
      %div3A_428 = vector.broadcast %div3A_427 : f32 to vector<16xf32>
      %div3A_429 = arith.divf %sub3A_426, %div3A_428 : vector<16xf32>
      %gather3A_430 = tpu.vector_load_idx %arg12[%select_n3A_381] : memref<4096xf32, #tpu.memory_space<vmem>>[vector<16xi32>], vector<16xf32>,
      %sub3A_431 = arith.subf %gather3A_430, %gather3A_89 : vector<16xf32>
      %div3A_432 = arith.constant 2.000000e-01 : f32
      %div3A_433 = vector.broadcast %div3A_432 : f32 to vector<16xf32>
      %div3A_434 = arith.divf %sub3A_431, %div3A_433 : vector<16xf32>
      %mul3A_435 = arith.constant 4 : i32
      %mul3A_436 = vector.broadcast %mul3A_435 : i32 to vector<16xi32>
      %mul3A_437 = arith.muli %add3A_392, %mul3A_436 : vector<16xi32>
      tpu.vector_store_idx %arg18[%mul3A_437], %div3A_424 : memref<16384xf32, #tpu.memory_space<vmem>>[vector<16xi32>], vector<16xf32>,
      %add3A_438 = arith.constant 1 : i32
      %add3A_439 = vector.broadcast %add3A_438 : i32 to vector<16xi32>
      %add3A_440 = arith.addi %mul3A_437, %add3A_439 : vector<16xi32>
      tpu.vector_store_idx %arg18[%add3A_440], %div3A_429 : memref<16384xf32, #tpu.memory_space<vmem>>[vector<16xi32>], vector<16xf32>,
      %add3A_441 = arith.constant 2 : i32
      %add3A_442 = vector.broadcast %add3A_441 : i32 to vector<16xi32>
      %add3A_443 = arith.addi %mul3A_437, %add3A_442 : vector<16xi32>
      tpu.vector_store_idx %arg18[%add3A_443], %div3A_434 : memref<16384xf32, #tpu.memory_space<vmem>>[vector<16xi32>], vector<16xf32>,
      %add3A_444 = arith.constant 3 : i32
      %add3A_445 = vector.broadcast %add3A_444 : i32 to vector<16xi32>
      %add3A_446 = arith.addi %mul3A_437, %add3A_445 : vector<16xi32>
      tpu.vector_store_idx %arg18[%add3A_446], %broadcast_in_dim3A_33 : memref<16384xf32, #tpu.memory_space<vmem>>[vector<16xi32>], vector<16xf32>,
      %add3A_447 = vector.broadcast %mul3A_35 : i32 to vector<16xi32>
      %add3A_448 = arith.addi %select_n3A_373, %add3A_447 : vector<16xi32>
      %mul3A_449 = arith.constant 32 : i32
      %mul3A_450 = arith.muli %add3A_385, %mul3A_449 : i32
      %swap3A_451 = arith.index_cast %mul3A_450 : i32 to index
      %swap3A_452 = tpu.vector_load %arg17[%swap3A_451] {strides = array<i32>} : memref<4096xi32, #tpu.memory_space<vmem>>, vector<16xi32>,
      tpu.vector_store %arg17[%swap3A_451], %add3A_448 {strides = array<i32>} : memref<4096xi32, #tpu.memory_space<vmem>>, vector<16xi32>,
      %add3A_453 = vector.broadcast %mul3A_35 : i32 to vector<16xi32>
      %add3A_454 = arith.addi %select_n3A_381, %add3A_453 : vector<16xi32>
      %mul3A_455 = arith.constant 32 : i32
      %mul3A_456 = arith.muli %add3A_385, %mul3A_455 : i32
      %add3A_457 = arith.constant 16 : i32
      %add3A_458 = arith.addi %mul3A_456, %add3A_457 : i32
      %swap3A_459 = arith.index_cast %add3A_458 : i32 to index
      %swap3A_460 = tpu.vector_load %arg17[%swap3A_459] {strides = array<i32>} : memref<4096xi32, #tpu.memory_space<vmem>>, vector<16xi32>,
      tpu.vector_store %arg17[%swap3A_459], %add3A_454 {strides = array<i32>} : memref<4096xi32, #tpu.memory_space<vmem>>, vector<16xi32>,
      %reduce_max3A_461 = arith.constant true
      %reduce_max3A_462 = vector.broadcast %reduce_max3A_461 : i1 to vector<16xi1>
      %reduce_max3A_463 = arith.constant -2147483648 : i32
      %reduce_max3A_464 = vector.broadcast %reduce_max3A_463 : i32 to vector<16xi32>
      %reduce_max3A_465 = arith.xori %while3A_150#4, %reduce_max3A_464 : vector<16xi32>
      %reduce_max3A_466 = tpu.scan <max>, %reduce_max3A_465 masked %reduce_max3A_462 : vector<16xi32>, vector<16xi1> -> vector<16xi32>
      %reduce_max3A_467 = arith.xori %reduce_max3A_466, %reduce_max3A_464 : vector<16xi32>
      %reduce_max3A_468 = vector.extract %reduce_max3A_467[15] : i32 from vector<16xi32>
      %min3A_469 = arith.constant 32 : i32
      %min3A_470 = arith.minsi %reduce_max3A_468, %min3A_469 : i32
      %broadcast_in_dim3A_471 = arith.constant 192 : i32
      %broadcast_in_dim3A_472 = vector.broadcast %broadcast_in_dim3A_471 : i32 to vector<16xi32>
      %gather3A_473 = tpu.vector_load_idx %arg16[%broadcast_in_dim3A_472] : memref<512xi32, #tpu.memory_space<vmem>>[vector<16xi32>], vector<16xi32>,
      %lt3A_474 = vector.broadcast %min3A_470 : i32 to vector<16xi32>
      %lt3A_475 = arith.cmpi slt, %iota3A, %lt3A_474 : vector<16xi32>
      %get3A_476 = arith.constant 192 : index
      %get3A_477 = tpu.vector_load %arg16[%get3A_476] {strides = array<i32>} : memref<512xi32, #tpu.memory_space<vmem>>, vector<16xi32>,
      %select_n3A_478 = arith.select %lt3A_475, %get3A_477, %gather3A_473 : vector<16xi1>, vector<16xi32>
      %add3A_479 = arith.constant 16 : i32
      %add3A_480 = vector.broadcast %add3A_479 : i32 to vector<16xi32>
      %add3A_481 = arith.addi %iota3A, %add3A_480 : vector<16xi32>
      %lt3A_482 = vector.broadcast %min3A_470 : i32 to vector<16xi32>
      %lt3A_483 = arith.cmpi slt, %add3A_481, %lt3A_482 : vector<16xi32>
      %get3A_484 = arith.constant 208 : index
      %get3A_485 = tpu.vector_load %arg16[%get3A_484] {strides = array<i32>} : memref<512xi32, #tpu.memory_space<vmem>>, vector<16xi32>,
      %select_n3A_486 = arith.select %lt3A_483, %get3A_485, %gather3A_473 : vector<16xi1>, vector<16xi32>
      %mul3A_487 = arith.constant 8 : i32
      %mul3A_488 = arith.muli %mul3A_487, %scan3A_50 : i32
      %add3A_489 = arith.constant 3 : i32
      %add3A_490 = arith.addi %mul3A_488, %add3A_489 : i32
      %mul3A_491 = arith.constant 32 : i32
      %mul3A_492 = arith.muli %add3A_490, %mul3A_491 : i32
      %add3A_493 = vector.broadcast %mul3A_492 : i32 to vector<16xi32>
      %add3A_494 = arith.addi %add3A_493, %iota3A : vector<16xi32>
      %add3A_495 = arith.constant 16 : i32
      %add3A_496 = vector.broadcast %add3A_495 : i32 to vector<16xi32>
      %add3A_497 = arith.addi %add3A_494, %add3A_496 : vector<16xi32>
      %gather3A_498 = tpu.vector_load_idx %arg10[%select_n3A_478] : memref<4096xf32, #tpu.memory_space<vmem>>[vector<16xi32>], vector<16xf32>,
      %sub3A_499 = arith.subf %gather3A_498, %gather3A_93 : vector<16xf32>
      %div3A_500 = arith.constant 2.000000e-01 : f32
      %div3A_501 = vector.broadcast %div3A_500 : f32 to vector<16xf32>
      %div3A_502 = arith.divf %sub3A_499, %div3A_501 : vector<16xf32>
      %gather3A_503 = tpu.vector_load_idx %arg11[%select_n3A_478] : memref<4096xf32, #tpu.memory_space<vmem>>[vector<16xi32>], vector<16xf32>,
      %sub3A_504 = arith.subf %gather3A_503, %gather3A_97 : vector<16xf32>
      %div3A_505 = arith.constant 2.000000e-01 : f32
      %div3A_506 = vector.broadcast %div3A_505 : f32 to vector<16xf32>
      %div3A_507 = arith.divf %sub3A_504, %div3A_506 : vector<16xf32>
      %gather3A_508 = tpu.vector_load_idx %arg12[%select_n3A_478] : memref<4096xf32, #tpu.memory_space<vmem>>[vector<16xi32>], vector<16xf32>,
      %sub3A_509 = arith.subf %gather3A_508, %gather3A_101 : vector<16xf32>
      %div3A_510 = arith.constant 2.000000e-01 : f32
      %div3A_511 = vector.broadcast %div3A_510 : f32 to vector<16xf32>
      %div3A_512 = arith.divf %sub3A_509, %div3A_511 : vector<16xf32>
      %mul3A_513 = arith.constant 4 : i32
      %mul3A_514 = vector.broadcast %mul3A_513 : i32 to vector<16xi32>
      %mul3A_515 = arith.muli %add3A_494, %mul3A_514 : vector<16xi32>
      tpu.vector_store_idx %arg18[%mul3A_515], %div3A_502 : memref<16384xf32, #tpu.memory_space<vmem>>[vector<16xi32>], vector<16xf32>,
      %add3A_516 = arith.constant 1 : i32
      %add3A_517 = vector.broadcast %add3A_516 : i32 to vector<16xi32>
      %add3A_518 = arith.addi %mul3A_515, %add3A_517 : vector<16xi32>
      tpu.vector_store_idx %arg18[%add3A_518], %div3A_507 : memref<16384xf32, #tpu.memory_space<vmem>>[vector<16xi32>], vector<16xf32>,
      %add3A_519 = arith.constant 2 : i32
      %add3A_520 = vector.broadcast %add3A_519 : i32 to vector<16xi32>
      %add3A_521 = arith.addi %mul3A_515, %add3A_520 : vector<16xi32>
      tpu.vector_store_idx %arg18[%add3A_521], %div3A_512 : memref<16384xf32, #tpu.memory_space<vmem>>[vector<16xi32>], vector<16xf32>,
      %add3A_522 = arith.constant 3 : i32
      %add3A_523 = vector.broadcast %add3A_522 : i32 to vector<16xi32>
      %add3A_524 = arith.addi %mul3A_515, %add3A_523 : vector<16xi32>
      tpu.vector_store_idx %arg18[%add3A_524], %broadcast_in_dim3A_33 : memref<16384xf32, #tpu.memory_space<vmem>>[vector<16xi32>], vector<16xf32>,
      %gather3A_525 = tpu.vector_load_idx %arg10[%select_n3A_486] : memref<4096xf32, #tpu.memory_space<vmem>>[vector<16xi32>], vector<16xf32>,
      %sub3A_526 = arith.subf %gather3A_525, %gather3A_93 : vector<16xf32>
      %div3A_527 = arith.constant 2.000000e-01 : f32
      %div3A_528 = vector.broadcast %div3A_527 : f32 to vector<16xf32>
      %div3A_529 = arith.divf %sub3A_526, %div3A_528 : vector<16xf32>
      %gather3A_530 = tpu.vector_load_idx %arg11[%select_n3A_486] : memref<4096xf32, #tpu.memory_space<vmem>>[vector<16xi32>], vector<16xf32>,
      %sub3A_531 = arith.subf %gather3A_530, %gather3A_97 : vector<16xf32>
      %div3A_532 = arith.constant 2.000000e-01 : f32
      %div3A_533 = vector.broadcast %div3A_532 : f32 to vector<16xf32>
      %div3A_534 = arith.divf %sub3A_531, %div3A_533 : vector<16xf32>
      %gather3A_535 = tpu.vector_load_idx %arg12[%select_n3A_486] : memref<4096xf32, #tpu.memory_space<vmem>>[vector<16xi32>], vector<16xf32>,
      %sub3A_536 = arith.subf %gather3A_535, %gather3A_101 : vector<16xf32>
      %div3A_537 = arith.constant 2.000000e-01 : f32
      %div3A_538 = vector.broadcast %div3A_537 : f32 to vector<16xf32>
      %div3A_539 = arith.divf %sub3A_536, %div3A_538 : vector<16xf32>
      %mul3A_540 = arith.constant 4 : i32
      %mul3A_541 = vector.broadcast %mul3A_540 : i32 to vector<16xi32>
      %mul3A_542 = arith.muli %add3A_497, %mul3A_541 : vector<16xi32>
      tpu.vector_store_idx %arg18[%mul3A_542], %div3A_529 : memref<16384xf32, #tpu.memory_space<vmem>>[vector<16xi32>], vector<16xf32>,
      %add3A_543 = arith.constant 1 : i32
      %add3A_544 = vector.broadcast %add3A_543 : i32 to vector<16xi32>
      %add3A_545 = arith.addi %mul3A_542, %add3A_544 : vector<16xi32>
      tpu.vector_store_idx %arg18[%add3A_545], %div3A_534 : memref<16384xf32, #tpu.memory_space<vmem>>[vector<16xi32>], vector<16xf32>,
      %add3A_546 = arith.constant 2 : i32
      %add3A_547 = vector.broadcast %add3A_546 : i32 to vector<16xi32>
      %add3A_548 = arith.addi %mul3A_542, %add3A_547 : vector<16xi32>
      tpu.vector_store_idx %arg18[%add3A_548], %div3A_539 : memref<16384xf32, #tpu.memory_space<vmem>>[vector<16xi32>], vector<16xf32>,
      %add3A_549 = arith.constant 3 : i32
      %add3A_550 = vector.broadcast %add3A_549 : i32 to vector<16xi32>
      %add3A_551 = arith.addi %mul3A_542, %add3A_550 : vector<16xi32>
      tpu.vector_store_idx %arg18[%add3A_551], %broadcast_in_dim3A_33 : memref<16384xf32, #tpu.memory_space<vmem>>[vector<16xi32>], vector<16xf32>,
      %add3A_552 = vector.broadcast %mul3A_35 : i32 to vector<16xi32>
      %add3A_553 = arith.addi %select_n3A_478, %add3A_552 : vector<16xi32>
      %mul3A_554 = arith.constant 32 : i32
      %mul3A_555 = arith.muli %add3A_490, %mul3A_554 : i32
      %swap3A_556 = arith.index_cast %mul3A_555 : i32 to index
      %swap3A_557 = tpu.vector_load %arg17[%swap3A_556] {strides = array<i32>} : memref<4096xi32, #tpu.memory_space<vmem>>, vector<16xi32>,
      tpu.vector_store %arg17[%swap3A_556], %add3A_553 {strides = array<i32>} : memref<4096xi32, #tpu.memory_space<vmem>>, vector<16xi32>,
      %add3A_558 = vector.broadcast %mul3A_35 : i32 to vector<16xi32>
      %add3A_559 = arith.addi %select_n3A_486, %add3A_558 : vector<16xi32>
      %mul3A_560 = arith.constant 32 : i32
      %mul3A_561 = arith.muli %add3A_490, %mul3A_560 : i32
      %add3A_562 = arith.constant 16 : i32
      %add3A_563 = arith.addi %mul3A_561, %add3A_562 : i32
      %swap3A_564 = arith.index_cast %add3A_563 : i32 to index
      %swap3A_565 = tpu.vector_load %arg17[%swap3A_564] {strides = array<i32>} : memref<4096xi32, #tpu.memory_space<vmem>>, vector<16xi32>,
      tpu.vector_store %arg17[%swap3A_564], %add3A_559 {strides = array<i32>} : memref<4096xi32, #tpu.memory_space<vmem>>, vector<16xi32>,
      %reduce_max3A_566 = arith.constant true
      %reduce_max3A_567 = vector.broadcast %reduce_max3A_566 : i1 to vector<16xi1>
      %reduce_max3A_568 = arith.constant -2147483648 : i32
      %reduce_max3A_569 = vector.broadcast %reduce_max3A_568 : i32 to vector<16xi32>
      %reduce_max3A_570 = arith.xori %while3A_150#5, %reduce_max3A_569 : vector<16xi32>
      %reduce_max3A_571 = tpu.scan <max>, %reduce_max3A_570 masked %reduce_max3A_567 : vector<16xi32>, vector<16xi1> -> vector<16xi32>
      %reduce_max3A_572 = arith.xori %reduce_max3A_571, %reduce_max3A_569 : vector<16xi32>
      %reduce_max3A_573 = vector.extract %reduce_max3A_572[15] : i32 from vector<16xi32>
      %min3A_574 = arith.constant 32 : i32
      %min3A_575 = arith.minsi %reduce_max3A_573, %min3A_574 : i32
      %broadcast_in_dim3A_576 = arith.constant 256 : i32
      %broadcast_in_dim3A_577 = vector.broadcast %broadcast_in_dim3A_576 : i32 to vector<16xi32>
      %gather3A_578 = tpu.vector_load_idx %arg16[%broadcast_in_dim3A_577] : memref<512xi32, #tpu.memory_space<vmem>>[vector<16xi32>], vector<16xi32>,
      %lt3A_579 = vector.broadcast %min3A_575 : i32 to vector<16xi32>
      %lt3A_580 = arith.cmpi slt, %iota3A, %lt3A_579 : vector<16xi32>
      %get3A_581 = arith.constant 256 : index
      %get3A_582 = tpu.vector_load %arg16[%get3A_581] {strides = array<i32>} : memref<512xi32, #tpu.memory_space<vmem>>, vector<16xi32>,
      %select_n3A_583 = arith.select %lt3A_580, %get3A_582, %gather3A_578 : vector<16xi1>, vector<16xi32>
      %add3A_584 = arith.constant 16 : i32
      %add3A_585 = vector.broadcast %add3A_584 : i32 to vector<16xi32>
      %add3A_586 = arith.addi %iota3A, %add3A_585 : vector<16xi32>
      %lt3A_587 = vector.broadcast %min3A_575 : i32 to vector<16xi32>
      %lt3A_588 = arith.cmpi slt, %add3A_586, %lt3A_587 : vector<16xi32>
      %get3A_589 = arith.constant 272 : index
      %get3A_590 = tpu.vector_load %arg16[%get3A_589] {strides = array<i32>} : memref<512xi32, #tpu.memory_space<vmem>>, vector<16xi32>,
      %select_n3A_591 = arith.select %lt3A_588, %get3A_590, %gather3A_578 : vector<16xi1>, vector<16xi32>
      %mul3A_592 = arith.constant 8 : i32
      %mul3A_593 = arith.muli %mul3A_592, %scan3A_50 : i32
      %add3A_594 = arith.constant 4 : i32
      %add3A_595 = arith.addi %mul3A_593, %add3A_594 : i32
      %mul3A_596 = arith.constant 32 : i32
      %mul3A_597 = arith.muli %add3A_595, %mul3A_596 : i32
      %add3A_598 = vector.broadcast %mul3A_597 : i32 to vector<16xi32>
      %add3A_599 = arith.addi %add3A_598, %iota3A : vector<16xi32>
      %add3A_600 = arith.constant 16 : i32
      %add3A_601 = vector.broadcast %add3A_600 : i32 to vector<16xi32>
      %add3A_602 = arith.addi %add3A_599, %add3A_601 : vector<16xi32>
      %gather3A_603 = tpu.vector_load_idx %arg10[%select_n3A_583] : memref<4096xf32, #tpu.memory_space<vmem>>[vector<16xi32>], vector<16xf32>,
      %sub3A_604 = arith.subf %gather3A_603, %gather3A_105 : vector<16xf32>
      %div3A_605 = arith.constant 2.000000e-01 : f32
      %div3A_606 = vector.broadcast %div3A_605 : f32 to vector<16xf32>
      %div3A_607 = arith.divf %sub3A_604, %div3A_606 : vector<16xf32>
      %gather3A_608 = tpu.vector_load_idx %arg11[%select_n3A_583] : memref<4096xf32, #tpu.memory_space<vmem>>[vector<16xi32>], vector<16xf32>,
      %sub3A_609 = arith.subf %gather3A_608, %gather3A_109 : vector<16xf32>
      %div3A_610 = arith.constant 2.000000e-01 : f32
      %div3A_611 = vector.broadcast %div3A_610 : f32 to vector<16xf32>
      %div3A_612 = arith.divf %sub3A_609, %div3A_611 : vector<16xf32>
      %gather3A_613 = tpu.vector_load_idx %arg12[%select_n3A_583] : memref<4096xf32, #tpu.memory_space<vmem>>[vector<16xi32>], vector<16xf32>,
      %sub3A_614 = arith.subf %gather3A_613, %gather3A_113 : vector<16xf32>
      %div3A_615 = arith.constant 2.000000e-01 : f32
      %div3A_616 = vector.broadcast %div3A_615 : f32 to vector<16xf32>
      %div3A_617 = arith.divf %sub3A_614, %div3A_616 : vector<16xf32>
      %mul3A_618 = arith.constant 4 : i32
      %mul3A_619 = vector.broadcast %mul3A_618 : i32 to vector<16xi32>
      %mul3A_620 = arith.muli %add3A_599, %mul3A_619 : vector<16xi32>
      tpu.vector_store_idx %arg18[%mul3A_620], %div3A_607 : memref<16384xf32, #tpu.memory_space<vmem>>[vector<16xi32>], vector<16xf32>,
      %add3A_621 = arith.constant 1 : i32
      %add3A_622 = vector.broadcast %add3A_621 : i32 to vector<16xi32>
      %add3A_623 = arith.addi %mul3A_620, %add3A_622 : vector<16xi32>
      tpu.vector_store_idx %arg18[%add3A_623], %div3A_612 : memref<16384xf32, #tpu.memory_space<vmem>>[vector<16xi32>], vector<16xf32>,
      %add3A_624 = arith.constant 2 : i32
      %add3A_625 = vector.broadcast %add3A_624 : i32 to vector<16xi32>
      %add3A_626 = arith.addi %mul3A_620, %add3A_625 : vector<16xi32>
      tpu.vector_store_idx %arg18[%add3A_626], %div3A_617 : memref<16384xf32, #tpu.memory_space<vmem>>[vector<16xi32>], vector<16xf32>,
      %add3A_627 = arith.constant 3 : i32
      %add3A_628 = vector.broadcast %add3A_627 : i32 to vector<16xi32>
      %add3A_629 = arith.addi %mul3A_620, %add3A_628 : vector<16xi32>
      tpu.vector_store_idx %arg18[%add3A_629], %broadcast_in_dim3A_33 : memref<16384xf32, #tpu.memory_space<vmem>>[vector<16xi32>], vector<16xf32>,
      %gather3A_630 = tpu.vector_load_idx %arg10[%select_n3A_591] : memref<4096xf32, #tpu.memory_space<vmem>>[vector<16xi32>], vector<16xf32>,
      %sub3A_631 = arith.subf %gather3A_630, %gather3A_105 : vector<16xf32>
      %div3A_632 = arith.constant 2.000000e-01 : f32
      %div3A_633 = vector.broadcast %div3A_632 : f32 to vector<16xf32>
      %div3A_634 = arith.divf %sub3A_631, %div3A_633 : vector<16xf32>
      %gather3A_635 = tpu.vector_load_idx %arg11[%select_n3A_591] : memref<4096xf32, #tpu.memory_space<vmem>>[vector<16xi32>], vector<16xf32>,
      %sub3A_636 = arith.subf %gather3A_635, %gather3A_109 : vector<16xf32>
      %div3A_637 = arith.constant 2.000000e-01 : f32
      %div3A_638 = vector.broadcast %div3A_637 : f32 to vector<16xf32>
      %div3A_639 = arith.divf %sub3A_636, %div3A_638 : vector<16xf32>
      %gather3A_640 = tpu.vector_load_idx %arg12[%select_n3A_591] : memref<4096xf32, #tpu.memory_space<vmem>>[vector<16xi32>], vector<16xf32>,
      %sub3A_641 = arith.subf %gather3A_640, %gather3A_113 : vector<16xf32>
      %div3A_642 = arith.constant 2.000000e-01 : f32
      %div3A_643 = vector.broadcast %div3A_642 : f32 to vector<16xf32>
      %div3A_644 = arith.divf %sub3A_641, %div3A_643 : vector<16xf32>
      %mul3A_645 = arith.constant 4 : i32
      %mul3A_646 = vector.broadcast %mul3A_645 : i32 to vector<16xi32>
      %mul3A_647 = arith.muli %add3A_602, %mul3A_646 : vector<16xi32>
      tpu.vector_store_idx %arg18[%mul3A_647], %div3A_634 : memref<16384xf32, #tpu.memory_space<vmem>>[vector<16xi32>], vector<16xf32>,
      %add3A_648 = arith.constant 1 : i32
      %add3A_649 = vector.broadcast %add3A_648 : i32 to vector<16xi32>
      %add3A_650 = arith.addi %mul3A_647, %add3A_649 : vector<16xi32>
      tpu.vector_store_idx %arg18[%add3A_650], %div3A_639 : memref<16384xf32, #tpu.memory_space<vmem>>[vector<16xi32>], vector<16xf32>,
      %add3A_651 = arith.constant 2 : i32
      %add3A_652 = vector.broadcast %add3A_651 : i32 to vector<16xi32>
      %add3A_653 = arith.addi %mul3A_647, %add3A_652 : vector<16xi32>
      tpu.vector_store_idx %arg18[%add3A_653], %div3A_644 : memref<16384xf32, #tpu.memory_space<vmem>>[vector<16xi32>], vector<16xf32>,
      %add3A_654 = arith.constant 3 : i32
      %add3A_655 = vector.broadcast %add3A_654 : i32 to vector<16xi32>
      %add3A_656 = arith.addi %mul3A_647, %add3A_655 : vector<16xi32>
      tpu.vector_store_idx %arg18[%add3A_656], %broadcast_in_dim3A_33 : memref<16384xf32, #tpu.memory_space<vmem>>[vector<16xi32>], vector<16xf32>,
      %add3A_657 = vector.broadcast %mul3A_35 : i32 to vector<16xi32>
      %add3A_658 = arith.addi %select_n3A_583, %add3A_657 : vector<16xi32>
      %mul3A_659 = arith.constant 32 : i32
      %mul3A_660 = arith.muli %add3A_595, %mul3A_659 : i32
      %swap3A_661 = arith.index_cast %mul3A_660 : i32 to index
      %swap3A_662 = tpu.vector_load %arg17[%swap3A_661] {strides = array<i32>} : memref<4096xi32, #tpu.memory_space<vmem>>, vector<16xi32>,
      tpu.vector_store %arg17[%swap3A_661], %add3A_658 {strides = array<i32>} : memref<4096xi32, #tpu.memory_space<vmem>>, vector<16xi32>,
      %add3A_663 = vector.broadcast %mul3A_35 : i32 to vector<16xi32>
      %add3A_664 = arith.addi %select_n3A_591, %add3A_663 : vector<16xi32>
      %mul3A_665 = arith.constant 32 : i32
      %mul3A_666 = arith.muli %add3A_595, %mul3A_665 : i32
      %add3A_667 = arith.constant 16 : i32
      %add3A_668 = arith.addi %mul3A_666, %add3A_667 : i32
      %swap3A_669 = arith.index_cast %add3A_668 : i32 to index
      %swap3A_670 = tpu.vector_load %arg17[%swap3A_669] {strides = array<i32>} : memref<4096xi32, #tpu.memory_space<vmem>>, vector<16xi32>,
      tpu.vector_store %arg17[%swap3A_669], %add3A_664 {strides = array<i32>} : memref<4096xi32, #tpu.memory_space<vmem>>, vector<16xi32>,
      %reduce_max3A_671 = arith.constant true
      %reduce_max3A_672 = vector.broadcast %reduce_max3A_671 : i1 to vector<16xi1>
      %reduce_max3A_673 = arith.constant -2147483648 : i32
      %reduce_max3A_674 = vector.broadcast %reduce_max3A_673 : i32 to vector<16xi32>
      %reduce_max3A_675 = arith.xori %while3A_150#6, %reduce_max3A_674 : vector<16xi32>
      %reduce_max3A_676 = tpu.scan <max>, %reduce_max3A_675 masked %reduce_max3A_672 : vector<16xi32>, vector<16xi1> -> vector<16xi32>
      %reduce_max3A_677 = arith.xori %reduce_max3A_676, %reduce_max3A_674 : vector<16xi32>
      %reduce_max3A_678 = vector.extract %reduce_max3A_677[15] : i32 from vector<16xi32>
      %min3A_679 = arith.constant 32 : i32
      %min3A_680 = arith.minsi %reduce_max3A_678, %min3A_679 : i32
      %broadcast_in_dim3A_681 = arith.constant 320 : i32
      %broadcast_in_dim3A_682 = vector.broadcast %broadcast_in_dim3A_681 : i32 to vector<16xi32>
      %gather3A_683 = tpu.vector_load_idx %arg16[%broadcast_in_dim3A_682] : memref<512xi32, #tpu.memory_space<vmem>>[vector<16xi32>], vector<16xi32>,
      %lt3A_684 = vector.broadcast %min3A_680 : i32 to vector<16xi32>
      %lt3A_685 = arith.cmpi slt, %iota3A, %lt3A_684 : vector<16xi32>
      %get3A_686 = arith.constant 320 : index
      %get3A_687 = tpu.vector_load %arg16[%get3A_686] {strides = array<i32>} : memref<512xi32, #tpu.memory_space<vmem>>, vector<16xi32>,
      %select_n3A_688 = arith.select %lt3A_685, %get3A_687, %gather3A_683 : vector<16xi1>, vector<16xi32>
      %add3A_689 = arith.constant 16 : i32
      %add3A_690 = vector.broadcast %add3A_689 : i32 to vector<16xi32>
      %add3A_691 = arith.addi %iota3A, %add3A_690 : vector<16xi32>
      %lt3A_692 = vector.broadcast %min3A_680 : i32 to vector<16xi32>
      %lt3A_693 = arith.cmpi slt, %add3A_691, %lt3A_692 : vector<16xi32>
      %get3A_694 = arith.constant 336 : index
      %get3A_695 = tpu.vector_load %arg16[%get3A_694] {strides = array<i32>} : memref<512xi32, #tpu.memory_space<vmem>>, vector<16xi32>,
      %select_n3A_696 = arith.select %lt3A_693, %get3A_695, %gather3A_683 : vector<16xi1>, vector<16xi32>
      %mul3A_697 = arith.constant 8 : i32
      %mul3A_698 = arith.muli %mul3A_697, %scan3A_50 : i32
      %add3A_699 = arith.constant 5 : i32
      %add3A_700 = arith.addi %mul3A_698, %add3A_699 : i32
      %mul3A_701 = arith.constant 32 : i32
      %mul3A_702 = arith.muli %add3A_700, %mul3A_701 : i32
      %add3A_703 = vector.broadcast %mul3A_702 : i32 to vector<16xi32>
      %add3A_704 = arith.addi %add3A_703, %iota3A : vector<16xi32>
      %add3A_705 = arith.constant 16 : i32
      %add3A_706 = vector.broadcast %add3A_705 : i32 to vector<16xi32>
      %add3A_707 = arith.addi %add3A_704, %add3A_706 : vector<16xi32>
      %gather3A_708 = tpu.vector_load_idx %arg10[%select_n3A_688] : memref<4096xf32, #tpu.memory_space<vmem>>[vector<16xi32>], vector<16xf32>,
      %sub3A_709 = arith.subf %gather3A_708, %gather3A_117 : vector<16xf32>
      %div3A_710 = arith.constant 2.000000e-01 : f32
      %div3A_711 = vector.broadcast %div3A_710 : f32 to vector<16xf32>
      %div3A_712 = arith.divf %sub3A_709, %div3A_711 : vector<16xf32>
      %gather3A_713 = tpu.vector_load_idx %arg11[%select_n3A_688] : memref<4096xf32, #tpu.memory_space<vmem>>[vector<16xi32>], vector<16xf32>,
      %sub3A_714 = arith.subf %gather3A_713, %gather3A_121 : vector<16xf32>
      %div3A_715 = arith.constant 2.000000e-01 : f32
      %div3A_716 = vector.broadcast %div3A_715 : f32 to vector<16xf32>
      %div3A_717 = arith.divf %sub3A_714, %div3A_716 : vector<16xf32>
      %gather3A_718 = tpu.vector_load_idx %arg12[%select_n3A_688] : memref<4096xf32, #tpu.memory_space<vmem>>[vector<16xi32>], vector<16xf32>,
      %sub3A_719 = arith.subf %gather3A_718, %gather3A_125 : vector<16xf32>
      %div3A_720 = arith.constant 2.000000e-01 : f32
      %div3A_721 = vector.broadcast %div3A_720 : f32 to vector<16xf32>
      %div3A_722 = arith.divf %sub3A_719, %div3A_721 : vector<16xf32>
      %mul3A_723 = arith.constant 4 : i32
      %mul3A_724 = vector.broadcast %mul3A_723 : i32 to vector<16xi32>
      %mul3A_725 = arith.muli %add3A_704, %mul3A_724 : vector<16xi32>
      tpu.vector_store_idx %arg18[%mul3A_725], %div3A_712 : memref<16384xf32, #tpu.memory_space<vmem>>[vector<16xi32>], vector<16xf32>,
      %add3A_726 = arith.constant 1 : i32
      %add3A_727 = vector.broadcast %add3A_726 : i32 to vector<16xi32>
      %add3A_728 = arith.addi %mul3A_725, %add3A_727 : vector<16xi32>
      tpu.vector_store_idx %arg18[%add3A_728], %div3A_717 : memref<16384xf32, #tpu.memory_space<vmem>>[vector<16xi32>], vector<16xf32>,
      %add3A_729 = arith.constant 2 : i32
      %add3A_730 = vector.broadcast %add3A_729 : i32 to vector<16xi32>
      %add3A_731 = arith.addi %mul3A_725, %add3A_730 : vector<16xi32>
      tpu.vector_store_idx %arg18[%add3A_731], %div3A_722 : memref<16384xf32, #tpu.memory_space<vmem>>[vector<16xi32>], vector<16xf32>,
      %add3A_732 = arith.constant 3 : i32
      %add3A_733 = vector.broadcast %add3A_732 : i32 to vector<16xi32>
      %add3A_734 = arith.addi %mul3A_725, %add3A_733 : vector<16xi32>
      tpu.vector_store_idx %arg18[%add3A_734], %broadcast_in_dim3A_33 : memref<16384xf32, #tpu.memory_space<vmem>>[vector<16xi32>], vector<16xf32>,
      %gather3A_735 = tpu.vector_load_idx %arg10[%select_n3A_696] : memref<4096xf32, #tpu.memory_space<vmem>>[vector<16xi32>], vector<16xf32>,
      %sub3A_736 = arith.subf %gather3A_735, %gather3A_117 : vector<16xf32>
      %div3A_737 = arith.constant 2.000000e-01 : f32
      %div3A_738 = vector.broadcast %div3A_737 : f32 to vector<16xf32>
      %div3A_739 = arith.divf %sub3A_736, %div3A_738 : vector<16xf32>
      %gather3A_740 = tpu.vector_load_idx %arg11[%select_n3A_696] : memref<4096xf32, #tpu.memory_space<vmem>>[vector<16xi32>], vector<16xf32>,
      %sub3A_741 = arith.subf %gather3A_740, %gather3A_121 : vector<16xf32>
      %div3A_742 = arith.constant 2.000000e-01 : f32
      %div3A_743 = vector.broadcast %div3A_742 : f32 to vector<16xf32>
      %div3A_744 = arith.divf %sub3A_741, %div3A_743 : vector<16xf32>
      %gather3A_745 = tpu.vector_load_idx %arg12[%select_n3A_696] : memref<4096xf32, #tpu.memory_space<vmem>>[vector<16xi32>], vector<16xf32>,
      %sub3A_746 = arith.subf %gather3A_745, %gather3A_125 : vector<16xf32>
      %div3A_747 = arith.constant 2.000000e-01 : f32
      %div3A_748 = vector.broadcast %div3A_747 : f32 to vector<16xf32>
      %div3A_749 = arith.divf %sub3A_746, %div3A_748 : vector<16xf32>
      %mul3A_750 = arith.constant 4 : i32
      %mul3A_751 = vector.broadcast %mul3A_750 : i32 to vector<16xi32>
      %mul3A_752 = arith.muli %add3A_707, %mul3A_751 : vector<16xi32>
      tpu.vector_store_idx %arg18[%mul3A_752], %div3A_739 : memref<16384xf32, #tpu.memory_space<vmem>>[vector<16xi32>], vector<16xf32>,
      %add3A_753 = arith.constant 1 : i32
      %add3A_754 = vector.broadcast %add3A_753 : i32 to vector<16xi32>
      %add3A_755 = arith.addi %mul3A_752, %add3A_754 : vector<16xi32>
      tpu.vector_store_idx %arg18[%add3A_755], %div3A_744 : memref<16384xf32, #tpu.memory_space<vmem>>[vector<16xi32>], vector<16xf32>,
      %add3A_756 = arith.constant 2 : i32
      %add3A_757 = vector.broadcast %add3A_756 : i32 to vector<16xi32>
      %add3A_758 = arith.addi %mul3A_752, %add3A_757 : vector<16xi32>
      tpu.vector_store_idx %arg18[%add3A_758], %div3A_749 : memref<16384xf32, #tpu.memory_space<vmem>>[vector<16xi32>], vector<16xf32>,
      %add3A_759 = arith.constant 3 : i32
      %add3A_760 = vector.broadcast %add3A_759 : i32 to vector<16xi32>
      %add3A_761 = arith.addi %mul3A_752, %add3A_760 : vector<16xi32>
      tpu.vector_store_idx %arg18[%add3A_761], %broadcast_in_dim3A_33 : memref<16384xf32, #tpu.memory_space<vmem>>[vector<16xi32>], vector<16xf32>,
      %add3A_762 = vector.broadcast %mul3A_35 : i32 to vector<16xi32>
      %add3A_763 = arith.addi %select_n3A_688, %add3A_762 : vector<16xi32>
      %mul3A_764 = arith.constant 32 : i32
      %mul3A_765 = arith.muli %add3A_700, %mul3A_764 : i32
      %swap3A_766 = arith.index_cast %mul3A_765 : i32 to index
      %swap3A_767 = tpu.vector_load %arg17[%swap3A_766] {strides = array<i32>} : memref<4096xi32, #tpu.memory_space<vmem>>, vector<16xi32>,
      tpu.vector_store %arg17[%swap3A_766], %add3A_763 {strides = array<i32>} : memref<4096xi32, #tpu.memory_space<vmem>>, vector<16xi32>,
      %add3A_768 = vector.broadcast %mul3A_35 : i32 to vector<16xi32>
      %add3A_769 = arith.addi %select_n3A_696, %add3A_768 : vector<16xi32>
      %mul3A_770 = arith.constant 32 : i32
      %mul3A_771 = arith.muli %add3A_700, %mul3A_770 : i32
      %add3A_772 = arith.constant 16 : i32
      %add3A_773 = arith.addi %mul3A_771, %add3A_772 : i32
      %swap3A_774 = arith.index_cast %add3A_773 : i32 to index
      %swap3A_775 = tpu.vector_load %arg17[%swap3A_774] {strides = array<i32>} : memref<4096xi32, #tpu.memory_space<vmem>>, vector<16xi32>,
      tpu.vector_store %arg17[%swap3A_774], %add3A_769 {strides = array<i32>} : memref<4096xi32, #tpu.memory_space<vmem>>, vector<16xi32>,
      %reduce_max3A_776 = arith.constant true
      %reduce_max3A_777 = vector.broadcast %reduce_max3A_776 : i1 to vector<16xi1>
      %reduce_max3A_778 = arith.constant -2147483648 : i32
      %reduce_max3A_779 = vector.broadcast %reduce_max3A_778 : i32 to vector<16xi32>
      %reduce_max3A_780 = arith.xori %while3A_150#7, %reduce_max3A_779 : vector<16xi32>
      %reduce_max3A_781 = tpu.scan <max>, %reduce_max3A_780 masked %reduce_max3A_777 : vector<16xi32>, vector<16xi1> -> vector<16xi32>
      %reduce_max3A_782 = arith.xori %reduce_max3A_781, %reduce_max3A_779 : vector<16xi32>
      %reduce_max3A_783 = vector.extract %reduce_max3A_782[15] : i32 from vector<16xi32>
      %min3A_784 = arith.constant 32 : i32
      %min3A_785 = arith.minsi %reduce_max3A_783, %min3A_784 : i32
      %broadcast_in_dim3A_786 = arith.constant 384 : i32
      %broadcast_in_dim3A_787 = vector.broadcast %broadcast_in_dim3A_786 : i32 to vector<16xi32>
      %gather3A_788 = tpu.vector_load_idx %arg16[%broadcast_in_dim3A_787] : memref<512xi32, #tpu.memory_space<vmem>>[vector<16xi32>], vector<16xi32>,
      %lt3A_789 = vector.broadcast %min3A_785 : i32 to vector<16xi32>
      %lt3A_790 = arith.cmpi slt, %iota3A, %lt3A_789 : vector<16xi32>
      %get3A_791 = arith.constant 384 : index
      %get3A_792 = tpu.vector_load %arg16[%get3A_791] {strides = array<i32>} : memref<512xi32, #tpu.memory_space<vmem>>, vector<16xi32>,
      %select_n3A_793 = arith.select %lt3A_790, %get3A_792, %gather3A_788 : vector<16xi1>, vector<16xi32>
      %add3A_794 = arith.constant 16 : i32
      %add3A_795 = vector.broadcast %add3A_794 : i32 to vector<16xi32>
      %add3A_796 = arith.addi %iota3A, %add3A_795 : vector<16xi32>
      %lt3A_797 = vector.broadcast %min3A_785 : i32 to vector<16xi32>
      %lt3A_798 = arith.cmpi slt, %add3A_796, %lt3A_797 : vector<16xi32>
      %get3A_799 = arith.constant 400 : index
      %get3A_800 = tpu.vector_load %arg16[%get3A_799] {strides = array<i32>} : memref<512xi32, #tpu.memory_space<vmem>>, vector<16xi32>,
      %select_n3A_801 = arith.select %lt3A_798, %get3A_800, %gather3A_788 : vector<16xi1>, vector<16xi32>
      %mul3A_802 = arith.constant 8 : i32
      %mul3A_803 = arith.muli %mul3A_802, %scan3A_50 : i32
      %add3A_804 = arith.constant 6 : i32
      %add3A_805 = arith.addi %mul3A_803, %add3A_804 : i32
      %mul3A_806 = arith.constant 32 : i32
      %mul3A_807 = arith.muli %add3A_805, %mul3A_806 : i32
      %add3A_808 = vector.broadcast %mul3A_807 : i32 to vector<16xi32>
      %add3A_809 = arith.addi %add3A_808, %iota3A : vector<16xi32>
      %add3A_810 = arith.constant 16 : i32
      %add3A_811 = vector.broadcast %add3A_810 : i32 to vector<16xi32>
      %add3A_812 = arith.addi %add3A_809, %add3A_811 : vector<16xi32>
      %gather3A_813 = tpu.vector_load_idx %arg10[%select_n3A_793] : memref<4096xf32, #tpu.memory_space<vmem>>[vector<16xi32>], vector<16xf32>,
      %sub3A_814 = arith.subf %gather3A_813, %gather3A_129 : vector<16xf32>
      %div3A_815 = arith.constant 2.000000e-01 : f32
      %div3A_816 = vector.broadcast %div3A_815 : f32 to vector<16xf32>
      %div3A_817 = arith.divf %sub3A_814, %div3A_816 : vector<16xf32>
      %gather3A_818 = tpu.vector_load_idx %arg11[%select_n3A_793] : memref<4096xf32, #tpu.memory_space<vmem>>[vector<16xi32>], vector<16xf32>,
      %sub3A_819 = arith.subf %gather3A_818, %gather3A_133 : vector<16xf32>
      %div3A_820 = arith.constant 2.000000e-01 : f32
      %div3A_821 = vector.broadcast %div3A_820 : f32 to vector<16xf32>
      %div3A_822 = arith.divf %sub3A_819, %div3A_821 : vector<16xf32>
      %gather3A_823 = tpu.vector_load_idx %arg12[%select_n3A_793] : memref<4096xf32, #tpu.memory_space<vmem>>[vector<16xi32>], vector<16xf32>,
      %sub3A_824 = arith.subf %gather3A_823, %gather3A_137 : vector<16xf32>
      %div3A_825 = arith.constant 2.000000e-01 : f32
      %div3A_826 = vector.broadcast %div3A_825 : f32 to vector<16xf32>
      %div3A_827 = arith.divf %sub3A_824, %div3A_826 : vector<16xf32>
      %mul3A_828 = arith.constant 4 : i32
      %mul3A_829 = vector.broadcast %mul3A_828 : i32 to vector<16xi32>
      %mul3A_830 = arith.muli %add3A_809, %mul3A_829 : vector<16xi32>
      tpu.vector_store_idx %arg18[%mul3A_830], %div3A_817 : memref<16384xf32, #tpu.memory_space<vmem>>[vector<16xi32>], vector<16xf32>,
      %add3A_831 = arith.constant 1 : i32
      %add3A_832 = vector.broadcast %add3A_831 : i32 to vector<16xi32>
      %add3A_833 = arith.addi %mul3A_830, %add3A_832 : vector<16xi32>
      tpu.vector_store_idx %arg18[%add3A_833], %div3A_822 : memref<16384xf32, #tpu.memory_space<vmem>>[vector<16xi32>], vector<16xf32>,
      %add3A_834 = arith.constant 2 : i32
      %add3A_835 = vector.broadcast %add3A_834 : i32 to vector<16xi32>
      %add3A_836 = arith.addi %mul3A_830, %add3A_835 : vector<16xi32>
      tpu.vector_store_idx %arg18[%add3A_836], %div3A_827 : memref<16384xf32, #tpu.memory_space<vmem>>[vector<16xi32>], vector<16xf32>,
      %add3A_837 = arith.constant 3 : i32
      %add3A_838 = vector.broadcast %add3A_837 : i32 to vector<16xi32>
      %add3A_839 = arith.addi %mul3A_830, %add3A_838 : vector<16xi32>
      tpu.vector_store_idx %arg18[%add3A_839], %broadcast_in_dim3A_33 : memref<16384xf32, #tpu.memory_space<vmem>>[vector<16xi32>], vector<16xf32>,
      %gather3A_840 = tpu.vector_load_idx %arg10[%select_n3A_801] : memref<4096xf32, #tpu.memory_space<vmem>>[vector<16xi32>], vector<16xf32>,
      %sub3A_841 = arith.subf %gather3A_840, %gather3A_129 : vector<16xf32>
      %div3A_842 = arith.constant 2.000000e-01 : f32
      %div3A_843 = vector.broadcast %div3A_842 : f32 to vector<16xf32>
      %div3A_844 = arith.divf %sub3A_841, %div3A_843 : vector<16xf32>
      %gather3A_845 = tpu.vector_load_idx %arg11[%select_n3A_801] : memref<4096xf32, #tpu.memory_space<vmem>>[vector<16xi32>], vector<16xf32>,
      %sub3A_846 = arith.subf %gather3A_845, %gather3A_133 : vector<16xf32>
      %div3A_847 = arith.constant 2.000000e-01 : f32
      %div3A_848 = vector.broadcast %div3A_847 : f32 to vector<16xf32>
      %div3A_849 = arith.divf %sub3A_846, %div3A_848 : vector<16xf32>
      %gather3A_850 = tpu.vector_load_idx %arg12[%select_n3A_801] : memref<4096xf32, #tpu.memory_space<vmem>>[vector<16xi32>], vector<16xf32>,
      %sub3A_851 = arith.subf %gather3A_850, %gather3A_137 : vector<16xf32>
      %div3A_852 = arith.constant 2.000000e-01 : f32
      %div3A_853 = vector.broadcast %div3A_852 : f32 to vector<16xf32>
      %div3A_854 = arith.divf %sub3A_851, %div3A_853 : vector<16xf32>
      %mul3A_855 = arith.constant 4 : i32
      %mul3A_856 = vector.broadcast %mul3A_855 : i32 to vector<16xi32>
      %mul3A_857 = arith.muli %add3A_812, %mul3A_856 : vector<16xi32>
      tpu.vector_store_idx %arg18[%mul3A_857], %div3A_844 : memref<16384xf32, #tpu.memory_space<vmem>>[vector<16xi32>], vector<16xf32>,
      %add3A_858 = arith.constant 1 : i32
      %add3A_859 = vector.broadcast %add3A_858 : i32 to vector<16xi32>
      %add3A_860 = arith.addi %mul3A_857, %add3A_859 : vector<16xi32>
      tpu.vector_store_idx %arg18[%add3A_860], %div3A_849 : memref<16384xf32, #tpu.memory_space<vmem>>[vector<16xi32>], vector<16xf32>,
      %add3A_861 = arith.constant 2 : i32
      %add3A_862 = vector.broadcast %add3A_861 : i32 to vector<16xi32>
      %add3A_863 = arith.addi %mul3A_857, %add3A_862 : vector<16xi32>
      tpu.vector_store_idx %arg18[%add3A_863], %div3A_854 : memref<16384xf32, #tpu.memory_space<vmem>>[vector<16xi32>], vector<16xf32>,
      %add3A_864 = arith.constant 3 : i32
      %add3A_865 = vector.broadcast %add3A_864 : i32 to vector<16xi32>
      %add3A_866 = arith.addi %mul3A_857, %add3A_865 : vector<16xi32>
      tpu.vector_store_idx %arg18[%add3A_866], %broadcast_in_dim3A_33 : memref<16384xf32, #tpu.memory_space<vmem>>[vector<16xi32>], vector<16xf32>,
      %add3A_867 = vector.broadcast %mul3A_35 : i32 to vector<16xi32>
      %add3A_868 = arith.addi %select_n3A_793, %add3A_867 : vector<16xi32>
      %mul3A_869 = arith.constant 32 : i32
      %mul3A_870 = arith.muli %add3A_805, %mul3A_869 : i32
      %swap3A_871 = arith.index_cast %mul3A_870 : i32 to index
      %swap3A_872 = tpu.vector_load %arg17[%swap3A_871] {strides = array<i32>} : memref<4096xi32, #tpu.memory_space<vmem>>, vector<16xi32>,
      tpu.vector_store %arg17[%swap3A_871], %add3A_868 {strides = array<i32>} : memref<4096xi32, #tpu.memory_space<vmem>>, vector<16xi32>,
      %add3A_873 = vector.broadcast %mul3A_35 : i32 to vector<16xi32>
      %add3A_874 = arith.addi %select_n3A_801, %add3A_873 : vector<16xi32>
      %mul3A_875 = arith.constant 32 : i32
      %mul3A_876 = arith.muli %add3A_805, %mul3A_875 : i32
      %add3A_877 = arith.constant 16 : i32
      %add3A_878 = arith.addi %mul3A_876, %add3A_877 : i32
      %swap3A_879 = arith.index_cast %add3A_878 : i32 to index
      %swap3A_880 = tpu.vector_load %arg17[%swap3A_879] {strides = array<i32>} : memref<4096xi32, #tpu.memory_space<vmem>>, vector<16xi32>,
      tpu.vector_store %arg17[%swap3A_879], %add3A_874 {strides = array<i32>} : memref<4096xi32, #tpu.memory_space<vmem>>, vector<16xi32>,
      %reduce_max3A_881 = arith.constant true
      %reduce_max3A_882 = vector.broadcast %reduce_max3A_881 : i1 to vector<16xi1>
      %reduce_max3A_883 = arith.constant -2147483648 : i32
      %reduce_max3A_884 = vector.broadcast %reduce_max3A_883 : i32 to vector<16xi32>
      %reduce_max3A_885 = arith.xori %while3A_150#8, %reduce_max3A_884 : vector<16xi32>
      %reduce_max3A_886 = tpu.scan <max>, %reduce_max3A_885 masked %reduce_max3A_882 : vector<16xi32>, vector<16xi1> -> vector<16xi32>
      %reduce_max3A_887 = arith.xori %reduce_max3A_886, %reduce_max3A_884 : vector<16xi32>
      %reduce_max3A_888 = vector.extract %reduce_max3A_887[15] : i32 from vector<16xi32>
      %min3A_889 = arith.constant 32 : i32
      %min3A_890 = arith.minsi %reduce_max3A_888, %min3A_889 : i32
      %broadcast_in_dim3A_891 = arith.constant 448 : i32
      %broadcast_in_dim3A_892 = vector.broadcast %broadcast_in_dim3A_891 : i32 to vector<16xi32>
      %gather3A_893 = tpu.vector_load_idx %arg16[%broadcast_in_dim3A_892] : memref<512xi32, #tpu.memory_space<vmem>>[vector<16xi32>], vector<16xi32>,
      %lt3A_894 = vector.broadcast %min3A_890 : i32 to vector<16xi32>
      %lt3A_895 = arith.cmpi slt, %iota3A, %lt3A_894 : vector<16xi32>
      %get3A_896 = arith.constant 448 : index
      %get3A_897 = tpu.vector_load %arg16[%get3A_896] {strides = array<i32>} : memref<512xi32, #tpu.memory_space<vmem>>, vector<16xi32>,
      %select_n3A_898 = arith.select %lt3A_895, %get3A_897, %gather3A_893 : vector<16xi1>, vector<16xi32>
      %add3A_899 = arith.constant 16 : i32
      %add3A_900 = vector.broadcast %add3A_899 : i32 to vector<16xi32>
      %add3A_901 = arith.addi %iota3A, %add3A_900 : vector<16xi32>
      %lt3A_902 = vector.broadcast %min3A_890 : i32 to vector<16xi32>
      %lt3A_903 = arith.cmpi slt, %add3A_901, %lt3A_902 : vector<16xi32>
      %get3A_904 = arith.constant 464 : index
      %get3A_905 = tpu.vector_load %arg16[%get3A_904] {strides = array<i32>} : memref<512xi32, #tpu.memory_space<vmem>>, vector<16xi32>,
      %select_n3A_906 = arith.select %lt3A_903, %get3A_905, %gather3A_893 : vector<16xi1>, vector<16xi32>
      %mul3A_907 = arith.constant 8 : i32
      %mul3A_908 = arith.muli %mul3A_907, %scan3A_50 : i32
      %add3A_909 = arith.constant 7 : i32
      %add3A_910 = arith.addi %mul3A_908, %add3A_909 : i32
      %mul3A_911 = arith.constant 32 : i32
      %mul3A_912 = arith.muli %add3A_910, %mul3A_911 : i32
      %add3A_913 = vector.broadcast %mul3A_912 : i32 to vector<16xi32>
      %add3A_914 = arith.addi %add3A_913, %iota3A : vector<16xi32>
      %add3A_915 = arith.constant 16 : i32
      %add3A_916 = vector.broadcast %add3A_915 : i32 to vector<16xi32>
      %add3A_917 = arith.addi %add3A_914, %add3A_916 : vector<16xi32>
      %gather3A_918 = tpu.vector_load_idx %arg10[%select_n3A_898] : memref<4096xf32, #tpu.memory_space<vmem>>[vector<16xi32>], vector<16xf32>,
      %sub3A_919 = arith.subf %gather3A_918, %gather3A_141 : vector<16xf32>
      %div3A_920 = arith.constant 2.000000e-01 : f32
      %div3A_921 = vector.broadcast %div3A_920 : f32 to vector<16xf32>
      %div3A_922 = arith.divf %sub3A_919, %div3A_921 : vector<16xf32>
      %gather3A_923 = tpu.vector_load_idx %arg11[%select_n3A_898] : memref<4096xf32, #tpu.memory_space<vmem>>[vector<16xi32>], vector<16xf32>,
      %sub3A_924 = arith.subf %gather3A_923, %gather3A_145 : vector<16xf32>
      %div3A_925 = arith.constant 2.000000e-01 : f32
      %div3A_926 = vector.broadcast %div3A_925 : f32 to vector<16xf32>
      %div3A_927 = arith.divf %sub3A_924, %div3A_926 : vector<16xf32>
      %gather3A_928 = tpu.vector_load_idx %arg12[%select_n3A_898] : memref<4096xf32, #tpu.memory_space<vmem>>[vector<16xi32>], vector<16xf32>,
      %sub3A_929 = arith.subf %gather3A_928, %gather3A_149 : vector<16xf32>
      %div3A_930 = arith.constant 2.000000e-01 : f32
      %div3A_931 = vector.broadcast %div3A_930 : f32 to vector<16xf32>
      %div3A_932 = arith.divf %sub3A_929, %div3A_931 : vector<16xf32>
      %mul3A_933 = arith.constant 4 : i32
      %mul3A_934 = vector.broadcast %mul3A_933 : i32 to vector<16xi32>
      %mul3A_935 = arith.muli %add3A_914, %mul3A_934 : vector<16xi32>
      tpu.vector_store_idx %arg18[%mul3A_935], %div3A_922 : memref<16384xf32, #tpu.memory_space<vmem>>[vector<16xi32>], vector<16xf32>,
      %add3A_936 = arith.constant 1 : i32
      %add3A_937 = vector.broadcast %add3A_936 : i32 to vector<16xi32>
      %add3A_938 = arith.addi %mul3A_935, %add3A_937 : vector<16xi32>
      tpu.vector_store_idx %arg18[%add3A_938], %div3A_927 : memref<16384xf32, #tpu.memory_space<vmem>>[vector<16xi32>], vector<16xf32>,
      %add3A_939 = arith.constant 2 : i32
      %add3A_940 = vector.broadcast %add3A_939 : i32 to vector<16xi32>
      %add3A_941 = arith.addi %mul3A_935, %add3A_940 : vector<16xi32>
      tpu.vector_store_idx %arg18[%add3A_941], %div3A_932 : memref<16384xf32, #tpu.memory_space<vmem>>[vector<16xi32>], vector<16xf32>,
      %add3A_942 = arith.constant 3 : i32
      %add3A_943 = vector.broadcast %add3A_942 : i32 to vector<16xi32>
      %add3A_944 = arith.addi %mul3A_935, %add3A_943 : vector<16xi32>
      tpu.vector_store_idx %arg18[%add3A_944], %broadcast_in_dim3A_33 : memref<16384xf32, #tpu.memory_space<vmem>>[vector<16xi32>], vector<16xf32>,
      %gather3A_945 = tpu.vector_load_idx %arg10[%select_n3A_906] : memref<4096xf32, #tpu.memory_space<vmem>>[vector<16xi32>], vector<16xf32>,
      %sub3A_946 = arith.subf %gather3A_945, %gather3A_141 : vector<16xf32>
      %div3A_947 = arith.constant 2.000000e-01 : f32
      %div3A_948 = vector.broadcast %div3A_947 : f32 to vector<16xf32>
      %div3A_949 = arith.divf %sub3A_946, %div3A_948 : vector<16xf32>
      %gather3A_950 = tpu.vector_load_idx %arg11[%select_n3A_906] : memref<4096xf32, #tpu.memory_space<vmem>>[vector<16xi32>], vector<16xf32>,
      %sub3A_951 = arith.subf %gather3A_950, %gather3A_145 : vector<16xf32>
      %div3A_952 = arith.constant 2.000000e-01 : f32
      %div3A_953 = vector.broadcast %div3A_952 : f32 to vector<16xf32>
      %div3A_954 = arith.divf %sub3A_951, %div3A_953 : vector<16xf32>
      %gather3A_955 = tpu.vector_load_idx %arg12[%select_n3A_906] : memref<4096xf32, #tpu.memory_space<vmem>>[vector<16xi32>], vector<16xf32>,
      %sub3A_956 = arith.subf %gather3A_955, %gather3A_149 : vector<16xf32>
      %div3A_957 = arith.constant 2.000000e-01 : f32
      %div3A_958 = vector.broadcast %div3A_957 : f32 to vector<16xf32>
      %div3A_959 = arith.divf %sub3A_956, %div3A_958 : vector<16xf32>
      %mul3A_960 = arith.constant 4 : i32
      %mul3A_961 = vector.broadcast %mul3A_960 : i32 to vector<16xi32>
      %mul3A_962 = arith.muli %add3A_917, %mul3A_961 : vector<16xi32>
      tpu.vector_store_idx %arg18[%mul3A_962], %div3A_949 : memref<16384xf32, #tpu.memory_space<vmem>>[vector<16xi32>], vector<16xf32>,
      %add3A_963 = arith.constant 1 : i32
      %add3A_964 = vector.broadcast %add3A_963 : i32 to vector<16xi32>
      %add3A_965 = arith.addi %mul3A_962, %add3A_964 : vector<16xi32>
      tpu.vector_store_idx %arg18[%add3A_965], %div3A_954 : memref<16384xf32, #tpu.memory_space<vmem>>[vector<16xi32>], vector<16xf32>,
      %add3A_966 = arith.constant 2 : i32
      %add3A_967 = vector.broadcast %add3A_966 : i32 to vector<16xi32>
      %add3A_968 = arith.addi %mul3A_962, %add3A_967 : vector<16xi32>
      tpu.vector_store_idx %arg18[%add3A_968], %div3A_959 : memref<16384xf32, #tpu.memory_space<vmem>>[vector<16xi32>], vector<16xf32>,
      %add3A_969 = arith.constant 3 : i32
      %add3A_970 = vector.broadcast %add3A_969 : i32 to vector<16xi32>
      %add3A_971 = arith.addi %mul3A_962, %add3A_970 : vector<16xi32>
      tpu.vector_store_idx %arg18[%add3A_971], %broadcast_in_dim3A_33 : memref<16384xf32, #tpu.memory_space<vmem>>[vector<16xi32>], vector<16xf32>,
      %add3A_972 = vector.broadcast %mul3A_35 : i32 to vector<16xi32>
      %add3A_973 = arith.addi %select_n3A_898, %add3A_972 : vector<16xi32>
      %mul3A_974 = arith.constant 32 : i32
      %mul3A_975 = arith.muli %add3A_910, %mul3A_974 : i32
      %swap3A_976 = arith.index_cast %mul3A_975 : i32 to index
      %swap3A_977 = tpu.vector_load %arg17[%swap3A_976] {strides = array<i32>} : memref<4096xi32, #tpu.memory_space<vmem>>, vector<16xi32>,
      tpu.vector_store %arg17[%swap3A_976], %add3A_973 {strides = array<i32>} : memref<4096xi32, #tpu.memory_space<vmem>>, vector<16xi32>,
      %add3A_978 = vector.broadcast %mul3A_35 : i32 to vector<16xi32>
      %add3A_979 = arith.addi %select_n3A_906, %add3A_978 : vector<16xi32>
      %mul3A_980 = arith.constant 32 : i32
      %mul3A_981 = arith.muli %add3A_910, %mul3A_980 : i32
      %add3A_982 = arith.constant 16 : i32
      %add3A_983 = arith.addi %mul3A_981, %add3A_982 : i32
      %swap3A_984 = arith.index_cast %add3A_983 : i32 to index
      %swap3A_985 = tpu.vector_load %arg17[%swap3A_984] {strides = array<i32>} : memref<4096xi32, #tpu.memory_space<vmem>>, vector<16xi32>,
      tpu.vector_store %arg17[%swap3A_984], %add3A_979 {strides = array<i32>} : memref<4096xi32, #tpu.memory_space<vmem>>, vector<16xi32>,
      %scan3A_986 = arith.constant 0 : i32
      scf.yield %scan3A_986 : i32
    }
    %scan3A_43 = arith.constant 16 : i32
    %mul3A_44 = arith.constant 32 : i32
    %mul3A_45 = arith.muli %mul3A_2, %mul3A_44 : i32
    "tpu.region"() ({
      %run_scoped3A = tpu.sem_alloc : memref<!tpu.dma_semaphore, #tpu.memory_space<semaphore_mem>>
      %dma_start3A = tpu.memref_slice %arg8[%mul3A_45] : memref<131072xi32, #tpu.memory_space<hbm>> -> memref<4096xi32, #tpu.memory_space<hbm>>
      %dma_start3A_50 = tpu.memref_slice %arg8[%mul3A_45] : memref<131072xi32, #tpu.memory_space<hbm>> -> memref<4096xi32, #tpu.memory_space<hbm>>
      tpu.enqueue_dma source(%arg17 : memref<4096xi32, #tpu.memory_space<vmem>>) target(%dma_start3A_50 : memref<4096xi32, #tpu.memory_space<hbm>>) target_semaphore(%run_scoped3A : memref<!tpu.dma_semaphore, #tpu.memory_space<semaphore_mem>>)
      %dma_wait3A = tpu.memref_slice %arg8[%mul3A_45] : memref<131072xi32, #tpu.memory_space<hbm>> -> memref<4096xi32, #tpu.memory_space<hbm>>
      %dma_wait3A_51 = tpu.memref_slice %arg8[%mul3A_45] : memref<131072xi32, #tpu.memory_space<hbm>> -> memref<4096xi32, #tpu.memory_space<hbm>>
      tpu.wait_dma2 semaphore(%run_scoped3A : memref<!tpu.dma_semaphore, #tpu.memory_space<semaphore_mem>>) src(%arg17 : memref<4096xi32, #tpu.memory_space<vmem>>) dst(%dma_wait3A_51 : memref<4096xi32, #tpu.memory_space<hbm>>)
      tpu.yield
    }) : () -> ()
    %mul3A_46 = arith.constant 32 : i32
    %mul3A_47 = arith.muli %mul3A_2, %mul3A_46 : i32
    %mul3A_48 = arith.constant 4 : i32
    %mul3A_49 = arith.muli %mul3A_47, %mul3A_48 : i32
    "tpu.region"() ({
      %run_scoped3A = tpu.sem_alloc : memref<!tpu.dma_semaphore, #tpu.memory_space<semaphore_mem>>
      %dma_start3A = tpu.memref_slice %arg9[%mul3A_49] : memref<524288xf32, #tpu.memory_space<hbm>> -> memref<16384xf32, #tpu.memory_space<hbm>>
      %dma_start3A_50 = tpu.memref_slice %arg9[%mul3A_49] : memref<524288xf32, #tpu.memory_space<hbm>> -> memref<16384xf32, #tpu.memory_space<hbm>>
      tpu.enqueue_dma source(%arg18 : memref<16384xf32, #tpu.memory_space<vmem>>) target(%dma_start3A_50 : memref<16384xf32, #tpu.memory_space<hbm>>) target_semaphore(%run_scoped3A : memref<!tpu.dma_semaphore, #tpu.memory_space<semaphore_mem>>)
      %dma_wait3A = tpu.memref_slice %arg9[%mul3A_49] : memref<524288xf32, #tpu.memory_space<hbm>> -> memref<16384xf32, #tpu.memory_space<hbm>>
      %dma_wait3A_51 = tpu.memref_slice %arg9[%mul3A_49] : memref<524288xf32, #tpu.memory_space<hbm>> -> memref<16384xf32, #tpu.memory_space<hbm>>
      tpu.wait_dma2 semaphore(%run_scoped3A : memref<!tpu.dma_semaphore, #tpu.memory_space<semaphore_mem>>) src(%arg18 : memref<16384xf32, #tpu.memory_space<vmem>>) dst(%dma_wait3A_51 : memref<16384xf32, #tpu.memory_space<hbm>>)
      tpu.yield
    }) : () -> ()
    return
  }
}

module attributes {stable_mosaic.version = 14 : i64} {
  func.func @_fps_body(%arg0: memref<4x8x512xf32, #tpu.memory_space<vmem>>, %arg1: memref<4x8x512xf32, #tpu.memory_space<vmem>>, %arg2: memref<4x8x512xf32, #tpu.memory_space<vmem>>, %arg3: memref<4x3x8x512xf32, #tpu.memory_space<vmem>>, %arg4: memref<4x8x128xf32, #tpu.memory_space<vmem>>, %arg5: memref<4x8x128xf32, #tpu.memory_space<vmem>>, %arg6: memref<4x8x128xf32, #tpu.memory_space<vmem>>) attributes {dimension_semantics = [], scalar_prefetch = 0 : i64, scratch_operands = 0 : i64, tpu.core_type = #tpu.core_type<tc>} {
    %iota3A = tpu.iota {dimensions = array<i32: 0>} : vector<8x512xi32>
    %mul3A = arith.constant 512 : i32
    %mul3A_0 = vector.broadcast %mul3A : i32 to vector<8x512xi32>
    %mul3A_1 = arith.muli %iota3A, %mul3A_0 : vector<8x512xi32>
    %iota3A_2 = tpu.iota {dimensions = array<i32: 1>} : vector<8x512xi32>
    %add3A = arith.addi %mul3A_1, %iota3A_2 : vector<8x512xi32>
    %iota3A_3 = tpu.iota {dimensions = array<i32: 0>} : vector<8x128xi32>
    %iota3A_4 = tpu.iota {dimensions = array<i32: 1>} : vector<8x128xi32>
    %get3A = arith.constant 0 : index
    %get3A_5 = arith.constant 0 : index
    %get3A_6 = arith.constant 0 : index
    %get3A_7 = vector.load %arg0[%get3A, %get3A_5, %get3A_6] : memref<4x8x512xf32, #tpu.memory_space<vmem>>, vector<1x8x512xf32>
    %get3A_8 = vector.shape_cast %get3A_7 : vector<1x8x512xf32> to vector<8x512xf32>
    %get3A_9 = arith.constant 1 : index
    %get3A_10 = arith.constant 0 : index
    %get3A_11 = arith.constant 0 : index
    %get3A_12 = vector.load %arg0[%get3A_9, %get3A_10, %get3A_11] : memref<4x8x512xf32, #tpu.memory_space<vmem>>, vector<1x8x512xf32>
    %get3A_13 = vector.shape_cast %get3A_12 : vector<1x8x512xf32> to vector<8x512xf32>
    %get3A_14 = arith.constant 2 : index
    %get3A_15 = arith.constant 0 : index
    %get3A_16 = arith.constant 0 : index
    %get3A_17 = vector.load %arg0[%get3A_14, %get3A_15, %get3A_16] : memref<4x8x512xf32, #tpu.memory_space<vmem>>, vector<1x8x512xf32>
    %get3A_18 = vector.shape_cast %get3A_17 : vector<1x8x512xf32> to vector<8x512xf32>
    %get3A_19 = arith.constant 3 : index
    %get3A_20 = arith.constant 0 : index
    %get3A_21 = arith.constant 0 : index
    %get3A_22 = vector.load %arg0[%get3A_19, %get3A_20, %get3A_21] : memref<4x8x512xf32, #tpu.memory_space<vmem>>, vector<1x8x512xf32>
    %get3A_23 = vector.shape_cast %get3A_22 : vector<1x8x512xf32> to vector<8x512xf32>
    %get3A_24 = arith.constant 0 : index
    %get3A_25 = arith.constant 0 : index
    %get3A_26 = arith.constant 0 : index
    %get3A_27 = vector.load %arg1[%get3A_24, %get3A_25, %get3A_26] : memref<4x8x512xf32, #tpu.memory_space<vmem>>, vector<1x8x512xf32>
    %get3A_28 = vector.shape_cast %get3A_27 : vector<1x8x512xf32> to vector<8x512xf32>
    %get3A_29 = arith.constant 1 : index
    %get3A_30 = arith.constant 0 : index
    %get3A_31 = arith.constant 0 : index
    %get3A_32 = vector.load %arg1[%get3A_29, %get3A_30, %get3A_31] : memref<4x8x512xf32, #tpu.memory_space<vmem>>, vector<1x8x512xf32>
    %get3A_33 = vector.shape_cast %get3A_32 : vector<1x8x512xf32> to vector<8x512xf32>
    %get3A_34 = arith.constant 2 : index
    %get3A_35 = arith.constant 0 : index
    %get3A_36 = arith.constant 0 : index
    %get3A_37 = vector.load %arg1[%get3A_34, %get3A_35, %get3A_36] : memref<4x8x512xf32, #tpu.memory_space<vmem>>, vector<1x8x512xf32>
    %get3A_38 = vector.shape_cast %get3A_37 : vector<1x8x512xf32> to vector<8x512xf32>
    %get3A_39 = arith.constant 3 : index
    %get3A_40 = arith.constant 0 : index
    %get3A_41 = arith.constant 0 : index
    %get3A_42 = vector.load %arg1[%get3A_39, %get3A_40, %get3A_41] : memref<4x8x512xf32, #tpu.memory_space<vmem>>, vector<1x8x512xf32>
    %get3A_43 = vector.shape_cast %get3A_42 : vector<1x8x512xf32> to vector<8x512xf32>
    %get3A_44 = arith.constant 0 : index
    %get3A_45 = arith.constant 0 : index
    %get3A_46 = arith.constant 0 : index
    %get3A_47 = vector.load %arg2[%get3A_44, %get3A_45, %get3A_46] : memref<4x8x512xf32, #tpu.memory_space<vmem>>, vector<1x8x512xf32>
    %get3A_48 = vector.shape_cast %get3A_47 : vector<1x8x512xf32> to vector<8x512xf32>
    %get3A_49 = arith.constant 1 : index
    %get3A_50 = arith.constant 0 : index
    %get3A_51 = arith.constant 0 : index
    %get3A_52 = vector.load %arg2[%get3A_49, %get3A_50, %get3A_51] : memref<4x8x512xf32, #tpu.memory_space<vmem>>, vector<1x8x512xf32>
    %get3A_53 = vector.shape_cast %get3A_52 : vector<1x8x512xf32> to vector<8x512xf32>
    %get3A_54 = arith.constant 2 : index
    %get3A_55 = arith.constant 0 : index
    %get3A_56 = arith.constant 0 : index
    %get3A_57 = vector.load %arg2[%get3A_54, %get3A_55, %get3A_56] : memref<4x8x512xf32, #tpu.memory_space<vmem>>, vector<1x8x512xf32>
    %get3A_58 = vector.shape_cast %get3A_57 : vector<1x8x512xf32> to vector<8x512xf32>
    %get3A_59 = arith.constant 3 : index
    %get3A_60 = arith.constant 0 : index
    %get3A_61 = arith.constant 0 : index
    %get3A_62 = vector.load %arg2[%get3A_59, %get3A_60, %get3A_61] : memref<4x8x512xf32, #tpu.memory_space<vmem>>, vector<1x8x512xf32>
    %get3A_63 = vector.shape_cast %get3A_62 : vector<1x8x512xf32> to vector<8x512xf32>
    %get3A_64 = arith.constant 0 : index
    %get3A_65 = arith.constant 0 : index
    %get3A_66 = arith.constant 0 : index
    %get3A_67 = arith.constant 0 : index
    %get3A_68 = vector.load %arg3[%get3A_64, %get3A_65, %get3A_66, %get3A_67] : memref<4x3x8x512xf32, #tpu.memory_space<vmem>>, vector<1x3x8x512xf32>
    %get3A_69 = vector.shape_cast %get3A_68 : vector<1x3x8x512xf32> to vector<3x8x512xf32>
    %get3A_70 = arith.constant 1 : index
    %get3A_71 = arith.constant 0 : index
    %get3A_72 = arith.constant 0 : index
    %get3A_73 = arith.constant 0 : index
    %get3A_74 = vector.load %arg3[%get3A_70, %get3A_71, %get3A_72, %get3A_73] : memref<4x3x8x512xf32, #tpu.memory_space<vmem>>, vector<1x3x8x512xf32>
    %get3A_75 = vector.shape_cast %get3A_74 : vector<1x3x8x512xf32> to vector<3x8x512xf32>
    %get3A_76 = arith.constant 2 : index
    %get3A_77 = arith.constant 0 : index
    %get3A_78 = arith.constant 0 : index
    %get3A_79 = arith.constant 0 : index
    %get3A_80 = vector.load %arg3[%get3A_76, %get3A_77, %get3A_78, %get3A_79] : memref<4x3x8x512xf32, #tpu.memory_space<vmem>>, vector<1x3x8x512xf32>
    %get3A_81 = vector.shape_cast %get3A_80 : vector<1x3x8x512xf32> to vector<3x8x512xf32>
    %get3A_82 = arith.constant 3 : index
    %get3A_83 = arith.constant 0 : index
    %get3A_84 = arith.constant 0 : index
    %get3A_85 = arith.constant 0 : index
    %get3A_86 = vector.load %arg3[%get3A_82, %get3A_83, %get3A_84, %get3A_85] : memref<4x3x8x512xf32, #tpu.memory_space<vmem>>, vector<1x3x8x512xf32>
    %get3A_87 = vector.shape_cast %get3A_86 : vector<1x3x8x512xf32> to vector<3x8x512xf32>
    %eq3A = arith.constant 0 : i32
    %eq3A_88 = vector.broadcast %eq3A : i32 to vector<8x128xi32>
    %eq3A_89 = arith.cmpi eq, %iota3A_3, %eq3A_88 : vector<8x128xi32>
    %eq3A_90 = arith.constant 0 : i32
    %eq3A_91 = vector.broadcast %eq3A_90 : i32 to vector<8x128xi32>
    %eq3A_92 = arith.cmpi eq, %iota3A_4, %eq3A_91 : vector<8x128xi32>
    %and3A = arith.andi %eq3A_89, %eq3A_92 : vector<8x128xi1>
    %slice3A = vector.extract_strided_slice %get3A_8 {offsets = [0, 0], sizes = [1, 1], strides = [1, 1]} : vector<8x512xf32> to vector<1x1xf32>
    %slice3A_93 = vector.extract_strided_slice %get3A_28 {offsets = [0, 0], sizes = [1, 1], strides = [1, 1]} : vector<8x512xf32> to vector<1x1xf32>
    %slice3A_94 = vector.extract_strided_slice %get3A_48 {offsets = [0, 0], sizes = [1, 1], strides = [1, 1]} : vector<8x512xf32> to vector<1x1xf32>
    %broadcast_in_dim3A = arith.constant 1.000000e+10 : f32
    %broadcast_in_dim3A_95 = vector.broadcast %broadcast_in_dim3A : f32 to vector<8x512xf32>
    %jit3A = arith.constant 0.000000e+00 : f32
    %broadcast_in_dim3A_96 = vector.shape_cast %slice3A : vector<1x1xf32> to vector<1x1xf32>
    %broadcast_in_dim3A_97 = vector.broadcast %broadcast_in_dim3A_96 : vector<1x1xf32> to vector<8x128xf32>
    %broadcast_in_dim3A_98 = vector.broadcast %jit3A : f32 to vector<8x128xf32>
    %select_n3A = arith.select %and3A, %broadcast_in_dim3A_97, %broadcast_in_dim3A_98 : vector<8x128xi1>, vector<8x128xf32>
    %jit3A_99 = arith.constant 0.000000e+00 : f32
    %broadcast_in_dim3A_100 = vector.shape_cast %slice3A_93 : vector<1x1xf32> to vector<1x1xf32>
    %broadcast_in_dim3A_101 = vector.broadcast %broadcast_in_dim3A_100 : vector<1x1xf32> to vector<8x128xf32>
    %broadcast_in_dim3A_102 = vector.broadcast %jit3A_99 : f32 to vector<8x128xf32>
    %select_n3A_103 = arith.select %and3A, %broadcast_in_dim3A_101, %broadcast_in_dim3A_102 : vector<8x128xi1>, vector<8x128xf32>
    %jit3A_104 = arith.constant 0.000000e+00 : f32
    %broadcast_in_dim3A_105 = vector.shape_cast %slice3A_94 : vector<1x1xf32> to vector<1x1xf32>
    %broadcast_in_dim3A_106 = vector.broadcast %broadcast_in_dim3A_105 : vector<1x1xf32> to vector<8x128xf32>
    %broadcast_in_dim3A_107 = vector.broadcast %jit3A_104 : f32 to vector<8x128xf32>
    %select_n3A_108 = arith.select %and3A, %broadcast_in_dim3A_106, %broadcast_in_dim3A_107 : vector<8x128xi1>, vector<8x128xf32>
    %slice3A_109 = vector.extract_strided_slice %get3A_13 {offsets = [0, 0], sizes = [1, 1], strides = [1, 1]} : vector<8x512xf32> to vector<1x1xf32>
    %slice3A_110 = vector.extract_strided_slice %get3A_33 {offsets = [0, 0], sizes = [1, 1], strides = [1, 1]} : vector<8x512xf32> to vector<1x1xf32>
    %slice3A_111 = vector.extract_strided_slice %get3A_53 {offsets = [0, 0], sizes = [1, 1], strides = [1, 1]} : vector<8x512xf32> to vector<1x1xf32>
    %broadcast_in_dim3A_112 = arith.constant 1.000000e+10 : f32
    %broadcast_in_dim3A_113 = vector.broadcast %broadcast_in_dim3A_112 : f32 to vector<8x512xf32>
    %jit3A_114 = arith.constant 0.000000e+00 : f32
    %broadcast_in_dim3A_115 = vector.shape_cast %slice3A_109 : vector<1x1xf32> to vector<1x1xf32>
    %broadcast_in_dim3A_116 = vector.broadcast %broadcast_in_dim3A_115 : vector<1x1xf32> to vector<8x128xf32>
    %broadcast_in_dim3A_117 = vector.broadcast %jit3A_114 : f32 to vector<8x128xf32>
    %select_n3A_118 = arith.select %and3A, %broadcast_in_dim3A_116, %broadcast_in_dim3A_117 : vector<8x128xi1>, vector<8x128xf32>
    %jit3A_119 = arith.constant 0.000000e+00 : f32
    %broadcast_in_dim3A_120 = vector.shape_cast %slice3A_110 : vector<1x1xf32> to vector<1x1xf32>
    %broadcast_in_dim3A_121 = vector.broadcast %broadcast_in_dim3A_120 : vector<1x1xf32> to vector<8x128xf32>
    %broadcast_in_dim3A_122 = vector.broadcast %jit3A_119 : f32 to vector<8x128xf32>
    %select_n3A_123 = arith.select %and3A, %broadcast_in_dim3A_121, %broadcast_in_dim3A_122 : vector<8x128xi1>, vector<8x128xf32>
    %jit3A_124 = arith.constant 0.000000e+00 : f32
    %broadcast_in_dim3A_125 = vector.shape_cast %slice3A_111 : vector<1x1xf32> to vector<1x1xf32>
    %broadcast_in_dim3A_126 = vector.broadcast %broadcast_in_dim3A_125 : vector<1x1xf32> to vector<8x128xf32>
    %broadcast_in_dim3A_127 = vector.broadcast %jit3A_124 : f32 to vector<8x128xf32>
    %select_n3A_128 = arith.select %and3A, %broadcast_in_dim3A_126, %broadcast_in_dim3A_127 : vector<8x128xi1>, vector<8x128xf32>
    %slice3A_129 = vector.extract_strided_slice %get3A_18 {offsets = [0, 0], sizes = [1, 1], strides = [1, 1]} : vector<8x512xf32> to vector<1x1xf32>
    %slice3A_130 = vector.extract_strided_slice %get3A_38 {offsets = [0, 0], sizes = [1, 1], strides = [1, 1]} : vector<8x512xf32> to vector<1x1xf32>
    %slice3A_131 = vector.extract_strided_slice %get3A_58 {offsets = [0, 0], sizes = [1, 1], strides = [1, 1]} : vector<8x512xf32> to vector<1x1xf32>
    %broadcast_in_dim3A_132 = arith.constant 1.000000e+10 : f32
    %broadcast_in_dim3A_133 = vector.broadcast %broadcast_in_dim3A_132 : f32 to vector<8x512xf32>
    %jit3A_134 = arith.constant 0.000000e+00 : f32
    %broadcast_in_dim3A_135 = vector.shape_cast %slice3A_129 : vector<1x1xf32> to vector<1x1xf32>
    %broadcast_in_dim3A_136 = vector.broadcast %broadcast_in_dim3A_135 : vector<1x1xf32> to vector<8x128xf32>
    %broadcast_in_dim3A_137 = vector.broadcast %jit3A_134 : f32 to vector<8x128xf32>
    %select_n3A_138 = arith.select %and3A, %broadcast_in_dim3A_136, %broadcast_in_dim3A_137 : vector<8x128xi1>, vector<8x128xf32>
    %jit3A_139 = arith.constant 0.000000e+00 : f32
    %broadcast_in_dim3A_140 = vector.shape_cast %slice3A_130 : vector<1x1xf32> to vector<1x1xf32>
    %broadcast_in_dim3A_141 = vector.broadcast %broadcast_in_dim3A_140 : vector<1x1xf32> to vector<8x128xf32>
    %broadcast_in_dim3A_142 = vector.broadcast %jit3A_139 : f32 to vector<8x128xf32>
    %select_n3A_143 = arith.select %and3A, %broadcast_in_dim3A_141, %broadcast_in_dim3A_142 : vector<8x128xi1>, vector<8x128xf32>
    %jit3A_144 = arith.constant 0.000000e+00 : f32
    %broadcast_in_dim3A_145 = vector.shape_cast %slice3A_131 : vector<1x1xf32> to vector<1x1xf32>
    %broadcast_in_dim3A_146 = vector.broadcast %broadcast_in_dim3A_145 : vector<1x1xf32> to vector<8x128xf32>
    %broadcast_in_dim3A_147 = vector.broadcast %jit3A_144 : f32 to vector<8x128xf32>
    %select_n3A_148 = arith.select %and3A, %broadcast_in_dim3A_146, %broadcast_in_dim3A_147 : vector<8x128xi1>, vector<8x128xf32>
    %slice3A_149 = vector.extract_strided_slice %get3A_23 {offsets = [0, 0], sizes = [1, 1], strides = [1, 1]} : vector<8x512xf32> to vector<1x1xf32>
    %slice3A_150 = vector.extract_strided_slice %get3A_43 {offsets = [0, 0], sizes = [1, 1], strides = [1, 1]} : vector<8x512xf32> to vector<1x1xf32>
    %slice3A_151 = vector.extract_strided_slice %get3A_63 {offsets = [0, 0], sizes = [1, 1], strides = [1, 1]} : vector<8x512xf32> to vector<1x1xf32>
    %broadcast_in_dim3A_152 = arith.constant 1.000000e+10 : f32
    %broadcast_in_dim3A_153 = vector.broadcast %broadcast_in_dim3A_152 : f32 to vector<8x512xf32>
    %jit3A_154 = arith.constant 0.000000e+00 : f32
    %broadcast_in_dim3A_155 = vector.shape_cast %slice3A_149 : vector<1x1xf32> to vector<1x1xf32>
    %broadcast_in_dim3A_156 = vector.broadcast %broadcast_in_dim3A_155 : vector<1x1xf32> to vector<8x128xf32>
    %broadcast_in_dim3A_157 = vector.broadcast %jit3A_154 : f32 to vector<8x128xf32>
    %select_n3A_158 = arith.select %and3A, %broadcast_in_dim3A_156, %broadcast_in_dim3A_157 : vector<8x128xi1>, vector<8x128xf32>
    %jit3A_159 = arith.constant 0.000000e+00 : f32
    %broadcast_in_dim3A_160 = vector.shape_cast %slice3A_150 : vector<1x1xf32> to vector<1x1xf32>
    %broadcast_in_dim3A_161 = vector.broadcast %broadcast_in_dim3A_160 : vector<1x1xf32> to vector<8x128xf32>
    %broadcast_in_dim3A_162 = vector.broadcast %jit3A_159 : f32 to vector<8x128xf32>
    %select_n3A_163 = arith.select %and3A, %broadcast_in_dim3A_161, %broadcast_in_dim3A_162 : vector<8x128xi1>, vector<8x128xf32>
    %jit3A_164 = arith.constant 0.000000e+00 : f32
    %broadcast_in_dim3A_165 = vector.shape_cast %slice3A_151 : vector<1x1xf32> to vector<1x1xf32>
    %broadcast_in_dim3A_166 = vector.broadcast %broadcast_in_dim3A_165 : vector<1x1xf32> to vector<8x128xf32>
    %broadcast_in_dim3A_167 = vector.broadcast %jit3A_164 : f32 to vector<8x128xf32>
    %select_n3A_168 = arith.select %and3A, %broadcast_in_dim3A_166, %broadcast_in_dim3A_167 : vector<8x128xi1>, vector<8x128xf32>
    %scan3A = arith.constant 1 : i32
    %scan3A_169 = arith.constant 1023 : i32
    %scan3A_170 = arith.addi %scan3A, %scan3A_169 : i32
    %scan3A_171 = arith.constant 1 : i32
    %scan3A_172:28 = scf.for %scan3A_245 = %scan3A to %scan3A_170 step %scan3A_171 iter_args(%scan3A_246 = %broadcast_in_dim3A_95, %scan3A_247 = %slice3A, %scan3A_248 = %slice3A_93, %scan3A_249 = %slice3A_94, %scan3A_250 = %select_n3A, %scan3A_251 = %select_n3A_103, %scan3A_252 = %select_n3A_108, %scan3A_253 = %broadcast_in_dim3A_113, %scan3A_254 = %slice3A_109, %scan3A_255 = %slice3A_110, %scan3A_256 = %slice3A_111, %scan3A_257 = %select_n3A_118, %scan3A_258 = %select_n3A_123, %scan3A_259 = %select_n3A_128, %scan3A_260 = %broadcast_in_dim3A_133, %scan3A_261 = %slice3A_129, %scan3A_262 = %slice3A_130, %scan3A_263 = %slice3A_131, %scan3A_264 = %select_n3A_138, %scan3A_265 = %select_n3A_143, %scan3A_266 = %select_n3A_148, %scan3A_267 = %broadcast_in_dim3A_153, %scan3A_268 = %slice3A_149, %scan3A_269 = %slice3A_150, %scan3A_270 = %slice3A_151, %scan3A_271 = %select_n3A_158, %scan3A_272 = %select_n3A_163, %scan3A_273 = %select_n3A_168) -> (vector<8x512xf32>, vector<1x1xf32>, vector<1x1xf32>, vector<1x1xf32>, vector<8x128xf32>, vector<8x128xf32>, vector<8x128xf32>, vector<8x512xf32>, vector<1x1xf32>, vector<1x1xf32>, vector<1x1xf32>, vector<8x128xf32>, vector<8x128xf32>, vector<8x128xf32>, vector<8x512xf32>, vector<1x1xf32>, vector<1x1xf32>, vector<1x1xf32>, vector<8x128xf32>, vector<8x128xf32>, vector<8x128xf32>, vector<8x512xf32>, vector<1x1xf32>, vector<1x1xf32>, vector<1x1xf32>, vector<8x128xf32>, vector<8x128xf32>, vector<8x128xf32>)  : i32 {
      %jit3A_274 = arith.constant 128 : i32
      %div3A = arith.divsi %scan3A_245, %jit3A_274 : i32
      %sign3A = arith.constant 0 : i32
      %sign3A_275 = arith.cmpi sgt, %scan3A_245, %sign3A : i32
      %sign3A_276 = arith.extui %sign3A_275 : i1 to i32
      %sign3A_277 = arith.constant 0 : i32
      %sign3A_278 = arith.cmpi slt, %scan3A_245, %sign3A_277 : i32
      %sign3A_279 = arith.extui %sign3A_278 : i1 to i32
      %sign3A_280 = arith.subi %sign3A_276, %sign3A_279 : i32
      %sign3A_281 = arith.constant 0 : i32
      %sign3A_282 = arith.cmpi sgt, %jit3A_274, %sign3A_281 : i32
      %sign3A_283 = arith.extui %sign3A_282 : i1 to i32
      %sign3A_284 = arith.constant 0 : i32
      %sign3A_285 = arith.cmpi slt, %jit3A_274, %sign3A_284 : i32
      %sign3A_286 = arith.extui %sign3A_285 : i1 to i32
      %sign3A_287 = arith.subi %sign3A_283, %sign3A_286 : i32
      %ne3A = arith.cmpi ne, %sign3A_280, %sign3A_287 : i32
      %rem3A = arith.remsi %scan3A_245, %jit3A_274 : i32
      %ne3A_288 = arith.constant 0 : i32
      %ne3A_289 = arith.cmpi ne, %rem3A, %ne3A_288 : i32
      %and3A_290 = arith.andi %ne3A, %ne3A_289 : i1
      %sub3A = arith.constant 1 : i32
      %sub3A_291 = arith.subi %div3A, %sub3A : i32
      %select_n3A_292 = arith.select %and3A_290, %sub3A_291, %div3A : i32
      %eq3A_293 = vector.broadcast %select_n3A_292 : i32 to vector<8x128xi32>
      %eq3A_294 = arith.cmpi eq, %iota3A_3, %eq3A_293 : vector<8x128xi32>
      %jit3A_295 = arith.constant 128 : i32
      %eq3A_296 = arith.constant 0 : i32
      %eq3A_297 = arith.cmpi eq, %jit3A_295, %eq3A_296 : i32
      %jit3A_298 = arith.constant 1 : i32
      %select_n3A_299 = arith.select %eq3A_297, %jit3A_298, %jit3A_295 : i32
      %rem3A_300 = arith.remsi %scan3A_245, %select_n3A_299 : i32
      %ne3A_301 = arith.constant 0 : i32
      %ne3A_302 = arith.cmpi ne, %rem3A_300, %ne3A_301 : i32
      %lt3A = arith.constant 0 : i32
      %lt3A_303 = arith.cmpi slt, %rem3A_300, %lt3A : i32
      %lt3A_304 = arith.constant 0 : i32
      %lt3A_305 = arith.cmpi slt, %select_n3A_299, %lt3A_304 : i32
      %ne3A_306 = arith.xori %lt3A_303, %lt3A_305 : i1
      %and3A_307 = arith.andi %ne3A_306, %ne3A_302 : i1
      %add3A_308 = arith.addi %rem3A_300, %select_n3A_299 : i32
      %select_n3A_309 = arith.select %and3A_307, %add3A_308, %rem3A_300 : i32
      %eq3A_310 = vector.broadcast %select_n3A_309 : i32 to vector<8x128xi32>
      %eq3A_311 = arith.cmpi eq, %iota3A_4, %eq3A_310 : vector<8x128xi32>
      %and3A_312 = arith.andi %eq3A_294, %eq3A_311 : vector<8x128xi1>
      %sub3A_313 = vector.broadcast %scan3A_247 : vector<1x1xf32> to vector<8x512xf32>
      %sub3A_314 = arith.subf %get3A_8, %sub3A_313 : vector<8x512xf32>
      %integer_pow3A = arith.mulf %sub3A_314, %sub3A_314 : vector<8x512xf32>
      %sub3A_315 = vector.broadcast %scan3A_248 : vector<1x1xf32> to vector<8x512xf32>
      %sub3A_316 = arith.subf %get3A_28, %sub3A_315 : vector<8x512xf32>
      %integer_pow3A_317 = arith.mulf %sub3A_316, %sub3A_316 : vector<8x512xf32>
      %add3A_318 = arith.addf %integer_pow3A, %integer_pow3A_317 : vector<8x512xf32>
      %sub3A_319 = vector.broadcast %scan3A_249 : vector<1x1xf32> to vector<8x512xf32>
      %sub3A_320 = arith.subf %get3A_48, %sub3A_319 : vector<8x512xf32>
      %integer_pow3A_321 = arith.mulf %sub3A_320, %sub3A_320 : vector<8x512xf32>
      %add3A_322 = arith.addf %add3A_318, %integer_pow3A_321 : vector<8x512xf32>
      %min3A = arith.minimumf %scan3A_246, %add3A_322 : vector<8x512xf32>
      %reduce_max3A = arith.constant dense<0xFF800000> : vector<8xf32>
      %reduce_max3A_323 = vector.multi_reduction <maximumf>, %min3A, %reduce_max3A [1] : vector<8x512xf32> to vector<8xf32>
      %broadcast_in_dim3A_324 = vector.shape_cast %reduce_max3A_323 : vector<8xf32> to vector<8x1xf32>
      %reduce_max3A_325 = arith.constant dense<0xFF800000> : vector<1xf32>
      %reduce_max3A_326 = vector.multi_reduction <maximumf>, %broadcast_in_dim3A_324, %reduce_max3A_325 [0] : vector<8x1xf32> to vector<1xf32>
      %broadcast_in_dim3A_327 = vector.shape_cast %reduce_max3A_326 : vector<1xf32> to vector<1x1xf32>
      %eq3A_328 = vector.broadcast %broadcast_in_dim3A_327 : vector<1x1xf32> to vector<8x512xf32>
      %eq3A_329 = arith.cmpf oeq, %min3A, %eq3A_328 : vector<8x512xf32>
      %jit3A_330 = arith.constant 4096 : i32
      %broadcast_in_dim3A_331 = vector.broadcast %jit3A_330 : i32 to vector<8x512xi32>
      %select_n3A_332 = arith.select %eq3A_329, %add3A, %broadcast_in_dim3A_331 : vector<8x512xi1>, vector<8x512xi32>
      %reduce_min3A = arith.constant dense<2147483647> : vector<8xi32>
      %reduce_min3A_333 = vector.multi_reduction <minsi>, %select_n3A_332, %reduce_min3A [1] : vector<8x512xi32> to vector<8xi32>
      %broadcast_in_dim3A_334 = vector.shape_cast %reduce_min3A_333 : vector<8xi32> to vector<8x1xi32>
      %reduce_min3A_335 = arith.constant dense<2147483647> : vector<1xi32>
      %reduce_min3A_336 = vector.multi_reduction <minsi>, %broadcast_in_dim3A_334, %reduce_min3A_335 [0] : vector<8x1xi32> to vector<1xi32>
      %broadcast_in_dim3A_337 = vector.shape_cast %reduce_min3A_336 : vector<1xi32> to vector<1x1xi32>
      %eq3A_338 = vector.broadcast %broadcast_in_dim3A_337 : vector<1x1xi32> to vector<8x512xi32>
      %eq3A_339 = arith.cmpi eq, %add3A, %eq3A_338 : vector<8x512xi32>
      %broadcast_in_dim3A_340 = vector.shape_cast %eq3A_339 : vector<8x512xi1> to vector<1x8x512xi1>
      %broadcast_in_dim3A_341 = vector.shape_cast %broadcast_in_dim3A_340 : vector<1x8x512xi1> to vector<1x8x512xi1>
      %broadcast_in_dim3A_342 = vector.broadcast %broadcast_in_dim3A_341 : vector<1x8x512xi1> to vector<3x8x512xi1>
      %jit3A_343 = arith.constant 0.000000e+00 : f32
      %broadcast_in_dim3A_344 = vector.broadcast %jit3A_343 : f32 to vector<3x8x512xf32>
      %select_n3A_345 = arith.select %broadcast_in_dim3A_342, %get3A_69, %broadcast_in_dim3A_344 : vector<3x8x512xi1>, vector<3x8x512xf32>
      %reduce_sum3A = arith.constant dense<0.000000e+00> : vector<3xf32>
      %reduce_sum3A_346 = vector.multi_reduction <add>, %select_n3A_345, %reduce_sum3A [1, 2] : vector<3x8x512xf32> to vector<3xf32>
      %broadcast_in_dim3A_347 = vector.shape_cast %reduce_sum3A_346 : vector<3xf32> to vector<3x1x1xf32>
      %slice3A_348 = vector.extract_strided_slice %broadcast_in_dim3A_347 {offsets = [0, 0, 0], sizes = [1, 1, 1], strides = [1, 1, 1]} : vector<3x1x1xf32> to vector<1x1x1xf32>
      %squeeze3A = vector.shape_cast %slice3A_348 : vector<1x1x1xf32> to vector<1x1xf32>
      %slice3A_349 = vector.extract_strided_slice %broadcast_in_dim3A_347 {offsets = [1, 0, 0], sizes = [1, 1, 1], strides = [1, 1, 1]} : vector<3x1x1xf32> to vector<1x1x1xf32>
      %squeeze3A_350 = vector.shape_cast %slice3A_349 : vector<1x1x1xf32> to vector<1x1xf32>
      %slice3A_351 = vector.extract_strided_slice %broadcast_in_dim3A_347 {offsets = [2, 0, 0], sizes = [1, 1, 1], strides = [1, 1, 1]} : vector<3x1x1xf32> to vector<1x1x1xf32>
      %squeeze3A_352 = vector.shape_cast %slice3A_351 : vector<1x1x1xf32> to vector<1x1xf32>
      %broadcast_in_dim3A_353 = vector.shape_cast %squeeze3A : vector<1x1xf32> to vector<1x1xf32>
      %broadcast_in_dim3A_354 = vector.broadcast %broadcast_in_dim3A_353 : vector<1x1xf32> to vector<8x128xf32>
      %select_n3A_355 = arith.select %and3A_312, %broadcast_in_dim3A_354, %scan3A_250 : vector<8x128xi1>, vector<8x128xf32>
      %broadcast_in_dim3A_356 = vector.shape_cast %squeeze3A_350 : vector<1x1xf32> to vector<1x1xf32>
      %broadcast_in_dim3A_357 = vector.broadcast %broadcast_in_dim3A_356 : vector<1x1xf32> to vector<8x128xf32>
      %select_n3A_358 = arith.select %and3A_312, %broadcast_in_dim3A_357, %scan3A_251 : vector<8x128xi1>, vector<8x128xf32>
      %broadcast_in_dim3A_359 = vector.shape_cast %squeeze3A_352 : vector<1x1xf32> to vector<1x1xf32>
      %broadcast_in_dim3A_360 = vector.broadcast %broadcast_in_dim3A_359 : vector<1x1xf32> to vector<8x128xf32>
      %select_n3A_361 = arith.select %and3A_312, %broadcast_in_dim3A_360, %scan3A_252 : vector<8x128xi1>, vector<8x128xf32>
      %sub3A_362 = vector.broadcast %scan3A_254 : vector<1x1xf32> to vector<8x512xf32>
      %sub3A_363 = arith.subf %get3A_13, %sub3A_362 : vector<8x512xf32>
      %integer_pow3A_364 = arith.mulf %sub3A_363, %sub3A_363 : vector<8x512xf32>
      %sub3A_365 = vector.broadcast %scan3A_255 : vector<1x1xf32> to vector<8x512xf32>
      %sub3A_366 = arith.subf %get3A_33, %sub3A_365 : vector<8x512xf32>
      %integer_pow3A_367 = arith.mulf %sub3A_366, %sub3A_366 : vector<8x512xf32>
      %add3A_368 = arith.addf %integer_pow3A_364, %integer_pow3A_367 : vector<8x512xf32>
      %sub3A_369 = vector.broadcast %scan3A_256 : vector<1x1xf32> to vector<8x512xf32>
      %sub3A_370 = arith.subf %get3A_53, %sub3A_369 : vector<8x512xf32>
      %integer_pow3A_371 = arith.mulf %sub3A_370, %sub3A_370 : vector<8x512xf32>
      %add3A_372 = arith.addf %add3A_368, %integer_pow3A_371 : vector<8x512xf32>
      %min3A_373 = arith.minimumf %scan3A_253, %add3A_372 : vector<8x512xf32>
      %reduce_max3A_374 = arith.constant dense<0xFF800000> : vector<8xf32>
      %reduce_max3A_375 = vector.multi_reduction <maximumf>, %min3A_373, %reduce_max3A_374 [1] : vector<8x512xf32> to vector<8xf32>
      %broadcast_in_dim3A_376 = vector.shape_cast %reduce_max3A_375 : vector<8xf32> to vector<8x1xf32>
      %reduce_max3A_377 = arith.constant dense<0xFF800000> : vector<1xf32>
      %reduce_max3A_378 = vector.multi_reduction <maximumf>, %broadcast_in_dim3A_376, %reduce_max3A_377 [0] : vector<8x1xf32> to vector<1xf32>
      %broadcast_in_dim3A_379 = vector.shape_cast %reduce_max3A_378 : vector<1xf32> to vector<1x1xf32>
      %eq3A_380 = vector.broadcast %broadcast_in_dim3A_379 : vector<1x1xf32> to vector<8x512xf32>
      %eq3A_381 = arith.cmpf oeq, %min3A_373, %eq3A_380 : vector<8x512xf32>
      %jit3A_382 = arith.constant 4096 : i32
      %broadcast_in_dim3A_383 = vector.broadcast %jit3A_382 : i32 to vector<8x512xi32>
      %select_n3A_384 = arith.select %eq3A_381, %add3A, %broadcast_in_dim3A_383 : vector<8x512xi1>, vector<8x512xi32>
      %reduce_min3A_385 = arith.constant dense<2147483647> : vector<8xi32>
      %reduce_min3A_386 = vector.multi_reduction <minsi>, %select_n3A_384, %reduce_min3A_385 [1] : vector<8x512xi32> to vector<8xi32>
      %broadcast_in_dim3A_387 = vector.shape_cast %reduce_min3A_386 : vector<8xi32> to vector<8x1xi32>
      %reduce_min3A_388 = arith.constant dense<2147483647> : vector<1xi32>
      %reduce_min3A_389 = vector.multi_reduction <minsi>, %broadcast_in_dim3A_387, %reduce_min3A_388 [0] : vector<8x1xi32> to vector<1xi32>
      %broadcast_in_dim3A_390 = vector.shape_cast %reduce_min3A_389 : vector<1xi32> to vector<1x1xi32>
      %eq3A_391 = vector.broadcast %broadcast_in_dim3A_390 : vector<1x1xi32> to vector<8x512xi32>
      %eq3A_392 = arith.cmpi eq, %add3A, %eq3A_391 : vector<8x512xi32>
      %broadcast_in_dim3A_393 = vector.shape_cast %eq3A_392 : vector<8x512xi1> to vector<1x8x512xi1>
      %broadcast_in_dim3A_394 = vector.shape_cast %broadcast_in_dim3A_393 : vector<1x8x512xi1> to vector<1x8x512xi1>
      %broadcast_in_dim3A_395 = vector.broadcast %broadcast_in_dim3A_394 : vector<1x8x512xi1> to vector<3x8x512xi1>
      %jit3A_396 = arith.constant 0.000000e+00 : f32
      %broadcast_in_dim3A_397 = vector.broadcast %jit3A_396 : f32 to vector<3x8x512xf32>
      %select_n3A_398 = arith.select %broadcast_in_dim3A_395, %get3A_75, %broadcast_in_dim3A_397 : vector<3x8x512xi1>, vector<3x8x512xf32>
      %reduce_sum3A_399 = arith.constant dense<0.000000e+00> : vector<3xf32>
      %reduce_sum3A_400 = vector.multi_reduction <add>, %select_n3A_398, %reduce_sum3A_399 [1, 2] : vector<3x8x512xf32> to vector<3xf32>
      %broadcast_in_dim3A_401 = vector.shape_cast %reduce_sum3A_400 : vector<3xf32> to vector<3x1x1xf32>
      %slice3A_402 = vector.extract_strided_slice %broadcast_in_dim3A_401 {offsets = [0, 0, 0], sizes = [1, 1, 1], strides = [1, 1, 1]} : vector<3x1x1xf32> to vector<1x1x1xf32>
      %squeeze3A_403 = vector.shape_cast %slice3A_402 : vector<1x1x1xf32> to vector<1x1xf32>
      %slice3A_404 = vector.extract_strided_slice %broadcast_in_dim3A_401 {offsets = [1, 0, 0], sizes = [1, 1, 1], strides = [1, 1, 1]} : vector<3x1x1xf32> to vector<1x1x1xf32>
      %squeeze3A_405 = vector.shape_cast %slice3A_404 : vector<1x1x1xf32> to vector<1x1xf32>
      %slice3A_406 = vector.extract_strided_slice %broadcast_in_dim3A_401 {offsets = [2, 0, 0], sizes = [1, 1, 1], strides = [1, 1, 1]} : vector<3x1x1xf32> to vector<1x1x1xf32>
      %squeeze3A_407 = vector.shape_cast %slice3A_406 : vector<1x1x1xf32> to vector<1x1xf32>
      %broadcast_in_dim3A_408 = vector.shape_cast %squeeze3A_403 : vector<1x1xf32> to vector<1x1xf32>
      %broadcast_in_dim3A_409 = vector.broadcast %broadcast_in_dim3A_408 : vector<1x1xf32> to vector<8x128xf32>
      %select_n3A_410 = arith.select %and3A_312, %broadcast_in_dim3A_409, %scan3A_257 : vector<8x128xi1>, vector<8x128xf32>
      %broadcast_in_dim3A_411 = vector.shape_cast %squeeze3A_405 : vector<1x1xf32> to vector<1x1xf32>
      %broadcast_in_dim3A_412 = vector.broadcast %broadcast_in_dim3A_411 : vector<1x1xf32> to vector<8x128xf32>
      %select_n3A_413 = arith.select %and3A_312, %broadcast_in_dim3A_412, %scan3A_258 : vector<8x128xi1>, vector<8x128xf32>
      %broadcast_in_dim3A_414 = vector.shape_cast %squeeze3A_407 : vector<1x1xf32> to vector<1x1xf32>
      %broadcast_in_dim3A_415 = vector.broadcast %broadcast_in_dim3A_414 : vector<1x1xf32> to vector<8x128xf32>
      %select_n3A_416 = arith.select %and3A_312, %broadcast_in_dim3A_415, %scan3A_259 : vector<8x128xi1>, vector<8x128xf32>
      %sub3A_417 = vector.broadcast %scan3A_261 : vector<1x1xf32> to vector<8x512xf32>
      %sub3A_418 = arith.subf %get3A_18, %sub3A_417 : vector<8x512xf32>
      %integer_pow3A_419 = arith.mulf %sub3A_418, %sub3A_418 : vector<8x512xf32>
      %sub3A_420 = vector.broadcast %scan3A_262 : vector<1x1xf32> to vector<8x512xf32>
      %sub3A_421 = arith.subf %get3A_38, %sub3A_420 : vector<8x512xf32>
      %integer_pow3A_422 = arith.mulf %sub3A_421, %sub3A_421 : vector<8x512xf32>
      %add3A_423 = arith.addf %integer_pow3A_419, %integer_pow3A_422 : vector<8x512xf32>
      %sub3A_424 = vector.broadcast %scan3A_263 : vector<1x1xf32> to vector<8x512xf32>
      %sub3A_425 = arith.subf %get3A_58, %sub3A_424 : vector<8x512xf32>
      %integer_pow3A_426 = arith.mulf %sub3A_425, %sub3A_425 : vector<8x512xf32>
      %add3A_427 = arith.addf %add3A_423, %integer_pow3A_426 : vector<8x512xf32>
      %min3A_428 = arith.minimumf %scan3A_260, %add3A_427 : vector<8x512xf32>
      %reduce_max3A_429 = arith.constant dense<0xFF800000> : vector<8xf32>
      %reduce_max3A_430 = vector.multi_reduction <maximumf>, %min3A_428, %reduce_max3A_429 [1] : vector<8x512xf32> to vector<8xf32>
      %broadcast_in_dim3A_431 = vector.shape_cast %reduce_max3A_430 : vector<8xf32> to vector<8x1xf32>
      %reduce_max3A_432 = arith.constant dense<0xFF800000> : vector<1xf32>
      %reduce_max3A_433 = vector.multi_reduction <maximumf>, %broadcast_in_dim3A_431, %reduce_max3A_432 [0] : vector<8x1xf32> to vector<1xf32>
      %broadcast_in_dim3A_434 = vector.shape_cast %reduce_max3A_433 : vector<1xf32> to vector<1x1xf32>
      %eq3A_435 = vector.broadcast %broadcast_in_dim3A_434 : vector<1x1xf32> to vector<8x512xf32>
      %eq3A_436 = arith.cmpf oeq, %min3A_428, %eq3A_435 : vector<8x512xf32>
      %jit3A_437 = arith.constant 4096 : i32
      %broadcast_in_dim3A_438 = vector.broadcast %jit3A_437 : i32 to vector<8x512xi32>
      %select_n3A_439 = arith.select %eq3A_436, %add3A, %broadcast_in_dim3A_438 : vector<8x512xi1>, vector<8x512xi32>
      %reduce_min3A_440 = arith.constant dense<2147483647> : vector<8xi32>
      %reduce_min3A_441 = vector.multi_reduction <minsi>, %select_n3A_439, %reduce_min3A_440 [1] : vector<8x512xi32> to vector<8xi32>
      %broadcast_in_dim3A_442 = vector.shape_cast %reduce_min3A_441 : vector<8xi32> to vector<8x1xi32>
      %reduce_min3A_443 = arith.constant dense<2147483647> : vector<1xi32>
      %reduce_min3A_444 = vector.multi_reduction <minsi>, %broadcast_in_dim3A_442, %reduce_min3A_443 [0] : vector<8x1xi32> to vector<1xi32>
      %broadcast_in_dim3A_445 = vector.shape_cast %reduce_min3A_444 : vector<1xi32> to vector<1x1xi32>
      %eq3A_446 = vector.broadcast %broadcast_in_dim3A_445 : vector<1x1xi32> to vector<8x512xi32>
      %eq3A_447 = arith.cmpi eq, %add3A, %eq3A_446 : vector<8x512xi32>
      %broadcast_in_dim3A_448 = vector.shape_cast %eq3A_447 : vector<8x512xi1> to vector<1x8x512xi1>
      %broadcast_in_dim3A_449 = vector.shape_cast %broadcast_in_dim3A_448 : vector<1x8x512xi1> to vector<1x8x512xi1>
      %broadcast_in_dim3A_450 = vector.broadcast %broadcast_in_dim3A_449 : vector<1x8x512xi1> to vector<3x8x512xi1>
      %jit3A_451 = arith.constant 0.000000e+00 : f32
      %broadcast_in_dim3A_452 = vector.broadcast %jit3A_451 : f32 to vector<3x8x512xf32>
      %select_n3A_453 = arith.select %broadcast_in_dim3A_450, %get3A_81, %broadcast_in_dim3A_452 : vector<3x8x512xi1>, vector<3x8x512xf32>
      %reduce_sum3A_454 = arith.constant dense<0.000000e+00> : vector<3xf32>
      %reduce_sum3A_455 = vector.multi_reduction <add>, %select_n3A_453, %reduce_sum3A_454 [1, 2] : vector<3x8x512xf32> to vector<3xf32>
      %broadcast_in_dim3A_456 = vector.shape_cast %reduce_sum3A_455 : vector<3xf32> to vector<3x1x1xf32>
      %slice3A_457 = vector.extract_strided_slice %broadcast_in_dim3A_456 {offsets = [0, 0, 0], sizes = [1, 1, 1], strides = [1, 1, 1]} : vector<3x1x1xf32> to vector<1x1x1xf32>
      %squeeze3A_458 = vector.shape_cast %slice3A_457 : vector<1x1x1xf32> to vector<1x1xf32>
      %slice3A_459 = vector.extract_strided_slice %broadcast_in_dim3A_456 {offsets = [1, 0, 0], sizes = [1, 1, 1], strides = [1, 1, 1]} : vector<3x1x1xf32> to vector<1x1x1xf32>
      %squeeze3A_460 = vector.shape_cast %slice3A_459 : vector<1x1x1xf32> to vector<1x1xf32>
      %slice3A_461 = vector.extract_strided_slice %broadcast_in_dim3A_456 {offsets = [2, 0, 0], sizes = [1, 1, 1], strides = [1, 1, 1]} : vector<3x1x1xf32> to vector<1x1x1xf32>
      %squeeze3A_462 = vector.shape_cast %slice3A_461 : vector<1x1x1xf32> to vector<1x1xf32>
      %broadcast_in_dim3A_463 = vector.shape_cast %squeeze3A_458 : vector<1x1xf32> to vector<1x1xf32>
      %broadcast_in_dim3A_464 = vector.broadcast %broadcast_in_dim3A_463 : vector<1x1xf32> to vector<8x128xf32>
      %select_n3A_465 = arith.select %and3A_312, %broadcast_in_dim3A_464, %scan3A_264 : vector<8x128xi1>, vector<8x128xf32>
      %broadcast_in_dim3A_466 = vector.shape_cast %squeeze3A_460 : vector<1x1xf32> to vector<1x1xf32>
      %broadcast_in_dim3A_467 = vector.broadcast %broadcast_in_dim3A_466 : vector<1x1xf32> to vector<8x128xf32>
      %select_n3A_468 = arith.select %and3A_312, %broadcast_in_dim3A_467, %scan3A_265 : vector<8x128xi1>, vector<8x128xf32>
      %broadcast_in_dim3A_469 = vector.shape_cast %squeeze3A_462 : vector<1x1xf32> to vector<1x1xf32>
      %broadcast_in_dim3A_470 = vector.broadcast %broadcast_in_dim3A_469 : vector<1x1xf32> to vector<8x128xf32>
      %select_n3A_471 = arith.select %and3A_312, %broadcast_in_dim3A_470, %scan3A_266 : vector<8x128xi1>, vector<8x128xf32>
      %sub3A_472 = vector.broadcast %scan3A_268 : vector<1x1xf32> to vector<8x512xf32>
      %sub3A_473 = arith.subf %get3A_23, %sub3A_472 : vector<8x512xf32>
      %integer_pow3A_474 = arith.mulf %sub3A_473, %sub3A_473 : vector<8x512xf32>
      %sub3A_475 = vector.broadcast %scan3A_269 : vector<1x1xf32> to vector<8x512xf32>
      %sub3A_476 = arith.subf %get3A_43, %sub3A_475 : vector<8x512xf32>
      %integer_pow3A_477 = arith.mulf %sub3A_476, %sub3A_476 : vector<8x512xf32>
      %add3A_478 = arith.addf %integer_pow3A_474, %integer_pow3A_477 : vector<8x512xf32>
      %sub3A_479 = vector.broadcast %scan3A_270 : vector<1x1xf32> to vector<8x512xf32>
      %sub3A_480 = arith.subf %get3A_63, %sub3A_479 : vector<8x512xf32>
      %integer_pow3A_481 = arith.mulf %sub3A_480, %sub3A_480 : vector<8x512xf32>
      %add3A_482 = arith.addf %add3A_478, %integer_pow3A_481 : vector<8x512xf32>
      %min3A_483 = arith.minimumf %scan3A_267, %add3A_482 : vector<8x512xf32>
      %reduce_max3A_484 = arith.constant dense<0xFF800000> : vector<8xf32>
      %reduce_max3A_485 = vector.multi_reduction <maximumf>, %min3A_483, %reduce_max3A_484 [1] : vector<8x512xf32> to vector<8xf32>
      %broadcast_in_dim3A_486 = vector.shape_cast %reduce_max3A_485 : vector<8xf32> to vector<8x1xf32>
      %reduce_max3A_487 = arith.constant dense<0xFF800000> : vector<1xf32>
      %reduce_max3A_488 = vector.multi_reduction <maximumf>, %broadcast_in_dim3A_486, %reduce_max3A_487 [0] : vector<8x1xf32> to vector<1xf32>
      %broadcast_in_dim3A_489 = vector.shape_cast %reduce_max3A_488 : vector<1xf32> to vector<1x1xf32>
      %eq3A_490 = vector.broadcast %broadcast_in_dim3A_489 : vector<1x1xf32> to vector<8x512xf32>
      %eq3A_491 = arith.cmpf oeq, %min3A_483, %eq3A_490 : vector<8x512xf32>
      %jit3A_492 = arith.constant 4096 : i32
      %broadcast_in_dim3A_493 = vector.broadcast %jit3A_492 : i32 to vector<8x512xi32>
      %select_n3A_494 = arith.select %eq3A_491, %add3A, %broadcast_in_dim3A_493 : vector<8x512xi1>, vector<8x512xi32>
      %reduce_min3A_495 = arith.constant dense<2147483647> : vector<8xi32>
      %reduce_min3A_496 = vector.multi_reduction <minsi>, %select_n3A_494, %reduce_min3A_495 [1] : vector<8x512xi32> to vector<8xi32>
      %broadcast_in_dim3A_497 = vector.shape_cast %reduce_min3A_496 : vector<8xi32> to vector<8x1xi32>
      %reduce_min3A_498 = arith.constant dense<2147483647> : vector<1xi32>
      %reduce_min3A_499 = vector.multi_reduction <minsi>, %broadcast_in_dim3A_497, %reduce_min3A_498 [0] : vector<8x1xi32> to vector<1xi32>
      %broadcast_in_dim3A_500 = vector.shape_cast %reduce_min3A_499 : vector<1xi32> to vector<1x1xi32>
      %eq3A_501 = vector.broadcast %broadcast_in_dim3A_500 : vector<1x1xi32> to vector<8x512xi32>
      %eq3A_502 = arith.cmpi eq, %add3A, %eq3A_501 : vector<8x512xi32>
      %broadcast_in_dim3A_503 = vector.shape_cast %eq3A_502 : vector<8x512xi1> to vector<1x8x512xi1>
      %broadcast_in_dim3A_504 = vector.shape_cast %broadcast_in_dim3A_503 : vector<1x8x512xi1> to vector<1x8x512xi1>
      %broadcast_in_dim3A_505 = vector.broadcast %broadcast_in_dim3A_504 : vector<1x8x512xi1> to vector<3x8x512xi1>
      %jit3A_506 = arith.constant 0.000000e+00 : f32
      %broadcast_in_dim3A_507 = vector.broadcast %jit3A_506 : f32 to vector<3x8x512xf32>
      %select_n3A_508 = arith.select %broadcast_in_dim3A_505, %get3A_87, %broadcast_in_dim3A_507 : vector<3x8x512xi1>, vector<3x8x512xf32>
      %reduce_sum3A_509 = arith.constant dense<0.000000e+00> : vector<3xf32>
      %reduce_sum3A_510 = vector.multi_reduction <add>, %select_n3A_508, %reduce_sum3A_509 [1, 2] : vector<3x8x512xf32> to vector<3xf32>
      %broadcast_in_dim3A_511 = vector.shape_cast %reduce_sum3A_510 : vector<3xf32> to vector<3x1x1xf32>
      %slice3A_512 = vector.extract_strided_slice %broadcast_in_dim3A_511 {offsets = [0, 0, 0], sizes = [1, 1, 1], strides = [1, 1, 1]} : vector<3x1x1xf32> to vector<1x1x1xf32>
      %squeeze3A_513 = vector.shape_cast %slice3A_512 : vector<1x1x1xf32> to vector<1x1xf32>
      %slice3A_514 = vector.extract_strided_slice %broadcast_in_dim3A_511 {offsets = [1, 0, 0], sizes = [1, 1, 1], strides = [1, 1, 1]} : vector<3x1x1xf32> to vector<1x1x1xf32>
      %squeeze3A_515 = vector.shape_cast %slice3A_514 : vector<1x1x1xf32> to vector<1x1xf32>
      %slice3A_516 = vector.extract_strided_slice %broadcast_in_dim3A_511 {offsets = [2, 0, 0], sizes = [1, 1, 1], strides = [1, 1, 1]} : vector<3x1x1xf32> to vector<1x1x1xf32>
      %squeeze3A_517 = vector.shape_cast %slice3A_516 : vector<1x1x1xf32> to vector<1x1xf32>
      %broadcast_in_dim3A_518 = vector.shape_cast %squeeze3A_513 : vector<1x1xf32> to vector<1x1xf32>
      %broadcast_in_dim3A_519 = vector.broadcast %broadcast_in_dim3A_518 : vector<1x1xf32> to vector<8x128xf32>
      %select_n3A_520 = arith.select %and3A_312, %broadcast_in_dim3A_519, %scan3A_271 : vector<8x128xi1>, vector<8x128xf32>
      %broadcast_in_dim3A_521 = vector.shape_cast %squeeze3A_515 : vector<1x1xf32> to vector<1x1xf32>
      %broadcast_in_dim3A_522 = vector.broadcast %broadcast_in_dim3A_521 : vector<1x1xf32> to vector<8x128xf32>
      %select_n3A_523 = arith.select %and3A_312, %broadcast_in_dim3A_522, %scan3A_272 : vector<8x128xi1>, vector<8x128xf32>
      %broadcast_in_dim3A_524 = vector.shape_cast %squeeze3A_517 : vector<1x1xf32> to vector<1x1xf32>
      %broadcast_in_dim3A_525 = vector.broadcast %broadcast_in_dim3A_524 : vector<1x1xf32> to vector<8x128xf32>
      %select_n3A_526 = arith.select %and3A_312, %broadcast_in_dim3A_525, %scan3A_273 : vector<8x128xi1>, vector<8x128xf32>
      scf.yield %min3A, %squeeze3A, %squeeze3A_350, %squeeze3A_352, %select_n3A_355, %select_n3A_358, %select_n3A_361, %min3A_373, %squeeze3A_403, %squeeze3A_405, %squeeze3A_407, %select_n3A_410, %select_n3A_413, %select_n3A_416, %min3A_428, %squeeze3A_458, %squeeze3A_460, %squeeze3A_462, %select_n3A_465, %select_n3A_468, %select_n3A_471, %min3A_483, %squeeze3A_513, %squeeze3A_515, %squeeze3A_517, %select_n3A_520, %select_n3A_523, %select_n3A_526 : vector<8x512xf32>, vector<1x1xf32>, vector<1x1xf32>, vector<1x1xf32>, vector<8x128xf32>, vector<8x128xf32>, vector<8x128xf32>, vector<8x512xf32>, vector<1x1xf32>, vector<1x1xf32>, vector<1x1xf32>, vector<8x128xf32>, vector<8x128xf32>, vector<8x128xf32>, vector<8x512xf32>, vector<1x1xf32>, vector<1x1xf32>, vector<1x1xf32>, vector<8x128xf32>, vector<8x128xf32>, vector<8x128xf32>, vector<8x512xf32>, vector<1x1xf32>, vector<1x1xf32>, vector<1x1xf32>, vector<8x128xf32>, vector<8x128xf32>, vector<8x128xf32>
    }
    %scan3A_173 = arith.constant 1023 : i32
    %swap3A = arith.constant 0 : index
    %swap3A_174 = arith.constant 0 : index
    %swap3A_175 = arith.constant 0 : index
    %swap3A_176 = vector.load %arg4[%swap3A, %swap3A_174, %swap3A_175] : memref<4x8x128xf32, #tpu.memory_space<vmem>>, vector<1x8x128xf32>
    %swap3A_177 = vector.shape_cast %swap3A_176 : vector<1x8x128xf32> to vector<8x128xf32>
    %swap3A_178 = vector.shape_cast %scan3A_172#4 : vector<8x128xf32> to vector<1x8x128xf32>
    tpu.vector_store %arg4[%swap3A, %swap3A_174, %swap3A_175], %swap3A_178 {strides = array<i32>} : memref<4x8x128xf32, #tpu.memory_space<vmem>>, vector<1x8x128xf32>,
    %swap3A_179 = arith.constant 0 : index
    %swap3A_180 = arith.constant 0 : index
    %swap3A_181 = arith.constant 0 : index
    %swap3A_182 = vector.load %arg5[%swap3A_179, %swap3A_180, %swap3A_181] : memref<4x8x128xf32, #tpu.memory_space<vmem>>, vector<1x8x128xf32>
    %swap3A_183 = vector.shape_cast %swap3A_182 : vector<1x8x128xf32> to vector<8x128xf32>
    %swap3A_184 = vector.shape_cast %scan3A_172#5 : vector<8x128xf32> to vector<1x8x128xf32>
    tpu.vector_store %arg5[%swap3A_179, %swap3A_180, %swap3A_181], %swap3A_184 {strides = array<i32>} : memref<4x8x128xf32, #tpu.memory_space<vmem>>, vector<1x8x128xf32>,
    %swap3A_185 = arith.constant 0 : index
    %swap3A_186 = arith.constant 0 : index
    %swap3A_187 = arith.constant 0 : index
    %swap3A_188 = vector.load %arg6[%swap3A_185, %swap3A_186, %swap3A_187] : memref<4x8x128xf32, #tpu.memory_space<vmem>>, vector<1x8x128xf32>
    %swap3A_189 = vector.shape_cast %swap3A_188 : vector<1x8x128xf32> to vector<8x128xf32>
    %swap3A_190 = vector.shape_cast %scan3A_172#6 : vector<8x128xf32> to vector<1x8x128xf32>
    tpu.vector_store %arg6[%swap3A_185, %swap3A_186, %swap3A_187], %swap3A_190 {strides = array<i32>} : memref<4x8x128xf32, #tpu.memory_space<vmem>>, vector<1x8x128xf32>,
    %swap3A_191 = arith.constant 1 : index
    %swap3A_192 = arith.constant 0 : index
    %swap3A_193 = arith.constant 0 : index
    %swap3A_194 = vector.load %arg4[%swap3A_191, %swap3A_192, %swap3A_193] : memref<4x8x128xf32, #tpu.memory_space<vmem>>, vector<1x8x128xf32>
    %swap3A_195 = vector.shape_cast %swap3A_194 : vector<1x8x128xf32> to vector<8x128xf32>
    %swap3A_196 = vector.shape_cast %scan3A_172#11 : vector<8x128xf32> to vector<1x8x128xf32>
    tpu.vector_store %arg4[%swap3A_191, %swap3A_192, %swap3A_193], %swap3A_196 {strides = array<i32>} : memref<4x8x128xf32, #tpu.memory_space<vmem>>, vector<1x8x128xf32>,
    %swap3A_197 = arith.constant 1 : index
    %swap3A_198 = arith.constant 0 : index
    %swap3A_199 = arith.constant 0 : index
    %swap3A_200 = vector.load %arg5[%swap3A_197, %swap3A_198, %swap3A_199] : memref<4x8x128xf32, #tpu.memory_space<vmem>>, vector<1x8x128xf32>
    %swap3A_201 = vector.shape_cast %swap3A_200 : vector<1x8x128xf32> to vector<8x128xf32>
    %swap3A_202 = vector.shape_cast %scan3A_172#12 : vector<8x128xf32> to vector<1x8x128xf32>
    tpu.vector_store %arg5[%swap3A_197, %swap3A_198, %swap3A_199], %swap3A_202 {strides = array<i32>} : memref<4x8x128xf32, #tpu.memory_space<vmem>>, vector<1x8x128xf32>,
    %swap3A_203 = arith.constant 1 : index
    %swap3A_204 = arith.constant 0 : index
    %swap3A_205 = arith.constant 0 : index
    %swap3A_206 = vector.load %arg6[%swap3A_203, %swap3A_204, %swap3A_205] : memref<4x8x128xf32, #tpu.memory_space<vmem>>, vector<1x8x128xf32>
    %swap3A_207 = vector.shape_cast %swap3A_206 : vector<1x8x128xf32> to vector<8x128xf32>
    %swap3A_208 = vector.shape_cast %scan3A_172#13 : vector<8x128xf32> to vector<1x8x128xf32>
    tpu.vector_store %arg6[%swap3A_203, %swap3A_204, %swap3A_205], %swap3A_208 {strides = array<i32>} : memref<4x8x128xf32, #tpu.memory_space<vmem>>, vector<1x8x128xf32>,
    %swap3A_209 = arith.constant 2 : index
    %swap3A_210 = arith.constant 0 : index
    %swap3A_211 = arith.constant 0 : index
    %swap3A_212 = vector.load %arg4[%swap3A_209, %swap3A_210, %swap3A_211] : memref<4x8x128xf32, #tpu.memory_space<vmem>>, vector<1x8x128xf32>
    %swap3A_213 = vector.shape_cast %swap3A_212 : vector<1x8x128xf32> to vector<8x128xf32>
    %swap3A_214 = vector.shape_cast %scan3A_172#18 : vector<8x128xf32> to vector<1x8x128xf32>
    tpu.vector_store %arg4[%swap3A_209, %swap3A_210, %swap3A_211], %swap3A_214 {strides = array<i32>} : memref<4x8x128xf32, #tpu.memory_space<vmem>>, vector<1x8x128xf32>,
    %swap3A_215 = arith.constant 2 : index
    %swap3A_216 = arith.constant 0 : index
    %swap3A_217 = arith.constant 0 : index
    %swap3A_218 = vector.load %arg5[%swap3A_215, %swap3A_216, %swap3A_217] : memref<4x8x128xf32, #tpu.memory_space<vmem>>, vector<1x8x128xf32>
    %swap3A_219 = vector.shape_cast %swap3A_218 : vector<1x8x128xf32> to vector<8x128xf32>
    %swap3A_220 = vector.shape_cast %scan3A_172#19 : vector<8x128xf32> to vector<1x8x128xf32>
    tpu.vector_store %arg5[%swap3A_215, %swap3A_216, %swap3A_217], %swap3A_220 {strides = array<i32>} : memref<4x8x128xf32, #tpu.memory_space<vmem>>, vector<1x8x128xf32>,
    %swap3A_221 = arith.constant 2 : index
    %swap3A_222 = arith.constant 0 : index
    %swap3A_223 = arith.constant 0 : index
    %swap3A_224 = vector.load %arg6[%swap3A_221, %swap3A_222, %swap3A_223] : memref<4x8x128xf32, #tpu.memory_space<vmem>>, vector<1x8x128xf32>
    %swap3A_225 = vector.shape_cast %swap3A_224 : vector<1x8x128xf32> to vector<8x128xf32>
    %swap3A_226 = vector.shape_cast %scan3A_172#20 : vector<8x128xf32> to vector<1x8x128xf32>
    tpu.vector_store %arg6[%swap3A_221, %swap3A_222, %swap3A_223], %swap3A_226 {strides = array<i32>} : memref<4x8x128xf32, #tpu.memory_space<vmem>>, vector<1x8x128xf32>,
    %swap3A_227 = arith.constant 3 : index
    %swap3A_228 = arith.constant 0 : index
    %swap3A_229 = arith.constant 0 : index
    %swap3A_230 = vector.load %arg4[%swap3A_227, %swap3A_228, %swap3A_229] : memref<4x8x128xf32, #tpu.memory_space<vmem>>, vector<1x8x128xf32>
    %swap3A_231 = vector.shape_cast %swap3A_230 : vector<1x8x128xf32> to vector<8x128xf32>
    %swap3A_232 = vector.shape_cast %scan3A_172#25 : vector<8x128xf32> to vector<1x8x128xf32>
    tpu.vector_store %arg4[%swap3A_227, %swap3A_228, %swap3A_229], %swap3A_232 {strides = array<i32>} : memref<4x8x128xf32, #tpu.memory_space<vmem>>, vector<1x8x128xf32>,
    %swap3A_233 = arith.constant 3 : index
    %swap3A_234 = arith.constant 0 : index
    %swap3A_235 = arith.constant 0 : index
    %swap3A_236 = vector.load %arg5[%swap3A_233, %swap3A_234, %swap3A_235] : memref<4x8x128xf32, #tpu.memory_space<vmem>>, vector<1x8x128xf32>
    %swap3A_237 = vector.shape_cast %swap3A_236 : vector<1x8x128xf32> to vector<8x128xf32>
    %swap3A_238 = vector.shape_cast %scan3A_172#26 : vector<8x128xf32> to vector<1x8x128xf32>
    tpu.vector_store %arg5[%swap3A_233, %swap3A_234, %swap3A_235], %swap3A_238 {strides = array<i32>} : memref<4x8x128xf32, #tpu.memory_space<vmem>>, vector<1x8x128xf32>,
    %swap3A_239 = arith.constant 3 : index
    %swap3A_240 = arith.constant 0 : index
    %swap3A_241 = arith.constant 0 : index
    %swap3A_242 = vector.load %arg6[%swap3A_239, %swap3A_240, %swap3A_241] : memref<4x8x128xf32, #tpu.memory_space<vmem>>, vector<1x8x128xf32>
    %swap3A_243 = vector.shape_cast %swap3A_242 : vector<1x8x128xf32> to vector<8x128xf32>
    %swap3A_244 = vector.shape_cast %scan3A_172#27 : vector<8x128xf32> to vector<1x8x128xf32>
    tpu.vector_store %arg6[%swap3A_239, %swap3A_240, %swap3A_241], %swap3A_244 {strides = array<i32>} : memref<4x8x128xf32, #tpu.memory_space<vmem>>, vector<1x8x128xf32>,
    return
  }
}

module attributes {stable_mosaic.version = 14 : i64} {
  func.func @_xstats_body(%arg0: memref<16384x64xf32, #tpu.memory_space<vmem>>, %arg1: memref<128x64xf32, #tpu.memory_space<vmem>>, %arg2: memref<128x1xf32, #tpu.memory_space<vmem>>, %arg3: memref<128x1xf32, #tpu.memory_space<vmem>>, %arg4: memref<128x1xf32, #tpu.memory_space<vmem>>, %arg5: memref<128x1xf32, #tpu.memory_space<vmem>>) attributes {dimension_semantics = [], scalar_prefetch = 0 : i64, scratch_operands = 0 : i64, tpu.core_type = #tpu.core_type<tc>} {
    %get3A = arith.constant 0 : index
    %get3A_0 = arith.constant 0 : index
    %get3A_1 = vector.load %arg0[%get3A, %get3A_0] : memref<16384x64xf32, #tpu.memory_space<vmem>>, vector<16384x64xf32>
    %get3A_2 = arith.constant 0 : index
    %get3A_3 = arith.constant 0 : index
    %get3A_4 = vector.load %arg1[%get3A_2, %get3A_3] : memref<128x64xf32, #tpu.memory_space<vmem>>, vector<128x64xf32>
    %dot_general3A = arith.constant dense<0.000000e+00> : vector<64x64xf32>
    %dot_general3A_5 = tpu.matmul %get3A_1, %get3A_1, %dot_general3A {dimension_numbers = #tpu.dot_dimension_numbers<[0], [0], [1], [1], [0, 1, 1, 1], [], []>, transpose_lhs_hint = false} : vector<16384x64xf32>, vector<16384x64xf32>, vector<64x64xf32> -> vector<64x64xf32>
    %div3A = arith.constant 1.638400e+04 : f32
    %div3A_6 = vector.broadcast %div3A : f32 to vector<64x64xf32>
    %div3A_7 = arith.divf %dot_general3A_5, %div3A_6 : vector<64x64xf32>
    %reduce_sum3A = arith.constant dense<0.000000e+00> : vector<64xf32>
    %reduce_sum3A_8 = vector.multi_reduction <add>, %get3A_1, %reduce_sum3A [0] : vector<16384x64xf32> to vector<64xf32>
    %broadcast_in_dim3A = vector.shape_cast %reduce_sum3A_8 : vector<64xf32> to vector<1x64xf32>
    %div3A_9 = arith.constant 1.638400e+04 : f32
    %div3A_10 = vector.broadcast %div3A_9 : f32 to vector<1x64xf32>
    %div3A_11 = arith.divf %broadcast_in_dim3A, %div3A_10 : vector<1x64xf32>
    %dot_general3A_12 = arith.constant dense<0.000000e+00> : vector<128x1xf32>
    %dot_general3A_13 = tpu.matmul %get3A_4, %div3A_11, %dot_general3A_12 {dimension_numbers = #tpu.dot_dimension_numbers<[1], [1], [0], [0], [0, 0, 1, 0], [], []>, transpose_lhs_hint = false} : vector<128x64xf32>, vector<1x64xf32>, vector<128x1xf32> -> vector<128x1xf32>
    %dot_general3A_14 = arith.constant dense<0.000000e+00> : vector<128x64xf32>
    %dot_general3A_15 = tpu.matmul %get3A_4, %div3A_7, %dot_general3A_14 {dimension_numbers = #tpu.dot_dimension_numbers<[1], [0], [0], [1], [0, 0, 1, 1], [], []>, transpose_lhs_hint = false} : vector<128x64xf32>, vector<64x64xf32>, vector<128x64xf32> -> vector<128x64xf32>
    %mul3A = arith.mulf %dot_general3A_15, %get3A_4 : vector<128x64xf32>
    %reduce_sum3A_16 = arith.constant dense<0.000000e+00> : vector<128xf32>
    %reduce_sum3A_17 = vector.multi_reduction <add>, %mul3A, %reduce_sum3A_16 [1] : vector<128x64xf32> to vector<128xf32>
    %broadcast_in_dim3A_18 = vector.shape_cast %reduce_sum3A_17 : vector<128xf32> to vector<128x1xf32>
    %mul3A_19 = arith.mulf %dot_general3A_13, %dot_general3A_13 : vector<128x1xf32>
    %sub3A = arith.subf %broadcast_in_dim3A_18, %mul3A_19 : vector<128x1xf32>
    %get3A_20 = arith.constant 0 : index
    %get3A_21 = arith.constant 0 : index
    %get3A_22 = vector.load %arg2[%get3A_20, %get3A_21] : memref<128x1xf32, #tpu.memory_space<vmem>>, vector<128x1xf32>
    %add3A = arith.constant 9.99999974E-6 : f32
    %add3A_23 = vector.broadcast %add3A : f32 to vector<128x1xf32>
    %add3A_24 = arith.addf %sub3A, %add3A_23 : vector<128x1xf32>
    %sqrt3A = math.sqrt %add3A_24 : vector<128x1xf32>
    %div3A_25 = arith.divf %get3A_22, %sqrt3A : vector<128x1xf32>
    %swap3A = arith.constant 0 : index
    %swap3A_26 = arith.constant 0 : index
    %swap3A_27 = vector.load %arg4[%swap3A, %swap3A_26] : memref<128x1xf32, #tpu.memory_space<vmem>>, vector<128x1xf32>
    tpu.vector_store %arg4[%swap3A, %swap3A_26], %div3A_25 {strides = array<i32>} : memref<128x1xf32, #tpu.memory_space<vmem>>, vector<128x1xf32>,
    %get3A_28 = arith.constant 0 : index
    %get3A_29 = arith.constant 0 : index
    %get3A_30 = vector.load %arg3[%get3A_28, %get3A_29] : memref<128x1xf32, #tpu.memory_space<vmem>>, vector<128x1xf32>
    %mul3A_31 = arith.mulf %dot_general3A_13, %div3A_25 : vector<128x1xf32>
    %sub3A_32 = arith.subf %get3A_30, %mul3A_31 : vector<128x1xf32>
    %swap3A_33 = arith.constant 0 : index
    %swap3A_34 = arith.constant 0 : index
    %swap3A_35 = vector.load %arg5[%swap3A_33, %swap3A_34] : memref<128x1xf32, #tpu.memory_space<vmem>>, vector<128x1xf32>
    tpu.vector_store %arg5[%swap3A_33, %swap3A_34], %sub3A_32 {strides = array<i32>} : memref<128x1xf32, #tpu.memory_space<vmem>>, vector<128x1xf32>,
    return
  }
}

module attributes {stable_mosaic.version = 14 : i64} {
  func.func @_feats_body(%arg0: i32, %arg1: memref<2048x64xf32, #tpu.memory_space<vmem>>, %arg2: memref<64x128xf32, #tpu.memory_space<vmem>>, %arg3: memref<1x128xf32, #tpu.memory_space<vmem>>, %arg4: memref<1x128xf32, #tpu.memory_space<vmem>>, %arg5: memref<2048x128xf32, #tpu.memory_space<vmem>>) attributes {dimension_semantics = [#tpu.dimension_semantics<arbitrary>], iteration_bounds = array<i64: 8>, scalar_prefetch = 0 : i64, scratch_operands = 0 : i64, tpu.core_type = #tpu.core_type<tc>, window_params = [{transform_indices = @transform_0, window_bounds = array<i64: 2048, 64>}, {pipeline_mode = #tpu.pipeline_mode<synchronous>, transform_indices = @transform_1, window_bounds = array<i64: 64, 128>}, {pipeline_mode = #tpu.pipeline_mode<synchronous>, transform_indices = @transform_2, window_bounds = array<i64: 1, 128>}, {pipeline_mode = #tpu.pipeline_mode<synchronous>, transform_indices = @transform_3, window_bounds = array<i64: 1, 128>}, {transform_indices = @transform_4, window_bounds = array<i64: 2048, 128>}]} {
    %get3A = arith.constant 0 : index
    %get3A_0 = arith.constant 0 : index
    %get3A_1 = vector.load %arg1[%get3A, %get3A_0] : memref<2048x64xf32, #tpu.memory_space<vmem>>, vector<2048x64xf32>
    %get3A_2 = arith.constant 0 : index
    %get3A_3 = arith.constant 0 : index
    %get3A_4 = vector.load %arg2[%get3A_2, %get3A_3] : memref<64x128xf32, #tpu.memory_space<vmem>>, vector<64x128xf32>
    %dot_general3A = arith.constant dense<0.000000e+00> : vector<2048x128xf32>
    %dot_general3A_5 = tpu.matmul %get3A_1, %get3A_4, %dot_general3A {dimension_numbers = #tpu.dot_dimension_numbers<[1], [0], [0], [1], [0, 0, 1, 1], [], []>, transpose_lhs_hint = false} : vector<2048x64xf32>, vector<64x128xf32>, vector<2048x128xf32> -> vector<2048x128xf32>
    %get3A_6 = arith.constant 0 : index
    %get3A_7 = arith.constant 0 : index
    %get3A_8 = vector.load %arg3[%get3A_6, %get3A_7] : memref<1x128xf32, #tpu.memory_space<vmem>>, vector<1x128xf32>
    %mul3A = vector.broadcast %get3A_8 : vector<1x128xf32> to vector<2048x128xf32>
    %mul3A_9 = arith.mulf %dot_general3A_5, %mul3A : vector<2048x128xf32>
    %get3A_10 = arith.constant 0 : index
    %get3A_11 = arith.constant 0 : index
    %get3A_12 = vector.load %arg4[%get3A_10, %get3A_11] : memref<1x128xf32, #tpu.memory_space<vmem>>, vector<1x128xf32>
    %add3A = vector.broadcast %get3A_12 : vector<1x128xf32> to vector<2048x128xf32>
    %add3A_13 = arith.addf %mul3A_9, %add3A : vector<2048x128xf32>
    %max3A = arith.constant 0.000000e+00 : f32
    %max3A_14 = vector.broadcast %max3A : f32 to vector<2048x128xf32>
    %max3A_15 = arith.maximumf %add3A_13, %max3A_14 : vector<2048x128xf32>
    %swap3A = arith.constant 0 : index
    %swap3A_16 = arith.constant 0 : index
    %swap3A_17 = vector.load %arg5[%swap3A, %swap3A_16] : memref<2048x128xf32, #tpu.memory_space<vmem>>, vector<2048x128xf32>
    tpu.vector_store %arg5[%swap3A, %swap3A_16], %max3A_15 {strides = array<i32>} : memref<2048x128xf32, #tpu.memory_space<vmem>>, vector<2048x128xf32>,
    return
  }
  func.func @transform_0(%arg0: i32) -> (i32, i32) {
    %c0_i32 = arith.constant 0 : i32
    %c0_i32_0 = arith.constant 0 : i32
    return %arg0, %c0_i32 : i32, i32
  }
  func.func @transform_1(%arg0: i32) -> (i32, i32) {
    %c0_i32 = arith.constant 0 : i32
    %c0_i32_0 = arith.constant 0 : i32
    %c0_i32_1 = arith.constant 0 : i32
    return %c0_i32, %c0_i32_0 : i32, i32
  }
  func.func @transform_2(%arg0: i32) -> (i32, i32) {
    %c0_i32 = arith.constant 0 : i32
    %c0_i32_0 = arith.constant 0 : i32
    %c0_i32_1 = arith.constant 0 : i32
    return %c0_i32, %c0_i32_0 : i32, i32
  }
  func.func @transform_3(%arg0: i32) -> (i32, i32) {
    %c0_i32 = arith.constant 0 : i32
    %c0_i32_0 = arith.constant 0 : i32
    %c0_i32_1 = arith.constant 0 : i32
    return %c0_i32, %c0_i32_0 : i32, i32
  }
  func.func @transform_4(%arg0: i32) -> (i32, i32) {
    %c0_i32 = arith.constant 0 : i32
    %c0_i32_0 = arith.constant 0 : i32
    return %arg0, %c0_i32 : i32, i32
  }
}

module attributes {stable_mosaic.version = 14 : i64} {
  func.func @_pstats_body(%arg0: memref<4096x128xf32, #tpu.memory_space<vmem>>, %arg1: memref<4x128xf32, #tpu.memory_space<vmem>>, %arg2: memref<1x128xf32, #tpu.memory_space<vmem>>, %arg3: memref<1x128xf32, #tpu.memory_space<vmem>>, %arg4: memref<1x128xf32, #tpu.memory_space<vmem>>, %arg5: memref<1x128xf32, #tpu.memory_space<vmem>>) attributes {dimension_semantics = [], scalar_prefetch = 0 : i64, scratch_operands = 0 : i64, tpu.core_type = #tpu.core_type<tc>} {
    %get3A = arith.constant 0 : index
    %get3A_0 = arith.constant 0 : index
    %get3A_1 = vector.load %arg0[%get3A, %get3A_0] : memref<4096x128xf32, #tpu.memory_space<vmem>>, vector<4096x128xf32>
    %get3A_2 = arith.constant 0 : index
    %get3A_3 = arith.constant 0 : index
    %get3A_4 = vector.load %arg1[%get3A_2, %get3A_3] : memref<4x128xf32, #tpu.memory_space<vmem>>, vector<4x128xf32>
    %iota3A = tpu.iota {dimensions = array<i32: 0>} : vector<128x32xi32>
    %iota3A_5 = tpu.iota {dimensions = array<i32: 1>} : vector<128x32xi32>
    %mul3A = arith.constant 4 : i32
    %mul3A_6 = vector.broadcast %mul3A : i32 to vector<128x32xi32>
    %mul3A_7 = arith.muli %iota3A_5, %mul3A_6 : vector<128x32xi32>
    %add3A = arith.constant 0 : i32
    %add3A_8 = vector.broadcast %add3A : i32 to vector<128x32xi32>
    %add3A_9 = arith.addi %mul3A_7, %add3A_8 : vector<128x32xi32>
    %eq3A = arith.cmpi eq, %iota3A, %add3A_9 : vector<128x32xi32>
    %convert_element_type3A = arith.extui %eq3A : vector<128x32xi1> to vector<128x32xi32>
    %convert_element_type3A_10 = arith.sitofp %convert_element_type3A : vector<128x32xi32> to vector<128x32xf32>
    %dot_general3A = arith.constant dense<0.000000e+00> : vector<4096x32xf32>
    %dot_general3A_11 = tpu.matmul %get3A_1, %convert_element_type3A_10, %dot_general3A {dimension_numbers = #tpu.dot_dimension_numbers<[1], [0], [0], [1], [0, 0, 1, 1], [], []>, transpose_lhs_hint = false} : vector<4096x128xf32>, vector<128x32xf32>, vector<4096x32xf32> -> vector<4096x32xf32>
    %mul3A_12 = arith.constant 4 : i32
    %mul3A_13 = vector.broadcast %mul3A_12 : i32 to vector<128x32xi32>
    %mul3A_14 = arith.muli %iota3A_5, %mul3A_13 : vector<128x32xi32>
    %add3A_15 = arith.constant 1 : i32
    %add3A_16 = vector.broadcast %add3A_15 : i32 to vector<128x32xi32>
    %add3A_17 = arith.addi %mul3A_14, %add3A_16 : vector<128x32xi32>
    %eq3A_18 = arith.cmpi eq, %iota3A, %add3A_17 : vector<128x32xi32>
    %convert_element_type3A_19 = arith.extui %eq3A_18 : vector<128x32xi1> to vector<128x32xi32>
    %convert_element_type3A_20 = arith.sitofp %convert_element_type3A_19 : vector<128x32xi32> to vector<128x32xf32>
    %dot_general3A_21 = arith.constant dense<0.000000e+00> : vector<4096x32xf32>
    %dot_general3A_22 = tpu.matmul %get3A_1, %convert_element_type3A_20, %dot_general3A_21 {dimension_numbers = #tpu.dot_dimension_numbers<[1], [0], [0], [1], [0, 0, 1, 1], [], []>, transpose_lhs_hint = false} : vector<4096x128xf32>, vector<128x32xf32>, vector<4096x32xf32> -> vector<4096x32xf32>
    %mul3A_23 = arith.constant 4 : i32
    %mul3A_24 = vector.broadcast %mul3A_23 : i32 to vector<128x32xi32>
    %mul3A_25 = arith.muli %iota3A_5, %mul3A_24 : vector<128x32xi32>
    %add3A_26 = arith.constant 2 : i32
    %add3A_27 = vector.broadcast %add3A_26 : i32 to vector<128x32xi32>
    %add3A_28 = arith.addi %mul3A_25, %add3A_27 : vector<128x32xi32>
    %eq3A_29 = arith.cmpi eq, %iota3A, %add3A_28 : vector<128x32xi32>
    %convert_element_type3A_30 = arith.extui %eq3A_29 : vector<128x32xi1> to vector<128x32xi32>
    %convert_element_type3A_31 = arith.sitofp %convert_element_type3A_30 : vector<128x32xi32> to vector<128x32xf32>
    %dot_general3A_32 = arith.constant dense<0.000000e+00> : vector<4096x32xf32>
    %dot_general3A_33 = tpu.matmul %get3A_1, %convert_element_type3A_31, %dot_general3A_32 {dimension_numbers = #tpu.dot_dimension_numbers<[1], [0], [0], [1], [0, 0, 1, 1], [], []>, transpose_lhs_hint = false} : vector<4096x128xf32>, vector<128x32xf32>, vector<4096x32xf32> -> vector<4096x32xf32>
    %reduce_sum3A = vector.shape_cast %dot_general3A_11 : vector<4096x32xf32> to vector<1x4096x32xf32>
    %reduce_sum3A_34 = arith.constant dense<0.000000e+00> : vector<1xf32>
    %reduce_sum3A_35 = vector.multi_reduction <add>, %reduce_sum3A, %reduce_sum3A_34 [1, 2] : vector<1x4096x32xf32> to vector<1xf32>
    %reduce_sum3A_36 = vector.shape_cast %reduce_sum3A_35 : vector<1xf32> to vector<1x1x1xf32>
    %reduce_sum3A_37 = vector.extract %reduce_sum3A_36[0, 0, 0] : f32 from vector<1x1x1xf32>
    %div3A = arith.constant 1.310720e+05 : f32
    %div3A_38 = arith.divf %reduce_sum3A_37, %div3A : f32
    %reduce_sum3A_39 = vector.shape_cast %dot_general3A_22 : vector<4096x32xf32> to vector<1x4096x32xf32>
    %reduce_sum3A_40 = arith.constant dense<0.000000e+00> : vector<1xf32>
    %reduce_sum3A_41 = vector.multi_reduction <add>, %reduce_sum3A_39, %reduce_sum3A_40 [1, 2] : vector<1x4096x32xf32> to vector<1xf32>
    %reduce_sum3A_42 = vector.shape_cast %reduce_sum3A_41 : vector<1xf32> to vector<1x1x1xf32>
    %reduce_sum3A_43 = vector.extract %reduce_sum3A_42[0, 0, 0] : f32 from vector<1x1x1xf32>
    %div3A_44 = arith.constant 1.310720e+05 : f32
    %div3A_45 = arith.divf %reduce_sum3A_43, %div3A_44 : f32
    %reduce_sum3A_46 = vector.shape_cast %dot_general3A_33 : vector<4096x32xf32> to vector<1x4096x32xf32>
    %reduce_sum3A_47 = arith.constant dense<0.000000e+00> : vector<1xf32>
    %reduce_sum3A_48 = vector.multi_reduction <add>, %reduce_sum3A_46, %reduce_sum3A_47 [1, 2] : vector<1x4096x32xf32> to vector<1xf32>
    %reduce_sum3A_49 = vector.shape_cast %reduce_sum3A_48 : vector<1xf32> to vector<1x1x1xf32>
    %reduce_sum3A_50 = vector.extract %reduce_sum3A_49[0, 0, 0] : f32 from vector<1x1x1xf32>
    %div3A_51 = arith.constant 1.310720e+05 : f32
    %div3A_52 = arith.divf %reduce_sum3A_50, %div3A_51 : f32
    %mul3A_53 = arith.mulf %dot_general3A_11, %dot_general3A_11 : vector<4096x32xf32>
    %reduce_sum3A_54 = vector.shape_cast %mul3A_53 : vector<4096x32xf32> to vector<1x4096x32xf32>
    %reduce_sum3A_55 = arith.constant dense<0.000000e+00> : vector<1xf32>
    %reduce_sum3A_56 = vector.multi_reduction <add>, %reduce_sum3A_54, %reduce_sum3A_55 [1, 2] : vector<1x4096x32xf32> to vector<1xf32>
    %reduce_sum3A_57 = vector.shape_cast %reduce_sum3A_56 : vector<1xf32> to vector<1x1x1xf32>
    %reduce_sum3A_58 = vector.extract %reduce_sum3A_57[0, 0, 0] : f32 from vector<1x1x1xf32>
    %div3A_59 = arith.constant 1.310720e+05 : f32
    %div3A_60 = arith.divf %reduce_sum3A_58, %div3A_59 : f32
    %mul3A_61 = arith.mulf %dot_general3A_22, %dot_general3A_22 : vector<4096x32xf32>
    %reduce_sum3A_62 = vector.shape_cast %mul3A_61 : vector<4096x32xf32> to vector<1x4096x32xf32>
    %reduce_sum3A_63 = arith.constant dense<0.000000e+00> : vector<1xf32>
    %reduce_sum3A_64 = vector.multi_reduction <add>, %reduce_sum3A_62, %reduce_sum3A_63 [1, 2] : vector<1x4096x32xf32> to vector<1xf32>
    %reduce_sum3A_65 = vector.shape_cast %reduce_sum3A_64 : vector<1xf32> to vector<1x1x1xf32>
    %reduce_sum3A_66 = vector.extract %reduce_sum3A_65[0, 0, 0] : f32 from vector<1x1x1xf32>
    %div3A_67 = arith.constant 1.310720e+05 : f32
    %div3A_68 = arith.divf %reduce_sum3A_66, %div3A_67 : f32
    %mul3A_69 = arith.mulf %dot_general3A_33, %dot_general3A_33 : vector<4096x32xf32>
    %reduce_sum3A_70 = vector.shape_cast %mul3A_69 : vector<4096x32xf32> to vector<1x4096x32xf32>
    %reduce_sum3A_71 = arith.constant dense<0.000000e+00> : vector<1xf32>
    %reduce_sum3A_72 = vector.multi_reduction <add>, %reduce_sum3A_70, %reduce_sum3A_71 [1, 2] : vector<1x4096x32xf32> to vector<1xf32>
    %reduce_sum3A_73 = vector.shape_cast %reduce_sum3A_72 : vector<1xf32> to vector<1x1x1xf32>
    %reduce_sum3A_74 = vector.extract %reduce_sum3A_73[0, 0, 0] : f32 from vector<1x1x1xf32>
    %div3A_75 = arith.constant 1.310720e+05 : f32
    %div3A_76 = arith.divf %reduce_sum3A_74, %div3A_75 : f32
    %mul3A_77 = arith.mulf %dot_general3A_11, %dot_general3A_22 : vector<4096x32xf32>
    %reduce_sum3A_78 = vector.shape_cast %mul3A_77 : vector<4096x32xf32> to vector<1x4096x32xf32>
    %reduce_sum3A_79 = arith.constant dense<0.000000e+00> : vector<1xf32>
    %reduce_sum3A_80 = vector.multi_reduction <add>, %reduce_sum3A_78, %reduce_sum3A_79 [1, 2] : vector<1x4096x32xf32> to vector<1xf32>
    %reduce_sum3A_81 = vector.shape_cast %reduce_sum3A_80 : vector<1xf32> to vector<1x1x1xf32>
    %reduce_sum3A_82 = vector.extract %reduce_sum3A_81[0, 0, 0] : f32 from vector<1x1x1xf32>
    %div3A_83 = arith.constant 1.310720e+05 : f32
    %div3A_84 = arith.divf %reduce_sum3A_82, %div3A_83 : f32
    %mul3A_85 = arith.mulf %dot_general3A_11, %dot_general3A_33 : vector<4096x32xf32>
    %reduce_sum3A_86 = vector.shape_cast %mul3A_85 : vector<4096x32xf32> to vector<1x4096x32xf32>
    %reduce_sum3A_87 = arith.constant dense<0.000000e+00> : vector<1xf32>
    %reduce_sum3A_88 = vector.multi_reduction <add>, %reduce_sum3A_86, %reduce_sum3A_87 [1, 2] : vector<1x4096x32xf32> to vector<1xf32>
    %reduce_sum3A_89 = vector.shape_cast %reduce_sum3A_88 : vector<1xf32> to vector<1x1x1xf32>
    %reduce_sum3A_90 = vector.extract %reduce_sum3A_89[0, 0, 0] : f32 from vector<1x1x1xf32>
    %div3A_91 = arith.constant 1.310720e+05 : f32
    %div3A_92 = arith.divf %reduce_sum3A_90, %div3A_91 : f32
    %mul3A_93 = arith.mulf %dot_general3A_22, %dot_general3A_33 : vector<4096x32xf32>
    %reduce_sum3A_94 = vector.shape_cast %mul3A_93 : vector<4096x32xf32> to vector<1x4096x32xf32>
    %reduce_sum3A_95 = arith.constant dense<0.000000e+00> : vector<1xf32>
    %reduce_sum3A_96 = vector.multi_reduction <add>, %reduce_sum3A_94, %reduce_sum3A_95 [1, 2] : vector<1x4096x32xf32> to vector<1xf32>
    %reduce_sum3A_97 = vector.shape_cast %reduce_sum3A_96 : vector<1xf32> to vector<1x1x1xf32>
    %reduce_sum3A_98 = vector.extract %reduce_sum3A_97[0, 0, 0] : f32 from vector<1x1x1xf32>
    %div3A_99 = arith.constant 1.310720e+05 : f32
    %div3A_100 = arith.divf %reduce_sum3A_98, %div3A_99 : f32
    %slice3A = vector.extract_strided_slice %get3A_4 {offsets = [0, 0], sizes = [1, 128], strides = [1, 1]} : vector<4x128xf32> to vector<1x128xf32>
    %slice3A_101 = vector.extract_strided_slice %get3A_4 {offsets = [1, 0], sizes = [1, 128], strides = [1, 1]} : vector<4x128xf32> to vector<1x128xf32>
    %slice3A_102 = vector.extract_strided_slice %get3A_4 {offsets = [2, 0], sizes = [1, 128], strides = [1, 1]} : vector<4x128xf32> to vector<1x128xf32>
    %mul3A_103 = vector.broadcast %div3A_38 : f32 to vector<1x128xf32>
    %mul3A_104 = arith.mulf %mul3A_103, %slice3A : vector<1x128xf32>
    %mul3A_105 = vector.broadcast %div3A_45 : f32 to vector<1x128xf32>
    %mul3A_106 = arith.mulf %mul3A_105, %slice3A_101 : vector<1x128xf32>
    %add3A_107 = arith.addf %mul3A_104, %mul3A_106 : vector<1x128xf32>
    %mul3A_108 = vector.broadcast %div3A_52 : f32 to vector<1x128xf32>
    %mul3A_109 = arith.mulf %mul3A_108, %slice3A_102 : vector<1x128xf32>
    %add3A_110 = arith.addf %add3A_107, %mul3A_109 : vector<1x128xf32>
    %mul3A_111 = arith.mulf %slice3A, %slice3A : vector<1x128xf32>
    %mul3A_112 = vector.broadcast %div3A_60 : f32 to vector<1x128xf32>
    %mul3A_113 = arith.mulf %mul3A_111, %mul3A_112 : vector<1x128xf32>
    %mul3A_114 = arith.mulf %slice3A_101, %slice3A_101 : vector<1x128xf32>
    %mul3A_115 = vector.broadcast %div3A_68 : f32 to vector<1x128xf32>
    %mul3A_116 = arith.mulf %mul3A_114, %mul3A_115 : vector<1x128xf32>
    %add3A_117 = arith.addf %mul3A_113, %mul3A_116 : vector<1x128xf32>
    %mul3A_118 = arith.mulf %slice3A_102, %slice3A_102 : vector<1x128xf32>
    %mul3A_119 = vector.broadcast %div3A_76 : f32 to vector<1x128xf32>
    %mul3A_120 = arith.mulf %mul3A_118, %mul3A_119 : vector<1x128xf32>
    %add3A_121 = arith.addf %add3A_117, %mul3A_120 : vector<1x128xf32>
    %mul3A_122 = arith.mulf %slice3A, %slice3A_101 : vector<1x128xf32>
    %mul3A_123 = vector.broadcast %div3A_84 : f32 to vector<1x128xf32>
    %mul3A_124 = arith.mulf %mul3A_122, %mul3A_123 : vector<1x128xf32>
    %mul3A_125 = arith.mulf %slice3A, %slice3A_102 : vector<1x128xf32>
    %mul3A_126 = vector.broadcast %div3A_92 : f32 to vector<1x128xf32>
    %mul3A_127 = arith.mulf %mul3A_125, %mul3A_126 : vector<1x128xf32>
    %add3A_128 = arith.addf %mul3A_124, %mul3A_127 : vector<1x128xf32>
    %mul3A_129 = arith.mulf %slice3A_101, %slice3A_102 : vector<1x128xf32>
    %mul3A_130 = vector.broadcast %div3A_100 : f32 to vector<1x128xf32>
    %mul3A_131 = arith.mulf %mul3A_129, %mul3A_130 : vector<1x128xf32>
    %add3A_132 = arith.addf %add3A_128, %mul3A_131 : vector<1x128xf32>
    %mul3A_133 = arith.constant 2.000000e+00 : f32
    %mul3A_134 = vector.broadcast %mul3A_133 : f32 to vector<1x128xf32>
    %mul3A_135 = arith.mulf %mul3A_134, %add3A_132 : vector<1x128xf32>
    %add3A_136 = arith.addf %add3A_121, %mul3A_135 : vector<1x128xf32>
    %mul3A_137 = arith.mulf %add3A_110, %add3A_110 : vector<1x128xf32>
    %sub3A = arith.subf %add3A_136, %mul3A_137 : vector<1x128xf32>
    %get3A_138 = arith.constant 0 : index
    %get3A_139 = arith.constant 0 : index
    %get3A_140 = vector.load %arg2[%get3A_138, %get3A_139] : memref<1x128xf32, #tpu.memory_space<vmem>>, vector<1x128xf32>
    %add3A_141 = arith.constant 9.99999974E-6 : f32
    %add3A_142 = vector.broadcast %add3A_141 : f32 to vector<1x128xf32>
    %add3A_143 = arith.addf %sub3A, %add3A_142 : vector<1x128xf32>
    %sqrt3A = math.sqrt %add3A_143 : vector<1x128xf32>
    %div3A_144 = arith.divf %get3A_140, %sqrt3A : vector<1x128xf32>
    %swap3A = arith.constant 0 : index
    %swap3A_145 = arith.constant 0 : index
    %swap3A_146 = vector.load %arg4[%swap3A, %swap3A_145] : memref<1x128xf32, #tpu.memory_space<vmem>>, vector<1x128xf32>
    tpu.vector_store %arg4[%swap3A, %swap3A_145], %div3A_144 {strides = array<i32>} : memref<1x128xf32, #tpu.memory_space<vmem>>, vector<1x128xf32>,
    %get3A_147 = arith.constant 0 : index
    %get3A_148 = arith.constant 0 : index
    %get3A_149 = vector.load %arg3[%get3A_147, %get3A_148] : memref<1x128xf32, #tpu.memory_space<vmem>>, vector<1x128xf32>
    %mul3A_150 = arith.mulf %add3A_110, %div3A_144 : vector<1x128xf32>
    %sub3A_151 = arith.subf %get3A_149, %mul3A_150 : vector<1x128xf32>
    %swap3A_152 = arith.constant 0 : index
    %swap3A_153 = arith.constant 0 : index
    %swap3A_154 = vector.load %arg5[%swap3A_152, %swap3A_153] : memref<1x128xf32, #tpu.memory_space<vmem>>, vector<1x128xf32>
    tpu.vector_store %arg5[%swap3A_152, %swap3A_153], %sub3A_151 {strides = array<i32>} : memref<1x128xf32, #tpu.memory_space<vmem>>, vector<1x128xf32>,
    return
  }
}

module attributes {stable_mosaic.version = 14 : i64} {
  func.func @_fuse_body(%arg0: i32, %arg1: memref<2048x128xf32, #tpu.memory_space<vmem>>, %arg2: memref<2048x4xf32, #tpu.memory_space<vmem>>, %arg3: memref<4x128xf32, #tpu.memory_space<vmem>>, %arg4: memref<1x128xf32, #tpu.memory_space<vmem>>, %arg5: memref<1x128xf32, #tpu.memory_space<vmem>>, %arg6: memref<64x128xf32, #tpu.memory_space<vmem>>) attributes {dimension_semantics = [#tpu.dimension_semantics<arbitrary>], iteration_bounds = array<i64: 64>, scalar_prefetch = 0 : i64, scratch_operands = 0 : i64, tpu.core_type = #tpu.core_type<tc>, window_params = [{transform_indices = @transform_0, window_bounds = array<i64: 2048, 128>}, {transform_indices = @transform_1, window_bounds = array<i64: 2048, 4>}, {pipeline_mode = #tpu.pipeline_mode<synchronous>, transform_indices = @transform_2, window_bounds = array<i64: 4, 128>}, {pipeline_mode = #tpu.pipeline_mode<synchronous>, transform_indices = @transform_3, window_bounds = array<i64: 1, 128>}, {pipeline_mode = #tpu.pipeline_mode<synchronous>, transform_indices = @transform_4, window_bounds = array<i64: 1, 128>}, {transform_indices = @transform_5, window_bounds = array<i64: 64, 128>}]} {
    %get3A = arith.constant 0 : index
    %get3A_0 = arith.constant 0 : index
    %get3A_1 = vector.load %arg2[%get3A, %get3A_0] : memref<2048x4xf32, #tpu.memory_space<vmem>>, vector<2048x4xf32>
    %get3A_2 = arith.constant 0 : index
    %get3A_3 = arith.constant 0 : index
    %get3A_4 = vector.load %arg3[%get3A_2, %get3A_3] : memref<4x128xf32, #tpu.memory_space<vmem>>, vector<4x128xf32>
    %dot_general3A = arith.constant dense<0.000000e+00> : vector<2048x128xf32>
    %dot_general3A_5 = tpu.matmul %get3A_1, %get3A_4, %dot_general3A {dimension_numbers = #tpu.dot_dimension_numbers<[1], [0], [0], [1], [0, 0, 1, 1], [], []>, transpose_lhs_hint = false} : vector<2048x4xf32>, vector<4x128xf32>, vector<2048x128xf32> -> vector<2048x128xf32>
    %get3A_6 = arith.constant 0 : index
    %get3A_7 = arith.constant 0 : index
    %get3A_8 = vector.load %arg4[%get3A_6, %get3A_7] : memref<1x128xf32, #tpu.memory_space<vmem>>, vector<1x128xf32>
    %mul3A = vector.broadcast %get3A_8 : vector<1x128xf32> to vector<2048x128xf32>
    %mul3A_9 = arith.mulf %dot_general3A_5, %mul3A : vector<2048x128xf32>
    %get3A_10 = arith.constant 0 : index
    %get3A_11 = arith.constant 0 : index
    %get3A_12 = vector.load %arg5[%get3A_10, %get3A_11] : memref<1x128xf32, #tpu.memory_space<vmem>>, vector<1x128xf32>
    %add3A = vector.broadcast %get3A_12 : vector<1x128xf32> to vector<2048x128xf32>
    %add3A_13 = arith.addf %mul3A_9, %add3A : vector<2048x128xf32>
    %max3A = arith.constant 0.000000e+00 : f32
    %max3A_14 = vector.broadcast %max3A : f32 to vector<2048x128xf32>
    %max3A_15 = arith.maximumf %add3A_13, %max3A_14 : vector<2048x128xf32>
    %get3A_16 = arith.constant 0 : index
    %get3A_17 = arith.constant 0 : index
    %get3A_18 = vector.load %arg1[%get3A_16, %get3A_17] : memref<2048x128xf32, #tpu.memory_space<vmem>>, vector<2048x128xf32>
    %add3A_19 = arith.addf %get3A_18, %max3A_15 : vector<2048x128xf32>
    %reshape3A = vector.shape_cast %add3A_19 : vector<2048x128xf32> to vector<64x32x128xf32>
    %reduce_max3A = arith.constant dense<0xFF800000> : vector<64x128xf32>
    %reduce_max3A_20 = vector.multi_reduction <maximumf>, %reshape3A, %reduce_max3A [1] : vector<64x32x128xf32> to vector<64x128xf32>
    %swap3A = arith.constant 0 : index
    %swap3A_21 = arith.constant 0 : index
    %swap3A_22 = vector.load %arg6[%swap3A, %swap3A_21] : memref<64x128xf32, #tpu.memory_space<vmem>>, vector<64x128xf32>
    tpu.vector_store %arg6[%swap3A, %swap3A_21], %reduce_max3A_20 {strides = array<i32>} : memref<64x128xf32, #tpu.memory_space<vmem>>, vector<64x128xf32>,
    return
  }
  func.func @transform_0(%arg0: i32) -> (i32, i32) {
    %c0_i32 = arith.constant 0 : i32
    %c0_i32_0 = arith.constant 0 : i32
    return %arg0, %c0_i32 : i32, i32
  }
  func.func @transform_1(%arg0: i32) -> (i32, i32) {
    %c0_i32 = arith.constant 0 : i32
    %c0_i32_0 = arith.constant 0 : i32
    return %arg0, %c0_i32 : i32, i32
  }
  func.func @transform_2(%arg0: i32) -> (i32, i32) {
    %c0_i32 = arith.constant 0 : i32
    %c0_i32_0 = arith.constant 0 : i32
    %c0_i32_1 = arith.constant 0 : i32
    return %c0_i32, %c0_i32_0 : i32, i32
  }
  func.func @transform_3(%arg0: i32) -> (i32, i32) {
    %c0_i32 = arith.constant 0 : i32
    %c0_i32_0 = arith.constant 0 : i32
    %c0_i32_1 = arith.constant 0 : i32
    return %c0_i32, %c0_i32_0 : i32, i32
  }
  func.func @transform_4(%arg0: i32) -> (i32, i32) {
    %c0_i32 = arith.constant 0 : i32
    %c0_i32_0 = arith.constant 0 : i32
    %c0_i32_1 = arith.constant 0 : i32
    return %c0_i32, %c0_i32_0 : i32, i32
  }
  func.func @transform_5(%arg0: i32) -> (i32, i32) {
    %c0_i32 = arith.constant 0 : i32
    %c0_i32_0 = arith.constant 0 : i32
    return %arg0, %c0_i32 : i32, i32
  }
}

</mosaic_0001>

<sc_bundles>
// kernel: kernel.12.cloned.1.call-start
scs
__scs_entry_jumppad:
0x0: {  	(pc) =	sbr.rel $0x88, $3  }
0x1: {  	(tag) =	ssettag $0x0;
	lr =	simm.s32 $0x1  }
0x2: {  	[smem:$0x3F99] =	sst lr;
	_ =	strace $0xD0000000  }
0x3: {  	_ = 	snop  }
0x4: {  	_ = 	snop  }
0x5: {  	_ = 	snop  }
0x6: {  	_ = 	snop  }
0x7: {  	_ = 	snop  }
__scs_overlays_trampoline_lowered:
0x8: {  	[smem:$0x3FA8] =	sst s0  }
0x9: {  	[smem:$0x3FA9] =	sst s1  }
0xa: {  	[smem:$0x3FAA] =	sst s2  }
0xb: {  	[smem:$0x3FAB] =	sst s3  }
0xc: {  	[smem:$0x3FAC] =	sst s4  }
0xd: {  	[smem:$0x3FAD] =	sst s5  }
0xe: {  	[smem:$0x3FAE] =	sst s6  }
0xf: {  	[smem:$0x3FAF] =	sst s7  }
0x10: {  	[smem:$0x3FB0] =	sst s8  }
0x11: {  	[smem:$0x3FB1] =	sst s9;
	s0 =	simm.s32 @!p0 $0x0  }
0x12: {  	s1 =	sld [smem:$0x3F97];
	s0 =	simm.s32 @p0 $0x1  }
0x13: {  	[smem:$0x3FB2] =	sst s0;
	s0 =	simm.s32 @!p1 $0x0  }
0x14: {  	s2 =	sld [smem:$0x3F96];
	s0 =	simm.s32 @p1 $0x1  }
0x15: {  	[smem:$0x3FB3] =	sst s0;
	s0 =	simm.s32 @!p2 $0x0  }
0x16: {  	s3 =	sld [smem:$0x3FDB];
	s0 =	simm.s32 @p2 $0x1  }
0x17: {  	s4 =	simm.s32 $0x1BF5;
	[smem:$0x3FB5] =	sst s0  }
0x18: {  	s0 =	sld [smem:$0x3F98];
	_ =	swait.ge [sflag:s4], $0x0  }
0x19: {  	s7 =	sld [smem:$0x3F99]  }
0x1a: {  	s8 =	sadd.s32 $0xFFFFE003, lr  }
0x1b: {  	s9 =	sadd.s32 $0xFFFFFEF7, lr;
	s5 =	simm.s32 $0xFFFFFFFF;
	p2 =	slt.u32 s8, $0xFFFFF086  }
0x1c: {  	p1 =	slt.u32 s9, $0xF7A;
	s5 =	simm.s32 @!p2 $0x0  }
0x1d: {  	s5 =	simm.s32 @p1 $0x1;
	p0 =	seq.s32 s7, s2  }
0x1e: {  	s7 =	smul.u32 @!p0 $0xF7A, s2;
	p2 =	seq.s32 @!p0 s5, $0x0  }
0x1f: {  	s9 =	smul.u32 $0xF7A, s1;
	s8 =	simm.s32 @!p0 $0x1BF5;
	p2 =	por !p2, p0  }
0x20: {  	[sflag:s8] =	ssyncset.s32 @!p0 $0xFFFFF086;
	s6 =	sadd.s32 @!p0 s3, s7;
	s7 =	simm.s32 @!p0 $0x108  }
0x21: {  	s3 =	sadd.s32 s3, s9;
	s6 =	sadd.s32 @!p0 $0x88, s6;
	s7 =	simm.s32 @p2 $0x1082  }
0x22: {  	[simem:s7], [sflag:s8] =	dma.local @!p0 [hbm:s6], $0xF7A  }
0x23: {  	s9 =	sor.u32 $0xD0000000, s2;
	s6 =	simm.s32 $0x108;
	_ =	swait.ge @!p0 [sflag:s8], $0x0  }
0x24: {  	s3 =	sadd.s32 $0x88, s3;
	s6 =	simm.s32 @!p1 $0x1082;
	[sflag:s4] =	ssyncset.s32 $0xFFFFF086  }
0x25: {  	[simem:s6], [sflag:s4] =	dma.local [hbm:s3], $0xF7A  }
0x26: {  	[smem:$0x3F99] =	sst s1;
	(tag) =	ssettag s2;
	_ =	strace s9  }
0x27: {  	s1 =	sld [smem:$0x3FA9]  }
0x28: {  	s2 =	sld [smem:$0x3FAA]  }
0x29: {  	s4 =	sld [smem:$0x3FAC]  }
0x2a: {  	p0 =	seq.s32 s5, $0x0;
	s5 =	sld [smem:$0x3FAD]  }
0x2b: {  	s6 =	sld [smem:$0x3FAE]  }
0x2c: {  	s7 =	sld [smem:$0x3FAF]  }
0x2d: {  	s3 =	simm.s32 $0x108;
	s8 =	sld [smem:$0x3FB0]  }
0x2e: {  	s3 =	simm.s32 @!p0 $0x1082;
	s9 =	sld [smem:$0x3FB1]  }
0x2f: {  	lr =	sadd.s32 s0, s3;
	s0 =	sld [smem:$0x3FA8]  }
0x30: {  	s3 =	sld [smem:$0x3FAB]  }
0x31: {  	[smem:$0x3FB4] =	sst s10  }
0x32: {  	s10 =	sld [smem:$0x3FB2];
	_ =	sdelay $0x3  }
0x33: {  	p0 =	seq.s32 s10, $0x1;
	s10 =	sld [smem:$0x3FB4];
	_ =	sdelay $0x3  }
0x34: {  	[smem:$0x3FB4] =	sst s10  }
0x35: {  	s10 =	sld [smem:$0x3FB3];
	_ =	sdelay $0x3  }
0x36: {  	p1 =	seq.s32 s10, $0x1;
	s10 =	sld [smem:$0x3FB4];
	_ =	sdelay $0x3  }
0x37: {  	[smem:$0x3FB4] =	sst s10  }
0x38: {  	s10 =	sld [smem:$0x3FB5]  }
0x39: {  	_ = 	snop;
	(pc) =	sbr.ind lr, $3  }
0x3a: {  	_ = 	snop  }
0x3b: {  	_ = 	snop  }
0x3c: {  	p2 =	seq.s32 s10, $0x1;
	s10 =	sld [smem:$0x3FB4]  }
0x3d: {  	_ =	shalt  }
0x3e: {  	_ =	shalt  }
0x3f: {  	_ =	shalt  }
0x40: {  	_ =	shalt  }
0x41: {  	_ =	shalt  }
0x42: {  	_ =	shalt  }
0x43: {  	_ =	shalt  }
0x44: {  	_ =	shalt  }
0x45: {  	_ =	shalt  }
0x46: {  	_ =	shalt  }
0x47: {  	_ =	shalt  }
0x48: {  	_ =	shalt  }
0x49: {  	_ =	shalt  }
0x4a: {  	_ =	shalt  }
0x4b: {  	_ =	shalt  }
0x4c: {  	_ =	shalt  }
0x4d: {  	_ =	shalt  }
0x4e: {  	_ =	shalt  }
0x4f: {  	_ =	shalt  }
0x50: {  	_ =	shalt  }
0x51: {  	_ =	shalt  }
0x52: {  	_ =	shalt  }
0x53: {  	_ =	shalt  }
0x54: {  	_ =	shalt  }
0x55: {  	_ =	shalt  }
0x56: {  	_ =	shalt  }
0x57: {  	_ =	shalt  }
0x58: {  	_ =	shalt  }
0x59: {  	_ =	shalt  }
0x5a: {  	_ =	shalt  }
0x5b: {  	_ =	shalt  }
0x5c: {  	_ =	shalt  }
0x5d: {  	_ =	shalt  }
0x5e: {  	_ =	shalt  }
0x5f: {  	_ =	shalt  }
0x60: {  	_ =	shalt  }
0x61: {  	_ =	shalt  }
0x62: {  	_ =	shalt  }
0x63: {  	_ =	shalt  }
0x64: {  	_ =	shalt  }
0x65: {  	_ =	shalt  }
0x66: {  	_ =	shalt  }
0x67: {  	_ =	shalt  }
0x68: {  	_ =	shalt  }
0x69: {  	_ =	shalt  }
0x6a: {  	_ =	shalt  }
0x6b: {  	_ =	shalt  }
0x6c: {  	_ =	shalt  }
0x6d: {  	_ =	shalt  }
0x6e: {  	_ =	shalt  }
0x6f: {  	_ =	shalt  }
0x70: {  	_ =	shalt  }
0x71: {  	_ =	shalt  }
0x72: {  	_ =	shalt  }
0x73: {  	_ =	shalt  }
0x74: {  	_ =	shalt  }
0x75: {  	_ =	shalt  }
0x76: {  	_ =	shalt  }
0x77: {  	_ =	shalt  }
0x78: {  	_ =	shalt  }
0x79: {  	_ =	shalt  }
0x7a: {  	_ =	shalt  }
0x7b: {  	_ =	shalt  }
0x7c: {  	_ =	shalt  }
0x7d: {  	_ =	shalt  }
0x7e: {  	_ =	shalt  }
0x7f: {  	_ =	shalt  }
0x80: {  	_ =	shalt  }
0x81: {  	_ =	shalt  }
0x82: {  	_ =	shalt  }
0x83: {  	_ =	shalt  }
0x84: {  	_ =	shalt  }
0x85: {  	_ =	shalt  }
0x86: {  	_ =	shalt  }
0x87: {  	_ =	shalt  }
.Lfunc_end0:
.L_simem_size_0:
called_computation.1_lowered:
.L_overlay_start_0:
0x88: {  	s2 =	sld [smem:$0x3FD9]  }
0x89: {  	s3 =	sld [smem:$0x3FFE];
	_ =	sdelay $0x1  }
0x8a: {  	s1 =	srdreg.scid  }
0x8b: {  	s0 =	sand.u32 $0x1, s1  }
0x8c: {  	s16 =	sshll.u32 s0, $0xA;
	s2 =	sadd.s32 s3, s2  }
0x8d: {  	s2 =	sadd.s32 s2, s16  }
0x8e: {  	[smem:$0x3FC0] =	sst s2  }
0x8f: {  	_ = 	snop  }
0x90: {  	(tm) =	ssettm $0x1  }
0x91: {  	s17 =	sld [smem:$0x3FFB];
	_ =	sdelay $0x3  }
0x92: {  	_ =	strace s17  }
0x93: {  	s2 =	sld [smem:$0x3FFC];
	_ =	sdelay $0x3  }
0x94: {  	_ =	strace s2  }
0x95: {  	s2 =	sld [smem:$0x3FFD];
	_ =	sdelay $0x3  }
0x96: {  	_ =	strace s2  }
0x97: {  	_ =	strace $0x8FFFFFFF  }
0x98: {  	s18 =	sld [smem:$0x3FDB];
	_ =	sdelay $0x1  }
0x99: {  	s19 =	simm.s32 $_scs_section_size  }
0x9a: {  	s4 =	simm.s32 $_size__tile_overlayer_lowered;
	s5 =	simm.s32 $_tile_overlayer_lowered  }
0x9b: {  	s22 =	simm.s32 $0x1BFF;
	s21 =	sshll.u32 s5, $0x1;
	s2 =	sadd.s32 s19, s18  }
0x9c: {  	s6 =	simm.s32 $0x0;
	s20 =	sshll.u32 s4, $0x1;
	s4 =	sadd.s32 s21, s2  }
0x9d: {  	[timem:s6], [sflag:s22] =	dma.local [hbm:s4], s20  }
0x9e: {  	_ =	swait.ge [sflag:s22], s20  }
0x9f: {  	s3 =	ssub.s32 $0x0, s20;
	[sflag:s22] =	ssyncset.done $0x0  }
0xa0: {  	[sflag:s22] =	ssyncadd.s32 s3;
	_ =	sdelay $0x1  }
0xa1: {  	s23 =	simm.s32 $0x1B8B  }
0xa2: {  	_ =	swait.ge [sflag:s23], $0x1  }
0xa3: {  	[sflag:s23] =	ssyncset.done $0x0  }
0xa4: {  	s25 =	simm.s32 $0x1B8E;
	s24 =	sld [smem:$0x3FFE];
	[sflag:s23] =	ssyncadd.s32 $0xFFFFFFFF  }
0xa5: {  	s26 =	simm.s32 $execute0_lowered;
	[smem:$0x3FD2] =	sst s25  }
0xa6: {  	s4 =	sshll.u32 s26, $0x1;
	_ =	strace $0x80000049;
	[dreg:$0x1] =	wrdreg $0xFFFFFFFF  }
0xa7: {  	s28 =	simm.s32 $_size_execute0_lowered;
	s2 =	sadd.s32 s2, s4;
	[dreg:$0x0] =	wrdreg $0x0  }
0xa8: {  	s4 =	sshll.u32 s28, $0x1;
	[dreg:$0x2] =	wrdreg s2  }
0xa9: {  	[dreg:$0x3] =	wrdreg s4  }
0xaa: {  	[dreg:$0x4] =	wrdreg $0xC0  }
0xab: {  	_ =	task [dreg:s6], $0x5FFFF  }
0xac: {  	[dreg:$0x1] =	wrdreg $0xFFFFFFFF  }
0xad: {  	[dreg:$0x0] =	wrdreg $0x60  }
0xae: {  	[dreg:$0x2] =	wrdreg s24  }
0xaf: {  	[dreg:$0x3] =	wrdreg $0x9  }
0xb0: {  	_ =	task.clear_ibuf [dreg:s6], $0x4FFFF;
	_ =	strace $0x90000049  }
0xb1: {  	s29 =	simm.s32 $0x9;
	_ =	strace $0x8000004B  }
0xb2: {  	_ =	swait.ge [sflag:s29], $0x1  }
0xb3: {  	[sflag:s29] =	ssyncadd.s32 $0xFFFFFFFF  }
0xb4: {  	_ =	strace $0x9000004B  }
0xb5: {  	_ =	sfence  }
0xb6: {  	s30 =	sld [smem:$0x0];
	_ =	sdelay $0x2  }
0xb7: {  	s31 =	sshll.u32 s1, $0xD;
	s1 =	sshrl.u32 s1, $0x2  }
0xb8: {  	s3 =	sand.u32 $0x4000, s31;
	s1 =	sadd.s32 s1, s30  }
0xb9: {  	s0 =	sor.u32 s3, s0;
	s1 =	sshll.u32 s1, $0x11  }
0xba: {  	s0 =	sor.u32 s1, s0  }
0xbb: {  	s0 =	sadd.s32 $0x8F2B, s0  }
0xbc: {  	[sflag:s0] =	ssyncadd.remote.s32 $0x1  }
0xbd: {  	_ =	sfence.sel $0xFFFF  }
0xbe: {  	[dreg:$0x0] =	wrdreg $0xFFFFFFFF;
	(pc) =	sbr.abs _section_cstart, $3  }
0xbf: {  	[dreg:$0x1] =	wrdreg $0xFFFFFFFF  }
0xc0: {  	_ =	task.clear_ibuf [dreg:s6], $0x2FFFF;
	_ =	strace $0x9FFFFFFF  }
0xc1: {  	(tm) =	ssettm $0x7FFFFFFF  }
tec
execute0_lowered:
.L_overlay_start_1:
0x0: {  	(tag) =	ssettag $0x1  }
0x1: {  	s4 =	rddreg [dreg:$0x0]  }
0x2: {  	s0 =	rddreg [dreg:$0x1];
	s1 =	simm.s32 $0x0  }
0x3: {  	s5 =	srdreg.scid;
	s2 =	stileid.u32;
	s15 =	simm.s32 $0x4100  }
0x4: {  	s16 =	simm.s32 $0x1;
	s17 =	simm.s32 $0x2;
	s18 =	simm.s32 $0x0  }
0x5: {  	[smem:$0x7FF] =	sst s1;
	s3 =	sadd.s32 $0x7800, s4;
	s10 =	sand.u32 $0x1, s5  }
0x6: {  	s11 =	sadd.s32 $0x3800, s4;
	s29 =	sshll.u32 s2, $0xD;
	s12 =	sadd.s32 $0x47800, s4  }
0x7: {  	s14 =	sshll.u32 s2, $0x11;
	_ =	strace $0x8000004A;
	s6 =	sshll.u32 s10, $0xC  }
0x8: {  	s30 =	ssub.s32 $0x2, s10;
	s10 =	sshll.u32 s10, $0x10;
	s13 =	sor.u32 s6, s29  }
0x9: {  	s31 =	sshrl.u32 s30, $0x1;
	s6 =	sshrl.u32 s13, $0x3;
	s7 =	sshll.u32 s13, $0x4  }
0xa: {  	s5 =	ssub.s32 s30, s31;
	s9 =	sor.u32 $0x100, s13;
	s13 =	sor.u32 $0x80, s13  }
0xb: {  	s4 =	sadd.s32 s11, s6;
	s8 =	sadd.s32 s12, s7;
	s5 =	smax.u32 s5, $0x1  }
0xc: {  	s9 =	sshrl.u32 s9, $0x3;
	s12 =	sadd.s32 s14, s12;
	s13 =	sshrl.u32 s13, $0x3  }
0xd: {  	s14 =	simm.s32 $0x100;
	s6 =	sadd.s32 $0x1F0, s4;
	s7 =	sadd.s32 $0xF000, s8  }
0xe: {  	s8 =	sadd.s32 $0xF800, s8;
	s9 =	sadd.s32 s9, s11;
	s10 =	sadd.s32 s10, s12  }
0xf: {  	s11 =	sadd.s32 s13, s11;
	s12 =	simm.s32 $0x3;
	s13 =	simm.s32 $0x80  }
.LBB2_1:
0x10: {  	[tilespmem:s1], [sflag:$0x3] =	stream.linear.gather [hbm4b:s4+s1], $0x80, $0x38;
	[tilespmem:$0x8100] =	vst v63  }
0x11: {  	_ =	swait.ge [sflag:s12], $0x80  }
0x12: {  	[sflag:s12] =	ssyncset.done $0x0  }
0x13: {  	[sflag:s12] =	ssyncadd.s32 $0xFFFFFF80  }
0x14: {  	[tilespmem:s14], [sflag:$0x1] =	stream.indirect.gather [hbm4b:s3+s13], $0x80, s1, s13, $0xb8;
	[tilespmem:$0x8100] =	vst v63  }
0x15: {  	s19 =	sadd.s32 $0x0, s11  }
0x16: {  	[tilespmem:s13], [sflag:$0x3] =	stream.linear.gather [hbm4b:s19+s1], $0x80, $0x38;
	[tilespmem:$0x8100] =	vst v63  }
0x17: {  	_ =	swait.ge [sflag:s12], $0x80  }
0x18: {  	[sflag:s12] =	ssyncset.done $0x0  }
0x19: {  	[sflag:s12] =	ssyncadd.s32 $0xFFFFFF80  }
0x1a: {  	[tilespmem:s15], [sflag:$0x2] =	stream.indirect.gather [hbm4b:s3+s13], $0x80, s13, s13, $0xb8;
	[tilespmem:$0x8100] =	vst v63  }
0x1b: {  	_ =	swait.ge [sflag:s16], $0x4000  }
0x1c: {  	[sflag:s16] =	ssyncset.done $0x0  }
0x1d: {  	[sflag:s16] =	ssyncadd.s32 $0xFFFFC000  }
0x1e: {  	[hbm4b:s10+s1] =	stream.linear.scatter [tilespmem:s14], [sflag:$0x3], $0x4000, $0x38;
	[tilespmem:$0x8100] =	vst v63  }
0x1f: {  	_ =	swait.ge [sflag:s12], $0x4000  }
0x20: {  	[sflag:s12] =	ssyncset.done $0x0  }
0x21: {  	s30 =	sadd.s32 $0x0, s9;
	[sflag:s12] =	ssyncadd.s32 $0xFFFFC000  }
0x22: {  	[tilespmem:s1], [sflag:$0x3] =	stream.linear.gather [hbm4b:s30+s1], $0x80, $0x38;
	[tilespmem:$0x8100] =	vst v63  }
0x23: {  	_ =	swait.ge [sflag:s12], $0x80  }
0x24: {  	[sflag:s12] =	ssyncset.done $0x0  }
0x25: {  	[sflag:s12] =	ssyncadd.s32 $0xFFFFFF80  }
0x26: {  	[tilespmem:s14], [sflag:$0x1] =	stream.indirect.gather [hbm4b:s3+s13], $0x80, s1, s13, $0xb8;
	[tilespmem:$0x8100] =	vst v63  }
0x27: {  	_ =	swait.ge [sflag:s17], $0x4000  }
0x28: {  	[sflag:s17] =	ssyncset.done $0x0  }
0x29: {  	s31 =	sadd.s32 $0x800, s10;
	[sflag:s17] =	ssyncadd.s32 $0xFFFFC000  }
0x2a: {  	[hbm4b:s31+s1] =	stream.linear.scatter [tilespmem:s15], [sflag:$0x3], $0x4000, $0x38;
	[tilespmem:$0x8100] =	vst v63  }
0x2b: {  	s20 =	simm.s32 $0x20;
	_ =	swait.ge [sflag:s12], $0x4000  }
0x2c: {  	s21 =	simm.s32 $0x40;
	s19 =	sadd.s32 $0x1000, s10;
	[sflag:s12] =	ssyncset.done $0x0  }
.LBB2_2:
0x2d: {  	s22 =	sadd.s32 s20, s11  }
0x2e: {  	[sflag:s12] =	ssyncadd.s32 $0xFFFFC000;
	s23 =	smov.u32 s21;
	s24 =	sadd.s32 $0x20, s21  }
0x2f: {  	[tilespmem:s13], [sflag:$0x3] =	stream.linear.gather [hbm4b:s22+s1], $0x80, $0x38;
	[tilespmem:$0x8100] =	vst v63  }
0x30: {  	p0 =	sne.s32 s21, $0x1C0;
	_ =	swait.ge [sflag:s12], $0x80  }
0x31: {  	[sflag:s12] =	ssyncset.done $0x0  }
0x32: {  	[sflag:s12] =	ssyncadd.s32 $0xFFFFFF80  }
0x33: {  	[tilespmem:s15], [sflag:$0x2] =	stream.indirect.gather [hbm4b:s3+s13], $0x80, s13, s13, $0xb8;
	[tilespmem:$0x8100] =	vst v63  }
0x34: {  	_ =	swait.ge [sflag:s16], $0x4000  }
0x35: {  	[sflag:s16] =	ssyncset.done $0x0  }
0x36: {  	[sflag:s16] =	ssyncadd.s32 $0xFFFFC000  }
0x37: {  	[hbm4b:s19+s1] =	stream.linear.scatter [tilespmem:s14], [sflag:$0x3], $0x4000, $0x38;
	[tilespmem:$0x8100] =	vst v63  }
0x38: {  	_ =	swait.ge [sflag:s12], $0x4000  }
0x39: {  	[sflag:s12] =	ssyncset.done $0x0  }
0x3a: {  	s21 =	sadd.s32 s20, s9;
	s20 =	smov.u32 s23;
	[sflag:s12] =	ssyncadd.s32 $0xFFFFC000  }
0x3b: {  	[tilespmem:s1], [sflag:$0x3] =	stream.linear.gather [hbm4b:s21+s1], $0x80, $0x38;
	[tilespmem:$0x8100] =	vst v63  }
0x3c: {  	_ =	swait.ge [sflag:s12], $0x80  }
0x3d: {  	[sflag:s12] =	ssyncset.done $0x0  }
0x3e: {  	[sflag:s12] =	ssyncadd.s32 $0xFFFFFF80  }
0x3f: {  	[tilespmem:s14], [sflag:$0x1] =	stream.indirect.gather [hbm4b:s3+s13], $0x80, s1, s13, $0xb8;
	[tilespmem:$0x8100] =	vst v63  }
0x40: {  	_ =	swait.ge [sflag:s17], $0x4000  }
.Ltmp0:
0x41: {  	[sflag:s17] =	ssyncset.done $0x0;
	(pc) =	sbr.rel @p0 .LBB2_2-.Ltmp0, $4  }
0x42: {  	s21 =	sadd.s32 $0x800, s19;
	[sflag:s17] =	ssyncadd.s32 $0xFFFFC000  }
0x43: {  	[hbm4b:s21+s1] =	stream.linear.scatter [tilespmem:s15], [sflag:$0x3], $0x4000, $0x38;
	[tilespmem:$0x8100] =	vst v63  }
0x44: {  	_ =	swait.ge [sflag:s12], $0x4000  }
0x45: {  	s19 =	sadd.s32 $0x1000, s19;
	s21 =	smov.u32 s24;
	[sflag:s12] =	ssyncset.done $0x0  }
0x46: {  	s21 =	sadd.s32 s20, s11;
	[sflag:s12] =	ssyncadd.s32 $0xFFFFC000  }
0x47: {  	[tilespmem:s13], [sflag:$0x3] =	stream.linear.gather [hbm4b:s21+s1], $0x80, $0x38;
	[tilespmem:$0x8100] =	vst v63  }
0x48: {  	_ =	swait.ge [sflag:s12], $0x80  }
0x49: {  	[sflag:s12] =	ssyncset.done $0x0  }
0x4a: {  	[sflag:s12] =	ssyncadd.s32 $0xFFFFFF80  }
0x4b: {  	[tilespmem:s15], [sflag:$0x2] =	stream.indirect.gather [hbm4b:s3+s13], $0x80, s13, s13, $0xb8;
	[tilespmem:$0x8100] =	vst v63  }
0x4c: {  	_ =	swait.ge [sflag:s16], $0x4000  }
0x4d: {  	[sflag:s16] =	ssyncset.done $0x0  }
0x4e: {  	[sflag:s16] =	ssyncadd.s32 $0xFFFFC000  }
0x4f: {  	[hbm4b:s19+s1] =	stream.linear.scatter [tilespmem:s14], [sflag:$0x3], $0x4000, $0x38;
	[tilespmem:$0x8100] =	vst v63  }
0x50: {  	_ =	swait.ge [sflag:s12], $0x4000  }
0x51: {  	[sflag:s12] =	ssyncset.done $0x0  }
0x52: {  	s30 =	sadd.s32 s20, s9;
	[sflag:s12] =	ssyncadd.s32 $0xFFFFC000  }
0x53: {  	[tilespmem:s1], [sflag:$0x3] =	stream.linear.gather [hbm4b:s30+s1], $0x80, $0x38;
	[tilespmem:$0x8100] =	vst v63  }
0x54: {  	_ =	swait.ge [sflag:s12], $0x80  }
0x55: {  	[sflag:s12] =	ssyncset.done $0x0  }
0x56: {  	[sflag:s12] =	ssyncadd.s32 $0xFFFFFF80  }
0x57: {  	[tilespmem:s14], [sflag:$0x1] =	stream.indirect.gather [hbm4b:s3+s13], $0x80, s1, s13, $0xb8;
	[tilespmem:$0x8100] =	vst v63  }
0x58: {  	_ =	swait.ge [sflag:s17], $0x4000  }
0x59: {  	[sflag:s17] =	ssyncset.done $0x0  }
0x5a: {  	s31 =	sadd.s32 $0x800, s19;
	[sflag:s17] =	ssyncadd.s32 $0xFFFFC000  }
0x5b: {  	[hbm4b:s31+s1] =	stream.linear.scatter [tilespmem:s15], [sflag:$0x3], $0x4000, $0x38;
	[tilespmem:$0x8100] =	vst v63  }
0x5c: {  	_ =	swait.ge [sflag:s12], $0x4000  }
0x5d: {  	[sflag:s12] =	ssyncset.done $0x0  }
0x5e: {  	[sflag:s12] =	ssyncadd.s32 $0xFFFFC000  }
0x5f: {  	[tilespmem:s13], [sflag:$0x3] =	stream.linear.gather [hbm4b:s6+s1], $0x80, $0x38;
	[tilespmem:$0x8100] =	vst v63  }
0x60: {  	_ =	swait.ge [sflag:s12], $0x80  }
0x61: {  	[sflag:s12] =	ssyncset.done $0x0  }
0x62: {  	[sflag:s12] =	ssyncadd.s32 $0xFFFFFF80  }
0x63: {  	[tilespmem:s15], [sflag:$0x2] =	stream.indirect.gather [hbm4b:s3+s13], $0x80, s13, s13, $0xb8;
	[tilespmem:$0x8100] =	vst v63  }
0x64: {  	_ =	swait.ge [sflag:s16], $0x4000  }
0x65: {  	[sflag:s16] =	ssyncset.done $0x0  }
0x66: {  	[sflag:s16] =	ssyncadd.s32 $0xFFFFC000  }
0x67: {  	[hbm4b:s7+s1] =	stream.linear.scatter [tilespmem:s14], [sflag:$0x3], $0x4000, $0x38;
	[tilespmem:$0x8100] =	vst v63  }
0x68: {  	_ =	swait.ge [sflag:s12], $0x4000  }
0x69: {  	[sflag:s12] =	ssyncset.done $0x0  }
0x6a: {  	[sflag:s12] =	ssyncadd.s32 $0xFFFFC000  }
0x6b: {  	s18 =	sadd.s32 $0x1, s18;
	_ =	swait.ge [sflag:s17], $0x4000  }
0x6c: {  	p0 =	sne.s32 s18, s5;
	[sflag:s17] =	ssyncset.done $0x0  }
.Ltmp1:
0x6d: {  	[sflag:s17] =	ssyncadd.s32 $0xFFFFC000;
	(pc) =	sbr.rel @p0 .LBB2_1-.Ltmp1, $4  }
0x6e: {  	[hbm4b:s8+s1] =	stream.linear.scatter [tilespmem:s15], [sflag:$0x3], $0x4000, $0x38;
	[tilespmem:$0x8100] =	vst v63  }
0x6f: {  	_ =	swait.ge [sflag:s12], $0x4000  }
0x70: {  	[sflag:s12] =	ssyncset.done $0x0  }
0x71: {  	[sflag:s12] =	ssyncadd.s32 $0xFFFFC000  }
0x72: {  	_ =	sfence.sel $0x180000  }
0x73: {  	[bflag:$0x0] =	sbarrier.arrive $0xFFFF  }
0x74: {  	p0 =	sne.s32 s2, $0x0;
	_ =	strace $0x9000004A  }
0x75: {  	s0 =	sadd.s32 @!p0 $0x100000, s0;
	[bflag:$0x2] =	sbarrier.arrive $0xFFFF  }
0x76: {  	[sflag:s0] =	ssyncadd.tile.s32 @!p0 $0x1;
	_ =	shalt  }
.Lfunc_end2:
_tile_overlayer_lowered:
.L_overlay_start_2:
0x77: {  	(tag) =	ssettag $0x2  }
0x78: {  	s0 =	rddreg [dreg:$0x0];
	s2 =	stileid.u32  }
0x79: {  	s1 =	rddreg [dreg:$0x1];
	p0 =	sne.s32 s2, $0x0  }
0x7a: {  	s3 =	rddreg [dreg:$0x2];
	[bflag:$0x3] =	sbarrier.arrive $0xFFFF;
	s2 =	simm.s32 @!p0 $0x1C03  }
0x7b: {  	[timem:s3], [sflag:s2] =	dma.local @!p0 [hbm:s0], s1  }
0x7c: {  	s0 =	simm.s32 @!p0 $0x3  }
0x7d: {  	_ =	swait.ge @!p0 [sflag:s0], s1  }
0x7e: {  	s1 =	ssub.s32 @!p0 $0x0, s1;
	[sflag:s0] =	ssyncset.done @!p0 $0x0  }
0x7f: {  	[sflag:s0] =	ssyncadd.s32 @!p0 s1  }
0x80: {  	[bflag:$0x3] =	sbarrier.arrive $0xFFFF  }
0x81: {  	_ =	shalt  }

// kernel: kernel.9.cloned.1.call-start
scs
__scs_entry_jumppad:
0x0: {  	(pc) =	sbr.rel $0x88, $3  }
0x1: {  	(tag) =	ssettag $0x0;
	lr =	simm.s32 $0x1  }
0x2: {  	[smem:$0x3F99] =	sst lr;
	_ =	strace $0xD0000000  }
0x3: {  	_ = 	snop  }
0x4: {  	_ = 	snop  }
0x5: {  	_ = 	snop  }
0x6: {  	_ = 	snop  }
0x7: {  	_ = 	snop  }
__scs_overlays_trampoline_lowered:
0x8: {  	[smem:$0x3FA8] =	sst s0  }
0x9: {  	[smem:$0x3FA9] =	sst s1  }
0xa: {  	[smem:$0x3FAA] =	sst s2  }
0xb: {  	[smem:$0x3FAB] =	sst s3  }
0xc: {  	[smem:$0x3FAC] =	sst s4  }
0xd: {  	[smem:$0x3FAD] =	sst s5  }
0xe: {  	[smem:$0x3FAE] =	sst s6  }
0xf: {  	[smem:$0x3FAF] =	sst s7  }
0x10: {  	[smem:$0x3FB0] =	sst s8  }
0x11: {  	[smem:$0x3FB1] =	sst s9;
	s0 =	simm.s32 @!p0 $0x0  }
0x12: {  	s1 =	sld [smem:$0x3F97];
	s0 =	simm.s32 @p0 $0x1  }
0x13: {  	[smem:$0x3FB2] =	sst s0;
	s0 =	simm.s32 @!p1 $0x0  }
0x14: {  	s2 =	sld [smem:$0x3F96];
	s0 =	simm.s32 @p1 $0x1  }
0x15: {  	[smem:$0x3FB3] =	sst s0;
	s0 =	simm.s32 @!p2 $0x0  }
0x16: {  	s3 =	sld [smem:$0x3FDB];
	s0 =	simm.s32 @p2 $0x1  }
0x17: {  	s4 =	simm.s32 $0x1BF5;
	[smem:$0x3FB5] =	sst s0  }
0x18: {  	s0 =	sld [smem:$0x3F98];
	_ =	swait.ge [sflag:s4], $0x0  }
0x19: {  	s7 =	sld [smem:$0x3F99]  }
0x1a: {  	s8 =	sadd.s32 $0xFFFFE003, lr  }
0x1b: {  	s9 =	sadd.s32 $0xFFFFFEF7, lr;
	s5 =	simm.s32 $0xFFFFFFFF;
	p2 =	slt.u32 s8, $0xFFFFF086  }
0x1c: {  	p1 =	slt.u32 s9, $0xF7A;
	s5 =	simm.s32 @!p2 $0x0  }
0x1d: {  	s5 =	simm.s32 @p1 $0x1;
	p0 =	seq.s32 s7, s2  }
0x1e: {  	s7 =	smul.u32 @!p0 $0xF7A, s2;
	p2 =	seq.s32 @!p0 s5, $0x0  }
0x1f: {  	s9 =	smul.u32 $0xF7A, s1;
	s8 =	simm.s32 @!p0 $0x1BF5;
	p2 =	por !p2, p0  }
0x20: {  	[sflag:s8] =	ssyncset.s32 @!p0 $0xFFFFF086;
	s6 =	sadd.s32 @!p0 s3, s7;
	s7 =	simm.s32 @!p0 $0x108  }
0x21: {  	s3 =	sadd.s32 s3, s9;
	s6 =	sadd.s32 @!p0 $0x88, s6;
	s7 =	simm.s32 @p2 $0x1082  }
0x22: {  	[simem:s7], [sflag:s8] =	dma.local @!p0 [hbm:s6], $0xF7A  }
0x23: {  	s9 =	sor.u32 $0xD0000000, s2;
	s6 =	simm.s32 $0x108;
	_ =	swait.ge @!p0 [sflag:s8], $0x0  }
0x24: {  	s3 =	sadd.s32 $0x88, s3;
	s6 =	simm.s32 @!p1 $0x1082;
	[sflag:s4] =	ssyncset.s32 $0xFFFFF086  }
0x25: {  	[simem:s6], [sflag:s4] =	dma.local [hbm:s3], $0xF7A  }
0x26: {  	[smem:$0x3F99] =	sst s1;
	(tag) =	ssettag s2;
	_ =	strace s9  }
0x27: {  	s1 =	sld [smem:$0x3FA9]  }
0x28: {  	s2 =	sld [smem:$0x3FAA]  }
0x29: {  	s4 =	sld [smem:$0x3FAC]  }
0x2a: {  	p0 =	seq.s32 s5, $0x0;
	s5 =	sld [smem:$0x3FAD]  }
0x2b: {  	s6 =	sld [smem:$0x3FAE]  }
0x2c: {  	s7 =	sld [smem:$0x3FAF]  }
0x2d: {  	s3 =	simm.s32 $0x108;
	s8 =	sld [smem:$0x3FB0]  }
0x2e: {  	s3 =	simm.s32 @!p0 $0x1082;
	s9 =	sld [smem:$0x3FB1]  }
0x2f: {  	lr =	sadd.s32 s0, s3;
	s0 =	sld [smem:$0x3FA8]  }
0x30: {  	s3 =	sld [smem:$0x3FAB]  }
0x31: {  	[smem:$0x3FB4] =	sst s10  }
0x32: {  	s10 =	sld [smem:$0x3FB2];
	_ =	sdelay $0x3  }
0x33: {  	p0 =	seq.s32 s10, $0x1;
	s10 =	sld [smem:$0x3FB4];
	_ =	sdelay $0x3  }
0x34: {  	[smem:$0x3FB4] =	sst s10  }
0x35: {  	s10 =	sld [smem:$0x3FB3];
	_ =	sdelay $0x3  }
0x36: {  	p1 =	seq.s32 s10, $0x1;
	s10 =	sld [smem:$0x3FB4];
	_ =	sdelay $0x3  }
0x37: {  	[smem:$0x3FB4] =	sst s10  }
0x38: {  	s10 =	sld [smem:$0x3FB5]  }
0x39: {  	_ = 	snop;
	(pc) =	sbr.ind lr, $3  }
0x3a: {  	_ = 	snop  }
0x3b: {  	_ = 	snop  }
0x3c: {  	p2 =	seq.s32 s10, $0x1;
	s10 =	sld [smem:$0x3FB4]  }
0x3d: {  	_ =	shalt  }
0x3e: {  	_ =	shalt  }
0x3f: {  	_ =	shalt  }
0x40: {  	_ =	shalt  }
0x41: {  	_ =	shalt  }
0x42: {  	_ =	shalt  }
0x43: {  	_ =	shalt  }
0x44: {  	_ =	shalt  }
0x45: {  	_ =	shalt  }
0x46: {  	_ =	shalt  }
0x47: {  	_ =	shalt  }
0x48: {  	_ =	shalt  }
0x49: {  	_ =	shalt  }
0x4a: {  	_ =	shalt  }
0x4b: {  	_ =	shalt  }
0x4c: {  	_ =	shalt  }
0x4d: {  	_ =	shalt  }
0x4e: {  	_ =	shalt  }
0x4f: {  	_ =	shalt  }
0x50: {  	_ =	shalt  }
0x51: {  	_ =	shalt  }
0x52: {  	_ =	shalt  }
0x53: {  	_ =	shalt  }
0x54: {  	_ =	shalt  }
0x55: {  	_ =	shalt  }
0x56: {  	_ =	shalt  }
0x57: {  	_ =	shalt  }
0x58: {  	_ =	shalt  }
0x59: {  	_ =	shalt  }
0x5a: {  	_ =	shalt  }
0x5b: {  	_ =	shalt  }
0x5c: {  	_ =	shalt  }
0x5d: {  	_ =	shalt  }
0x5e: {  	_ =	shalt  }
0x5f: {  	_ =	shalt  }
0x60: {  	_ =	shalt  }
0x61: {  	_ =	shalt  }
0x62: {  	_ =	shalt  }
0x63: {  	_ =	shalt  }
0x64: {  	_ =	shalt  }
0x65: {  	_ =	shalt  }
0x66: {  	_ =	shalt  }
0x67: {  	_ =	shalt  }
0x68: {  	_ =	shalt  }
0x69: {  	_ =	shalt  }
0x6a: {  	_ =	shalt  }
0x6b: {  	_ =	shalt  }
0x6c: {  	_ =	shalt  }
0x6d: {  	_ =	shalt  }
0x6e: {  	_ =	shalt  }
0x6f: {  	_ =	shalt  }
0x70: {  	_ =	shalt  }
0x71: {  	_ =	shalt  }
0x72: {  	_ =	shalt  }
0x73: {  	_ =	shalt  }
0x74: {  	_ =	shalt  }
0x75: {  	_ =	shalt  }
0x76: {  	_ =	shalt  }
0x77: {  	_ =	shalt  }
0x78: {  	_ =	shalt  }
0x79: {  	_ =	shalt  }
0x7a: {  	_ =	shalt  }
0x7b: {  	_ =	shalt  }
0x7c: {  	_ =	shalt  }
0x7d: {  	_ =	shalt  }
0x7e: {  	_ =	shalt  }
0x7f: {  	_ =	shalt  }
0x80: {  	_ =	shalt  }
0x81: {  	_ =	shalt  }
0x82: {  	_ =	shalt  }
0x83: {  	_ =	shalt  }
0x84: {  	_ =	shalt  }
0x85: {  	_ =	shalt  }
0x86: {  	_ =	shalt  }
0x87: {  	_ =	shalt  }
.Lfunc_end0:
.L_simem_size_0:
called_computation_lowered:
.L_overlay_start_0:
0x88: {  	s2 =	sld [smem:$0x3FD9]  }
0x89: {  	s3 =	sld [smem:$0x3FFE];
	_ =	sdelay $0x1  }
0x8a: {  	s1 =	srdreg.scid  }
0x8b: {  	s0 =	sand.u32 $0x1, s1  }
0x8c: {  	s14 =	sshll.u32 s0, $0xA;
	s2 =	sadd.s32 s3, s2  }
0x8d: {  	s2 =	sadd.s32 s2, s14  }
0x8e: {  	[smem:$0x3FC0] =	sst s2  }
0x8f: {  	_ = 	snop  }
0x90: {  	s2 =	sld [smem:$0x3FD0];
	_ =	sdelay $0x2  }
0x91: {  	s15 =	simm.s32 $0xA;
	s4 =	simm.s32 $0x10  }
0x92: {  	[smem:s4], [sflag:s15] =	dma.local [hbm:s2], $0x1  }
0x93: {  	_ =	swait.eq [sflag:s15], $0x1  }
0x94: {  	[sflag:s15] =	ssyncset.done $0x0  }
0x95: {  	s16 =	sld [smem:$0x10];
	[sflag:s15] =	ssyncadd.s32 $0xFFFFFFFF  }
0x96: {  	s17 =	sld [smem:$0x11];
	(tm) =	ssettm $0x1  }
0x97: {  	s18 =	sld [smem:$0x3FFB];
	_ =	sdelay $0x3  }
0x98: {  	_ =	strace s18  }
0x99: {  	s4 =	sld [smem:$0x3FFC];
	_ =	sdelay $0x3  }
0x9a: {  	_ =	strace s4  }
0x9b: {  	s4 =	sld [smem:$0x3FFD];
	_ =	sdelay $0x3  }
0x9c: {  	_ =	strace s4  }
0x9d: {  	_ =	strace $0x8FFFFFFF  }
0x9e: {  	s19 =	sld [smem:$0x3FDB];
	_ =	sdelay $0x1  }
0x9f: {  	s5 =	simm.s32 $_scs_section_size  }
0xa0: {  	s6 =	simm.s32 $_size__tile_overlayer_lowered;
	s7 =	simm.s32 $_tile_overlayer_lowered  }
0xa1: {  	s22 =	simm.s32 $0x1BFF;
	s21 =	sshll.u32 s7, $0x1;
	s4 =	sadd.s32 s5, s19  }
0xa2: {  	s8 =	simm.s32 $0x0;
	s20 =	sshll.u32 s6, $0x1;
	s6 =	sadd.s32 s21, s4  }
0xa3: {  	[timem:s8], [sflag:s22] =	dma.local [hbm:s6], s20  }
0xa4: {  	_ =	swait.ge [sflag:s22], s20  }
0xa5: {  	s5 =	ssub.s32 $0x0, s20;
	[sflag:s22] =	ssyncset.done $0x0  }
0xa6: {  	[sflag:s22] =	ssyncadd.s32 s5;
	_ =	sdelay $0x1  }
0xa7: {  	s23 =	simm.s32 $0x1B8B  }
0xa8: {  	_ =	swait.ge [sflag:s23], $0x1  }
0xa9: {  	[sflag:s23] =	ssyncset.done $0x0  }
0xaa: {  	s25 =	simm.s32 $0x1B8E;
	s24 =	sld [smem:$0x3FFE];
	[sflag:s23] =	ssyncadd.s32 $0xFFFFFFFF  }
0xab: {  	s26 =	simm.s32 $execute0_lowered;
	[smem:$0x3FD2] =	sst s25  }
0xac: {  	s6 =	sshll.u32 s26, $0x1;
	_ =	strace $0x80000046;
	[dreg:$0x1] =	wrdreg $0xFFFFFFFF  }
0xad: {  	s28 =	simm.s32 $_size_execute0_lowered;
	s4 =	sadd.s32 s4, s6;
	[dreg:$0x0] =	wrdreg $0x0  }
0xae: {  	s6 =	sshll.u32 s28, $0x1;
	[dreg:$0x2] =	wrdreg s4  }
0xaf: {  	[dreg:$0x3] =	wrdreg s6  }
0xb0: {  	[dreg:$0x4] =	wrdreg $0xC0  }
0xb1: {  	_ =	task [dreg:s8], $0x5FFFF  }
0xb2: {  	[dreg:$0x1] =	wrdreg $0xFFFFFFFF  }
0xb3: {  	[dreg:$0x0] =	wrdreg $0x60  }
0xb4: {  	[dreg:$0x2] =	wrdreg s16  }
0xb5: {  	[dreg:$0x3] =	wrdreg s24  }
0xb6: {  	[dreg:$0x4] =	wrdreg s17  }
0xb7: {  	[dreg:$0x5] =	wrdreg $0x9  }
0xb8: {  	_ =	task.clear_ibuf [dreg:s8], $0x6FFFF;
	_ =	strace $0x90000046  }
0xb9: {  	s29 =	simm.s32 $0x9;
	_ =	strace $0x80000048  }
0xba: {  	_ =	swait.ge [sflag:s29], $0x1  }
0xbb: {  	[sflag:s29] =	ssyncadd.s32 $0xFFFFFFFF  }
0xbc: {  	_ =	strace $0x90000048  }
0xbd: {  	_ =	sfence  }
0xbe: {  	s30 =	sld [smem:$0x0];
	_ =	sdelay $0x2  }
0xbf: {  	s31 =	sshll.u32 s1, $0xD;
	s1 =	sshrl.u32 s1, $0x2  }
0xc0: {  	s3 =	sand.u32 $0x4000, s31;
	s1 =	sadd.s32 s1, s30  }
0xc1: {  	s0 =	sor.u32 s3, s0;
	s1 =	sshll.u32 s1, $0x11  }
0xc2: {  	s0 =	sor.u32 s1, s0  }
0xc3: {  	s0 =	sadd.s32 $0x8F2B, s0  }
0xc4: {  	[sflag:s0] =	ssyncadd.remote.s32 $0x1  }
0xc5: {  	_ =	sfence.sel $0xFFFF  }
0xc6: {  	[dreg:$0x0] =	wrdreg $0xFFFFFFFF;
	(pc) =	sbr.abs _section_cstart, $3  }
0xc7: {  	[dreg:$0x1] =	wrdreg $0xFFFFFFFF  }
0xc8: {  	_ =	task.clear_ibuf [dreg:s8], $0x2FFFF;
	_ =	strace $0x9FFFFFFF  }
0xc9: {  	(tm) =	ssettm $0x7FFFFFFF  }
tec
execute0_lowered:
.L_overlay_start_1:
0x0: {  	(tag) =	ssettag $0x1  }
0x1: {  	s6 =	rddreg [dreg:$0x0]  }
0x2: {  	s3 =	rddreg [dreg:$0x1]  }
0x3: {  	s1 =	srdreg.scid;
	s0 =	stileid.u32  }
0x4: {  	s10 =	rddreg [dreg:$0x2];
	s15 =	simm.s32 $0x1000;
	s16 =	simm.s32 $0x2000  }
0x5: {  	s17 =	simm.s32 $0x3000;
	s4 =	sand.u32 $0x1, s1;
	s2 =	sshll.u32 s0, $0x1  }
0x6: {  	s18 =	simm.s32 $0x3080;
	s9 =	sor.u32 s4, s2;
	s2 =	simm.s32 $0x0  }
0x7: {  	s19 =	simm.s32 $0x3100;
	s20 =	simm.s32 $0x3180;
	[smem:$0x7FF] =	sst s2  }
0x8: {  	v0 =	vimm.f32 $2.000000030e-01;
	s21 =	simm.s32 $0x4380;
	s1 =	rddreg [dreg:$0x3];
	_ =	strace $0x80000047  }
0x9: {  	s22 =	simm.s32 $0x3380;
	s23 =	simm.s32 $0x0;
	s5 =	sshrl.u32 s0, $0x2;
	(erf) = vrcp.f32 v0  }
0xa: {  	s12 =	sshll.u32 s5, $0xC;
	s8 =	sshll.u32 s5, $0x7;
	s5 =	sshll.u32 s5, $0x4  }
0xb: {  	s4 =	ssub.s32 $0x2, s4;
	s7 =	sshll.u32 s9, $0x9;
	s5 =	sadd.s32 s5, s3  }
0xc: {  	s13 =	sshrl.u32 s4, $0x1;
	s31 =	sshll.u32 s9, $0xB;
	s11 =	ssub.s32 s7, s12  }
0xd: {  	s14 =	sadd.s32 s7, s3;
	s13 =	ssub.s32 s4, s13;
	s4 =	sadd.s32 $0x2C00, s5  }
.Ltmp0:
0xe: {  	s10 =	sadd.s32 s10, s31;
	s8 =	sor.u32 s8, s11;
	(pc) =	sbr.rel .LBB2_1-.Ltmp0, $4  }
0xf: {  	v1 =	vlaneseq.u32;
	s9 =	sadd.s32 $0x3800, s14;
	s11 =	smax.u32 s13, $0x1;
	v0 =	vmov s12;
	s12 =	simm.s32 $0x80  }
0x10: {  	v2 =	vimm.s32 $0x0;
	v3 =	vimm.s32 $0x40;
	v4 =	vimm.f32 $0.0e+00;
	s13 =	simm.s32 $0x200;
	s14 =	simm.s32 $0x1;
	s8 =	sshrl.u32 s8, $0x3  }
0x11: {  	v5 =	vimm.s32 $0x80;
	v6 =	vimm.s32 $0xC0;
	v7 =	vimm.s32 $0x100;
	s30 =	sadd.s32 s8, s3;
	s3 =	sadd.s32 $0x2400, s5;
	s5 =	sadd.s32 $0x1C00, s5  }
0x12: {  	v9 =	vimm.s32 $0x140;
	v10 =	vimm.s32 $0x180;
	v11 =	vimm.s32 $0x1C0;
	s6 =	sadd.s32 s6, s8;
	s7 =	sadd.s32 $0x3600, s30;
	s8 =	sadd.s32 $0x3400, s30;
	v8 =	vpop (erf)  }
.LBB2_6:
0x13: {  	[hbm4b:s9+s2] =	stream.linear.scatter [tilespmem:s22], [sflag:$0x1], $0x1000, $0x38;
	[tilespmem:$0x8380] =	vst v63  }
0x14: {  	s23 =	sadd.s32 $0x1, s23;
	_ =	swait.ge [sflag:s14], $0x1000  }
0x15: {  	p0 =	sne.s32 s23, s11;
	[sflag:s14] =	ssyncset.done $0x0  }
.Ltmp1:
0x16: {  	[sflag:s14] =	ssyncadd.s32 $0xFFFFF000;
	(pc) =	sbr.rel @!p0 .LBB2_7-.Ltmp1, $4  }
0x17: {  	[hbm4b:s10+s2] =	stream.linear.scatter [tilespmem:s21], [sflag:$0x1], $0x4000, $0x38;
	[tilespmem:$0x8380] =	vst v63  }
0x18: {  	_ =	swait.ge [sflag:s14], $0x4000  }
0x19: {  	[sflag:s14] =	ssyncset.done $0x0  }
0x1a: {  	[sflag:s14] =	ssyncadd.s32 $0xFFFFC000  }
.LBB2_1:
0x1b: {  	[tilespmem:s2], [sflag:$0x1] =	stream.strided.gather [hbm4b:s3+s12], $0x1000, s13, s12, $0x38;
	[tilespmem:$0x8380] =	vst v63  }
0x1c: {  	_ =	swait.ge [sflag:s14], $0x1000  }
0x1d: {  	[sflag:s14] =	ssyncset.done $0x0  }
0x1e: {  	[sflag:s14] =	ssyncadd.s32 $0xFFFFF000  }
0x1f: {  	[tilespmem:s15], [sflag:$0x1] =	stream.strided.gather [hbm4b:s4+s12], $0x1000, s13, s12, $0x38;
	[tilespmem:$0x8380] =	vst v63  }
0x20: {  	_ =	swait.ge [sflag:s14], $0x1000  }
0x21: {  	[sflag:s14] =	ssyncset.done $0x0  }
0x22: {  	[sflag:s14] =	ssyncadd.s32 $0xFFFFF000  }
0x23: {  	[tilespmem:s16], [sflag:$0x1] =	stream.strided.gather [hbm4b:s5+s12], $0x1000, s13, s12, $0x38;
	[tilespmem:$0x8380] =	vst v63  }
0x24: {  	_ =	swait.ge [sflag:s14], $0x1000  }
0x25: {  	[sflag:s14] =	ssyncset.done $0x0  }
0x26: {  	[sflag:s14] =	ssyncadd.s32 $0xFFFFF000  }
0x27: {  	[tilespmem:s17], [sflag:$0x1] =	stream.linear.gather [hbm4b:s6+s2], $0x80, $0x38;
	[tilespmem:$0x8380] =	vst v63  }
0x28: {  	_ =	swait.ge [sflag:s14], $0x80  }
0x29: {  	[sflag:s14] =	ssyncset.done $0x0  }
0x2a: {  	[sflag:s14] =	ssyncadd.s32 $0xFFFFFF80  }
0x2b: {  	[tilespmem:s18], [sflag:$0x1] =	stream.linear.gather [hbm4b:s7+s2], $0x80, $0x38;
	[tilespmem:$0x8380] =	vst v63  }
0x2c: {  	_ =	swait.ge [sflag:s14], $0x80  }
0x2d: {  	[sflag:s14] =	ssyncset.done $0x0  }
.Ltmp2:
0x2e: {  	[sflag:s14] =	ssyncadd.s32 $0xFFFFFF80;
	(pc) =	sbr.rel .LBB2_2-.Ltmp2, $4  }
0x2f: {  	[tilespmem:s19], [sflag:$0x1] =	stream.linear.gather [hbm4b:s8+s2], $0x80, $0x38;
	[tilespmem:$0x8380] =	vst v63  }
0x30: {  	_ =	swait.ge [sflag:s14], $0x80  }
0x31: {  	[sflag:s14] =	ssyncset.done $0x0  }
0x32: {  	s24 =	simm.s32 $0x0;
	[sflag:s14] =	ssyncadd.s32 $0xFFFFFF80  }
.LBB2_5:
0x33: {  	v40 =	vxor.u32 $0x80000000, v40  }
0x34: {  	(xrf0) =	vmax.scan.msk.u32 $0xffff, v40;
	_ =	sdelay $0x5  }
0x35: {  	v40, _, _ =	vpop (xrf0)  }
0x36: {  	(v2sf) =	vpush v40, $0xF;
	_ =	sdelay $0xe  }
0x37: {  	v45 =	vld.msk [tilespmem:s20+$0x0], $0xffff;
	s25 =	spop (v2sf)  }
0x38: {  	v61 =	vld [tilespmem:$0x3180];
	s25 =	sxor.u32 $0x80000000, s25  }
0x39: {  	p0 =	slt.s32 s25, $0x20  }
0x3a: {  	s25 =	simm.s32 @!p0 $0x20  }
0x3b: {  	v46 =	vmov s25  }
0x3c: {  	vm0 =	vgt.s32 v46, v1  }
0x3d: {  	v47 =	vsel vm0, v61, v45;
	_ =	sdelay $0x4  }
0x3e: {  	v48 =	vld.idx.msk [tilespmem:v47+s2+$0x0], $0xffff  }
0x3f: {  	s25 =	sshll.u32 s24, $0x8;
	v49 =	vld.idx.msk [tilespmem:v47+s15+$0x0], $0xffff  }
0x40: {  	v41 =	vmul.u32 $0x4, v1;
	v62 =	vmov s25;
	v50 =	vld.idx.msk [tilespmem:v47+s16+$0x0], $0xffff  }
0x41: {  	v51 =	vld [tilespmem:$0x3190];
	v52 =	vshll.u32 v62, $0x2  }
0x42: {  	v42 =	vxor.u32 $0x80000000, v42;
	v53 =	vor.u32 v41, v52  }
0x43: {  	v40 =	vor.u32 $0x10, v1;
	v54 =	vor.u32 $0x1, v53;
	v48 =	vsub.f32 v48, v38  }
0x44: {  	(xrf0) =	vmax.scan.msk.u32 $0xffff, v42;
	vm13 =	vgt.s32 v46, v40;
	v55 =	vor.u32 $0x2, v53;
	v63 =	vsub.f32 v49, v37  }
0x45: {  	v58 =	vor.u32 $0x3, v53;
	v57 =	vsub.f32 v50, v36;
	v56 =	vmul.f32 v48, v8  }
0x46: {  	v45 =	vsel vm13, v51, v45;
	v46 =	vmul.f32 v63, v8  }
0x47: {  	v59 =	vmul.f32 v57, v8;
	[tilespmem:v53+s21+$0x0] =	vst.idx.msk $0xffff, v56  }
0x48: {  	[tilespmem:v54+s21+$0x0] =	vst.idx.msk $0xffff, v46  }
0x49: {  	[tilespmem:v55+s21+$0x0] =	vst.idx.msk $0xffff, v59  }
0x4a: {  	v60, _, _ =	vpop (xrf0);
	[tilespmem:v58+s21+$0x0] =	vst.idx.msk $0xffff, v4  }
0x4b: {  	(v2sf) =	vpush v60, $0xF;
	v46 =	vld.idx.msk [tilespmem:v45+s2+$0x0], $0xffff  }
0x4c: {  	v61 =	vld.idx.msk [tilespmem:v45+s15+$0x0], $0xffff  }
0x4d: {  	v49 =	vld.idx.msk [tilespmem:v45+s16+$0x0], $0xffff  }
0x4e: {  	v42 =	vor.u32 $0x40, v41  }
0x4f: {  	v62 =	vor.u32 v42, v52  }
0x50: {  	v52 =	vor.u32 $0x1, v62;
	v63 =	vsub.f32 v46, v38  }
0x51: {  	v54 =	vor.u32 $0x2, v62;
	v53 =	vsub.f32 v61, v37  }
0x52: {  	v56 =	vor.u32 $0x3, v62;
	v55 =	vsub.f32 v49, v36;
	v38 =	vmul.f32 v63, v8  }
0x53: {  	v37 =	vmul.f32 v53, v8  }
0x54: {  	v36 =	vmul.f32 v55, v8;
	[tilespmem:v62+s21+$0x0] =	vst.idx.msk $0xffff, v38  }
0x55: {  	[tilespmem:v52+s21+$0x0] =	vst.idx.msk $0xffff, v37  }
0x56: {  	[tilespmem:v54+s21+$0x0] =	vst.idx.msk $0xffff, v36  }
0x57: {  	v57 =	vadd.s32 v0, v47;
	[tilespmem:v56+s21+$0x0] =	vst.idx.msk $0xffff, v4  }
0x58: {  	v58 =	vadd.s32 v0, v45;
	[tilespmem:s25+$0x3380] =	vst v57  }
0x59: {  	[tilespmem:s25+$0x3390] =	vst v58  }
0x5a: {  	s26 =	spop (v2sf);
	v36 =	vld.idx.msk [tilespmem:v3+s20+$0x0], $0xffff  }
0x5b: {  	s26 =	sxor.u32 $0x80000000, s26;
	v37 =	vld [tilespmem:$0x31C0]  }
0x5c: {  	p0 =	slt.s32 s26, $0x20  }
0x5d: {  	s26 =	simm.s32 @!p0 $0x20  }
0x5e: {  	v59 =	vmov s26  }
0x5f: {  	vm14 =	vgt.s32 v59, v1  }
0x60: {  	v37 =	vsel vm14, v37, v36;
	_ =	sdelay $0x4  }
0x61: {  	v60 =	vld.idx.msk [tilespmem:v37+s2+$0x0], $0xffff  }
0x62: {  	s31 =	sor.u32 $0x20, s25;
	v46 =	vld.idx.msk [tilespmem:v37+s15+$0x0], $0xffff  }
0x63: {  	v61 =	vmov s31;
	v48 =	vld.idx.msk [tilespmem:v37+s16+$0x0], $0xffff  }
0x64: {  	v47 =	vshll.u32 v61, $0x2;
	v49 =	vld [tilespmem:$0x31D0]  }
0x65: {  	v62 =	vor.u32 v41, v47  }
0x66: {  	v44 =	vxor.u32 $0x80000000, v44;
	v63 =	vor.u32 $0x1, v62;
	v45 =	vsub.f32 v60, v34  }
0x67: {  	(xrf0) =	vmax.scan.msk.u32 $0xffff, v44;
	vm15 =	vgt.s32 v59, v40;
	v55 =	vor.u32 $0x2, v62;
	v54 =	vsub.f32 v46, v33  }
0x68: {  	v58 =	vor.u32 $0x3, v62;
	v57 =	vsub.f32 v48, v32;
	v56 =	vmul.f32 v45, v8  }
0x69: {  	v36 =	vsel vm15, v49, v36;
	v38 =	vmul.f32 v54, v8  }
0x6a: {  	v45 =	vmul.f32 v57, v8;
	[tilespmem:v62+s21+$0x0] =	vst.idx.msk $0xffff, v56  }
0x6b: {  	[tilespmem:v63+s21+$0x0] =	vst.idx.msk $0xffff, v38  }
0x6c: {  	[tilespmem:v55+s21+$0x0] =	vst.idx.msk $0xffff, v45  }
0x6d: {  	v59, _, _ =	vpop (xrf0);
	[tilespmem:v58+s21+$0x0] =	vst.idx.msk $0xffff, v4  }
0x6e: {  	(v2sf) =	vpush v59, $0xF;
	v44 =	vld.idx.msk [tilespmem:v36+s2+$0x0], $0xffff  }
0x6f: {  	v60 =	vld.idx.msk [tilespmem:v36+s15+$0x0], $0xffff  }
0x70: {  	v45 =	vld.idx.msk [tilespmem:v36+s16+$0x0], $0xffff;
	_ =	sdelay $0x1  }
0x71: {  	v61 =	vor.u32 v42, v47  }
0x72: {  	v63 =	vor.u32 $0x1, v61;
	v62 =	vsub.f32 v44, v34  }
0x73: {  	v49 =	vor.u32 $0x2, v61;
	v48 =	vsub.f32 v60, v33  }
0x74: {  	v51 =	vor.u32 $0x3, v61;
	v50 =	vsub.f32 v45, v32;
	v34 =	vmul.f32 v62, v8  }
0x75: {  	v33 =	vmul.f32 v48, v8  }
0x76: {  	v32 =	vmul.f32 v50, v8;
	[tilespmem:v61+s21+$0x0] =	vst.idx.msk $0xffff, v34  }
0x77: {  	[tilespmem:v63+s21+$0x0] =	vst.idx.msk $0xffff, v33  }
0x78: {  	[tilespmem:v49+s21+$0x0] =	vst.idx.msk $0xffff, v32  }
0x79: {  	v52 =	vadd.s32 v0, v37;
	[tilespmem:v51+s21+$0x0] =	vst.idx.msk $0xffff, v4  }
0x7a: {  	v53 =	vadd.s32 v0, v36;
	[tilespmem:s25+$0x33A0] =	vst v52  }
0x7b: {  	[tilespmem:s25+$0x33B0] =	vst v53  }
0x7c: {  	s28 =	spop (v2sf);
	v32 =	vld.idx.msk [tilespmem:v5+s20+$0x0], $0xffff  }
0x7d: {  	s26 =	sxor.u32 $0x80000000, s28;
	v33 =	vld [tilespmem:$0x3200]  }
0x7e: {  	p0 =	slt.s32 s26, $0x20  }
0x7f: {  	s26 =	simm.s32 @!p0 $0x20  }
0x80: {  	v54 =	vmov s26  }
0x81: {  	vm4 =	vgt.s32 v54, v1  }
0x82: {  	v33 =	vsel vm4, v33, v32;
	_ =	sdelay $0x4  }
0x83: {  	v55 =	vld.idx.msk [tilespmem:v33+s2+$0x0], $0xffff  }
0x84: {  	s29 =	sor.u32 $0x40, s25;
	v56 =	vld.idx.msk [tilespmem:v33+s15+$0x0], $0xffff  }
0x85: {  	v57 =	vmov s29;
	v44 =	vld.idx.msk [tilespmem:v33+s16+$0x0], $0xffff  }
0x86: {  	v38 =	vshll.u32 v57, $0x2;
	v45 =	vld [tilespmem:$0x3210]  }
0x87: {  	v58 =	vor.u32 v41, v38  }
0x88: {  	v43 =	vxor.u32 $0x80000000, v43;
	v59 =	vor.u32 $0x1, v58;
	v36 =	vsub.f32 v55, v30  }
0x89: {  	(xrf0) =	vmax.scan.msk.u32 $0xffff, v43;
	vm5 =	vgt.s32 v54, v40;
	v61 =	vor.u32 $0x2, v58;
	v60 =	vsub.f32 v56, v29  }
0x8a: {  	v63 =	vor.u32 $0x3, v58;
	v62 =	vsub.f32 v44, v28;
	v36 =	vmul.f32 v36, v8  }
0x8b: {  	v32 =	vsel vm5, v45, v32;
	v34 =	vmul.f32 v60, v8  }
0x8c: {  	v43 =	vmul.f32 v62, v8;
	[tilespmem:v58+s21+$0x0] =	vst.idx.msk $0xffff, v36  }
0x8d: {  	[tilespmem:v59+s21+$0x0] =	vst.idx.msk $0xffff, v34  }
0x8e: {  	[tilespmem:v61+s21+$0x0] =	vst.idx.msk $0xffff, v43  }
0x8f: {  	v45, _, _ =	vpop (xrf0);
	[tilespmem:v63+s21+$0x0] =	vst.idx.msk $0xffff, v4  }
0x90: {  	(v2sf) =	vpush v45, $0xF;
	v36 =	vld.idx.msk [tilespmem:v32+s2+$0x0], $0xffff  }
0x91: {  	v46 =	vld.idx.msk [tilespmem:v32+s15+$0x0], $0xffff  }
0x92: {  	v37 =	vld.idx.msk [tilespmem:v32+s16+$0x0], $0xffff;
	_ =	sdelay $0x1  }
0x93: {  	v38 =	vor.u32 v42, v38  }
0x94: {  	v48 =	vor.u32 $0x1, v38;
	v47 =	vsub.f32 v36, v30  }
0x95: {  	v50 =	vor.u32 $0x2, v38;
	v49 =	vsub.f32 v46, v29  }
0x96: {  	v52 =	vor.u32 $0x3, v38;
	v51 =	vsub.f32 v37, v28;
	v30 =	vmul.f32 v47, v8  }
0x97: {  	v29 =	vmul.f32 v49, v8  }
0x98: {  	v28 =	vmul.f32 v51, v8;
	[tilespmem:v38+s21+$0x0] =	vst.idx.msk $0xffff, v30  }
0x99: {  	[tilespmem:v48+s21+$0x0] =	vst.idx.msk $0xffff, v29  }
0x9a: {  	[tilespmem:v50+s21+$0x0] =	vst.idx.msk $0xffff, v28  }
0x9b: {  	v53 =	vadd.s32 v0, v33;
	[tilespmem:v52+s21+$0x0] =	vst.idx.msk $0xffff, v4  }
0x9c: {  	v54 =	vadd.s32 v0, v32;
	[tilespmem:s25+$0x33C0] =	vst v53  }
0x9d: {  	[tilespmem:s25+$0x33D0] =	vst v54  }
0x9e: {  	s30 =	spop (v2sf);
	v28 =	vld.idx.msk [tilespmem:v6+s20+$0x0], $0xffff  }
0x9f: {  	s26 =	sxor.u32 $0x80000000, s30;
	v29 =	vld [tilespmem:$0x3240]  }
0xa0: {  	p0 =	slt.s32 s26, $0x20  }
0xa1: {  	s26 =	simm.s32 @!p0 $0x20  }
0xa2: {  	v55 =	vmov s26  }
0xa3: {  	vm6 =	vgt.s32 v55, v1  }
0xa4: {  	v29 =	vsel vm6, v29, v28;
	_ =	sdelay $0x4  }
0xa5: {  	v56 =	vld.idx.msk [tilespmem:v29+s2+$0x0], $0xffff  }
0xa6: {  	v57 =	vld.idx.msk [tilespmem:v29+s15+$0x0], $0xffff  }
0xa7: {  	s31 =	sor.u32 $0x60, s25;
	v36 =	vld.idx.msk [tilespmem:v29+s16+$0x0], $0xffff  }
0xa8: {  	v58 =	vmov s31  }
0xa9: {  	v34 =	vshll.u32 v58, $0x2;
	v37 =	vld [tilespmem:$0x3250]  }
0xaa: {  	v59 =	vor.u32 v41, v34  }
0xab: {  	v39 =	vxor.u32 $0x80000000, v39;
	v60 =	vor.u32 $0x1, v59;
	v32 =	vsub.f32 v56, v26  }
0xac: {  	(xrf0) =	vmax.scan.msk.u32 $0xffff, v39;
	v62 =	vor.u32 $0x2, v59;
	v61 =	vsub.f32 v57, v25;
	v36 =	vsub.f32 v36, v24  }
0xad: {  	v63 =	vor.u32 $0x3, v59;
	vm7 =	vgt.s32 v55, v40;
	v32 =	vmul.f32 v32, v8  }
0xae: {  	v28 =	vsel vm7, v37, v28;
	v30 =	vmul.f32 v61, v8;
	v36 =	vmul.f32 v36, v8  }
0xaf: {  	[tilespmem:v59+s21+$0x0] =	vst.idx.msk $0xffff, v32  }
0xb0: {  	[tilespmem:v60+s21+$0x0] =	vst.idx.msk $0xffff, v30  }
0xb1: {  	[tilespmem:v62+s21+$0x0] =	vst.idx.msk $0xffff, v36  }
0xb2: {  	v36, _, _ =	vpop (xrf0);
	[tilespmem:v63+s21+$0x0] =	vst.idx.msk $0xffff, v4  }
0xb3: {  	(v2sf) =	vpush v36, $0xF;
	v32 =	vld.idx.msk [tilespmem:v28+s2+$0x0], $0xffff  }
0xb4: {  	v37 =	vld.idx.msk [tilespmem:v28+s15+$0x0], $0xffff  }
0xb5: {  	v33 =	vld.idx.msk [tilespmem:v28+s16+$0x0], $0xffff;
	_ =	sdelay $0x1  }
0xb6: {  	v34 =	vor.u32 v42, v34  }
0xb7: {  	v39 =	vor.u32 $0x1, v34;
	v38 =	vsub.f32 v32, v26  }
0xb8: {  	v44 =	vor.u32 $0x2, v34;
	v43 =	vsub.f32 v37, v25  }
0xb9: {  	v46 =	vor.u32 $0x3, v34;
	v45 =	vsub.f32 v33, v24;
	v26 =	vmul.f32 v38, v8  }
0xba: {  	v25 =	vmul.f32 v43, v8  }
0xbb: {  	v24 =	vmul.f32 v45, v8;
	[tilespmem:v34+s21+$0x0] =	vst.idx.msk $0xffff, v26  }
0xbc: {  	[tilespmem:v39+s21+$0x0] =	vst.idx.msk $0xffff, v25  }
0xbd: {  	[tilespmem:v44+s21+$0x0] =	vst.idx.msk $0xffff, v24  }
0xbe: {  	v47 =	vadd.s32 v0, v29;
	[tilespmem:v46+s21+$0x0] =	vst.idx.msk $0xffff, v4  }
0xbf: {  	v48 =	vadd.s32 v0, v28;
	[tilespmem:s25+$0x33E0] =	vst v47  }
0xc0: {  	[tilespmem:s25+$0x33F0] =	vst v48  }
0xc1: {  	s28 =	spop (v2sf);
	v24 =	vld.idx.msk [tilespmem:v7+s20+$0x0], $0xffff  }
0xc2: {  	v25 =	vld [tilespmem:$0x3280];
	s26 =	sxor.u32 $0x80000000, s28  }
0xc3: {  	p0 =	slt.s32 s26, $0x20  }
0xc4: {  	s26 =	simm.s32 @!p0 $0x20  }
0xc5: {  	v49 =	vmov s26  }
0xc6: {  	vm8 =	vgt.s32 v49, v1  }
0xc7: {  	v25 =	vsel vm8, v25, v24;
	_ =	sdelay $0x4  }
0xc8: {  	v50 =	vld.idx.msk [tilespmem:v25+s2+$0x0], $0xffff  }
0xc9: {  	s29 =	sor.u32 $0x80, s25;
	v51 =	vld.idx.msk [tilespmem:v25+s15+$0x0], $0xffff  }
0xca: {  	v52 =	vmov s29;
	v32 =	vld.idx.msk [tilespmem:v25+s16+$0x0], $0xffff  }
0xcb: {  	v30 =	vshll.u32 v52, $0x2;
	v33 =	vld [tilespmem:$0x3290]  }
0xcc: {  	v53 =	vor.u32 v41, v30  }
0xcd: {  	v35 =	vxor.u32 $0x80000000, v35;
	v54 =	vor.u32 $0x1, v53;
	v28 =	vsub.f32 v50, v23  }
0xce: {  	(xrf0) =	vmax.scan.msk.u32 $0xffff, v35;
	v56 =	vor.u32 $0x2, v53;
	v57 =	vor.u32 $0x3, v53;
	v55 =	vsub.f32 v51, v22  }
0xcf: {  	vm9 =	vgt.s32 v49, v40;
	v32 =	vsub.f32 v32, v21;
	v28 =	vmul.f32 v28, v8  }
0xd0: {  	v24 =	vsel vm9, v33, v24;
	v26 =	vmul.f32 v55, v8  }
0xd1: {  	v32 =	vmul.f32 v32, v8;
	[tilespmem:v53+s21+$0x0] =	vst.idx.msk $0xffff, v28  }
0xd2: {  	[tilespmem:v54+s21+$0x0] =	vst.idx.msk $0xffff, v26  }
0xd3: {  	[tilespmem:v56+s21+$0x0] =	vst.idx.msk $0xffff, v32  }
0xd4: {  	v58, _, _ =	vpop (xrf0);
	[tilespmem:v57+s21+$0x0] =	vst.idx.msk $0xffff, v4  }
0xd5: {  	(v2sf) =	vpush v58, $0xF;
	v28 =	vld.idx.msk [tilespmem:v24+s2+$0x0], $0xffff  }
0xd6: {  	v59 =	vld.idx.msk [tilespmem:v24+s15+$0x0], $0xffff  }
0xd7: {  	v29 =	vld.idx.msk [tilespmem:v24+s16+$0x0], $0xffff;
	_ =	sdelay $0x1  }
0xd8: {  	v30 =	vor.u32 v42, v30  }
0xd9: {  	v61 =	vor.u32 $0x1, v30;
	v60 =	vsub.f32 v28, v23  }
0xda: {  	v63 =	vor.u32 $0x2, v30;
	v62 =	vsub.f32 v59, v22  }
0xdb: {  	v33 =	vor.u32 $0x3, v30;
	v32 =	vsub.f32 v29, v21;
	v23 =	vmul.f32 v60, v8  }
0xdc: {  	v22 =	vmul.f32 v62, v8  }
0xdd: {  	v21 =	vmul.f32 v32, v8;
	[tilespmem:v30+s21+$0x0] =	vst.idx.msk $0xffff, v23  }
0xde: {  	[tilespmem:v61+s21+$0x0] =	vst.idx.msk $0xffff, v22  }
0xdf: {  	[tilespmem:v63+s21+$0x0] =	vst.idx.msk $0xffff, v21  }
0xe0: {  	v34 =	vadd.s32 v0, v25;
	[tilespmem:v33+s21+$0x0] =	vst.idx.msk $0xffff, v4  }
0xe1: {  	v35 =	vadd.s32 v0, v24;
	[tilespmem:s25+$0x3400] =	vst v34  }
0xe2: {  	[tilespmem:s25+$0x3410] =	vst v35  }
0xe3: {  	s30 =	spop (v2sf);
	v21 =	vld.idx.msk [tilespmem:v9+s20+$0x0], $0xffff  }
0xe4: {  	s26 =	sxor.u32 $0x80000000, s30;
	v22 =	vld [tilespmem:$0x32C0]  }
0xe5: {  	p0 =	slt.s32 s26, $0x20  }
0xe6: {  	s26 =	simm.s32 @!p0 $0x20  }
0xe7: {  	v36 =	vmov s26  }
0xe8: {  	vm10 =	vgt.s32 v36, v1  }
0xe9: {  	v22 =	vsel vm10, v22, v21;
	_ =	sdelay $0x4  }
0xea: {  	v37 =	vld.idx.msk [tilespmem:v22+s2+$0x0], $0xffff  }
0xeb: {  	s31 =	sor.u32 $0xA0, s25;
	v38 =	vld.idx.msk [tilespmem:v22+s15+$0x0], $0xffff  }
0xec: {  	v39 =	vmov s31;
	v28 =	vld.idx.msk [tilespmem:v22+s16+$0x0], $0xffff  }
0xed: {  	v26 =	vshll.u32 v39, $0x2;
	v29 =	vld [tilespmem:$0x32D0]  }
0xee: {  	v43 =	vor.u32 v41, v26  }
0xef: {  	v31 =	vxor.u32 $0x80000000, v31;
	v44 =	vor.u32 $0x1, v43;
	v24 =	vsub.f32 v37, v20  }
0xf0: {  	(xrf0) =	vmax.scan.msk.u32 $0xffff, v31;
	vm11 =	vgt.s32 v36, v40;
	v46 =	vor.u32 $0x2, v43;
	v45 =	vsub.f32 v38, v19  }
0xf1: {  	v47 =	vor.u32 $0x3, v43;
	v28 =	vsub.f32 v28, v18;
	v24 =	vmul.f32 v24, v8  }
0xf2: {  	v21 =	vsel vm11, v29, v21;
	v23 =	vmul.f32 v45, v8  }
0xf3: {  	v28 =	vmul.f32 v28, v8;
	[tilespmem:v43+s21+$0x0] =	vst.idx.msk $0xffff, v24  }
0xf4: {  	[tilespmem:v44+s21+$0x0] =	vst.idx.msk $0xffff, v23  }
0xf5: {  	[tilespmem:v46+s21+$0x0] =	vst.idx.msk $0xffff, v28  }
0xf6: {  	v48, _, _ =	vpop (xrf0);
	[tilespmem:v47+s21+$0x0] =	vst.idx.msk $0xffff, v4  }
0xf7: {  	(v2sf) =	vpush v48, $0xF;
	v24 =	vld.idx.msk [tilespmem:v21+s2+$0x0], $0xffff  }
0xf8: {  	v49 =	vld.idx.msk [tilespmem:v21+s15+$0x0], $0xffff  }
0xf9: {  	v25 =	vld.idx.msk [tilespmem:v21+s16+$0x0], $0xffff;
	_ =	sdelay $0x1  }
0xfa: {  	v26 =	vor.u32 v42, v26  }
0xfb: {  	v51 =	vor.u32 $0x1, v26;
	v50 =	vsub.f32 v24, v20  }
0xfc: {  	v53 =	vor.u32 $0x2, v26;
	v52 =	vsub.f32 v49, v19  }
0xfd: {  	v55 =	vor.u32 $0x3, v26;
	v54 =	vsub.f32 v25, v18;
	v20 =	vmul.f32 v50, v8  }
0xfe: {  	v19 =	vmul.f32 v52, v8  }
0xff: {  	v18 =	vmul.f32 v54, v8;
	[tilespmem:v26+s21+$0x0] =	vst.idx.msk $0xffff, v20  }
0x100: {  	[tilespmem:v51+s21+$0x0] =	vst.idx.msk $0xffff, v19  }
0x101: {  	[tilespmem:v53+s21+$0x0] =	vst.idx.msk $0xffff, v18  }
0x102: {  	v56 =	vadd.s32 v0, v22;
	[tilespmem:v55+s21+$0x0] =	vst.idx.msk $0xffff, v4  }
0x103: {  	v57 =	vadd.s32 v0, v21;
	[tilespmem:s25+$0x3420] =	vst v56  }
0x104: {  	[tilespmem:s25+$0x3430] =	vst v57  }
0x105: {  	s28 =	spop (v2sf);
	v18 =	vld.idx.msk [tilespmem:v10+s20+$0x0], $0xffff  }
0x106: {  	s26 =	sxor.u32 $0x80000000, s28;
	v19 =	vld [tilespmem:$0x3300]  }
0x107: {  	p0 =	slt.s32 s26, $0x20  }
0x108: {  	s26 =	simm.s32 @!p0 $0x20  }
0x109: {  	v58 =	vmov s26  }
0x10a: {  	vm12 =	vgt.s32 v58, v1  }
0x10b: {  	v19 =	vsel vm12, v19, v18;
	_ =	sdelay $0x4  }
0x10c: {  	v59 =	vld.idx.msk [tilespmem:v19+s2+$0x0], $0xffff  }
0x10d: {  	s29 =	sor.u32 $0xC0, s25;
	v60 =	vld.idx.msk [tilespmem:v19+s15+$0x0], $0xffff  }
0x10e: {  	v61 =	vmov s29;
	v24 =	vld.idx.msk [tilespmem:v19+s16+$0x0], $0xffff  }
0x10f: {  	v23 =	vshll.u32 v61, $0x2;
	v25 =	vld [tilespmem:$0x3310]  }
0x110: {  	v62 =	vor.u32 v41, v23  }
0x111: {  	v27 =	vxor.u32 $0x80000000, v27;
	v63 =	vor.u32 $0x1, v62;
	v21 =	vsub.f32 v59, v17  }
0x112: {  	(xrf0) =	vmax.scan.msk.u32 $0xffff, v27;
	vm13 =	vgt.s32 v58, v40;
	v32 =	vor.u32 $0x2, v62;
	v31 =	vsub.f32 v60, v16  }
0x113: {  	v33 =	vor.u32 $0x3, v62;
	v24 =	vsub.f32 v24, v15;
	v21 =	vmul.f32 v21, v8  }
0x114: {  	v18 =	vsel vm13, v25, v18;
	v20 =	vmul.f32 v31, v8  }
0x115: {  	v24 =	vmul.f32 v24, v8;
	[tilespmem:v62+s21+$0x0] =	vst.idx.msk $0xffff, v21  }
0x116: {  	[tilespmem:v63+s21+$0x0] =	vst.idx.msk $0xffff, v20  }
0x117: {  	[tilespmem:v32+s21+$0x0] =	vst.idx.msk $0xffff, v24  }
0x118: {  	v34, _, _ =	vpop (xrf0);
	[tilespmem:v33+s21+$0x0] =	vst.idx.msk $0xffff, v4  }
0x119: {  	(v2sf) =	vpush v34, $0xF;
	v21 =	vld.idx.msk [tilespmem:v18+s2+$0x0], $0xffff  }
0x11a: {  	v35 =	vld.idx.msk [tilespmem:v18+s15+$0x0], $0xffff  }
0x11b: {  	v22 =	vld.idx.msk [tilespmem:v18+s16+$0x0], $0xffff;
	_ =	sdelay $0x1  }
0x11c: {  	v23 =	vor.u32 v42, v23  }
0x11d: {  	v37 =	vor.u32 $0x1, v23;
	v36 =	vsub.f32 v21, v17  }
0x11e: {  	v39 =	vor.u32 $0x2, v23;
	v38 =	vsub.f32 v35, v16  }
0x11f: {  	v44 =	vor.u32 $0x3, v23;
	v43 =	vsub.f32 v22, v15;
	v17 =	vmul.f32 v36, v8  }
0x120: {  	v16 =	vmul.f32 v38, v8  }
0x121: {  	v15 =	vmul.f32 v43, v8;
	[tilespmem:v23+s21+$0x0] =	vst.idx.msk $0xffff, v17  }
0x122: {  	[tilespmem:v37+s21+$0x0] =	vst.idx.msk $0xffff, v16  }
0x123: {  	[tilespmem:v39+s21+$0x0] =	vst.idx.msk $0xffff, v15  }
0x124: {  	v45 =	vadd.s32 v0, v19;
	[tilespmem:v44+s21+$0x0] =	vst.idx.msk $0xffff, v4  }
0x125: {  	v46 =	vadd.s32 v0, v18;
	[tilespmem:s25+$0x3440] =	vst v45  }
0x126: {  	[tilespmem:s25+$0x3450] =	vst v46  }
0x127: {  	s30 =	spop (v2sf);
	v15 =	vld.idx.msk [tilespmem:v11+s20+$0x0], $0xffff  }
0x128: {  	s26 =	sxor.u32 $0x80000000, s30;
	v16 =	vld [tilespmem:$0x3340]  }
0x129: {  	p0 =	slt.s32 s26, $0x20  }
0x12a: {  	s26 =	simm.s32 @!p0 $0x20  }
0x12b: {  	v47 =	vmov s26  }
0x12c: {  	vm14 =	vgt.s32 v47, v1  }
0x12d: {  	v16 =	vsel vm14, v16, v15;
	_ =	sdelay $0x4  }
0x12e: {  	v48 =	vld.idx.msk [tilespmem:v16+s2+$0x0], $0xffff  }
0x12f: {  	s31 =	sor.u32 $0xE0, s25;
	v49 =	vld.idx.msk [tilespmem:v16+s15+$0x0], $0xffff  }
0x130: {  	v50 =	vmov s31;
	v21 =	vld.idx.msk [tilespmem:v16+s16+$0x0], $0xffff  }
0x131: {  	v20 =	vshll.u32 v50, $0x2;
	v22 =	vld [tilespmem:$0x3350]  }
0x132: {  	v51 =	vor.u32 v41, v20  }
0x133: {  	v52 =	vor.u32 $0x1, v51;
	v18 =	vsub.f32 v48, v12  }
0x134: {  	vm15 =	vgt.s32 v47, v40;
	v54 =	vor.u32 $0x2, v51;
	v53 =	vsub.f32 v49, v13  }
0x135: {  	v55 =	vor.u32 $0x3, v51;
	v21 =	vsub.f32 v21, v14;
	v18 =	vmul.f32 v18, v8  }
0x136: {  	v15 =	vsel vm15, v22, v15;
	v17 =	vmul.f32 v53, v8  }
0x137: {  	v21 =	vmul.f32 v21, v8;
	[tilespmem:v51+s21+$0x0] =	vst.idx.msk $0xffff, v18  }
0x138: {  	[tilespmem:v52+s21+$0x0] =	vst.idx.msk $0xffff, v17  }
0x139: {  	[tilespmem:v54+s21+$0x0] =	vst.idx.msk $0xffff, v21  }
0x13a: {  	[tilespmem:v55+s21+$0x0] =	vst.idx.msk $0xffff, v4  }
0x13b: {  	v17 =	vld.idx.msk [tilespmem:v15+s2+$0x0], $0xffff  }
0x13c: {  	v18 =	vld.idx.msk [tilespmem:v15+s15+$0x0], $0xffff  }
0x13d: {  	v19 =	vld.idx.msk [tilespmem:v15+s16+$0x0], $0xffff;
	_ =	sdelay $0x1  }
0x13e: {  	v20 =	vor.u32 v42, v20  }
0x13f: {  	v57 =	vor.u32 $0x1, v20;
	v56 =	vsub.f32 v17, v12  }
0x140: {  	v59 =	vor.u32 $0x2, v20;
	v58 =	vsub.f32 v18, v13  }
0x141: {  	v61 =	vor.u32 $0x3, v20;
	v60 =	vsub.f32 v19, v14;
	v12 =	vmul.f32 v56, v8  }
0x142: {  	s24 =	sadd.s32 $0x1, s24;
	v13 =	vmul.f32 v58, v8  }
0x143: {  	p0 =	sne.s32 s24, $0x10;
	v14 =	vmul.f32 v60, v8;
	[tilespmem:v20+s21+$0x0] =	vst.idx.msk $0xffff, v12  }
.Ltmp3:
0x144: {  	[tilespmem:v57+s21+$0x0] =	vst.idx.msk $0xffff, v13;
	(pc) =	sbr.rel @!p0 .LBB2_6-.Ltmp3, $4  }
0x145: {  	[tilespmem:v59+s21+$0x0] =	vst.idx.msk $0xffff, v14  }
0x146: {  	v62 =	vadd.s32 v0, v16;
	[tilespmem:v61+s21+$0x0] =	vst.idx.msk $0xffff, v4  }
0x147: {  	v63 =	vadd.s32 v0, v15;
	[tilespmem:s25+$0x3460] =	vst v62  }
0x148: {  	[tilespmem:s25+$0x3470] =	vst v63  }
.LBB2_2:
0x149: {  	s25 =	sshll.u32 s24, $0x3  }
0x14a: {  	v12 =	vmov s25;
	_ =	sdelay $0x2  }
0x14b: {  	v13 =	vor.u32 $0x1, v12;
	_ =	sdelay $0x1  }
0x14c: {  	v38 =	vld.idx.msk [tilespmem:v12+s17+$0x0], $0xffff  }
0x14d: {  	v14 =	vor.u32 $0x2, v12;
	v37 =	vld.idx.msk [tilespmem:v12+s18+$0x0], $0xffff  }
0x14e: {  	v36 =	vld.idx.msk [tilespmem:v12+s19+$0x0], $0xffff  }
0x14f: {  	v34 =	vld.idx.msk [tilespmem:v13+s17+$0x0], $0xffff  }
0x150: {  	v15 =	vor.u32 $0x3, v12;
	v33 =	vld.idx.msk [tilespmem:v13+s18+$0x0], $0xffff  }
0x151: {  	v32 =	vld.idx.msk [tilespmem:v13+s19+$0x0], $0xffff  }
0x152: {  	v30 =	vld.idx.msk [tilespmem:v14+s17+$0x0], $0xffff  }
0x153: {  	v27 =	vor.u32 $0x7, v12;
	v29 =	vld.idx.msk [tilespmem:v14+s18+$0x0], $0xffff  }
0x154: {  	v13 =	vor.u32 $0x4, v12;
	v28 =	vld.idx.msk [tilespmem:v14+s19+$0x0], $0xffff  }
0x155: {  	v26 =	vld.idx.msk [tilespmem:v15+s17+$0x0], $0xffff  }
0x156: {  	v25 =	vld.idx.msk [tilespmem:v15+s18+$0x0], $0xffff  }
0x157: {  	v14 =	vor.u32 $0x5, v12;
	v24 =	vld.idx.msk [tilespmem:v15+s19+$0x0], $0xffff  }
0x158: {  	v15 =	vor.u32 $0x6, v12;
	v12 =	vld.idx.msk [tilespmem:v27+s17+$0x0], $0xffff  }
0x159: {  	v23 =	vld.idx.msk [tilespmem:v13+s17+$0x0], $0xffff  }
0x15a: {  	v22 =	vld.idx.msk [tilespmem:v13+s18+$0x0], $0xffff  }
0x15b: {  	v21 =	vld.idx.msk [tilespmem:v13+s19+$0x0], $0xffff  }
0x15c: {  	v20 =	vld.idx.msk [tilespmem:v14+s17+$0x0], $0xffff  }
0x15d: {  	v19 =	vld.idx.msk [tilespmem:v14+s18+$0x0], $0xffff  }
0x15e: {  	v18 =	vld.idx.msk [tilespmem:v14+s19+$0x0], $0xffff  }
0x15f: {  	v17 =	vld.idx.msk [tilespmem:v15+s17+$0x0], $0xffff  }
0x160: {  	v16 =	vld.idx.msk [tilespmem:v15+s18+$0x0], $0xffff  }
0x161: {  	v40 =	vimm.s32 $0x0;
	v42 =	vimm.s32 $0x0;
	v15 =	vld.idx.msk [tilespmem:v15+s19+$0x0], $0xffff  }
0x162: {  	s26 =	simm.s32 $0x10;
	v44 =	vimm.s32 $0x0;
	v43 =	vimm.s32 $0x0;
	v39 =	vimm.s32 $0x0;
	s28 =	simm.s32 $0x1010;
	v13 =	vld.idx.msk [tilespmem:v27+s18+$0x0], $0xffff  }
0x163: {  	s29 =	simm.s32 $0x2010;
	s30 =	simm.s32 $0x10;
	v35 =	vimm.s32 $0x0;
	v31 =	vimm.s32 $0x0;
	s25 =	simm.s32 $0x0;
	v14 =	vld.idx.msk [tilespmem:v27+s19+$0x0], $0xffff;
	v27 =	vimm.s32 $0x0  }
.LBB2_3:
0x164: {  	vm0 =	vlt.s32 v40, v42;
	vm15 =	vlt.s32 v44, v43  }
0x165: {  	vm1 =	vlt.s32 v39, v35;
	vm2 =	vlt.s32 v31, v27;
	v41 =	vsel vm0, v40, v42  }
0x166: {  	v45 =	vsel vm15, v44, v43;
	v46 =	vsel vm1, v39, v35;
	v47 =	vsel vm2, v31, v27  }
0x167: {  	vm0 =	vlt.s32 v41, v45;
	vm1 =	vlt.s32 v46, v47  }
0x168: {  	v41 =	vsel vm0, v41, v45;
	v63 =	vsel vm1, v46, v47  }
0x169: {  	vm0 =	vlt.s32 v41, v63  }
0x16a: {  	v41 =	vsel vm0, v41, v63  }
0x16b: {  	v41 =	vxor.u32 $0x80000000, v41  }
0x16c: {  	(xrf0) =	vmax.scan.msk.u32 $0xffff, v41;
	_ =	sdelay $0x5  }
0x16d: {  	v41, _, _ =	vpop (xrf0)  }
0x16e: {  	(v2sf) =	vpush v41, $0xF;
	_ =	sdelay $0xe  }
0x16f: {  	p0 =	sgt.u32 s25, $0xFF;
	s31 =	spop (v2sf)  }
0x170: {  	p1 =	sgt.u32 @!p0 s31, $0x8000001F  }
0x171: {  	p0 =	por p0, p1  }
.Ltmp4:
0x172: {  	_ = 	snop;
	(pc) =	sbr.rel @p0 .LBB2_5-.Ltmp4, $1  }
0x173: {  	_ =	sdelay $0x3  }
0x174: {  	v45 =	vld [tilespmem:s30+$0xFFFFFFF0]  }
0x175: {  	v46 =	vld [tilespmem:s28+$0xFFFFFFF0];
	_ =	sdelay $0x1  }
0x176: {  	v47 =	vld [tilespmem:s29+$0xFFFFFFF0];
	_ =	sdelay $0x2  }
0x177: {  	v41 =	vsub.f32 v45, v38;
	v48 =	vsub.f32 v46, v37;
	_ =	sdelay $0x1  }
0x178: {  	v49 =	vsub.f32 v47, v36;
	v41 =	vmul.f32 v41, v41;
	v48 =	vmul.f32 v48, v48  }
0x179: {  	v57 =	vsub.f32 v45, v34;
	v58 =	vsub.f32 v46, v33  }
0x17a: {  	v59 =	vsub.f32 v47, v32;
	v56 =	vmul.f32 v49, v49;
	v41 =	vadd.f32 v48, v41  }
0x17b: {  	v60 =	vsub.f32 v45, v30;
	v61 =	vsub.f32 v46, v29  }
0x17c: {  	v49 =	vmul.f32 v58, v58;
	v48 =	vmul.f32 v57, v57;
	v41 =	vadd.f32 v56, v41  }
0x17d: {  	v62 =	vsub.f32 v45, v26;
	v53 =	vsub.f32 v46, v25  }
0x17e: {  	v48 =	vadd.f32 v49, v48;
	vm0 =	vle.f32 v41, $3.999999910e-02;
	v41 =	vmul.f32 v59, v59  }
0x17f: {  	v54 =	vsub.f32 v45, v23;
	v55 =	vsub.f32 v46, v22;
	v50 =	vsel vm0, $0x1, v2  }
0x180: {  	v63 =	vsub.f32 v47, v28;
	v53 =	vmul.f32 v53, v53;
	(xrf0) =	vadd.scan.msk.s32 $0xffff, v50;
	v48 =	vadd.f32 v41, v48  }
0x181: {  	v54 =	vmul.f32 v54, v54;
	v55 =	vmul.f32 v55, v55;
	v57 =	vsub.f32 v47, v24  }
0x182: {  	v49 =	vmul.f32 v60, v60;
	v60 =	vsub.f32 v47, v21;
	vm1 =	vle.f32 v48, $3.999999910e-02  }
0x183: {  	s31 =	sadd.s32 $0xFFFFFFF0, s26;
	v51 =	vsel vm0, $0xFFFFFFFF, v2;
	v50 =	vmul.f32 v61, v61;
	v48 =	vsel vm1, $0x1, v2  }
0x184: {  	v41 =	vor.u32 s31, v1;
	v51 =	vadd.s32 v51, v40;
	(xrf0) =	vadd.scan.msk.s32 $0xffff, v48;
	v48 =	vmul.f32 v62, v62  }
0x185: {  	v61 =	vadd.f32 v55, v54;
	v49 =	vadd.f32 v50, v49;
	v50 =	vmul.f32 v57, v57  }
0x186: {  	v58 =	vsel vm1, $0xFFFFFFFF, v2;
	v62 =	vsub.f32 v45, v20;
	v52, _, _ =	vpop (xrf0);
	v48 =	vadd.f32 v53, v48  }
0x187: {  	v53 =	vadd.s32 v58, v42;
	v51 =	vadd.s32 v52, v51;
	v52 =	vmul.f32 v63, v63  }
0x188: {  	v57 =	vmul.f32 v62, v62;
	v62 =	vsub.f32 v47, v18;
	v63 =	vsub.f32 v46, v19  }
0x189: {  	vm2 =	vlt.s32 v51, $0x40;
	v48 =	vadd.f32 v50, v48;
	v49 =	vadd.f32 v52, v49  }
0x18a: {  	vm8 =	vmand vm0, vm2;
	v52 =	vmul.f32 v60, v60;
	v58 =	vmul.f32 v63, v63  }
0x18b: {  	v63 =	vsub.f32 v45, v17;
	v45 =	vsub.f32 v45, v12;
	v59, _, _ =	vpop (xrf0);
	vm2 =	vle.f32 v48, $3.999999910e-02  }
0x18c: {  	v50 =	vadd.s32 v59, v53;
	vm4 =	vle.f32 v49, $3.999999910e-02;
	v60 =	vadd.f32 v52, v61  }
0x18d: {  	v61 =	vsel vm2, $0x1, v2;
	v49 =	vadd.f32 v58, v57;
	v57 =	vsub.f32 v46, v16  }
0x18e: {  	v53 =	vmul.f32 v62, v62;
	v46 =	vsub.f32 v46, v13;
	v58 =	vsub.f32 v47, v15  }
0x18f: {  	v48 =	vmul.f32 v63, v63;
	v47 =	vsub.f32 v47, v14;
	v45 =	vmul.f32 v45, v45  }
0x190: {  	vm3 =	vlt.s32 v50, $0x40;
	v59 =	vsel vm4, $0x1, v2;
	v54 =	vmul.f32 v57, v57  }
0x191: {  	vm6 =	vmand vm1, vm3;
	vm3 =	vle.f32 v60, $3.999999910e-02;
	(xrf0) =	vadd.scan.msk.s32 $0xffff, v59;
	v46 =	vmul.f32 v46, v46  }
0x192: {  	v60 =	vmul.f32 v58, v58;
	(xrf0) =	vadd.scan.msk.s32 $0xffff, v61;
	v59 =	vsel vm3, $0x1, v2;
	v48 =	vadd.f32 v54, v48  }
0x193: {  	v49 =	vadd.f32 v53, v49;
	v61 =	vmul.f32 v47, v47;
	(xrf0) =	vadd.scan.msk.s32 $0xffff, v59;
	v45 =	vadd.f32 v46, v45  }
0x194: {  	v62 =	vsel vm4, $0xFFFFFFFF, v2;
	v53 =	vsel vm2, $0xFFFFFFFF, v2;
	v48 =	vadd.f32 v60, v48  }
0x195: {  	v47 =	vadd.s32 $0x40, v50;
	vm7 =	vle.f32 v49, $3.999999910e-02;
	v45 =	vadd.f32 v61, v45  }
0x196: {  	v50 =	vadd.s32 v62, v44;
	v49 =	vsel vm7, $0x1, v2;
	vm9 =	vle.f32 v48, $3.999999910e-02  }
0x197: {  	v56 =	vsel vm3, $0xFFFFFFFF, v2;
	v63, _, _ =	vpop (xrf0);
	(xrf0) =	vadd.scan.msk.s32 $0xffff, v49;
	vm5 =	vle.f32 v45, $3.999999910e-02;
	v54 =	vsel vm9, $0x1, v2  }
0x198: {  	v59 =	vsel vm7, $0xFFFFFFFF, v2;
	v48 =	vadd.s32 v53, v43;
	v55, _, _ =	vpop (xrf0);
	v57 =	vsel vm5, $0x1, v2;
	(xrf0) =	vadd.scan.msk.s32 $0xffff, v54  }
0x199: {  	v49 =	vadd.s32 v59, v35;
	v52 =	vadd.s32 v63, v50;
	v50 =	vadd.s32 v56, v39;
	v58, _, _ =	vpop (xrf0);
	(xrf0) =	vadd.scan.msk.s32 $0xffff, v57  }
0x19a: {  	v61 =	vsel vm9, $0xFFFFFFFF, v2;
	v63 =	vsel vm5, $0xFFFFFFFF, v2;
	vm10 =	vlt.s32 v52, $0x40  }
0x19b: {  	v45 =	vadd.s32 v55, v48;
	v46 =	vadd.s32 $0x80, v52;
	v52 =	vadd.s32 v61, v31  }
0x19c: {  	v53 =	vadd.s32 v63, v27;
	vm10 =	vmand vm4, vm10;
	vm11 =	vlt.s32 v45, $0x40  }
0x19d: {  	v48 =	vadd.s32 v58, v50;
	v45 =	vadd.s32 $0xC0, v45;
	vm11 =	vmand vm2, vm11;
	v60, _, _ =	vpop (xrf0)  }
0x19e: {  	vm12 =	vlt.s32 v48, $0x40;
	v48 =	vadd.s32 $0x100, v48;
	v49 =	vadd.s32 v60, v49;
	v62, _, _ =	vpop (xrf0)  }
0x19f: {  	vm12 =	vmand vm3, vm12;
	vm13 =	vlt.s32 v49, $0x40;
	v50 =	vadd.s32 v62, v52;
	v56, _, _ =	vpop (xrf0)  }
0x1a0: {  	vm13 =	vmand vm7, vm13;
	v52 =	vadd.s32 v56, v53;
	vm14 =	vlt.s32 v50, $0x40  }
0x1a1: {  	[tilespmem:v51+s20+$0x0] =	vst.idx.msk vm8, v41;
	v49 =	vadd.s32 $0x140, v49;
	vm8 =	vmand vm9, vm14;
	vm14 =	vlt.s32 v52, $0x40  }
0x1a2: {  	[tilespmem:v47+s20+$0x0] =	vst.idx.msk vm6, v41;
	v57 =	vadd.s32 $0x180, v50;
	vm15 =	vmand vm5, vm14  }
0x1a3: {  	[tilespmem:v46+s20+$0x0] =	vst.idx.msk vm10, v41;
	v58 =	vadd.s32 $0x1C0, v52  }
0x1a4: {  	[tilespmem:v45+s20+$0x0] =	vst.idx.msk vm11, v41  }
0x1a5: {  	[tilespmem:v48+s20+$0x0] =	vst.idx.msk vm12, v41  }
0x1a6: {  	[tilespmem:v49+s20+$0x0] =	vst.idx.msk vm13, v41  }
0x1a7: {  	[tilespmem:v57+s20+$0x0] =	vst.idx.msk vm8, v41  }
0x1a8: {  	v59 =	vmpcnt.ones.xlane vm0;
	[tilespmem:v58+s20+$0x0] =	vst.idx.msk vm15, v41  }
0x1a9: {  	v45 =	vld [tilespmem:s30+$0x0]  }
0x1aa: {  	v40 =	vadd.s32 v40, v59;
	v59 =	vmpcnt.ones.xlane vm4;
	v46 =	vld [tilespmem:s28+$0x0];
	_ =	sdelay $0x1  }
0x1ab: {  	v44 =	vadd.s32 v44, v59;
	v59 =	vmpcnt.ones.xlane vm7;
	v47 =	vld [tilespmem:s29+$0x0];
	_ =	sdelay $0x1  }
0x1ac: {  	v63 =	vmpcnt.ones.xlane vm1;
	v35 =	vadd.s32 v35, v59  }
0x1ad: {  	v53 =	vor.u32 s26, v1;
	v60 =	vsub.f32 v45, v38;
	v61 =	vsub.f32 v46, v37  }
0x1ae: {  	v41 =	vadd.s32 v42, v63;
	v57 =	vsub.f32 v45, v34;
	v58 =	vsub.f32 v46, v33  }
0x1af: {  	v62 =	vsub.f32 v47, v36;
	v48 =	vmul.f32 v60, v60;
	v49 =	vmul.f32 v61, v61  }
0x1b0: {  	v61 =	vsub.f32 v47, v32;
	v51 =	vmul.f32 v57, v57;
	v52 =	vmul.f32 v58, v58  }
0x1b1: {  	v63 =	vmpcnt.ones.xlane vm2;
	v60 =	vmul.f32 v62, v62;
	v48 =	vadd.f32 v49, v48  }
0x1b2: {  	v58 =	vmpcnt.ones.xlane vm3;
	v56 =	vadd.f32 v52, v51;
	v57 =	vmul.f32 v61, v61  }
0x1b3: {  	v43 =	vadd.s32 v43, v63;
	v63 =	vmpcnt.ones.xlane vm5;
	v62 =	vadd.f32 v60, v48  }
0x1b4: {  	v39 =	vadd.s32 v39, v58;
	v58 =	vsub.f32 v47, v28;
	v49 =	vadd.f32 v57, v56  }
0x1b5: {  	v56 =	vsub.f32 v46, v29;
	vm0 =	vle.f32 v62, $3.999999910e-02;
	v62 =	vsub.f32 v45, v30  }
0x1b6: {  	v60 =	vmpcnt.ones.xlane vm9;
	vm1 =	vle.f32 v49, $3.999999910e-02;
	v61 =	vsel vm0, $0x1, v2  }
0x1b7: {  	v50 =	vmul.f32 v56, v56;
	v49 =	vsel vm1, $0x1, v2;
	(xrf0) =	vadd.scan.msk.s32 $0xffff, v61;
	v42 =	vmul.f32 v62, v62  }
0x1b8: {  	v59 =	vsub.f32 v45, v26;
	v31 =	vadd.s32 v31, v60;
	v60 =	vsub.f32 v46, v25;
	(xrf0) =	vadd.scan.msk.s32 $0xffff, v49  }
0x1b9: {  	v57 =	vsel vm0, $0xFFFFFFFF, v2;
	v49 =	vmul.f32 v58, v58;
	v42 =	vadd.f32 v50, v42  }
0x1ba: {  	v27 =	vadd.s32 v27, v63;
	v63 =	vmul.f32 v59, v59;
	v61 =	vadd.s32 v57, v40  }
0x1bb: {  	v56 =	vmul.f32 v60, v60;
	v57 =	vsel vm1, $0xFFFFFFFF, v2;
	v42 =	vadd.f32 v49, v42  }
0x1bc: {  	v58 =	vsub.f32 v47, v24;
	v51 =	vadd.s32 v57, v41;
	v57 =	vsub.f32 v45, v20  }
0x1bd: {  	v59 =	vadd.f32 v56, v63;
	v63 =	vsub.f32 v46, v22;
	v62, _, _ =	vpop (xrf0);
	vm2 =	vle.f32 v42, $3.999999910e-02  }
0x1be: {  	v48 =	vadd.s32 v62, v61;
	v60, _, _ =	vpop (xrf0);
	v61 =	vmul.f32 v58, v58;
	v62 =	vsub.f32 v45, v23  }
0x1bf: {  	v58 =	vsub.f32 v46, v19;
	v56 =	vsel vm2, $0x1, v2;
	v50 =	vadd.s32 v60, v51  }
0x1c0: {  	v60 =	vmul.f32 v63, v63;
	v51 =	vmul.f32 v57, v57;
	v63 =	vsub.f32 v47, v18  }
0x1c1: {  	vm11 =	vlt.s32 v48, $0x40;
	v49 =	vadd.f32 v61, v59;
	v59 =	vmul.f32 v62, v62  }
0x1c2: {  	v61 =	vsub.f32 v47, v21;
	v55 =	vmul.f32 v58, v58;
	vm12 =	vlt.s32 v50, $0x40  }
0x1c3: {  	vm6 =	vmand vm0, vm11;
	v58 =	vsub.f32 v45, v17;
	v52 =	vmul.f32 v63, v63  }
0x1c4: {  	v62 =	vadd.f32 v60, v59;
	v51 =	vadd.f32 v55, v51;
	v54 =	vmul.f32 v61, v61  }
0x1c5: {  	vm5 =	vmand vm1, vm12;
	v59 =	vsub.f32 v46, v16;
	v60 =	vsub.f32 v45, v12  }
0x1c6: {  	(xrf0) =	vadd.scan.msk.s32 $0xffff, v56;
	vm3 =	vle.f32 v49, $3.999999910e-02;
	v61 =	vsub.f32 v46, v13;
	v42 =	vadd.f32 v54, v62  }
0x1c7: {  	v57 =	vsel vm3, $0x1, v2;
	v51 =	vadd.f32 v52, v51;
	v62 =	vsub.f32 v47, v15  }
0x1c8: {  	v52 =	vmul.f32 v58, v58;
	v54 =	vmul.f32 v59, v59;
	v47 =	vsub.f32 v47, v14  }
0x1c9: {  	v45 =	vmul.f32 v61, v61;
	vm4 =	vle.f32 v42, $3.999999910e-02;
	v42 =	vmul.f32 v60, v60  }
0x1ca: {  	(xrf0) =	vadd.scan.msk.s32 $0xffff, v57;
	v52 =	vadd.f32 v54, v52;
	v46 =	vmul.f32 v62, v62;
	v63 =	vsel vm4, $0x1, v2  }
0x1cb: {  	v57 =	vsel vm2, $0xFFFFFFFF, v2;
	v58 =	vmul.f32 v47, v47;
	(xrf0) =	vadd.scan.msk.s32 $0xffff, v63;
	v42 =	vadd.f32 v45, v42  }
0x1cc: {  	v59, _, _ =	vpop (xrf0);
	v60 =	vadd.s32 v57, v44;
	vm7 =	vle.f32 v51, $3.999999910e-02;
	v46 =	vadd.f32 v46, v52  }
0x1cd: {  	v62 =	vsel vm3, $0xFFFFFFFF, v2;
	v47 =	vadd.s32 v59, v60;
	v42 =	vadd.f32 v58, v42  }
0x1ce: {  	v61 =	vsel vm7, $0x1, v2;
	v54 =	vsel vm4, $0xFFFFFFFF, v2;
	vm8 =	vle.f32 v46, $3.999999910e-02  }
0x1cf: {  	v45 =	vadd.s32 $0x40, v50;
	(xrf0) =	vadd.scan.msk.s32 $0xffff, v61;
	v63 =	vsel vm8, $0x1, v2;
	vm9 =	vle.f32 v42, $3.999999910e-02  }
0x1d0: {  	v57 =	vsel vm7, $0xFFFFFFFF, v2;
	vm13 =	vlt.s32 v47, $0x40;
	v52, _, _ =	vpop (xrf0);
	(xrf0) =	vadd.scan.msk.s32 $0xffff, v63;
	v55 =	vsel vm9, $0x1, v2  }
0x1d1: {  	v50 =	vadd.s32 v54, v39;
	v47 =	vadd.s32 $0x80, v47;
	v46 =	vadd.s32 v62, v43;
	v56, _, _ =	vpop (xrf0);
	(xrf0) =	vadd.scan.msk.s32 $0xffff, v55  }
0x1d2: {  	v49 =	vadd.s32 v57, v35;
	vm10 =	vmand vm2, vm13;
	v42 =	vadd.s32 v52, v46  }
0x1d3: {  	[tilespmem:v48+s20+$0x0] =	vst.idx.msk vm6, v53;
	v59 =	vsel vm8, $0xFFFFFFFF, v2;
	vm14 =	vlt.s32 v42, $0x40;
	v42 =	vadd.s32 $0xC0, v42  }
0x1d4: {  	v61 =	vsel vm9, $0xFFFFFFFF, v2;
	[tilespmem:v45+s20+$0x0] =	vst.idx.msk vm5, v53;
	v45 =	vmpcnt.ones.xlane vm0;
	vm11 =	vmand vm3, vm14  }
0x1d5: {  	v52 =	vadd.s32 v61, v27;
	v46 =	vadd.s32 v56, v50;
	v58, _, _ =	vpop (xrf0);
	v50 =	vadd.s32 v59, v31  }
0x1d6: {  	vm12 =	vlt.s32 v46, $0x40;
	v46 =	vadd.s32 $0x100, v46;
	v49 =	vadd.s32 v58, v49;
	v60, _, _ =	vpop (xrf0)  }
0x1d7: {  	vm12 =	vmand vm4, vm12;
	vm13 =	vlt.s32 v49, $0x40;
	v50 =	vadd.s32 v60, v50;
	v62, _, _ =	vpop (xrf0)  }
0x1d8: {  	vm13 =	vmand vm7, vm13;
	vm15 =	vlt.s32 v50, $0x40;
	v56 =	vadd.s32 v62, v52  }
0x1d9: {  	v63 =	vadd.s32 $0x140, v49;
	vm0 =	vmand vm8, vm15;
	vm14 =	vlt.s32 v56, $0x40  }
0x1da: {  	v57 =	vadd.s32 $0x180, v50;
	vm15 =	vmand vm9, vm14  }
0x1db: {  	v61 =	vmpcnt.ones.xlane vm7;
	[tilespmem:v47+s20+$0x0] =	vst.idx.msk vm10, v53;
	v59 =	vmpcnt.ones.xlane vm3;
	v49 =	vadd.s32 $0x1C0, v56  }
.Ltmp5:
0x1dc: {  	v51 =	vmpcnt.ones.xlane vm1;
	v40 =	vadd.s32 v40, v45;
	v58 =	vmpcnt.ones.xlane vm2;
	[tilespmem:v42+s20+$0x0] =	vst.idx.msk vm11, v53;
	(pc) =	sbr.rel .LBB2_3-.Ltmp5, $4  }
0x1dd: {  	v35 =	vadd.s32 v35, v61;
	v43 =	vadd.s32 v43, v59;
	v60 =	vmpcnt.ones.xlane vm4;
	[tilespmem:v46+s20+$0x0] =	vst.idx.msk vm12, v53  }
0x1de: {  	v44 =	vadd.s32 v44, v58;
	v62 =	vmpcnt.ones.xlane vm8;
	[tilespmem:v63+s20+$0x0] =	vst.idx.msk vm13, v53;
	v63 =	vmpcnt.ones.xlane vm9  }
0x1df: {  	s25 =	sadd.s32 $0x2, s25;
	s26 =	sadd.s32 $0x20, s26;
	v42 =	vadd.s32 v41, v51;
	v39 =	vadd.s32 v39, v60;
	[tilespmem:v57+s20+$0x0] =	vst.idx.msk vm0, v53  }
0x1e0: {  	s30 =	sadd.s32 $0x20, s30;
	s28 =	sadd.s32 $0x20, s28;
	s29 =	sadd.s32 $0x20, s29;
	v31 =	vadd.s32 v31, v62;
	v27 =	vadd.s32 v27, v63;
	[tilespmem:v49+s20+$0x0] =	vst.idx.msk vm15, v53  }
.LBB2_7:
0x1e1: {  	_ =	sfence.sel $0x180000  }
0x1e2: {  	[bflag:$0x0] =	sbarrier.arrive $0xFFFF  }
0x1e3: {  	p0 =	sne.s32 s0, $0x0;
	_ =	strace $0x90000047  }
0x1e4: {  	s0 =	sadd.s32 @!p0 $0x100000, s1;
	[bflag:$0x2] =	sbarrier.arrive $0xFFFF  }
0x1e5: {  	[sflag:s0] =	ssyncadd.tile.s32 @!p0 $0x1;
	_ =	shalt  }
.Lfunc_end2:
_tile_overlayer_lowered:
.L_overlay_start_2:
0x1e6: {  	(tag) =	ssettag $0x2  }
0x1e7: {  	s0 =	rddreg [dreg:$0x0];
	s2 =	stileid.u32  }
0x1e8: {  	s1 =	rddreg [dreg:$0x1];
	p0 =	sne.s32 s2, $0x0  }
0x1e9: {  	s3 =	rddreg [dreg:$0x2];
	[bflag:$0x3] =	sbarrier.arrive $0xFFFF;
	s2 =	simm.s32 @!p0 $0x1C01  }
0x1ea: {  	[timem:s3], [sflag:s2] =	dma.local @!p0 [hbm:s0], s1  }
0x1eb: {  	s0 =	simm.s32 @!p0 $0x1  }
0x1ec: {  	_ =	swait.ge @!p0 [sflag:s0], s1  }
0x1ed: {  	s1 =	ssub.s32 @!p0 $0x0, s1;
	[sflag:s0] =	ssyncset.done @!p0 $0x0  }
0x1ee: {  	[sflag:s0] =	ssyncadd.s32 @!p0 s1  }
0x1ef: {  	[bflag:$0x3] =	sbarrier.arrive $0xFFFF  }
0x1f0: {  	_ =	shalt  }

</sc_bundles>
